<compile_context>
chip_gen: v7x
topology: tpu7x:2x2x1
jax: 0.10.2.dev20260603
libtpu: 0.0.44.dev20260713+nightly
codegen_flags: <defaults>
</compile_context>

<pallas_src>
import jax
import jax.numpy as jnp
from jax import lax
from jax.experimental import pallas as pl
from jax.experimental.pallas import tpu as pltpu
from jax.experimental.pallas import tpu_sc as plsc

N = 10000
E = 320000
D_IN = 128
D_HID = 256
D_OUT = 128

NC = 2
NS = 16
NW = NC * NS
EPT = E // NW
C = 80
NCHUNK = EPT // C
NP = 10240
RPT = NP // NS
GC = 25
NG = NCHUNK // GC

_F32 = jnp.float32


def _make_seg_sum(with_deg):
    out_type = [jax.ShapeDtypeStruct((NC, NP, D_IN), _F32)]
    if with_deg:
        out_type.append(jax.ShapeDtypeStruct((NC * NP,), _F32))
    scratch = [
        pltpu.VMEM_SHARED((NP, D_IN), _F32),
        pltpu.VMEM((RPT // C, C), jnp.int32),
        pltpu.VMEM((GC, C), jnp.int32),
        pltpu.VMEM((GC, C), jnp.int32),
        pltpu.VMEM((C, D_IN), _F32),
        pltpu.VMEM((C, D_IN), _F32),
        pltpu.VMEM((C, D_IN), _F32),
        pltpu.SemaphoreType.DMA,
        pltpu.SemaphoreType.DMA,
        pltpu.SemaphoreType.DMA,
        pltpu.SemaphoreType.DMA,
        pltpu.SemaphoreType.DMA,
        pltpu.SemaphoreType.DMA,
        pltpu.SemaphoreType.DMA,
    ]
    if with_deg:
        scratch.append(pltpu.VMEM_SHARED((NP,), _F32))
        scratch.append(pltpu.VMEM((C,), _F32))

    mesh = plsc.VectorSubcoreMesh(core_axis_name="c", subcore_axis_name="s")

    def body(table, rows, srcs, dsts, *rest):
        if with_deg:
            (agg_out, deg_out, acc, rows_v, src_v, dst_v, b0, b1, b2,
             g0, g1, g2, s0, s1, s2, sd, deg_acc, ones_v) = rest
        else:
            (agg_out, acc, rows_v, src_v, dst_v, b0, b1, b2,
             g0, g1, g2, s0, s1, s2, sd) = rest
        bufs = (b0, b1, b2)
        gsem = (g0, g1, g2)
        ssem = (s0, s1, s2)
        buf = b0
        c = lax.axis_index("c")
        s = lax.axis_index("s")
        w = c * NS + s
        r0 = s * RPT
        npiece = RPT // C

        zvec = jnp.zeros((16,), _F32)
        ones = jnp.ones((16,), _F32)

        pltpu.sync_copy(rows.at[s], rows_v)

        def zrow(i, carry):
            for j in range(D_IN // 16):
                buf[i, pl.ds(j * 16, 16)] = zvec
            return carry

        lax.fori_loop(0, C, zrow, 0)
        for k in range(npiece):
            pltpu.sync_copy(buf, acc.at[rows_v.at[k]])

        if with_deg:
            for j in range(C // 16):
                ones_v[pl.ds(j * 16, 16)] = zvec
            for k in range(npiece):
                pltpu.sync_copy(ones_v, deg_acc.at[rows_v.at[k]])
            for j in range(C // 16):
                ones_v[pl.ds(j * 16, 16)] = ones

        plsc.subcore_barrier()

        def gstart(k, j):
            pltpu.async_copy(table.at[src_v.at[k]], bufs[j], gsem[j])

        def gwait(j):
            pltpu.make_async_copy(table.at[src_v.at[0]], bufs[j],
                                  gsem[j]).wait()

        def sstart(k, j):
            pltpu.async_copy(bufs[j], acc.at[dst_v.at[k]], ssem[j], add=True)
            if with_deg:
                pltpu.async_copy(ones_v, deg_acc.at[dst_v.at[k]], sd,
                                 add=True)

        def swait(j):
            pltpu.make_async_copy(bufs[j], acc.at[dst_v.at[0]],
                                  ssem[j]).wait()

        def slot(k, j, start_next, wait_prev):
            gwait(j)
            sstart(k, j)
            if wait_prev:
                swait((j + 2) % 3)
            if start_next:
                gstart(k + 2, (j + 2) % 3)

        def group(g, carry):
            pltpu.sync_copy(srcs.at[w, g], src_v)
            pltpu.sync_copy(dsts.at[w, g], dst_v)
            gstart(0, 0)
            gstart(1, 1)
            gwait(0); sstart(0, 0); gstart(2, 2)
            gwait(1); sstart(1, 1); swait(0); gstart(3, 0)
            gwait(2); sstart(2, 2); swait(1); gstart(4, 1)

            def triple(p, carry2):
                k0 = 3 * p
                for j in range(3):
                    slot(k0 + j, j, True, True)
                return carry2

            lax.fori_loop(1, (GC - 4) // 3, triple, 0)
            slot(GC - 4, 0, True, True)
            slot(GC - 3, 1, True, True)
            slot(GC - 2, 2, False, True)
            slot(GC - 1, 0, False, True)
            swait(0)
            if with_deg:
                for _ in range(GC):
                    pltpu.make_async_copy(ones_v, deg_acc.at[dst_v.at[0]],
                                          sd).wait()
            return carry

        lax.fori_loop(0, NG, group, 0)

        plsc.subcore_barrier()

        for k in range(npiece):
            pltpu.sync_copy(acc.at[rows_v.at[k]], buf)
            pltpu.sync_copy(buf, agg_out.at[c, pl.ds(r0 + k * C, C), :])
        if with_deg:
            for k in range(npiece):
                pltpu.sync_copy(deg_acc.at[rows_v.at[k]], ones_v)
                pltpu.sync_copy(ones_v,
                                deg_out.at[pl.ds(c * NP + r0 + k * C, C)])

    return pl.kernel(body, out_type=out_type, mesh=mesh,
                     scratch_types=scratch)


_seg_sum_deg = _make_seg_sum(True)
_seg_sum = _make_seg_sum(False)

_R = 1000
_G = N // _R


def _dense_a_body(x, a0, a1, d0, d1, w1, wl1, b, h1_ref, s_ref, q_ref):
    scale = 1.0 / (d0[0] + d1[0] + 1.0)
    hn = (a0[0] + a1[0] + x[...]) * scale
    h1 = (jnp.dot(hn, w1[...], preferred_element_type=_F32)
          + jnp.dot(x[...], wl1[...], preferred_element_type=_F32)
          + b[...])
    h1_ref[...] = h1

    @pl.when(pl.program_id(0) == 0)
    def _():
        s_ref[...] = jnp.zeros_like(s_ref)
        q_ref[...] = jnp.zeros_like(q_ref)

    s_ref[...] += jnp.sum(h1, axis=0, keepdims=True)
    q_ref[...] += jnp.sum(h1 * h1, axis=0, keepdims=True)


def _dense_a(x, a0, a1, d0, d1, W1, Wl1, bias1):
    return pl.pallas_call(
        _dense_a_body,
        grid=(_G,),
        in_specs=[
            pl.BlockSpec((_R, D_IN), lambda i: (i, 0)),
            pl.BlockSpec((1, _R, D_IN), lambda i: (0, i, 0)),
            pl.BlockSpec((1, _R, D_IN), lambda i: (1, i, 0)),
            pl.BlockSpec((1, _R, 1), lambda i: (0, i, 0)),
            pl.BlockSpec((1, _R, 1), lambda i: (1, i, 0)),
            pl.BlockSpec((D_IN, D_HID), lambda i: (0, 0)),
            pl.BlockSpec((D_IN, D_HID), lambda i: (0, 0)),
            pl.BlockSpec((1, D_HID), lambda i: (0, 0)),
        ],
        out_specs=[
            pl.BlockSpec((_R, D_HID), lambda i: (i, 0)),
            pl.BlockSpec((1, D_HID), lambda i: (0, 0)),
            pl.BlockSpec((1, D_HID), lambda i: (0, 0)),
        ],
        out_shape=[
            jax.ShapeDtypeStruct((N, D_HID), _F32),
            jax.ShapeDtypeStruct((1, D_HID), _F32),
            jax.ShapeDtypeStruct((1, D_HID), _F32),
        ],
    )(x, a0, a1, d0, d1, W1, Wl1, bias1)


def _dense_b_body(h1, s_ref, q_ref, g, bt, w2, wl2, b2l, y_ref, z_ref):
    mean = s_ref[...] / N
    var = q_ref[...] / N - mean * mean
    inv = lax.rsqrt(var + 1e-5)
    h = (h1[...] - mean) * (inv * g[...]) + bt[...]
    h = jnp.where(h >= 0, h, 0.01 * h)
    y_ref[...] = jnp.dot(h, w2[...], preferred_element_type=_F32)
    z_ref[...] = jnp.dot(h, wl2[...], preferred_element_type=_F32) + b2l[...]


def _dense_b(h1, s1, q1, gamma, beta, W2, Wl2, bl2):
    return pl.pallas_call(
        _dense_b_body,
        grid=(_G,),
        in_specs=[
            pl.BlockSpec((_R, D_HID), lambda i: (i, 0)),
            pl.BlockSpec((1, D_HID), lambda i: (0, 0)),
            pl.BlockSpec((1, D_HID), lambda i: (0, 0)),
            pl.BlockSpec((1, D_HID), lambda i: (0, 0)),
            pl.BlockSpec((1, D_HID), lambda i: (0, 0)),
            pl.BlockSpec((D_HID, D_OUT), lambda i: (0, 0)),
            pl.BlockSpec((D_HID, D_OUT), lambda i: (0, 0)),
            pl.BlockSpec((1, D_OUT), lambda i: (0, 0)),
        ],
        out_specs=[
            pl.BlockSpec((_R, D_OUT), lambda i: (i, 0)),
            pl.BlockSpec((_R, D_OUT), lambda i: (i, 0)),
        ],
        out_shape=[
            jax.ShapeDtypeStruct((N, D_OUT), _F32),
            jax.ShapeDtypeStruct((N, D_OUT), _F32),
        ],
    )(h1, s1, q1, gamma, beta, W2, Wl2, bl2)


def _dense_c_body(a0, a1, y, z, d0, d1, b2, out_ref):
    scale = 1.0 / (d0[0] + d1[0] + 1.0)
    out_ref[...] = (a0[0] + a1[0] + y[...]) * scale + z[...] + b2[...]


def _dense_c(a0, a1, y, z, d0, d1, b2):
    return pl.pallas_call(
        _dense_c_body,
        grid=(_G,),
        in_specs=[
            pl.BlockSpec((1, _R, D_OUT), lambda i: (0, i, 0)),
            pl.BlockSpec((1, _R, D_OUT), lambda i: (1, i, 0)),
            pl.BlockSpec((_R, D_OUT), lambda i: (i, 0)),
            pl.BlockSpec((_R, D_OUT), lambda i: (i, 0)),
            pl.BlockSpec((1, _R, 1), lambda i: (0, i, 0)),
            pl.BlockSpec((1, _R, 1), lambda i: (1, i, 0)),
            pl.BlockSpec((1, D_OUT), lambda i: (0, 0)),
        ],
        out_specs=pl.BlockSpec((_R, D_OUT), lambda i: (i, 0)),
        out_shape=jax.ShapeDtypeStruct((N, D_OUT), _F32),
    )(a0, a1, y, z, d0, d1, b2)


def kernel(features, edge_index, W1, b1, Wl1, bl1, gamma, beta, W2, b2, Wl2,
           bl2):
    src = edge_index[0].reshape(NW, NG, GC, C)
    dst = edge_index[1].reshape(NW, NG, GC, C)
    rows = jnp.arange(NP, dtype=jnp.int32).reshape(NS, RPT // C, C)
    aggA, degw = _seg_sum_deg(features, rows, src, dst)
    deg3 = degw.reshape(NC, NP, 1)
    h1, s1, q1 = _dense_a(features, aggA, aggA, deg3, deg3, W1, Wl1,
                          (b1 + bl1).reshape(1, -1))
    y, z = _dense_b(h1, s1, q1, gamma.reshape(1, -1), beta.reshape(1, -1),
                    W2, Wl2, bl2.reshape(1, -1))
    (aggB,) = _seg_sum(y, rows, src, dst)
    out = _dense_c(aggB, aggB, y, z, deg3, deg3, b2.reshape(1, -1))
    return out

# --- scband reference (transcript-rebuilt; emitter-appended) ---
"""Pipeline reference for scband-sage-11398843203607 (READ-ONLY COPY).

The authoritative reference and input builder live on the scoring server;
editing this copy changes nothing except your own understanding.
"""

import jax, jax.numpy as jnp
import numpy as np

N = 10000
E = 320000
D_IN = 128
D_HID = 256
D_OUT = 128


def setup_inputs(seed: int = 0) -> dict:
    key = jax.random.key(seed)
    ks = jax.random.split(key, 12)
    features = jax.random.normal(ks[0], (N, D_IN), dtype=jnp.float32)
    edge_index = jax.random.randint(ks[1], (2, E), 0, N, dtype=jnp.int32)
    s = 0.05
    W1 = jax.random.normal(ks[2], (D_IN, D_HID), dtype=jnp.float32) * s
    b1 = jnp.zeros((D_HID,), dtype=jnp.float32)
    Wl1 = jax.random.normal(ks[3], (D_IN, D_HID), dtype=jnp.float32) * s
    bl1 = jnp.zeros((D_HID,), dtype=jnp.float32)
    gamma = jnp.ones((D_HID,), dtype=jnp.float32)
    beta = jnp.zeros((D_HID,), dtype=jnp.float32)
    W2 = jax.random.normal(ks[4], (D_HID, D_OUT), dtype=jnp.float32) * s
    b2 = jnp.zeros((D_OUT,), dtype=jnp.float32)
    Wl2 = jax.random.normal(ks[5], (D_HID, D_OUT), dtype=jnp.float32) * s
    bl2 = jnp.zeros((D_OUT,), dtype=jnp.float32)
    return {"features": features, "edge_index": edge_index, "W1": W1, "b1": b1,
            "Wl1": Wl1, "bl1": bl1, "gamma": gamma, "beta": beta,
            "W2": W2, "b2": b2, "Wl2": Wl2, "bl2": bl2}


def _sage_conv_gcn(h, src, dst, deg, W, b):
    # DGL SAGEConv with aggregator_type='gcn':
    # h_neigh = (sum_{j->i} h_j + h_i) / (in_deg_i + 1); out = h_neigh @ W + b
    agg = jax.ops.segment_sum(h[src], dst, num_segments=N)
    h_neigh = (agg + h) / (deg + 1.0)[:, None]
    return h_neigh @ W + b


def reference(features, edge_index, W1, b1, Wl1, bl1, gamma, beta, W2, b2, Wl2, bl2):
    src = edge_index[0]
    dst = edge_index[1]
    deg = jax.ops.segment_sum(jnp.ones((E,), dtype=jnp.float32), dst, num_segments=N)
    h = features  # dropout is identity in eval mode
    # layer 0
    conv = _sage_conv_gcn(h, src, dst, deg, W1, b1)
    lin = h @ Wl1 + bl1
    h = conv + lin
    # BatchNorm1d (batch statistics, training-mode normalization)
    mean = jnp.mean(h, axis=0)
    var = jnp.var(h, axis=0)
    h = (h - mean) / jnp.sqrt(var + 1e-5) * gamma + beta
    # leaky_relu (default negative_slope=0.01)
    h = jnp.where(h >= 0, h, 0.01 * h)
    # layer 1 (last): no bn/act/dropout
    conv = _sage_conv_gcn(h, src, dst, deg, W2, b2)
    lin = h @ Wl2 + bl2
    h = conv + lin
    return h

if __name__ == "__main__":
    import jax
    _d = setup_inputs()
    print(jax.jit(kernel)(*tuple(_d.values())))

</pallas_src>

<mosaic_0001>
#map = affine_map<(d0, d1) -> (0, 0)>
#map1 = affine_map<(d0, d1) -> (0, 0, 0)>
#map2 = affine_map<(d0, d1) -> (0, 0, 0, 0)>
module attributes {stable_mosaic.version = 14 : i64} {
  func.func @body(%arg0: i32, %arg1: i32, %arg2: memref<10000x128xf32, #tpu.memory_space<hbm>>, %arg3: memref<16x8x80xi32, #tpu.memory_space<hbm>>, %arg4: memref<32x5x25x80xi32, #tpu.memory_space<hbm>>, %arg5: memref<32x5x25x80xi32, #tpu.memory_space<hbm>>, %arg6: memref<2x10240x128xf32, #tpu.memory_space<hbm>>, %arg7: memref<10240x128xf32, #tpu.memory_space<vmem_shared>>, %arg8: memref<8x80xi32, #tpu.memory_space<vmem>>, %arg9: memref<25x80xi32, #tpu.memory_space<vmem>>, %arg10: memref<25x80xi32, #tpu.memory_space<vmem>>, %arg11: memref<80x128xf32, #tpu.memory_space<vmem>>, %arg12: memref<80x128xf32, #tpu.memory_space<vmem>>, %arg13: memref<80x128xf32, #tpu.memory_space<vmem>>, %arg14: memref<!tpu.dma_semaphore, #tpu.memory_space<semaphore_mem>>, %arg15: memref<!tpu.dma_semaphore, #tpu.memory_space<semaphore_mem>>, %arg16: memref<!tpu.dma_semaphore, #tpu.memory_space<semaphore_mem>>, %arg17: memref<!tpu.dma_semaphore, #tpu.memory_space<semaphore_mem>>, %arg18: memref<!tpu.dma_semaphore, #tpu.memory_space<semaphore_mem>>, %arg19: memref<!tpu.dma_semaphore, #tpu.memory_space<semaphore_mem>>, %arg20: memref<!tpu.dma_semaphore, #tpu.memory_space<semaphore_mem>>) attributes {dimension_semantics = [#tpu.dimension_semantics<core_parallel>, #tpu.dimension_semantics<subcore_parallel>], iteration_bounds = array<i64: 2, 16>, scalar_prefetch = 0 : i64, scratch_operands = 14 : i64, tpu.core_type = #tpu.core_type<sc_vector_subcore>, window_params = [{transform_indices = #map}, {transform_indices = #map1}, {transform_indices = #map2}, {transform_indices = #map2}, {transform_indices = #map1}]} {
    %mul3A = arith.constant 16 : i32
    %mul3A_0 = arith.muli %arg0, %mul3A : i32
    %add3A = arith.addi %mul3A_0, %arg1 : i32
    %mul3A_1 = arith.constant 640 : i32
    %mul3A_2 = arith.muli %arg1, %mul3A_1 : i32
    %broadcast_in_dim3A = arith.constant 0.000000e+00 : f32
    %broadcast_in_dim3A_3 = vector.broadcast %broadcast_in_dim3A : f32 to vector<16xf32>
    %broadcast_in_dim3A_4 = arith.constant 1.000000e+00 : f32
    %broadcast_in_dim3A_5 = vector.broadcast %broadcast_in_dim3A_4 : f32 to vector<16xf32>
    "tpu.region"() ({
      %run_scoped3A_49 = tpu.sem_alloc : memref<!tpu.dma_semaphore, #tpu.memory_space<semaphore_mem>>
      %dma_start3A = arith.constant 0 : i32
      %dma_start3A_50 = arith.constant 0 : i32
      %dma_start3A_51 = tpu.memref_slice %arg3[%arg1, %dma_start3A, %dma_start3A_50] : memref<16x8x80xi32, #tpu.memory_space<hbm>> -> memref<1x8x80xi32, #tpu.memory_space<hbm>>
      %dma_start3A_52 = tpu.memref_squeeze %dma_start3A_51 : memref<1x8x80xi32, #tpu.memory_space<hbm>> -> memref<8x80xi32, #tpu.memory_space<hbm>>
      %dma_start3A_53 = arith.constant 0 : i32
      %dma_start3A_54 = arith.constant 0 : i32
      %dma_start3A_55 = tpu.memref_slice %arg3[%arg1, %dma_start3A_53, %dma_start3A_54] : memref<16x8x80xi32, #tpu.memory_space<hbm>> -> memref<1x8x80xi32, #tpu.memory_space<hbm>>
      %dma_start3A_56 = tpu.memref_squeeze %dma_start3A_55 : memref<1x8x80xi32, #tpu.memory_space<hbm>> -> memref<8x80xi32, #tpu.memory_space<hbm>>
      tpu.enqueue_dma source(%dma_start3A_56 : memref<8x80xi32, #tpu.memory_space<hbm>>) target(%arg8 : memref<8x80xi32, #tpu.memory_space<vmem>>) target_semaphore(%run_scoped3A_49 : memref<!tpu.dma_semaphore, #tpu.memory_space<semaphore_mem>>)
      %dma_wait3A = arith.constant 0 : i32
      %dma_wait3A_57 = arith.constant 0 : i32
      %dma_wait3A_58 = tpu.memref_slice %arg3[%arg1, %dma_wait3A, %dma_wait3A_57] : memref<16x8x80xi32, #tpu.memory_space<hbm>> -> memref<1x8x80xi32, #tpu.memory_space<hbm>>
      %dma_wait3A_59 = tpu.memref_squeeze %dma_wait3A_58 : memref<1x8x80xi32, #tpu.memory_space<hbm>> -> memref<8x80xi32, #tpu.memory_space<hbm>>
      %dma_wait3A_60 = arith.constant 0 : i32
      %dma_wait3A_61 = arith.constant 0 : i32
      %dma_wait3A_62 = tpu.memref_slice %arg3[%arg1, %dma_wait3A_60, %dma_wait3A_61] : memref<16x8x80xi32, #tpu.memory_space<hbm>> -> memref<1x8x80xi32, #tpu.memory_space<hbm>>
      %dma_wait3A_63 = tpu.memref_squeeze %dma_wait3A_62 : memref<1x8x80xi32, #tpu.memory_space<hbm>> -> memref<8x80xi32, #tpu.memory_space<hbm>>
      tpu.wait_dma2 semaphore(%run_scoped3A_49 : memref<!tpu.dma_semaphore, #tpu.memory_space<semaphore_mem>>) src(%dma_wait3A_63 : memref<8x80xi32, #tpu.memory_space<hbm>>) dst(%arg8 : memref<8x80xi32, #tpu.memory_space<vmem>>)
      tpu.yield
    }) : () -> ()
    %scan3A = arith.constant 0 : i32
    %scan3A_6 = arith.constant 0 : i32
    %scan3A_7 = arith.constant 80 : i32
    %scan3A_8 = arith.addi %scan3A_6, %scan3A_7 : i32
    %scan3A_9 = arith.constant 1 : i32
    scf.for %scan3A_49 = %scan3A_6 to %scan3A_8 step %scan3A_9  : i32 {
      %swap3A = arith.index_cast %scan3A_49 : i32 to index
      %swap3A_50 = arith.constant 0 : index
      %swap3A_51 = tpu.vector_load %arg11[%swap3A, %swap3A_50] {strides = array<i32>} : memref<80x128xf32, #tpu.memory_space<vmem>>, vector<1x16xf32>,
      %swap3A_52 = vector.shape_cast %swap3A_51 : vector<1x16xf32> to vector<16xf32>
      %swap3A_53 = vector.shape_cast %broadcast_in_dim3A_3 : vector<16xf32> to vector<1x16xf32>
      tpu.vector_store %arg11[%swap3A, %swap3A_50], %swap3A_53 {strides = array<i32>} : memref<80x128xf32, #tpu.memory_space<vmem>>, vector<1x16xf32>,
      %swap3A_54 = arith.index_cast %scan3A_49 : i32 to index
      %swap3A_55 = arith.constant 16 : index
      %swap3A_56 = tpu.vector_load %arg11[%swap3A_54, %swap3A_55] {strides = array<i32>} : memref<80x128xf32, #tpu.memory_space<vmem>>, vector<1x16xf32>,
      %swap3A_57 = vector.shape_cast %swap3A_56 : vector<1x16xf32> to vector<16xf32>
      %swap3A_58 = vector.shape_cast %broadcast_in_dim3A_3 : vector<16xf32> to vector<1x16xf32>
      tpu.vector_store %arg11[%swap3A_54, %swap3A_55], %swap3A_58 {strides = array<i32>} : memref<80x128xf32, #tpu.memory_space<vmem>>, vector<1x16xf32>,
      %swap3A_59 = arith.index_cast %scan3A_49 : i32 to index
      %swap3A_60 = arith.constant 32 : index
      %swap3A_61 = tpu.vector_load %arg11[%swap3A_59, %swap3A_60] {strides = array<i32>} : memref<80x128xf32, #tpu.memory_space<vmem>>, vector<1x16xf32>,
      %swap3A_62 = vector.shape_cast %swap3A_61 : vector<1x16xf32> to vector<16xf32>
      %swap3A_63 = vector.shape_cast %broadcast_in_dim3A_3 : vector<16xf32> to vector<1x16xf32>
      tpu.vector_store %arg11[%swap3A_59, %swap3A_60], %swap3A_63 {strides = array<i32>} : memref<80x128xf32, #tpu.memory_space<vmem>>, vector<1x16xf32>,
      %swap3A_64 = arith.index_cast %scan3A_49 : i32 to index
      %swap3A_65 = arith.constant 48 : index
      %swap3A_66 = tpu.vector_load %arg11[%swap3A_64, %swap3A_65] {strides = array<i32>} : memref<80x128xf32, #tpu.memory_space<vmem>>, vector<1x16xf32>,
      %swap3A_67 = vector.shape_cast %swap3A_66 : vector<1x16xf32> to vector<16xf32>
      %swap3A_68 = vector.shape_cast %broadcast_in_dim3A_3 : vector<16xf32> to vector<1x16xf32>
      tpu.vector_store %arg11[%swap3A_64, %swap3A_65], %swap3A_68 {strides = array<i32>} : memref<80x128xf32, #tpu.memory_space<vmem>>, vector<1x16xf32>,
      %swap3A_69 = arith.index_cast %scan3A_49 : i32 to index
      %swap3A_70 = arith.constant 64 : index
      %swap3A_71 = tpu.vector_load %arg11[%swap3A_69, %swap3A_70] {strides = array<i32>} : memref<80x128xf32, #tpu.memory_space<vmem>>, vector<1x16xf32>,
      %swap3A_72 = vector.shape_cast %swap3A_71 : vector<1x16xf32> to vector<16xf32>
      %swap3A_73 = vector.shape_cast %broadcast_in_dim3A_3 : vector<16xf32> to vector<1x16xf32>
      tpu.vector_store %arg11[%swap3A_69, %swap3A_70], %swap3A_73 {strides = array<i32>} : memref<80x128xf32, #tpu.memory_space<vmem>>, vector<1x16xf32>,
      %swap3A_74 = arith.index_cast %scan3A_49 : i32 to index
      %swap3A_75 = arith.constant 80 : index
      %swap3A_76 = tpu.vector_load %arg11[%swap3A_74, %swap3A_75] {strides = array<i32>} : memref<80x128xf32, #tpu.memory_space<vmem>>, vector<1x16xf32>,
      %swap3A_77 = vector.shape_cast %swap3A_76 : vector<1x16xf32> to vector<16xf32>
      %swap3A_78 = vector.shape_cast %broadcast_in_dim3A_3 : vector<16xf32> to vector<1x16xf32>
      tpu.vector_store %arg11[%swap3A_74, %swap3A_75], %swap3A_78 {strides = array<i32>} : memref<80x128xf32, #tpu.memory_space<vmem>>, vector<1x16xf32>,
      %swap3A_79 = arith.index_cast %scan3A_49 : i32 to index
      %swap3A_80 = arith.constant 96 : index
      %swap3A_81 = tpu.vector_load %arg11[%swap3A_79, %swap3A_80] {strides = array<i32>} : memref<80x128xf32, #tpu.memory_space<vmem>>, vector<1x16xf32>,
      %swap3A_82 = vector.shape_cast %swap3A_81 : vector<1x16xf32> to vector<16xf32>
      %swap3A_83 = vector.shape_cast %broadcast_in_dim3A_3 : vector<16xf32> to vector<1x16xf32>
      tpu.vector_store %arg11[%swap3A_79, %swap3A_80], %swap3A_83 {strides = array<i32>} : memref<80x128xf32, #tpu.memory_space<vmem>>, vector<1x16xf32>,
      %swap3A_84 = arith.index_cast %scan3A_49 : i32 to index
      %swap3A_85 = arith.constant 112 : index
      %swap3A_86 = tpu.vector_load %arg11[%swap3A_84, %swap3A_85] {strides = array<i32>} : memref<80x128xf32, #tpu.memory_space<vmem>>, vector<1x16xf32>,
      %swap3A_87 = vector.shape_cast %swap3A_86 : vector<1x16xf32> to vector<16xf32>
      %swap3A_88 = vector.shape_cast %broadcast_in_dim3A_3 : vector<16xf32> to vector<1x16xf32>
      tpu.vector_store %arg11[%swap3A_84, %swap3A_85], %swap3A_88 {strides = array<i32>} : memref<80x128xf32, #tpu.memory_space<vmem>>, vector<1x16xf32>,
    }
    %scan3A_10 = arith.constant 80 : i32
    %run_scoped3A = arith.constant 0 : i32
    "tpu.region"() ({
      %run_scoped3A_49 = tpu.sem_alloc : memref<!tpu.dma_semaphore, #tpu.memory_space<semaphore_mem>>
      %dma_start3A = arith.constant 0 : i32
      %dma_start3A_50 = tpu.memref_slice %arg8[%run_scoped3A, %dma_start3A] : memref<8x80xi32, #tpu.memory_space<vmem>> -> memref<1x80xi32, #tpu.memory_space<vmem>>
      %dma_start3A_51 = tpu.memref_squeeze %dma_start3A_50 : memref<1x80xi32, #tpu.memory_space<vmem>> -> memref<80xi32, #tpu.memory_space<vmem>>
      %dma_start3A_52 = arith.constant 0 : i32
      %dma_start3A_53 = arith.constant 0 : i32
      %dma_start3A_54 = tpu.memref_slice %arg7[%dma_start3A_52, %dma_start3A_53] : memref<10240x128xf32, #tpu.memory_space<vmem_shared>> -> memref<10240x128xf32, #tpu.memory_space<vmem_shared>>
      tpu.enqueue_indirect_dma source(%arg11 : memref<80x128xf32, #tpu.memory_space<vmem>>) target(%dma_start3A_54 : memref<10240x128xf32, #tpu.memory_space<vmem_shared>>) offsets(%dma_start3A_51 : memref<80xi32, #tpu.memory_space<vmem>>) semaphore(%run_scoped3A_49 : memref<!tpu.dma_semaphore, #tpu.memory_space<semaphore_mem>>)
      %dma_wait3A = arith.constant 0 : i32
      %dma_wait3A_55 = tpu.memref_slice %arg8[%run_scoped3A, %dma_wait3A] : memref<8x80xi32, #tpu.memory_space<vmem>> -> memref<1x80xi32, #tpu.memory_space<vmem>>
      %dma_wait3A_56 = tpu.memref_squeeze %dma_wait3A_55 : memref<1x80xi32, #tpu.memory_space<vmem>> -> memref<80xi32, #tpu.memory_space<vmem>>
      %dma_wait3A_57 = arith.constant 0 : i32
      %dma_wait3A_58 = arith.constant 0 : i32
      %dma_wait3A_59 = tpu.memref_slice %arg7[%dma_wait3A_57, %dma_wait3A_58] : memref<10240x128xf32, #tpu.memory_space<vmem_shared>> -> memref<10240x128xf32, #tpu.memory_space<vmem_shared>>
      tpu.wait_indirect_dma semaphore(%run_scoped3A_49 : memref<!tpu.dma_semaphore, #tpu.memory_space<semaphore_mem>>) src(%arg11 : memref<80x128xf32, #tpu.memory_space<vmem>>) dst(%dma_wait3A_59 : memref<10240x128xf32, #tpu.memory_space<vmem_shared>>)
      tpu.yield
    }) : () -> ()
    %run_scoped3A_11 = arith.constant 1 : i32
    "tpu.region"() ({
      %run_scoped3A_49 = tpu.sem_alloc : memref<!tpu.dma_semaphore, #tpu.memory_space<semaphore_mem>>
      %dma_start3A = arith.constant 0 : i32
      %dma_start3A_50 = tpu.memref_slice %arg8[%run_scoped3A_11, %dma_start3A] : memref<8x80xi32, #tpu.memory_space<vmem>> -> memref<1x80xi32, #tpu.memory_space<vmem>>
      %dma_start3A_51 = tpu.memref_squeeze %dma_start3A_50 : memref<1x80xi32, #tpu.memory_space<vmem>> -> memref<80xi32, #tpu.memory_space<vmem>>
      %dma_start3A_52 = arith.constant 0 : i32
      %dma_start3A_53 = arith.constant 0 : i32
      %dma_start3A_54 = tpu.memref_slice %arg7[%dma_start3A_52, %dma_start3A_53] : memref<10240x128xf32, #tpu.memory_space<vmem_shared>> -> memref<10240x128xf32, #tpu.memory_space<vmem_shared>>
      tpu.enqueue_indirect_dma source(%arg11 : memref<80x128xf32, #tpu.memory_space<vmem>>) target(%dma_start3A_54 : memref<10240x128xf32, #tpu.memory_space<vmem_shared>>) offsets(%dma_start3A_51 : memref<80xi32, #tpu.memory_space<vmem>>) semaphore(%run_scoped3A_49 : memref<!tpu.dma_semaphore, #tpu.memory_space<semaphore_mem>>)
      %dma_wait3A = arith.constant 0 : i32
      %dma_wait3A_55 = tpu.memref_slice %arg8[%run_scoped3A_11, %dma_wait3A] : memref<8x80xi32, #tpu.memory_space<vmem>> -> memref<1x80xi32, #tpu.memory_space<vmem>>
      %dma_wait3A_56 = tpu.memref_squeeze %dma_wait3A_55 : memref<1x80xi32, #tpu.memory_space<vmem>> -> memref<80xi32, #tpu.memory_space<vmem>>
      %dma_wait3A_57 = arith.constant 0 : i32
      %dma_wait3A_58 = arith.constant 0 : i32
      %dma_wait3A_59 = tpu.memref_slice %arg7[%dma_wait3A_57, %dma_wait3A_58] : memref<10240x128xf32, #tpu.memory_space<vmem_shared>> -> memref<10240x128xf32, #tpu.memory_space<vmem_shared>>
      tpu.wait_indirect_dma semaphore(%run_scoped3A_49 : memref<!tpu.dma_semaphore, #tpu.memory_space<semaphore_mem>>) src(%arg11 : memref<80x128xf32, #tpu.memory_space<vmem>>) dst(%dma_wait3A_59 : memref<10240x128xf32, #tpu.memory_space<vmem_shared>>)
      tpu.yield
    }) : () -> ()
    %run_scoped3A_12 = arith.constant 2 : i32
    "tpu.region"() ({
      %run_scoped3A_49 = tpu.sem_alloc : memref<!tpu.dma_semaphore, #tpu.memory_space<semaphore_mem>>
      %dma_start3A = arith.constant 0 : i32
      %dma_start3A_50 = tpu.memref_slice %arg8[%run_scoped3A_12, %dma_start3A] : memref<8x80xi32, #tpu.memory_space<vmem>> -> memref<1x80xi32, #tpu.memory_space<vmem>>
      %dma_start3A_51 = tpu.memref_squeeze %dma_start3A_50 : memref<1x80xi32, #tpu.memory_space<vmem>> -> memref<80xi32, #tpu.memory_space<vmem>>
      %dma_start3A_52 = arith.constant 0 : i32
      %dma_start3A_53 = arith.constant 0 : i32
      %dma_start3A_54 = tpu.memref_slice %arg7[%dma_start3A_52, %dma_start3A_53] : memref<10240x128xf32, #tpu.memory_space<vmem_shared>> -> memref<10240x128xf32, #tpu.memory_space<vmem_shared>>
      tpu.enqueue_indirect_dma source(%arg11 : memref<80x128xf32, #tpu.memory_space<vmem>>) target(%dma_start3A_54 : memref<10240x128xf32, #tpu.memory_space<vmem_shared>>) offsets(%dma_start3A_51 : memref<80xi32, #tpu.memory_space<vmem>>) semaphore(%run_scoped3A_49 : memref<!tpu.dma_semaphore, #tpu.memory_space<semaphore_mem>>)
      %dma_wait3A = arith.constant 0 : i32
      %dma_wait3A_55 = tpu.memref_slice %arg8[%run_scoped3A_12, %dma_wait3A] : memref<8x80xi32, #tpu.memory_space<vmem>> -> memref<1x80xi32, #tpu.memory_space<vmem>>
      %dma_wait3A_56 = tpu.memref_squeeze %dma_wait3A_55 : memref<1x80xi32, #tpu.memory_space<vmem>> -> memref<80xi32, #tpu.memory_space<vmem>>
      %dma_wait3A_57 = arith.constant 0 : i32
      %dma_wait3A_58 = arith.constant 0 : i32
      %dma_wait3A_59 = tpu.memref_slice %arg7[%dma_wait3A_57, %dma_wait3A_58] : memref<10240x128xf32, #tpu.memory_space<vmem_shared>> -> memref<10240x128xf32, #tpu.memory_space<vmem_shared>>
      tpu.wait_indirect_dma semaphore(%run_scoped3A_49 : memref<!tpu.dma_semaphore, #tpu.memory_space<semaphore_mem>>) src(%arg11 : memref<80x128xf32, #tpu.memory_space<vmem>>) dst(%dma_wait3A_59 : memref<10240x128xf32, #tpu.memory_space<vmem_shared>>)
      tpu.yield
    }) : () -> ()
    %run_scoped3A_13 = arith.constant 3 : i32
    "tpu.region"() ({
      %run_scoped3A_49 = tpu.sem_alloc : memref<!tpu.dma_semaphore, #tpu.memory_space<semaphore_mem>>
      %dma_start3A = arith.constant 0 : i32
      %dma_start3A_50 = tpu.memref_slice %arg8[%run_scoped3A_13, %dma_start3A] : memref<8x80xi32, #tpu.memory_space<vmem>> -> memref<1x80xi32, #tpu.memory_space<vmem>>
      %dma_start3A_51 = tpu.memref_squeeze %dma_start3A_50 : memref<1x80xi32, #tpu.memory_space<vmem>> -> memref<80xi32, #tpu.memory_space<vmem>>
      %dma_start3A_52 = arith.constant 0 : i32
      %dma_start3A_53 = arith.constant 0 : i32
      %dma_start3A_54 = tpu.memref_slice %arg7[%dma_start3A_52, %dma_start3A_53] : memref<10240x128xf32, #tpu.memory_space<vmem_shared>> -> memref<10240x128xf32, #tpu.memory_space<vmem_shared>>
      tpu.enqueue_indirect_dma source(%arg11 : memref<80x128xf32, #tpu.memory_space<vmem>>) target(%dma_start3A_54 : memref<10240x128xf32, #tpu.memory_space<vmem_shared>>) offsets(%dma_start3A_51 : memref<80xi32, #tpu.memory_space<vmem>>) semaphore(%run_scoped3A_49 : memref<!tpu.dma_semaphore, #tpu.memory_space<semaphore_mem>>)
      %dma_wait3A = arith.constant 0 : i32
      %dma_wait3A_55 = tpu.memref_slice %arg8[%run_scoped3A_13, %dma_wait3A] : memref<8x80xi32, #tpu.memory_space<vmem>> -> memref<1x80xi32, #tpu.memory_space<vmem>>
      %dma_wait3A_56 = tpu.memref_squeeze %dma_wait3A_55 : memref<1x80xi32, #tpu.memory_space<vmem>> -> memref<80xi32, #tpu.memory_space<vmem>>
      %dma_wait3A_57 = arith.constant 0 : i32
      %dma_wait3A_58 = arith.constant 0 : i32
      %dma_wait3A_59 = tpu.memref_slice %arg7[%dma_wait3A_57, %dma_wait3A_58] : memref<10240x128xf32, #tpu.memory_space<vmem_shared>> -> memref<10240x128xf32, #tpu.memory_space<vmem_shared>>
      tpu.wait_indirect_dma semaphore(%run_scoped3A_49 : memref<!tpu.dma_semaphore, #tpu.memory_space<semaphore_mem>>) src(%arg11 : memref<80x128xf32, #tpu.memory_space<vmem>>) dst(%dma_wait3A_59 : memref<10240x128xf32, #tpu.memory_space<vmem_shared>>)
      tpu.yield
    }) : () -> ()
    %run_scoped3A_14 = arith.constant 4 : i32
    "tpu.region"() ({
      %run_scoped3A_49 = tpu.sem_alloc : memref<!tpu.dma_semaphore, #tpu.memory_space<semaphore_mem>>
      %dma_start3A = arith.constant 0 : i32
      %dma_start3A_50 = tpu.memref_slice %arg8[%run_scoped3A_14, %dma_start3A] : memref<8x80xi32, #tpu.memory_space<vmem>> -> memref<1x80xi32, #tpu.memory_space<vmem>>
      %dma_start3A_51 = tpu.memref_squeeze %dma_start3A_50 : memref<1x80xi32, #tpu.memory_space<vmem>> -> memref<80xi32, #tpu.memory_space<vmem>>
      %dma_start3A_52 = arith.constant 0 : i32
      %dma_start3A_53 = arith.constant 0 : i32
      %dma_start3A_54 = tpu.memref_slice %arg7[%dma_start3A_52, %dma_start3A_53] : memref<10240x128xf32, #tpu.memory_space<vmem_shared>> -> memref<10240x128xf32, #tpu.memory_space<vmem_shared>>
      tpu.enqueue_indirect_dma source(%arg11 : memref<80x128xf32, #tpu.memory_space<vmem>>) target(%dma_start3A_54 : memref<10240x128xf32, #tpu.memory_space<vmem_shared>>) offsets(%dma_start3A_51 : memref<80xi32, #tpu.memory_space<vmem>>) semaphore(%run_scoped3A_49 : memref<!tpu.dma_semaphore, #tpu.memory_space<semaphore_mem>>)
      %dma_wait3A = arith.constant 0 : i32
      %dma_wait3A_55 = tpu.memref_slice %arg8[%run_scoped3A_14, %dma_wait3A] : memref<8x80xi32, #tpu.memory_space<vmem>> -> memref<1x80xi32, #tpu.memory_space<vmem>>
      %dma_wait3A_56 = tpu.memref_squeeze %dma_wait3A_55 : memref<1x80xi32, #tpu.memory_space<vmem>> -> memref<80xi32, #tpu.memory_space<vmem>>
      %dma_wait3A_57 = arith.constant 0 : i32
      %dma_wait3A_58 = arith.constant 0 : i32
      %dma_wait3A_59 = tpu.memref_slice %arg7[%dma_wait3A_57, %dma_wait3A_58] : memref<10240x128xf32, #tpu.memory_space<vmem_shared>> -> memref<10240x128xf32, #tpu.memory_space<vmem_shared>>
      tpu.wait_indirect_dma semaphore(%run_scoped3A_49 : memref<!tpu.dma_semaphore, #tpu.memory_space<semaphore_mem>>) src(%arg11 : memref<80x128xf32, #tpu.memory_space<vmem>>) dst(%dma_wait3A_59 : memref<10240x128xf32, #tpu.memory_space<vmem_shared>>)
      tpu.yield
    }) : () -> ()
    %run_scoped3A_15 = arith.constant 5 : i32
    "tpu.region"() ({
      %run_scoped3A_49 = tpu.sem_alloc : memref<!tpu.dma_semaphore, #tpu.memory_space<semaphore_mem>>
      %dma_start3A = arith.constant 0 : i32
      %dma_start3A_50 = tpu.memref_slice %arg8[%run_scoped3A_15, %dma_start3A] : memref<8x80xi32, #tpu.memory_space<vmem>> -> memref<1x80xi32, #tpu.memory_space<vmem>>
      %dma_start3A_51 = tpu.memref_squeeze %dma_start3A_50 : memref<1x80xi32, #tpu.memory_space<vmem>> -> memref<80xi32, #tpu.memory_space<vmem>>
      %dma_start3A_52 = arith.constant 0 : i32
      %dma_start3A_53 = arith.constant 0 : i32
      %dma_start3A_54 = tpu.memref_slice %arg7[%dma_start3A_52, %dma_start3A_53] : memref<10240x128xf32, #tpu.memory_space<vmem_shared>> -> memref<10240x128xf32, #tpu.memory_space<vmem_shared>>
      tpu.enqueue_indirect_dma source(%arg11 : memref<80x128xf32, #tpu.memory_space<vmem>>) target(%dma_start3A_54 : memref<10240x128xf32, #tpu.memory_space<vmem_shared>>) offsets(%dma_start3A_51 : memref<80xi32, #tpu.memory_space<vmem>>) semaphore(%run_scoped3A_49 : memref<!tpu.dma_semaphore, #tpu.memory_space<semaphore_mem>>)
      %dma_wait3A = arith.constant 0 : i32
      %dma_wait3A_55 = tpu.memref_slice %arg8[%run_scoped3A_15, %dma_wait3A] : memref<8x80xi32, #tpu.memory_space<vmem>> -> memref<1x80xi32, #tpu.memory_space<vmem>>
      %dma_wait3A_56 = tpu.memref_squeeze %dma_wait3A_55 : memref<1x80xi32, #tpu.memory_space<vmem>> -> memref<80xi32, #tpu.memory_space<vmem>>
      %dma_wait3A_57 = arith.constant 0 : i32
      %dma_wait3A_58 = arith.constant 0 : i32
      %dma_wait3A_59 = tpu.memref_slice %arg7[%dma_wait3A_57, %dma_wait3A_58] : memref<10240x128xf32, #tpu.memory_space<vmem_shared>> -> memref<10240x128xf32, #tpu.memory_space<vmem_shared>>
      tpu.wait_indirect_dma semaphore(%run_scoped3A_49 : memref<!tpu.dma_semaphore, #tpu.memory_space<semaphore_mem>>) src(%arg11 : memref<80x128xf32, #tpu.memory_space<vmem>>) dst(%dma_wait3A_59 : memref<10240x128xf32, #tpu.memory_space<vmem_shared>>)
      tpu.yield
    }) : () -> ()
    %run_scoped3A_16 = arith.constant 6 : i32
    "tpu.region"() ({
      %run_scoped3A_49 = tpu.sem_alloc : memref<!tpu.dma_semaphore, #tpu.memory_space<semaphore_mem>>
      %dma_start3A = arith.constant 0 : i32
      %dma_start3A_50 = tpu.memref_slice %arg8[%run_scoped3A_16, %dma_start3A] : memref<8x80xi32, #tpu.memory_space<vmem>> -> memref<1x80xi32, #tpu.memory_space<vmem>>
      %dma_start3A_51 = tpu.memref_squeeze %dma_start3A_50 : memref<1x80xi32, #tpu.memory_space<vmem>> -> memref<80xi32, #tpu.memory_space<vmem>>
      %dma_start3A_52 = arith.constant 0 : i32
      %dma_start3A_53 = arith.constant 0 : i32
      %dma_start3A_54 = tpu.memref_slice %arg7[%dma_start3A_52, %dma_start3A_53] : memref<10240x128xf32, #tpu.memory_space<vmem_shared>> -> memref<10240x128xf32, #tpu.memory_space<vmem_shared>>
      tpu.enqueue_indirect_dma source(%arg11 : memref<80x128xf32, #tpu.memory_space<vmem>>) target(%dma_start3A_54 : memref<10240x128xf32, #tpu.memory_space<vmem_shared>>) offsets(%dma_start3A_51 : memref<80xi32, #tpu.memory_space<vmem>>) semaphore(%run_scoped3A_49 : memref<!tpu.dma_semaphore, #tpu.memory_space<semaphore_mem>>)
      %dma_wait3A = arith.constant 0 : i32
      %dma_wait3A_55 = tpu.memref_slice %arg8[%run_scoped3A_16, %dma_wait3A] : memref<8x80xi32, #tpu.memory_space<vmem>> -> memref<1x80xi32, #tpu.memory_space<vmem>>
      %dma_wait3A_56 = tpu.memref_squeeze %dma_wait3A_55 : memref<1x80xi32, #tpu.memory_space<vmem>> -> memref<80xi32, #tpu.memory_space<vmem>>
      %dma_wait3A_57 = arith.constant 0 : i32
      %dma_wait3A_58 = arith.constant 0 : i32
      %dma_wait3A_59 = tpu.memref_slice %arg7[%dma_wait3A_57, %dma_wait3A_58] : memref<10240x128xf32, #tpu.memory_space<vmem_shared>> -> memref<10240x128xf32, #tpu.memory_space<vmem_shared>>
      tpu.wait_indirect_dma semaphore(%run_scoped3A_49 : memref<!tpu.dma_semaphore, #tpu.memory_space<semaphore_mem>>) src(%arg11 : memref<80x128xf32, #tpu.memory_space<vmem>>) dst(%dma_wait3A_59 : memref<10240x128xf32, #tpu.memory_space<vmem_shared>>)
      tpu.yield
    }) : () -> ()
    %run_scoped3A_17 = arith.constant 7 : i32
    "tpu.region"() ({
      %run_scoped3A_49 = tpu.sem_alloc : memref<!tpu.dma_semaphore, #tpu.memory_space<semaphore_mem>>
      %dma_start3A = arith.constant 0 : i32
      %dma_start3A_50 = tpu.memref_slice %arg8[%run_scoped3A_17, %dma_start3A] : memref<8x80xi32, #tpu.memory_space<vmem>> -> memref<1x80xi32, #tpu.memory_space<vmem>>
      %dma_start3A_51 = tpu.memref_squeeze %dma_start3A_50 : memref<1x80xi32, #tpu.memory_space<vmem>> -> memref<80xi32, #tpu.memory_space<vmem>>
      %dma_start3A_52 = arith.constant 0 : i32
      %dma_start3A_53 = arith.constant 0 : i32
      %dma_start3A_54 = tpu.memref_slice %arg7[%dma_start3A_52, %dma_start3A_53] : memref<10240x128xf32, #tpu.memory_space<vmem_shared>> -> memref<10240x128xf32, #tpu.memory_space<vmem_shared>>
      tpu.enqueue_indirect_dma source(%arg11 : memref<80x128xf32, #tpu.memory_space<vmem>>) target(%dma_start3A_54 : memref<10240x128xf32, #tpu.memory_space<vmem_shared>>) offsets(%dma_start3A_51 : memref<80xi32, #tpu.memory_space<vmem>>) semaphore(%run_scoped3A_49 : memref<!tpu.dma_semaphore, #tpu.memory_space<semaphore_mem>>)
      %dma_wait3A = arith.constant 0 : i32
      %dma_wait3A_55 = tpu.memref_slice %arg8[%run_scoped3A_17, %dma_wait3A] : memref<8x80xi32, #tpu.memory_space<vmem>> -> memref<1x80xi32, #tpu.memory_space<vmem>>
      %dma_wait3A_56 = tpu.memref_squeeze %dma_wait3A_55 : memref<1x80xi32, #tpu.memory_space<vmem>> -> memref<80xi32, #tpu.memory_space<vmem>>
      %dma_wait3A_57 = arith.constant 0 : i32
      %dma_wait3A_58 = arith.constant 0 : i32
      %dma_wait3A_59 = tpu.memref_slice %arg7[%dma_wait3A_57, %dma_wait3A_58] : memref<10240x128xf32, #tpu.memory_space<vmem_shared>> -> memref<10240x128xf32, #tpu.memory_space<vmem_shared>>
      tpu.wait_indirect_dma semaphore(%run_scoped3A_49 : memref<!tpu.dma_semaphore, #tpu.memory_space<semaphore_mem>>) src(%arg11 : memref<80x128xf32, #tpu.memory_space<vmem>>) dst(%dma_wait3A_59 : memref<10240x128xf32, #tpu.memory_space<vmem_shared>>)
      tpu.yield
    }) : () -> ()
    %barrier3A = arith.constant 0 : index
    tpu.barrier barrier_id(%barrier3A)
    %scan3A_18 = arith.constant 0 : i32
    %scan3A_19 = arith.constant 0 : i32
    %scan3A_20 = arith.constant 5 : i32
    %scan3A_21 = arith.addi %scan3A_19, %scan3A_20 : i32
    %scan3A_22 = arith.constant 1 : i32
    scf.for %scan3A_49 = %scan3A_19 to %scan3A_21 step %scan3A_22  : i32 {
      "tpu.region"() ({
        %run_scoped3A_250 = tpu.sem_alloc : memref<!tpu.dma_semaphore, #tpu.memory_space<semaphore_mem>>
        %dma_start3A_251 = arith.constant 0 : i32
        %dma_start3A_252 = arith.constant 0 : i32
        %dma_start3A_253 = tpu.memref_slice %arg4[%add3A, %scan3A_49, %dma_start3A_251, %dma_start3A_252] : memref<32x5x25x80xi32, #tpu.memory_space<hbm>> -> memref<1x1x25x80xi32, #tpu.memory_space<hbm>>
        %dma_start3A_254 = tpu.memref_squeeze %dma_start3A_253 : memref<1x1x25x80xi32, #tpu.memory_space<hbm>> -> memref<25x80xi32, #tpu.memory_space<hbm>>
        %dma_start3A_255 = arith.constant 0 : i32
        %dma_start3A_256 = arith.constant 0 : i32
        %dma_start3A_257 = tpu.memref_slice %arg4[%add3A, %scan3A_49, %dma_start3A_255, %dma_start3A_256] : memref<32x5x25x80xi32, #tpu.memory_space<hbm>> -> memref<1x1x25x80xi32, #tpu.memory_space<hbm>>
        %dma_start3A_258 = tpu.memref_squeeze %dma_start3A_257 : memref<1x1x25x80xi32, #tpu.memory_space<hbm>> -> memref<25x80xi32, #tpu.memory_space<hbm>>
        tpu.enqueue_dma source(%dma_start3A_258 : memref<25x80xi32, #tpu.memory_space<hbm>>) target(%arg9 : memref<25x80xi32, #tpu.memory_space<vmem>>) target_semaphore(%run_scoped3A_250 : memref<!tpu.dma_semaphore, #tpu.memory_space<semaphore_mem>>)
        %dma_wait3A_259 = arith.constant 0 : i32
        %dma_wait3A_260 = arith.constant 0 : i32
        %dma_wait3A_261 = tpu.memref_slice %arg4[%add3A, %scan3A_49, %dma_wait3A_259, %dma_wait3A_260] : memref<32x5x25x80xi32, #tpu.memory_space<hbm>> -> memref<1x1x25x80xi32, #tpu.memory_space<hbm>>
        %dma_wait3A_262 = tpu.memref_squeeze %dma_wait3A_261 : memref<1x1x25x80xi32, #tpu.memory_space<hbm>> -> memref<25x80xi32, #tpu.memory_space<hbm>>
        %dma_wait3A_263 = arith.constant 0 : i32
        %dma_wait3A_264 = arith.constant 0 : i32
        %dma_wait3A_265 = tpu.memref_slice %arg4[%add3A, %scan3A_49, %dma_wait3A_263, %dma_wait3A_264] : memref<32x5x25x80xi32, #tpu.memory_space<hbm>> -> memref<1x1x25x80xi32, #tpu.memory_space<hbm>>
        %dma_wait3A_266 = tpu.memref_squeeze %dma_wait3A_265 : memref<1x1x25x80xi32, #tpu.memory_space<hbm>> -> memref<25x80xi32, #tpu.memory_space<hbm>>
        tpu.wait_dma2 semaphore(%run_scoped3A_250 : memref<!tpu.dma_semaphore, #tpu.memory_space<semaphore_mem>>) src(%dma_wait3A_266 : memref<25x80xi32, #tpu.memory_space<hbm>>) dst(%arg9 : memref<25x80xi32, #tpu.memory_space<vmem>>)
        tpu.yield
      }) : () -> ()
      "tpu.region"() ({
        %run_scoped3A_250 = tpu.sem_alloc : memref<!tpu.dma_semaphore, #tpu.memory_space<semaphore_mem>>
        %dma_start3A_251 = arith.constant 0 : i32
        %dma_start3A_252 = arith.constant 0 : i32
        %dma_start3A_253 = tpu.memref_slice %arg5[%add3A, %scan3A_49, %dma_start3A_251, %dma_start3A_252] : memref<32x5x25x80xi32, #tpu.memory_space<hbm>> -> memref<1x1x25x80xi32, #tpu.memory_space<hbm>>
        %dma_start3A_254 = tpu.memref_squeeze %dma_start3A_253 : memref<1x1x25x80xi32, #tpu.memory_space<hbm>> -> memref<25x80xi32, #tpu.memory_space<hbm>>
        %dma_start3A_255 = arith.constant 0 : i32
        %dma_start3A_256 = arith.constant 0 : i32
        %dma_start3A_257 = tpu.memref_slice %arg5[%add3A, %scan3A_49, %dma_start3A_255, %dma_start3A_256] : memref<32x5x25x80xi32, #tpu.memory_space<hbm>> -> memref<1x1x25x80xi32, #tpu.memory_space<hbm>>
        %dma_start3A_258 = tpu.memref_squeeze %dma_start3A_257 : memref<1x1x25x80xi32, #tpu.memory_space<hbm>> -> memref<25x80xi32, #tpu.memory_space<hbm>>
        tpu.enqueue_dma source(%dma_start3A_258 : memref<25x80xi32, #tpu.memory_space<hbm>>) target(%arg10 : memref<25x80xi32, #tpu.memory_space<vmem>>) target_semaphore(%run_scoped3A_250 : memref<!tpu.dma_semaphore, #tpu.memory_space<semaphore_mem>>)
        %dma_wait3A_259 = arith.constant 0 : i32
        %dma_wait3A_260 = arith.constant 0 : i32
        %dma_wait3A_261 = tpu.memref_slice %arg5[%add3A, %scan3A_49, %dma_wait3A_259, %dma_wait3A_260] : memref<32x5x25x80xi32, #tpu.memory_space<hbm>> -> memref<1x1x25x80xi32, #tpu.memory_space<hbm>>
        %dma_wait3A_262 = tpu.memref_squeeze %dma_wait3A_261 : memref<1x1x25x80xi32, #tpu.memory_space<hbm>> -> memref<25x80xi32, #tpu.memory_space<hbm>>
        %dma_wait3A_263 = arith.constant 0 : i32
        %dma_wait3A_264 = arith.constant 0 : i32
        %dma_wait3A_265 = tpu.memref_slice %arg5[%add3A, %scan3A_49, %dma_wait3A_263, %dma_wait3A_264] : memref<32x5x25x80xi32, #tpu.memory_space<hbm>> -> memref<1x1x25x80xi32, #tpu.memory_space<hbm>>
        %dma_wait3A_266 = tpu.memref_squeeze %dma_wait3A_265 : memref<1x1x25x80xi32, #tpu.memory_space<hbm>> -> memref<25x80xi32, #tpu.memory_space<hbm>>
        tpu.wait_dma2 semaphore(%run_scoped3A_250 : memref<!tpu.dma_semaphore, #tpu.memory_space<semaphore_mem>>) src(%dma_wait3A_266 : memref<25x80xi32, #tpu.memory_space<hbm>>) dst(%arg10 : memref<25x80xi32, #tpu.memory_space<vmem>>)
        tpu.yield
      }) : () -> ()
      %dma_start3A = arith.constant 0 : i32
      %dma_start3A_50 = arith.constant 0 : i32
      %dma_start3A_51 = tpu.memref_slice %arg9[%dma_start3A, %dma_start3A_50] : memref<25x80xi32, #tpu.memory_space<vmem>> -> memref<1x80xi32, #tpu.memory_space<vmem>>
      %dma_start3A_52 = tpu.memref_squeeze %dma_start3A_51 : memref<1x80xi32, #tpu.memory_space<vmem>> -> memref<80xi32, #tpu.memory_space<vmem>>
      %dma_start3A_53 = arith.constant 0 : i32
      %dma_start3A_54 = arith.constant 0 : i32
      %dma_start3A_55 = tpu.memref_slice %arg2[%dma_start3A_53, %dma_start3A_54] : memref<10000x128xf32, #tpu.memory_space<hbm>> -> memref<10000x128xf32, #tpu.memory_space<hbm>>
      tpu.enqueue_indirect_dma source(%dma_start3A_55 : memref<10000x128xf32, #tpu.memory_space<hbm>>) target(%arg11 : memref<80x128xf32, #tpu.memory_space<vmem>>) offsets(%dma_start3A_52 : memref<80xi32, #tpu.memory_space<vmem>>) semaphore(%arg14 : memref<!tpu.dma_semaphore, #tpu.memory_space<semaphore_mem>>)
      %dma_start3A_56 = arith.constant 1 : i32
      %dma_start3A_57 = arith.constant 0 : i32
      %dma_start3A_58 = tpu.memref_slice %arg9[%dma_start3A_56, %dma_start3A_57] : memref<25x80xi32, #tpu.memory_space<vmem>> -> memref<1x80xi32, #tpu.memory_space<vmem>>
      %dma_start3A_59 = tpu.memref_squeeze %dma_start3A_58 : memref<1x80xi32, #tpu.memory_space<vmem>> -> memref<80xi32, #tpu.memory_space<vmem>>
      %dma_start3A_60 = arith.constant 0 : i32
      %dma_start3A_61 = arith.constant 0 : i32
      %dma_start3A_62 = tpu.memref_slice %arg2[%dma_start3A_60, %dma_start3A_61] : memref<10000x128xf32, #tpu.memory_space<hbm>> -> memref<10000x128xf32, #tpu.memory_space<hbm>>
      tpu.enqueue_indirect_dma source(%dma_start3A_62 : memref<10000x128xf32, #tpu.memory_space<hbm>>) target(%arg12 : memref<80x128xf32, #tpu.memory_space<vmem>>) offsets(%dma_start3A_59 : memref<80xi32, #tpu.memory_space<vmem>>) semaphore(%arg15 : memref<!tpu.dma_semaphore, #tpu.memory_space<semaphore_mem>>)
      %dma_wait3A = arith.constant 0 : i32
      %dma_wait3A_63 = arith.constant 0 : i32
      %dma_wait3A_64 = tpu.memref_slice %arg9[%dma_wait3A, %dma_wait3A_63] : memref<25x80xi32, #tpu.memory_space<vmem>> -> memref<1x80xi32, #tpu.memory_space<vmem>>
      %dma_wait3A_65 = tpu.memref_squeeze %dma_wait3A_64 : memref<1x80xi32, #tpu.memory_space<vmem>> -> memref<80xi32, #tpu.memory_space<vmem>>
      %dma_wait3A_66 = arith.constant 0 : i32
      %dma_wait3A_67 = arith.constant 0 : i32
      %dma_wait3A_68 = tpu.memref_slice %arg2[%dma_wait3A_66, %dma_wait3A_67] : memref<10000x128xf32, #tpu.memory_space<hbm>> -> memref<10000x128xf32, #tpu.memory_space<hbm>>
      tpu.wait_indirect_dma semaphore(%arg14 : memref<!tpu.dma_semaphore, #tpu.memory_space<semaphore_mem>>) src(%dma_wait3A_68 : memref<10000x128xf32, #tpu.memory_space<hbm>>) dst(%arg11 : memref<80x128xf32, #tpu.memory_space<vmem>>)
      %dma_start3A_69 = arith.constant 0 : i32
      %dma_start3A_70 = arith.constant 0 : i32
      %dma_start3A_71 = tpu.memref_slice %arg10[%dma_start3A_69, %dma_start3A_70] : memref<25x80xi32, #tpu.memory_space<vmem>> -> memref<1x80xi32, #tpu.memory_space<vmem>>
      %dma_start3A_72 = tpu.memref_squeeze %dma_start3A_71 : memref<1x80xi32, #tpu.memory_space<vmem>> -> memref<80xi32, #tpu.memory_space<vmem>>
      %dma_start3A_73 = arith.constant 0 : i32
      %dma_start3A_74 = arith.constant 0 : i32
      %dma_start3A_75 = tpu.memref_slice %arg7[%dma_start3A_73, %dma_start3A_74] : memref<10240x128xf32, #tpu.memory_space<vmem_shared>> -> memref<10240x128xf32, #tpu.memory_space<vmem_shared>>
      tpu.enqueue_indirect_dma source(%arg11 : memref<80x128xf32, #tpu.memory_space<vmem>>) target(%dma_start3A_75 : memref<10240x128xf32, #tpu.memory_space<vmem_shared>>) offsets(%dma_start3A_72 : memref<80xi32, #tpu.memory_space<vmem>>) semaphore(%arg17 : memref<!tpu.dma_semaphore, #tpu.memory_space<semaphore_mem>>) {add = true}
      %dma_start3A_76 = arith.constant 2 : i32
      %dma_start3A_77 = arith.constant 0 : i32
      %dma_start3A_78 = tpu.memref_slice %arg9[%dma_start3A_76, %dma_start3A_77] : memref<25x80xi32, #tpu.memory_space<vmem>> -> memref<1x80xi32, #tpu.memory_space<vmem>>
      %dma_start3A_79 = tpu.memref_squeeze %dma_start3A_78 : memref<1x80xi32, #tpu.memory_space<vmem>> -> memref<80xi32, #tpu.memory_space<vmem>>
      %dma_start3A_80 = arith.constant 0 : i32
      %dma_start3A_81 = arith.constant 0 : i32
      %dma_start3A_82 = tpu.memref_slice %arg2[%dma_start3A_80, %dma_start3A_81] : memref<10000x128xf32, #tpu.memory_space<hbm>> -> memref<10000x128xf32, #tpu.memory_space<hbm>>
      tpu.enqueue_indirect_dma source(%dma_start3A_82 : memref<10000x128xf32, #tpu.memory_space<hbm>>) target(%arg13 : memref<80x128xf32, #tpu.memory_space<vmem>>) offsets(%dma_start3A_79 : memref<80xi32, #tpu.memory_space<vmem>>) semaphore(%arg16 : memref<!tpu.dma_semaphore, #tpu.memory_space<semaphore_mem>>)
      %dma_wait3A_83 = arith.constant 0 : i32
      %dma_wait3A_84 = arith.constant 0 : i32
      %dma_wait3A_85 = tpu.memref_slice %arg9[%dma_wait3A_83, %dma_wait3A_84] : memref<25x80xi32, #tpu.memory_space<vmem>> -> memref<1x80xi32, #tpu.memory_space<vmem>>
      %dma_wait3A_86 = tpu.memref_squeeze %dma_wait3A_85 : memref<1x80xi32, #tpu.memory_space<vmem>> -> memref<80xi32, #tpu.memory_space<vmem>>
      %dma_wait3A_87 = arith.constant 0 : i32
      %dma_wait3A_88 = arith.constant 0 : i32
      %dma_wait3A_89 = tpu.memref_slice %arg2[%dma_wait3A_87, %dma_wait3A_88] : memref<10000x128xf32, #tpu.memory_space<hbm>> -> memref<10000x128xf32, #tpu.memory_space<hbm>>
      tpu.wait_indirect_dma semaphore(%arg15 : memref<!tpu.dma_semaphore, #tpu.memory_space<semaphore_mem>>) src(%dma_wait3A_89 : memref<10000x128xf32, #tpu.memory_space<hbm>>) dst(%arg12 : memref<80x128xf32, #tpu.memory_space<vmem>>)
      %dma_start3A_90 = arith.constant 1 : i32
      %dma_start3A_91 = arith.constant 0 : i32
      %dma_start3A_92 = tpu.memref_slice %arg10[%dma_start3A_90, %dma_start3A_91] : memref<25x80xi32, #tpu.memory_space<vmem>> -> memref<1x80xi32, #tpu.memory_space<vmem>>
      %dma_start3A_93 = tpu.memref_squeeze %dma_start3A_92 : memref<1x80xi32, #tpu.memory_space<vmem>> -> memref<80xi32, #tpu.memory_space<vmem>>
      %dma_start3A_94 = arith.constant 0 : i32
      %dma_start3A_95 = arith.constant 0 : i32
      %dma_start3A_96 = tpu.memref_slice %arg7[%dma_start3A_94, %dma_start3A_95] : memref<10240x128xf32, #tpu.memory_space<vmem_shared>> -> memref<10240x128xf32, #tpu.memory_space<vmem_shared>>
      tpu.enqueue_indirect_dma source(%arg12 : memref<80x128xf32, #tpu.memory_space<vmem>>) target(%dma_start3A_96 : memref<10240x128xf32, #tpu.memory_space<vmem_shared>>) offsets(%dma_start3A_93 : memref<80xi32, #tpu.memory_space<vmem>>) semaphore(%arg18 : memref<!tpu.dma_semaphore, #tpu.memory_space<semaphore_mem>>) {add = true}
      %dma_wait3A_97 = arith.constant 0 : i32
      %dma_wait3A_98 = arith.constant 0 : i32
      %dma_wait3A_99 = tpu.memref_slice %arg10[%dma_wait3A_97, %dma_wait3A_98] : memref<25x80xi32, #tpu.memory_space<vmem>> -> memref<1x80xi32, #tpu.memory_space<vmem>>
      %dma_wait3A_100 = tpu.memref_squeeze %dma_wait3A_99 : memref<1x80xi32, #tpu.memory_space<vmem>> -> memref<80xi32, #tpu.memory_space<vmem>>
      %dma_wait3A_101 = arith.constant 0 : i32
      %dma_wait3A_102 = arith.constant 0 : i32
      %dma_wait3A_103 = tpu.memref_slice %arg7[%dma_wait3A_101, %dma_wait3A_102] : memref<10240x128xf32, #tpu.memory_space<vmem_shared>> -> memref<10240x128xf32, #tpu.memory_space<vmem_shared>>
      tpu.wait_indirect_dma semaphore(%arg17 : memref<!tpu.dma_semaphore, #tpu.memory_space<semaphore_mem>>) src(%arg11 : memref<80x128xf32, #tpu.memory_space<vmem>>) dst(%dma_wait3A_103 : memref<10240x128xf32, #tpu.memory_space<vmem_shared>>)
      %dma_start3A_104 = arith.constant 3 : i32
      %dma_start3A_105 = arith.constant 0 : i32
      %dma_start3A_106 = tpu.memref_slice %arg9[%dma_start3A_104, %dma_start3A_105] : memref<25x80xi32, #tpu.memory_space<vmem>> -> memref<1x80xi32, #tpu.memory_space<vmem>>
      %dma_start3A_107 = tpu.memref_squeeze %dma_start3A_106 : memref<1x80xi32, #tpu.memory_space<vmem>> -> memref<80xi32, #tpu.memory_space<vmem>>
      %dma_start3A_108 = arith.constant 0 : i32
      %dma_start3A_109 = arith.constant 0 : i32
      %dma_start3A_110 = tpu.memref_slice %arg2[%dma_start3A_108, %dma_start3A_109] : memref<10000x128xf32, #tpu.memory_space<hbm>> -> memref<10000x128xf32, #tpu.memory_space<hbm>>
      tpu.enqueue_indirect_dma source(%dma_start3A_110 : memref<10000x128xf32, #tpu.memory_space<hbm>>) target(%arg11 : memref<80x128xf32, #tpu.memory_space<vmem>>) offsets(%dma_start3A_107 : memref<80xi32, #tpu.memory_space<vmem>>) semaphore(%arg14 : memref<!tpu.dma_semaphore, #tpu.memory_space<semaphore_mem>>)
      %dma_wait3A_111 = arith.constant 0 : i32
      %dma_wait3A_112 = arith.constant 0 : i32
      %dma_wait3A_113 = tpu.memref_slice %arg9[%dma_wait3A_111, %dma_wait3A_112] : memref<25x80xi32, #tpu.memory_space<vmem>> -> memref<1x80xi32, #tpu.memory_space<vmem>>
      %dma_wait3A_114 = tpu.memref_squeeze %dma_wait3A_113 : memref<1x80xi32, #tpu.memory_space<vmem>> -> memref<80xi32, #tpu.memory_space<vmem>>
      %dma_wait3A_115 = arith.constant 0 : i32
      %dma_wait3A_116 = arith.constant 0 : i32
      %dma_wait3A_117 = tpu.memref_slice %arg2[%dma_wait3A_115, %dma_wait3A_116] : memref<10000x128xf32, #tpu.memory_space<hbm>> -> memref<10000x128xf32, #tpu.memory_space<hbm>>
      tpu.wait_indirect_dma semaphore(%arg16 : memref<!tpu.dma_semaphore, #tpu.memory_space<semaphore_mem>>) src(%dma_wait3A_117 : memref<10000x128xf32, #tpu.memory_space<hbm>>) dst(%arg13 : memref<80x128xf32, #tpu.memory_space<vmem>>)
      %dma_start3A_118 = arith.constant 2 : i32
      %dma_start3A_119 = arith.constant 0 : i32
      %dma_start3A_120 = tpu.memref_slice %arg10[%dma_start3A_118, %dma_start3A_119] : memref<25x80xi32, #tpu.memory_space<vmem>> -> memref<1x80xi32, #tpu.memory_space<vmem>>
      %dma_start3A_121 = tpu.memref_squeeze %dma_start3A_120 : memref<1x80xi32, #tpu.memory_space<vmem>> -> memref<80xi32, #tpu.memory_space<vmem>>
      %dma_start3A_122 = arith.constant 0 : i32
      %dma_start3A_123 = arith.constant 0 : i32
      %dma_start3A_124 = tpu.memref_slice %arg7[%dma_start3A_122, %dma_start3A_123] : memref<10240x128xf32, #tpu.memory_space<vmem_shared>> -> memref<10240x128xf32, #tpu.memory_space<vmem_shared>>
      tpu.enqueue_indirect_dma source(%arg13 : memref<80x128xf32, #tpu.memory_space<vmem>>) target(%dma_start3A_124 : memref<10240x128xf32, #tpu.memory_space<vmem_shared>>) offsets(%dma_start3A_121 : memref<80xi32, #tpu.memory_space<vmem>>) semaphore(%arg19 : memref<!tpu.dma_semaphore, #tpu.memory_space<semaphore_mem>>) {add = true}
      %dma_wait3A_125 = arith.constant 0 : i32
      %dma_wait3A_126 = arith.constant 0 : i32
      %dma_wait3A_127 = tpu.memref_slice %arg10[%dma_wait3A_125, %dma_wait3A_126] : memref<25x80xi32, #tpu.memory_space<vmem>> -> memref<1x80xi32, #tpu.memory_space<vmem>>
      %dma_wait3A_128 = tpu.memref_squeeze %dma_wait3A_127 : memref<1x80xi32, #tpu.memory_space<vmem>> -> memref<80xi32, #tpu.memory_space<vmem>>
      %dma_wait3A_129 = arith.constant 0 : i32
      %dma_wait3A_130 = arith.constant 0 : i32
      %dma_wait3A_131 = tpu.memref_slice %arg7[%dma_wait3A_129, %dma_wait3A_130] : memref<10240x128xf32, #tpu.memory_space<vmem_shared>> -> memref<10240x128xf32, #tpu.memory_space<vmem_shared>>
      tpu.wait_indirect_dma semaphore(%arg18 : memref<!tpu.dma_semaphore, #tpu.memory_space<semaphore_mem>>) src(%arg12 : memref<80x128xf32, #tpu.memory_space<vmem>>) dst(%dma_wait3A_131 : memref<10240x128xf32, #tpu.memory_space<vmem_shared>>)
      %dma_start3A_132 = arith.constant 4 : i32
      %dma_start3A_133 = arith.constant 0 : i32
      %dma_start3A_134 = tpu.memref_slice %arg9[%dma_start3A_132, %dma_start3A_133] : memref<25x80xi32, #tpu.memory_space<vmem>> -> memref<1x80xi32, #tpu.memory_space<vmem>>
      %dma_start3A_135 = tpu.memref_squeeze %dma_start3A_134 : memref<1x80xi32, #tpu.memory_space<vmem>> -> memref<80xi32, #tpu.memory_space<vmem>>
      %dma_start3A_136 = arith.constant 0 : i32
      %dma_start3A_137 = arith.constant 0 : i32
      %dma_start3A_138 = tpu.memref_slice %arg2[%dma_start3A_136, %dma_start3A_137] : memref<10000x128xf32, #tpu.memory_space<hbm>> -> memref<10000x128xf32, #tpu.memory_space<hbm>>
      tpu.enqueue_indirect_dma source(%dma_start3A_138 : memref<10000x128xf32, #tpu.memory_space<hbm>>) target(%arg12 : memref<80x128xf32, #tpu.memory_space<vmem>>) offsets(%dma_start3A_135 : memref<80xi32, #tpu.memory_space<vmem>>) semaphore(%arg15 : memref<!tpu.dma_semaphore, #tpu.memory_space<semaphore_mem>>)
      %scan3A_139 = arith.constant 0 : i32
      %scan3A_140 = arith.constant 1 : i32
      %scan3A_141 = arith.constant 6 : i32
      %scan3A_142 = arith.addi %scan3A_140, %scan3A_141 : i32
      %scan3A_143 = arith.constant 1 : i32
      scf.for %scan3A_250 = %scan3A_140 to %scan3A_142 step %scan3A_143  : i32 {
        %mul3A_251 = arith.constant 3 : i32
        %mul3A_252 = arith.muli %mul3A_251, %scan3A_250 : i32
        %add3A_253 = arith.constant 0 : i32
        %add3A_254 = arith.addi %mul3A_252, %add3A_253 : i32
        %dma_wait3A_255 = arith.constant 0 : i32
        %dma_wait3A_256 = arith.constant 0 : i32
        %dma_wait3A_257 = tpu.memref_slice %arg9[%dma_wait3A_255, %dma_wait3A_256] : memref<25x80xi32, #tpu.memory_space<vmem>> -> memref<1x80xi32, #tpu.memory_space<vmem>>
        %dma_wait3A_258 = tpu.memref_squeeze %dma_wait3A_257 : memref<1x80xi32, #tpu.memory_space<vmem>> -> memref<80xi32, #tpu.memory_space<vmem>>
        %dma_wait3A_259 = arith.constant 0 : i32
        %dma_wait3A_260 = arith.constant 0 : i32
        %dma_wait3A_261 = tpu.memref_slice %arg2[%dma_wait3A_259, %dma_wait3A_260] : memref<10000x128xf32, #tpu.memory_space<hbm>> -> memref<10000x128xf32, #tpu.memory_space<hbm>>
        tpu.wait_indirect_dma semaphore(%arg14 : memref<!tpu.dma_semaphore, #tpu.memory_space<semaphore_mem>>) src(%dma_wait3A_261 : memref<10000x128xf32, #tpu.memory_space<hbm>>) dst(%arg11 : memref<80x128xf32, #tpu.memory_space<vmem>>)
        %dma_start3A_262 = arith.constant 0 : i32
        %dma_start3A_263 = tpu.memref_slice %arg10[%add3A_254, %dma_start3A_262] : memref<25x80xi32, #tpu.memory_space<vmem>> -> memref<1x80xi32, #tpu.memory_space<vmem>>
        %dma_start3A_264 = tpu.memref_squeeze %dma_start3A_263 : memref<1x80xi32, #tpu.memory_space<vmem>> -> memref<80xi32, #tpu.memory_space<vmem>>
        %dma_start3A_265 = arith.constant 0 : i32
        %dma_start3A_266 = arith.constant 0 : i32
        %dma_start3A_267 = tpu.memref_slice %arg7[%dma_start3A_265, %dma_start3A_266] : memref<10240x128xf32, #tpu.memory_space<vmem_shared>> -> memref<10240x128xf32, #tpu.memory_space<vmem_shared>>
        tpu.enqueue_indirect_dma source(%arg11 : memref<80x128xf32, #tpu.memory_space<vmem>>) target(%dma_start3A_267 : memref<10240x128xf32, #tpu.memory_space<vmem_shared>>) offsets(%dma_start3A_264 : memref<80xi32, #tpu.memory_space<vmem>>) semaphore(%arg17 : memref<!tpu.dma_semaphore, #tpu.memory_space<semaphore_mem>>) {add = true}
        %dma_wait3A_268 = arith.constant 0 : i32
        %dma_wait3A_269 = arith.constant 0 : i32
        %dma_wait3A_270 = tpu.memref_slice %arg10[%dma_wait3A_268, %dma_wait3A_269] : memref<25x80xi32, #tpu.memory_space<vmem>> -> memref<1x80xi32, #tpu.memory_space<vmem>>
        %dma_wait3A_271 = tpu.memref_squeeze %dma_wait3A_270 : memref<1x80xi32, #tpu.memory_space<vmem>> -> memref<80xi32, #tpu.memory_space<vmem>>
        %dma_wait3A_272 = arith.constant 0 : i32
        %dma_wait3A_273 = arith.constant 0 : i32
        %dma_wait3A_274 = tpu.memref_slice %arg7[%dma_wait3A_272, %dma_wait3A_273] : memref<10240x128xf32, #tpu.memory_space<vmem_shared>> -> memref<10240x128xf32, #tpu.memory_space<vmem_shared>>
        tpu.wait_indirect_dma semaphore(%arg19 : memref<!tpu.dma_semaphore, #tpu.memory_space<semaphore_mem>>) src(%arg13 : memref<80x128xf32, #tpu.memory_space<vmem>>) dst(%dma_wait3A_274 : memref<10240x128xf32, #tpu.memory_space<vmem_shared>>)
        %add3A_275 = arith.constant 2 : i32
        %add3A_276 = arith.addi %add3A_254, %add3A_275 : i32
        %dma_start3A_277 = arith.constant 0 : i32
        %dma_start3A_278 = tpu.memref_slice %arg9[%add3A_276, %dma_start3A_277] : memref<25x80xi32, #tpu.memory_space<vmem>> -> memref<1x80xi32, #tpu.memory_space<vmem>>
        %dma_start3A_279 = tpu.memref_squeeze %dma_start3A_278 : memref<1x80xi32, #tpu.memory_space<vmem>> -> memref<80xi32, #tpu.memory_space<vmem>>
        %dma_start3A_280 = arith.constant 0 : i32
        %dma_start3A_281 = arith.constant 0 : i32
        %dma_start3A_282 = tpu.memref_slice %arg2[%dma_start3A_280, %dma_start3A_281] : memref<10000x128xf32, #tpu.memory_space<hbm>> -> memref<10000x128xf32, #tpu.memory_space<hbm>>
        tpu.enqueue_indirect_dma source(%dma_start3A_282 : memref<10000x128xf32, #tpu.memory_space<hbm>>) target(%arg13 : memref<80x128xf32, #tpu.memory_space<vmem>>) offsets(%dma_start3A_279 : memref<80xi32, #tpu.memory_space<vmem>>) semaphore(%arg16 : memref<!tpu.dma_semaphore, #tpu.memory_space<semaphore_mem>>)
        %add3A_283 = arith.constant 1 : i32
        %add3A_284 = arith.addi %mul3A_252, %add3A_283 : i32
        %dma_wait3A_285 = arith.constant 0 : i32
        %dma_wait3A_286 = arith.constant 0 : i32
        %dma_wait3A_287 = tpu.memref_slice %arg9[%dma_wait3A_285, %dma_wait3A_286] : memref<25x80xi32, #tpu.memory_space<vmem>> -> memref<1x80xi32, #tpu.memory_space<vmem>>
        %dma_wait3A_288 = tpu.memref_squeeze %dma_wait3A_287 : memref<1x80xi32, #tpu.memory_space<vmem>> -> memref<80xi32, #tpu.memory_space<vmem>>
        %dma_wait3A_289 = arith.constant 0 : i32
        %dma_wait3A_290 = arith.constant 0 : i32
        %dma_wait3A_291 = tpu.memref_slice %arg2[%dma_wait3A_289, %dma_wait3A_290] : memref<10000x128xf32, #tpu.memory_space<hbm>> -> memref<10000x128xf32, #tpu.memory_space<hbm>>
        tpu.wait_indirect_dma semaphore(%arg15 : memref<!tpu.dma_semaphore, #tpu.memory_space<semaphore_mem>>) src(%dma_wait3A_291 : memref<10000x128xf32, #tpu.memory_space<hbm>>) dst(%arg12 : memref<80x128xf32, #tpu.memory_space<vmem>>)
        %dma_start3A_292 = arith.constant 0 : i32
        %dma_start3A_293 = tpu.memref_slice %arg10[%add3A_284, %dma_start3A_292] : memref<25x80xi32, #tpu.memory_space<vmem>> -> memref<1x80xi32, #tpu.memory_space<vmem>>
        %dma_start3A_294 = tpu.memref_squeeze %dma_start3A_293 : memref<1x80xi32, #tpu.memory_space<vmem>> -> memref<80xi32, #tpu.memory_space<vmem>>
        %dma_start3A_295 = arith.constant 0 : i32
        %dma_start3A_296 = arith.constant 0 : i32
        %dma_start3A_297 = tpu.memref_slice %arg7[%dma_start3A_295, %dma_start3A_296] : memref<10240x128xf32, #tpu.memory_space<vmem_shared>> -> memref<10240x128xf32, #tpu.memory_space<vmem_shared>>
        tpu.enqueue_indirect_dma source(%arg12 : memref<80x128xf32, #tpu.memory_space<vmem>>) target(%dma_start3A_297 : memref<10240x128xf32, #tpu.memory_space<vmem_shared>>) offsets(%dma_start3A_294 : memref<80xi32, #tpu.memory_space<vmem>>) semaphore(%arg18 : memref<!tpu.dma_semaphore, #tpu.memory_space<semaphore_mem>>) {add = true}
        %dma_wait3A_298 = arith.constant 0 : i32
        %dma_wait3A_299 = arith.constant 0 : i32
        %dma_wait3A_300 = tpu.memref_slice %arg10[%dma_wait3A_298, %dma_wait3A_299] : memref<25x80xi32, #tpu.memory_space<vmem>> -> memref<1x80xi32, #tpu.memory_space<vmem>>
        %dma_wait3A_301 = tpu.memref_squeeze %dma_wait3A_300 : memref<1x80xi32, #tpu.memory_space<vmem>> -> memref<80xi32, #tpu.memory_space<vmem>>
        %dma_wait3A_302 = arith.constant 0 : i32
        %dma_wait3A_303 = arith.constant 0 : i32
        %dma_wait3A_304 = tpu.memref_slice %arg7[%dma_wait3A_302, %dma_wait3A_303] : memref<10240x128xf32, #tpu.memory_space<vmem_shared>> -> memref<10240x128xf32, #tpu.memory_space<vmem_shared>>
        tpu.wait_indirect_dma semaphore(%arg17 : memref<!tpu.dma_semaphore, #tpu.memory_space<semaphore_mem>>) src(%arg11 : memref<80x128xf32, #tpu.memory_space<vmem>>) dst(%dma_wait3A_304 : memref<10240x128xf32, #tpu.memory_space<vmem_shared>>)
        %add3A_305 = arith.constant 2 : i32
        %add3A_306 = arith.addi %add3A_284, %add3A_305 : i32
        %dma_start3A_307 = arith.constant 0 : i32
        %dma_start3A_308 = tpu.memref_slice %arg9[%add3A_306, %dma_start3A_307] : memref<25x80xi32, #tpu.memory_space<vmem>> -> memref<1x80xi32, #tpu.memory_space<vmem>>
        %dma_start3A_309 = tpu.memref_squeeze %dma_start3A_308 : memref<1x80xi32, #tpu.memory_space<vmem>> -> memref<80xi32, #tpu.memory_space<vmem>>
        %dma_start3A_310 = arith.constant 0 : i32
        %dma_start3A_311 = arith.constant 0 : i32
        %dma_start3A_312 = tpu.memref_slice %arg2[%dma_start3A_310, %dma_start3A_311] : memref<10000x128xf32, #tpu.memory_space<hbm>> -> memref<10000x128xf32, #tpu.memory_space<hbm>>
        tpu.enqueue_indirect_dma source(%dma_start3A_312 : memref<10000x128xf32, #tpu.memory_space<hbm>>) target(%arg11 : memref<80x128xf32, #tpu.memory_space<vmem>>) offsets(%dma_start3A_309 : memref<80xi32, #tpu.memory_space<vmem>>) semaphore(%arg14 : memref<!tpu.dma_semaphore, #tpu.memory_space<semaphore_mem>>)
        %add3A_313 = arith.constant 2 : i32
        %add3A_314 = arith.addi %mul3A_252, %add3A_313 : i32
        %dma_wait3A_315 = arith.constant 0 : i32
        %dma_wait3A_316 = arith.constant 0 : i32
        %dma_wait3A_317 = tpu.memref_slice %arg9[%dma_wait3A_315, %dma_wait3A_316] : memref<25x80xi32, #tpu.memory_space<vmem>> -> memref<1x80xi32, #tpu.memory_space<vmem>>
        %dma_wait3A_318 = tpu.memref_squeeze %dma_wait3A_317 : memref<1x80xi32, #tpu.memory_space<vmem>> -> memref<80xi32, #tpu.memory_space<vmem>>
        %dma_wait3A_319 = arith.constant 0 : i32
        %dma_wait3A_320 = arith.constant 0 : i32
        %dma_wait3A_321 = tpu.memref_slice %arg2[%dma_wait3A_319, %dma_wait3A_320] : memref<10000x128xf32, #tpu.memory_space<hbm>> -> memref<10000x128xf32, #tpu.memory_space<hbm>>
        tpu.wait_indirect_dma semaphore(%arg16 : memref<!tpu.dma_semaphore, #tpu.memory_space<semaphore_mem>>) src(%dma_wait3A_321 : memref<10000x128xf32, #tpu.memory_space<hbm>>) dst(%arg13 : memref<80x128xf32, #tpu.memory_space<vmem>>)
        %dma_start3A_322 = arith.constant 0 : i32
        %dma_start3A_323 = tpu.memref_slice %arg10[%add3A_314, %dma_start3A_322] : memref<25x80xi32, #tpu.memory_space<vmem>> -> memref<1x80xi32, #tpu.memory_space<vmem>>
        %dma_start3A_324 = tpu.memref_squeeze %dma_start3A_323 : memref<1x80xi32, #tpu.memory_space<vmem>> -> memref<80xi32, #tpu.memory_space<vmem>>
        %dma_start3A_325 = arith.constant 0 : i32
        %dma_start3A_326 = arith.constant 0 : i32
        %dma_start3A_327 = tpu.memref_slice %arg7[%dma_start3A_325, %dma_start3A_326] : memref<10240x128xf32, #tpu.memory_space<vmem_shared>> -> memref<10240x128xf32, #tpu.memory_space<vmem_shared>>
        tpu.enqueue_indirect_dma source(%arg13 : memref<80x128xf32, #tpu.memory_space<vmem>>) target(%dma_start3A_327 : memref<10240x128xf32, #tpu.memory_space<vmem_shared>>) offsets(%dma_start3A_324 : memref<80xi32, #tpu.memory_space<vmem>>) semaphore(%arg19 : memref<!tpu.dma_semaphore, #tpu.memory_space<semaphore_mem>>) {add = true}
        %dma_wait3A_328 = arith.constant 0 : i32
        %dma_wait3A_329 = arith.constant 0 : i32
        %dma_wait3A_330 = tpu.memref_slice %arg10[%dma_wait3A_328, %dma_wait3A_329] : memref<25x80xi32, #tpu.memory_space<vmem>> -> memref<1x80xi32, #tpu.memory_space<vmem>>
        %dma_wait3A_331 = tpu.memref_squeeze %dma_wait3A_330 : memref<1x80xi32, #tpu.memory_space<vmem>> -> memref<80xi32, #tpu.memory_space<vmem>>
        %dma_wait3A_332 = arith.constant 0 : i32
        %dma_wait3A_333 = arith.constant 0 : i32
        %dma_wait3A_334 = tpu.memref_slice %arg7[%dma_wait3A_332, %dma_wait3A_333] : memref<10240x128xf32, #tpu.memory_space<vmem_shared>> -> memref<10240x128xf32, #tpu.memory_space<vmem_shared>>
        tpu.wait_indirect_dma semaphore(%arg18 : memref<!tpu.dma_semaphore, #tpu.memory_space<semaphore_mem>>) src(%arg12 : memref<80x128xf32, #tpu.memory_space<vmem>>) dst(%dma_wait3A_334 : memref<10240x128xf32, #tpu.memory_space<vmem_shared>>)
        %add3A_335 = arith.constant 2 : i32
        %add3A_336 = arith.addi %add3A_314, %add3A_335 : i32
        %dma_start3A_337 = arith.constant 0 : i32
        %dma_start3A_338 = tpu.memref_slice %arg9[%add3A_336, %dma_start3A_337] : memref<25x80xi32, #tpu.memory_space<vmem>> -> memref<1x80xi32, #tpu.memory_space<vmem>>
        %dma_start3A_339 = tpu.memref_squeeze %dma_start3A_338 : memref<1x80xi32, #tpu.memory_space<vmem>> -> memref<80xi32, #tpu.memory_space<vmem>>
        %dma_start3A_340 = arith.constant 0 : i32
        %dma_start3A_341 = arith.constant 0 : i32
        %dma_start3A_342 = tpu.memref_slice %arg2[%dma_start3A_340, %dma_start3A_341] : memref<10000x128xf32, #tpu.memory_space<hbm>> -> memref<10000x128xf32, #tpu.memory_space<hbm>>
        tpu.enqueue_indirect_dma source(%dma_start3A_342 : memref<10000x128xf32, #tpu.memory_space<hbm>>) target(%arg12 : memref<80x128xf32, #tpu.memory_space<vmem>>) offsets(%dma_start3A_339 : memref<80xi32, #tpu.memory_space<vmem>>) semaphore(%arg15 : memref<!tpu.dma_semaphore, #tpu.memory_space<semaphore_mem>>)
      }
      %scan3A_144 = arith.constant 6 : i32
      %dma_wait3A_145 = arith.constant 0 : i32
      %dma_wait3A_146 = arith.constant 0 : i32
      %dma_wait3A_147 = tpu.memref_slice %arg9[%dma_wait3A_145, %dma_wait3A_146] : memref<25x80xi32, #tpu.memory_space<vmem>> -> memref<1x80xi32, #tpu.memory_space<vmem>>
      %dma_wait3A_148 = tpu.memref_squeeze %dma_wait3A_147 : memref<1x80xi32, #tpu.memory_space<vmem>> -> memref<80xi32, #tpu.memory_space<vmem>>
      %dma_wait3A_149 = arith.constant 0 : i32
      %dma_wait3A_150 = arith.constant 0 : i32
      %dma_wait3A_151 = tpu.memref_slice %arg2[%dma_wait3A_149, %dma_wait3A_150] : memref<10000x128xf32, #tpu.memory_space<hbm>> -> memref<10000x128xf32, #tpu.memory_space<hbm>>
      tpu.wait_indirect_dma semaphore(%arg14 : memref<!tpu.dma_semaphore, #tpu.memory_space<semaphore_mem>>) src(%dma_wait3A_151 : memref<10000x128xf32, #tpu.memory_space<hbm>>) dst(%arg11 : memref<80x128xf32, #tpu.memory_space<vmem>>)
      %dma_start3A_152 = arith.constant 21 : i32
      %dma_start3A_153 = arith.constant 0 : i32
      %dma_start3A_154 = tpu.memref_slice %arg10[%dma_start3A_152, %dma_start3A_153] : memref<25x80xi32, #tpu.memory_space<vmem>> -> memref<1x80xi32, #tpu.memory_space<vmem>>
      %dma_start3A_155 = tpu.memref_squeeze %dma_start3A_154 : memref<1x80xi32, #tpu.memory_space<vmem>> -> memref<80xi32, #tpu.memory_space<vmem>>
      %dma_start3A_156 = arith.constant 0 : i32
      %dma_start3A_157 = arith.constant 0 : i32
      %dma_start3A_158 = tpu.memref_slice %arg7[%dma_start3A_156, %dma_start3A_157] : memref<10240x128xf32, #tpu.memory_space<vmem_shared>> -> memref<10240x128xf32, #tpu.memory_space<vmem_shared>>
      tpu.enqueue_indirect_dma source(%arg11 : memref<80x128xf32, #tpu.memory_space<vmem>>) target(%dma_start3A_158 : memref<10240x128xf32, #tpu.memory_space<vmem_shared>>) offsets(%dma_start3A_155 : memref<80xi32, #tpu.memory_space<vmem>>) semaphore(%arg17 : memref<!tpu.dma_semaphore, #tpu.memory_space<semaphore_mem>>) {add = true}
      %dma_wait3A_159 = arith.constant 0 : i32
      %dma_wait3A_160 = arith.constant 0 : i32
      %dma_wait3A_161 = tpu.memref_slice %arg10[%dma_wait3A_159, %dma_wait3A_160] : memref<25x80xi32, #tpu.memory_space<vmem>> -> memref<1x80xi32, #tpu.memory_space<vmem>>
      %dma_wait3A_162 = tpu.memref_squeeze %dma_wait3A_161 : memref<1x80xi32, #tpu.memory_space<vmem>> -> memref<80xi32, #tpu.memory_space<vmem>>
      %dma_wait3A_163 = arith.constant 0 : i32
      %dma_wait3A_164 = arith.constant 0 : i32
      %dma_wait3A_165 = tpu.memref_slice %arg7[%dma_wait3A_163, %dma_wait3A_164] : memref<10240x128xf32, #tpu.memory_space<vmem_shared>> -> memref<10240x128xf32, #tpu.memory_space<vmem_shared>>
      tpu.wait_indirect_dma semaphore(%arg19 : memref<!tpu.dma_semaphore, #tpu.memory_space<semaphore_mem>>) src(%arg13 : memref<80x128xf32, #tpu.memory_space<vmem>>) dst(%dma_wait3A_165 : memref<10240x128xf32, #tpu.memory_space<vmem_shared>>)
      %dma_start3A_166 = arith.constant 23 : i32
      %dma_start3A_167 = arith.constant 0 : i32
      %dma_start3A_168 = tpu.memref_slice %arg9[%dma_start3A_166, %dma_start3A_167] : memref<25x80xi32, #tpu.memory_space<vmem>> -> memref<1x80xi32, #tpu.memory_space<vmem>>
      %dma_start3A_169 = tpu.memref_squeeze %dma_start3A_168 : memref<1x80xi32, #tpu.memory_space<vmem>> -> memref<80xi32, #tpu.memory_space<vmem>>
      %dma_start3A_170 = arith.constant 0 : i32
      %dma_start3A_171 = arith.constant 0 : i32
      %dma_start3A_172 = tpu.memref_slice %arg2[%dma_start3A_170, %dma_start3A_171] : memref<10000x128xf32, #tpu.memory_space<hbm>> -> memref<10000x128xf32, #tpu.memory_space<hbm>>
      tpu.enqueue_indirect_dma source(%dma_start3A_172 : memref<10000x128xf32, #tpu.memory_space<hbm>>) target(%arg13 : memref<80x128xf32, #tpu.memory_space<vmem>>) offsets(%dma_start3A_169 : memref<80xi32, #tpu.memory_space<vmem>>) semaphore(%arg16 : memref<!tpu.dma_semaphore, #tpu.memory_space<semaphore_mem>>)
      %dma_wait3A_173 = arith.constant 0 : i32
      %dma_wait3A_174 = arith.constant 0 : i32
      %dma_wait3A_175 = tpu.memref_slice %arg9[%dma_wait3A_173, %dma_wait3A_174] : memref<25x80xi32, #tpu.memory_space<vmem>> -> memref<1x80xi32, #tpu.memory_space<vmem>>
      %dma_wait3A_176 = tpu.memref_squeeze %dma_wait3A_175 : memref<1x80xi32, #tpu.memory_space<vmem>> -> memref<80xi32, #tpu.memory_space<vmem>>
      %dma_wait3A_177 = arith.constant 0 : i32
      %dma_wait3A_178 = arith.constant 0 : i32
      %dma_wait3A_179 = tpu.memref_slice %arg2[%dma_wait3A_177, %dma_wait3A_178] : memref<10000x128xf32, #tpu.memory_space<hbm>> -> memref<10000x128xf32, #tpu.memory_space<hbm>>
      tpu.wait_indirect_dma semaphore(%arg15 : memref<!tpu.dma_semaphore, #tpu.memory_space<semaphore_mem>>) src(%dma_wait3A_179 : memref<10000x128xf32, #tpu.memory_space<hbm>>) dst(%arg12 : memref<80x128xf32, #tpu.memory_space<vmem>>)
      %dma_start3A_180 = arith.constant 22 : i32
      %dma_start3A_181 = arith.constant 0 : i32
      %dma_start3A_182 = tpu.memref_slice %arg10[%dma_start3A_180, %dma_start3A_181] : memref<25x80xi32, #tpu.memory_space<vmem>> -> memref<1x80xi32, #tpu.memory_space<vmem>>
      %dma_start3A_183 = tpu.memref_squeeze %dma_start3A_182 : memref<1x80xi32, #tpu.memory_space<vmem>> -> memref<80xi32, #tpu.memory_space<vmem>>
      %dma_start3A_184 = arith.constant 0 : i32
      %dma_start3A_185 = arith.constant 0 : i32
      %dma_start3A_186 = tpu.memref_slice %arg7[%dma_start3A_184, %dma_start3A_185] : memref<10240x128xf32, #tpu.memory_space<vmem_shared>> -> memref<10240x128xf32, #tpu.memory_space<vmem_shared>>
      tpu.enqueue_indirect_dma source(%arg12 : memref<80x128xf32, #tpu.memory_space<vmem>>) target(%dma_start3A_186 : memref<10240x128xf32, #tpu.memory_space<vmem_shared>>) offsets(%dma_start3A_183 : memref<80xi32, #tpu.memory_space<vmem>>) semaphore(%arg18 : memref<!tpu.dma_semaphore, #tpu.memory_space<semaphore_mem>>) {add = true}
      %dma_wait3A_187 = arith.constant 0 : i32
      %dma_wait3A_188 = arith.constant 0 : i32
      %dma_wait3A_189 = tpu.memref_slice %arg10[%dma_wait3A_187, %dma_wait3A_188] : memref<25x80xi32, #tpu.memory_space<vmem>> -> memref<1x80xi32, #tpu.memory_space<vmem>>
      %dma_wait3A_190 = tpu.memref_squeeze %dma_wait3A_189 : memref<1x80xi32, #tpu.memory_space<vmem>> -> memref<80xi32, #tpu.memory_space<vmem>>
      %dma_wait3A_191 = arith.constant 0 : i32
      %dma_wait3A_192 = arith.constant 0 : i32
      %dma_wait3A_193 = tpu.memref_slice %arg7[%dma_wait3A_191, %dma_wait3A_192] : memref<10240x128xf32, #tpu.memory_space<vmem_shared>> -> memref<10240x128xf32, #tpu.memory_space<vmem_shared>>
      tpu.wait_indirect_dma semaphore(%arg17 : memref<!tpu.dma_semaphore, #tpu.memory_space<semaphore_mem>>) src(%arg11 : memref<80x128xf32, #tpu.memory_space<vmem>>) dst(%dma_wait3A_193 : memref<10240x128xf32, #tpu.memory_space<vmem_shared>>)
      %dma_start3A_194 = arith.constant 24 : i32
      %dma_start3A_195 = arith.constant 0 : i32
      %dma_start3A_196 = tpu.memref_slice %arg9[%dma_start3A_194, %dma_start3A_195] : memref<25x80xi32, #tpu.memory_space<vmem>> -> memref<1x80xi32, #tpu.memory_space<vmem>>
      %dma_start3A_197 = tpu.memref_squeeze %dma_start3A_196 : memref<1x80xi32, #tpu.memory_space<vmem>> -> memref<80xi32, #tpu.memory_space<vmem>>
      %dma_start3A_198 = arith.constant 0 : i32
      %dma_start3A_199 = arith.constant 0 : i32
      %dma_start3A_200 = tpu.memref_slice %arg2[%dma_start3A_198, %dma_start3A_199] : memref<10000x128xf32, #tpu.memory_space<hbm>> -> memref<10000x128xf32, #tpu.memory_space<hbm>>
      tpu.enqueue_indirect_dma source(%dma_start3A_200 : memref<10000x128xf32, #tpu.memory_space<hbm>>) target(%arg11 : memref<80x128xf32, #tpu.memory_space<vmem>>) offsets(%dma_start3A_197 : memref<80xi32, #tpu.memory_space<vmem>>) semaphore(%arg14 : memref<!tpu.dma_semaphore, #tpu.memory_space<semaphore_mem>>)
      %dma_wait3A_201 = arith.constant 0 : i32
      %dma_wait3A_202 = arith.constant 0 : i32
      %dma_wait3A_203 = tpu.memref_slice %arg9[%dma_wait3A_201, %dma_wait3A_202] : memref<25x80xi32, #tpu.memory_space<vmem>> -> memref<1x80xi32, #tpu.memory_space<vmem>>
      %dma_wait3A_204 = tpu.memref_squeeze %dma_wait3A_203 : memref<1x80xi32, #tpu.memory_space<vmem>> -> memref<80xi32, #tpu.memory_space<vmem>>
      %dma_wait3A_205 = arith.constant 0 : i32
      %dma_wait3A_206 = arith.constant 0 : i32
      %dma_wait3A_207 = tpu.memref_slice %arg2[%dma_wait3A_205, %dma_wait3A_206] : memref<10000x128xf32, #tpu.memory_space<hbm>> -> memref<10000x128xf32, #tpu.memory_space<hbm>>
      tpu.wait_indirect_dma semaphore(%arg16 : memref<!tpu.dma_semaphore, #tpu.memory_space<semaphore_mem>>) src(%dma_wait3A_207 : memref<10000x128xf32, #tpu.memory_space<hbm>>) dst(%arg13 : memref<80x128xf32, #tpu.memory_space<vmem>>)
      %dma_start3A_208 = arith.constant 23 : i32
      %dma_start3A_209 = arith.constant 0 : i32
      %dma_start3A_210 = tpu.memref_slice %arg10[%dma_start3A_208, %dma_start3A_209] : memref<25x80xi32, #tpu.memory_space<vmem>> -> memref<1x80xi32, #tpu.memory_space<vmem>>
      %dma_start3A_211 = tpu.memref_squeeze %dma_start3A_210 : memref<1x80xi32, #tpu.memory_space<vmem>> -> memref<80xi32, #tpu.memory_space<vmem>>
      %dma_start3A_212 = arith.constant 0 : i32
      %dma_start3A_213 = arith.constant 0 : i32
      %dma_start3A_214 = tpu.memref_slice %arg7[%dma_start3A_212, %dma_start3A_213] : memref<10240x128xf32, #tpu.memory_space<vmem_shared>> -> memref<10240x128xf32, #tpu.memory_space<vmem_shared>>
      tpu.enqueue_indirect_dma source(%arg13 : memref<80x128xf32, #tpu.memory_space<vmem>>) target(%dma_start3A_214 : memref<10240x128xf32, #tpu.memory_space<vmem_shared>>) offsets(%dma_start3A_211 : memref<80xi32, #tpu.memory_space<vmem>>) semaphore(%arg19 : memref<!tpu.dma_semaphore, #tpu.memory_space<semaphore_mem>>) {add = true}
      %dma_wait3A_215 = arith.constant 0 : i32
      %dma_wait3A_216 = arith.constant 0 : i32
      %dma_wait3A_217 = tpu.memref_slice %arg10[%dma_wait3A_215, %dma_wait3A_216] : memref<25x80xi32, #tpu.memory_space<vmem>> -> memref<1x80xi32, #tpu.memory_space<vmem>>
      %dma_wait3A_218 = tpu.memref_squeeze %dma_wait3A_217 : memref<1x80xi32, #tpu.memory_space<vmem>> -> memref<80xi32, #tpu.memory_space<vmem>>
      %dma_wait3A_219 = arith.constant 0 : i32
      %dma_wait3A_220 = arith.constant 0 : i32
      %dma_wait3A_221 = tpu.memref_slice %arg7[%dma_wait3A_219, %dma_wait3A_220] : memref<10240x128xf32, #tpu.memory_space<vmem_shared>> -> memref<10240x128xf32, #tpu.memory_space<vmem_shared>>
      tpu.wait_indirect_dma semaphore(%arg18 : memref<!tpu.dma_semaphore, #tpu.memory_space<semaphore_mem>>) src(%arg12 : memref<80x128xf32, #tpu.memory_space<vmem>>) dst(%dma_wait3A_221 : memref<10240x128xf32, #tpu.memory_space<vmem_shared>>)
      %dma_wait3A_222 = arith.constant 0 : i32
      %dma_wait3A_223 = arith.constant 0 : i32
      %dma_wait3A_224 = tpu.memref_slice %arg9[%dma_wait3A_222, %dma_wait3A_223] : memref<25x80xi32, #tpu.memory_space<vmem>> -> memref<1x80xi32, #tpu.memory_space<vmem>>
      %dma_wait3A_225 = tpu.memref_squeeze %dma_wait3A_224 : memref<1x80xi32, #tpu.memory_space<vmem>> -> memref<80xi32, #tpu.memory_space<vmem>>
      %dma_wait3A_226 = arith.constant 0 : i32
      %dma_wait3A_227 = arith.constant 0 : i32
      %dma_wait3A_228 = tpu.memref_slice %arg2[%dma_wait3A_226, %dma_wait3A_227] : memref<10000x128xf32, #tpu.memory_space<hbm>> -> memref<10000x128xf32, #tpu.memory_space<hbm>>
      tpu.wait_indirect_dma semaphore(%arg14 : memref<!tpu.dma_semaphore, #tpu.memory_space<semaphore_mem>>) src(%dma_wait3A_228 : memref<10000x128xf32, #tpu.memory_space<hbm>>) dst(%arg11 : memref<80x128xf32, #tpu.memory_space<vmem>>)
      %dma_start3A_229 = arith.constant 24 : i32
      %dma_start3A_230 = arith.constant 0 : i32
      %dma_start3A_231 = tpu.memref_slice %arg10[%dma_start3A_229, %dma_start3A_230] : memref<25x80xi32, #tpu.memory_space<vmem>> -> memref<1x80xi32, #tpu.memory_space<vmem>>
      %dma_start3A_232 = tpu.memref_squeeze %dma_start3A_231 : memref<1x80xi32, #tpu.memory_space<vmem>> -> memref<80xi32, #tpu.memory_space<vmem>>
      %dma_start3A_233 = arith.constant 0 : i32
      %dma_start3A_234 = arith.constant 0 : i32
      %dma_start3A_235 = tpu.memref_slice %arg7[%dma_start3A_233, %dma_start3A_234] : memref<10240x128xf32, #tpu.memory_space<vmem_shared>> -> memref<10240x128xf32, #tpu.memory_space<vmem_shared>>
      tpu.enqueue_indirect_dma source(%arg11 : memref<80x128xf32, #tpu.memory_space<vmem>>) target(%dma_start3A_235 : memref<10240x128xf32, #tpu.memory_space<vmem_shared>>) offsets(%dma_start3A_232 : memref<80xi32, #tpu.memory_space<vmem>>) semaphore(%arg17 : memref<!tpu.dma_semaphore, #tpu.memory_space<semaphore_mem>>) {add = true}
      %dma_wait3A_236 = arith.constant 0 : i32
      %dma_wait3A_237 = arith.constant 0 : i32
      %dma_wait3A_238 = tpu.memref_slice %arg10[%dma_wait3A_236, %dma_wait3A_237] : memref<25x80xi32, #tpu.memory_space<vmem>> -> memref<1x80xi32, #tpu.memory_space<vmem>>
      %dma_wait3A_239 = tpu.memref_squeeze %dma_wait3A_238 : memref<1x80xi32, #tpu.memory_space<vmem>> -> memref<80xi32, #tpu.memory_space<vmem>>
      %dma_wait3A_240 = arith.constant 0 : i32
      %dma_wait3A_241 = arith.constant 0 : i32
      %dma_wait3A_242 = tpu.memref_slice %arg7[%dma_wait3A_240, %dma_wait3A_241] : memref<10240x128xf32, #tpu.memory_space<vmem_shared>> -> memref<10240x128xf32, #tpu.memory_space<vmem_shared>>
      tpu.wait_indirect_dma semaphore(%arg19 : memref<!tpu.dma_semaphore, #tpu.memory_space<semaphore_mem>>) src(%arg13 : memref<80x128xf32, #tpu.memory_space<vmem>>) dst(%dma_wait3A_242 : memref<10240x128xf32, #tpu.memory_space<vmem_shared>>)
      %dma_wait3A_243 = arith.constant 0 : i32
      %dma_wait3A_244 = arith.constant 0 : i32
      %dma_wait3A_245 = tpu.memref_slice %arg10[%dma_wait3A_243, %dma_wait3A_244] : memref<25x80xi32, #tpu.memory_space<vmem>> -> memref<1x80xi32, #tpu.memory_space<vmem>>
      %dma_wait3A_246 = tpu.memref_squeeze %dma_wait3A_245 : memref<1x80xi32, #tpu.memory_space<vmem>> -> memref<80xi32, #tpu.memory_space<vmem>>
      %dma_wait3A_247 = arith.constant 0 : i32
      %dma_wait3A_248 = arith.constant 0 : i32
      %dma_wait3A_249 = tpu.memref_slice %arg7[%dma_wait3A_247, %dma_wait3A_248] : memref<10240x128xf32, #tpu.memory_space<vmem_shared>> -> memref<10240x128xf32, #tpu.memory_space<vmem_shared>>
      tpu.wait_indirect_dma semaphore(%arg17 : memref<!tpu.dma_semaphore, #tpu.memory_space<semaphore_mem>>) src(%arg11 : memref<80x128xf32, #tpu.memory_space<vmem>>) dst(%dma_wait3A_249 : memref<10240x128xf32, #tpu.memory_space<vmem_shared>>)
    }
    %scan3A_23 = arith.constant 5 : i32
    %barrier3A_24 = arith.constant 0 : index
    tpu.barrier barrier_id(%barrier3A_24)
    %run_scoped3A_25 = arith.constant 0 : i32
    "tpu.region"() ({
      %run_scoped3A_49 = tpu.sem_alloc : memref<!tpu.dma_semaphore, #tpu.memory_space<semaphore_mem>>
      %dma_start3A = arith.constant 0 : i32
      %dma_start3A_50 = tpu.memref_slice %arg8[%run_scoped3A_25, %dma_start3A] : memref<8x80xi32, #tpu.memory_space<vmem>> -> memref<1x80xi32, #tpu.memory_space<vmem>>
      %dma_start3A_51 = tpu.memref_squeeze %dma_start3A_50 : memref<1x80xi32, #tpu.memory_space<vmem>> -> memref<80xi32, #tpu.memory_space<vmem>>
      %dma_start3A_52 = arith.constant 0 : i32
      %dma_start3A_53 = arith.constant 0 : i32
      %dma_start3A_54 = tpu.memref_slice %arg7[%dma_start3A_52, %dma_start3A_53] : memref<10240x128xf32, #tpu.memory_space<vmem_shared>> -> memref<10240x128xf32, #tpu.memory_space<vmem_shared>>
      tpu.enqueue_indirect_dma source(%dma_start3A_54 : memref<10240x128xf32, #tpu.memory_space<vmem_shared>>) target(%arg11 : memref<80x128xf32, #tpu.memory_space<vmem>>) offsets(%dma_start3A_51 : memref<80xi32, #tpu.memory_space<vmem>>) semaphore(%run_scoped3A_49 : memref<!tpu.dma_semaphore, #tpu.memory_space<semaphore_mem>>)
      %dma_wait3A = arith.constant 0 : i32
      %dma_wait3A_55 = tpu.memref_slice %arg8[%run_scoped3A_25, %dma_wait3A] : memref<8x80xi32, #tpu.memory_space<vmem>> -> memref<1x80xi32, #tpu.memory_space<vmem>>
      %dma_wait3A_56 = tpu.memref_squeeze %dma_wait3A_55 : memref<1x80xi32, #tpu.memory_space<vmem>> -> memref<80xi32, #tpu.memory_space<vmem>>
      %dma_wait3A_57 = arith.constant 0 : i32
      %dma_wait3A_58 = arith.constant 0 : i32
      %dma_wait3A_59 = tpu.memref_slice %arg7[%dma_wait3A_57, %dma_wait3A_58] : memref<10240x128xf32, #tpu.memory_space<vmem_shared>> -> memref<10240x128xf32, #tpu.memory_space<vmem_shared>>
      tpu.wait_indirect_dma semaphore(%run_scoped3A_49 : memref<!tpu.dma_semaphore, #tpu.memory_space<semaphore_mem>>) src(%dma_wait3A_59 : memref<10240x128xf32, #tpu.memory_space<vmem_shared>>) dst(%arg11 : memref<80x128xf32, #tpu.memory_space<vmem>>)
      tpu.yield
    }) : () -> ()
    %add3A_26 = arith.constant 0 : i32
    %add3A_27 = arith.addi %mul3A_2, %add3A_26 : i32
    "tpu.region"() ({
      %run_scoped3A_49 = tpu.sem_alloc : memref<!tpu.dma_semaphore, #tpu.memory_space<semaphore_mem>>
      %dma_start3A = arith.constant 0 : i32
      %dma_start3A_50 = tpu.memref_slice %arg6[%arg0, %add3A_27, %dma_start3A] : memref<2x10240x128xf32, #tpu.memory_space<hbm>> -> memref<1x80x128xf32, #tpu.memory_space<hbm>>
      %dma_start3A_51 = tpu.memref_squeeze %dma_start3A_50 : memref<1x80x128xf32, #tpu.memory_space<hbm>> -> memref<80x128xf32, #tpu.memory_space<hbm>>
      %dma_start3A_52 = arith.constant 0 : i32
      %dma_start3A_53 = tpu.memref_slice %arg6[%arg0, %add3A_27, %dma_start3A_52] : memref<2x10240x128xf32, #tpu.memory_space<hbm>> -> memref<1x80x128xf32, #tpu.memory_space<hbm>>
      %dma_start3A_54 = tpu.memref_squeeze %dma_start3A_53 : memref<1x80x128xf32, #tpu.memory_space<hbm>> -> memref<80x128xf32, #tpu.memory_space<hbm>>
      tpu.enqueue_dma source(%arg11 : memref<80x128xf32, #tpu.memory_space<vmem>>) target(%dma_start3A_54 : memref<80x128xf32, #tpu.memory_space<hbm>>) target_semaphore(%run_scoped3A_49 : memref<!tpu.dma_semaphore, #tpu.memory_space<semaphore_mem>>)
      %dma_wait3A = arith.constant 0 : i32
      %dma_wait3A_55 = tpu.memref_slice %arg6[%arg0, %add3A_27, %dma_wait3A] : memref<2x10240x128xf32, #tpu.memory_space<hbm>> -> memref<1x80x128xf32, #tpu.memory_space<hbm>>
      %dma_wait3A_56 = tpu.memref_squeeze %dma_wait3A_55 : memref<1x80x128xf32, #tpu.memory_space<hbm>> -> memref<80x128xf32, #tpu.memory_space<hbm>>
      %dma_wait3A_57 = arith.constant 0 : i32
      %dma_wait3A_58 = tpu.memref_slice %arg6[%arg0, %add3A_27, %dma_wait3A_57] : memref<2x10240x128xf32, #tpu.memory_space<hbm>> -> memref<1x80x128xf32, #tpu.memory_space<hbm>>
      %dma_wait3A_59 = tpu.memref_squeeze %dma_wait3A_58 : memref<1x80x128xf32, #tpu.memory_space<hbm>> -> memref<80x128xf32, #tpu.memory_space<hbm>>
      tpu.wait_dma2 semaphore(%run_scoped3A_49 : memref<!tpu.dma_semaphore, #tpu.memory_space<semaphore_mem>>) src(%arg11 : memref<80x128xf32, #tpu.memory_space<vmem>>) dst(%dma_wait3A_59 : memref<80x128xf32, #tpu.memory_space<hbm>>)
      tpu.yield
    }) : () -> ()
    %run_scoped3A_28 = arith.constant 1 : i32
    "tpu.region"() ({
      %run_scoped3A_49 = tpu.sem_alloc : memref<!tpu.dma_semaphore, #tpu.memory_space<semaphore_mem>>
      %dma_start3A = arith.constant 0 : i32
      %dma_start3A_50 = tpu.memref_slice %arg8[%run_scoped3A_28, %dma_start3A] : memref<8x80xi32, #tpu.memory_space<vmem>> -> memref<1x80xi32, #tpu.memory_space<vmem>>
      %dma_start3A_51 = tpu.memref_squeeze %dma_start3A_50 : memref<1x80xi32, #tpu.memory_space<vmem>> -> memref<80xi32, #tpu.memory_space<vmem>>
      %dma_start3A_52 = arith.constant 0 : i32
      %dma_start3A_53 = arith.constant 0 : i32
      %dma_start3A_54 = tpu.memref_slice %arg7[%dma_start3A_52, %dma_start3A_53] : memref<10240x128xf32, #tpu.memory_space<vmem_shared>> -> memref<10240x128xf32, #tpu.memory_space<vmem_shared>>
      tpu.enqueue_indirect_dma source(%dma_start3A_54 : memref<10240x128xf32, #tpu.memory_space<vmem_shared>>) target(%arg11 : memref<80x128xf32, #tpu.memory_space<vmem>>) offsets(%dma_start3A_51 : memref<80xi32, #tpu.memory_space<vmem>>) semaphore(%run_scoped3A_49 : memref<!tpu.dma_semaphore, #tpu.memory_space<semaphore_mem>>)
      %dma_wait3A = arith.constant 0 : i32
      %dma_wait3A_55 = tpu.memref_slice %arg8[%run_scoped3A_28, %dma_wait3A] : memref<8x80xi32, #tpu.memory_space<vmem>> -> memref<1x80xi32, #tpu.memory_space<vmem>>
      %dma_wait3A_56 = tpu.memref_squeeze %dma_wait3A_55 : memref<1x80xi32, #tpu.memory_space<vmem>> -> memref<80xi32, #tpu.memory_space<vmem>>
      %dma_wait3A_57 = arith.constant 0 : i32
      %dma_wait3A_58 = arith.constant 0 : i32
      %dma_wait3A_59 = tpu.memref_slice %arg7[%dma_wait3A_57, %dma_wait3A_58] : memref<10240x128xf32, #tpu.memory_space<vmem_shared>> -> memref<10240x128xf32, #tpu.memory_space<vmem_shared>>
      tpu.wait_indirect_dma semaphore(%run_scoped3A_49 : memref<!tpu.dma_semaphore, #tpu.memory_space<semaphore_mem>>) src(%dma_wait3A_59 : memref<10240x128xf32, #tpu.memory_space<vmem_shared>>) dst(%arg11 : memref<80x128xf32, #tpu.memory_space<vmem>>)
      tpu.yield
    }) : () -> ()
    %add3A_29 = arith.constant 80 : i32
    %add3A_30 = arith.addi %mul3A_2, %add3A_29 : i32
    "tpu.region"() ({
      %run_scoped3A_49 = tpu.sem_alloc : memref<!tpu.dma_semaphore, #tpu.memory_space<semaphore_mem>>
      %dma_start3A = arith.constant 0 : i32
      %dma_start3A_50 = tpu.memref_slice %arg6[%arg0, %add3A_30, %dma_start3A] : memref<2x10240x128xf32, #tpu.memory_space<hbm>> -> memref<1x80x128xf32, #tpu.memory_space<hbm>>
      %dma_start3A_51 = tpu.memref_squeeze %dma_start3A_50 : memref<1x80x128xf32, #tpu.memory_space<hbm>> -> memref<80x128xf32, #tpu.memory_space<hbm>>
      %dma_start3A_52 = arith.constant 0 : i32
      %dma_start3A_53 = tpu.memref_slice %arg6[%arg0, %add3A_30, %dma_start3A_52] : memref<2x10240x128xf32, #tpu.memory_space<hbm>> -> memref<1x80x128xf32, #tpu.memory_space<hbm>>
      %dma_start3A_54 = tpu.memref_squeeze %dma_start3A_53 : memref<1x80x128xf32, #tpu.memory_space<hbm>> -> memref<80x128xf32, #tpu.memory_space<hbm>>
      tpu.enqueue_dma source(%arg11 : memref<80x128xf32, #tpu.memory_space<vmem>>) target(%dma_start3A_54 : memref<80x128xf32, #tpu.memory_space<hbm>>) target_semaphore(%run_scoped3A_49 : memref<!tpu.dma_semaphore, #tpu.memory_space<semaphore_mem>>)
      %dma_wait3A = arith.constant 0 : i32
      %dma_wait3A_55 = tpu.memref_slice %arg6[%arg0, %add3A_30, %dma_wait3A] : memref<2x10240x128xf32, #tpu.memory_space<hbm>> -> memref<1x80x128xf32, #tpu.memory_space<hbm>>
      %dma_wait3A_56 = tpu.memref_squeeze %dma_wait3A_55 : memref<1x80x128xf32, #tpu.memory_space<hbm>> -> memref<80x128xf32, #tpu.memory_space<hbm>>
      %dma_wait3A_57 = arith.constant 0 : i32
      %dma_wait3A_58 = tpu.memref_slice %arg6[%arg0, %add3A_30, %dma_wait3A_57] : memref<2x10240x128xf32, #tpu.memory_space<hbm>> -> memref<1x80x128xf32, #tpu.memory_space<hbm>>
      %dma_wait3A_59 = tpu.memref_squeeze %dma_wait3A_58 : memref<1x80x128xf32, #tpu.memory_space<hbm>> -> memref<80x128xf32, #tpu.memory_space<hbm>>
      tpu.wait_dma2 semaphore(%run_scoped3A_49 : memref<!tpu.dma_semaphore, #tpu.memory_space<semaphore_mem>>) src(%arg11 : memref<80x128xf32, #tpu.memory_space<vmem>>) dst(%dma_wait3A_59 : memref<80x128xf32, #tpu.memory_space<hbm>>)
      tpu.yield
    }) : () -> ()
    %run_scoped3A_31 = arith.constant 2 : i32
    "tpu.region"() ({
      %run_scoped3A_49 = tpu.sem_alloc : memref<!tpu.dma_semaphore, #tpu.memory_space<semaphore_mem>>
      %dma_start3A = arith.constant 0 : i32
      %dma_start3A_50 = tpu.memref_slice %arg8[%run_scoped3A_31, %dma_start3A] : memref<8x80xi32, #tpu.memory_space<vmem>> -> memref<1x80xi32, #tpu.memory_space<vmem>>
      %dma_start3A_51 = tpu.memref_squeeze %dma_start3A_50 : memref<1x80xi32, #tpu.memory_space<vmem>> -> memref<80xi32, #tpu.memory_space<vmem>>
      %dma_start3A_52 = arith.constant 0 : i32
      %dma_start3A_53 = arith.constant 0 : i32
      %dma_start3A_54 = tpu.memref_slice %arg7[%dma_start3A_52, %dma_start3A_53] : memref<10240x128xf32, #tpu.memory_space<vmem_shared>> -> memref<10240x128xf32, #tpu.memory_space<vmem_shared>>
      tpu.enqueue_indirect_dma source(%dma_start3A_54 : memref<10240x128xf32, #tpu.memory_space<vmem_shared>>) target(%arg11 : memref<80x128xf32, #tpu.memory_space<vmem>>) offsets(%dma_start3A_51 : memref<80xi32, #tpu.memory_space<vmem>>) semaphore(%run_scoped3A_49 : memref<!tpu.dma_semaphore, #tpu.memory_space<semaphore_mem>>)
      %dma_wait3A = arith.constant 0 : i32
      %dma_wait3A_55 = tpu.memref_slice %arg8[%run_scoped3A_31, %dma_wait3A] : memref<8x80xi32, #tpu.memory_space<vmem>> -> memref<1x80xi32, #tpu.memory_space<vmem>>
      %dma_wait3A_56 = tpu.memref_squeeze %dma_wait3A_55 : memref<1x80xi32, #tpu.memory_space<vmem>> -> memref<80xi32, #tpu.memory_space<vmem>>
      %dma_wait3A_57 = arith.constant 0 : i32
      %dma_wait3A_58 = arith.constant 0 : i32
      %dma_wait3A_59 = tpu.memref_slice %arg7[%dma_wait3A_57, %dma_wait3A_58] : memref<10240x128xf32, #tpu.memory_space<vmem_shared>> -> memref<10240x128xf32, #tpu.memory_space<vmem_shared>>
      tpu.wait_indirect_dma semaphore(%run_scoped3A_49 : memref<!tpu.dma_semaphore, #tpu.memory_space<semaphore_mem>>) src(%dma_wait3A_59 : memref<10240x128xf32, #tpu.memory_space<vmem_shared>>) dst(%arg11 : memref<80x128xf32, #tpu.memory_space<vmem>>)
      tpu.yield
    }) : () -> ()
    %add3A_32 = arith.constant 160 : i32
    %add3A_33 = arith.addi %mul3A_2, %add3A_32 : i32
    "tpu.region"() ({
      %run_scoped3A_49 = tpu.sem_alloc : memref<!tpu.dma_semaphore, #tpu.memory_space<semaphore_mem>>
      %dma_start3A = arith.constant 0 : i32
      %dma_start3A_50 = tpu.memref_slice %arg6[%arg0, %add3A_33, %dma_start3A] : memref<2x10240x128xf32, #tpu.memory_space<hbm>> -> memref<1x80x128xf32, #tpu.memory_space<hbm>>
      %dma_start3A_51 = tpu.memref_squeeze %dma_start3A_50 : memref<1x80x128xf32, #tpu.memory_space<hbm>> -> memref<80x128xf32, #tpu.memory_space<hbm>>
      %dma_start3A_52 = arith.constant 0 : i32
      %dma_start3A_53 = tpu.memref_slice %arg6[%arg0, %add3A_33, %dma_start3A_52] : memref<2x10240x128xf32, #tpu.memory_space<hbm>> -> memref<1x80x128xf32, #tpu.memory_space<hbm>>
      %dma_start3A_54 = tpu.memref_squeeze %dma_start3A_53 : memref<1x80x128xf32, #tpu.memory_space<hbm>> -> memref<80x128xf32, #tpu.memory_space<hbm>>
      tpu.enqueue_dma source(%arg11 : memref<80x128xf32, #tpu.memory_space<vmem>>) target(%dma_start3A_54 : memref<80x128xf32, #tpu.memory_space<hbm>>) target_semaphore(%run_scoped3A_49 : memref<!tpu.dma_semaphore, #tpu.memory_space<semaphore_mem>>)
      %dma_wait3A = arith.constant 0 : i32
      %dma_wait3A_55 = tpu.memref_slice %arg6[%arg0, %add3A_33, %dma_wait3A] : memref<2x10240x128xf32, #tpu.memory_space<hbm>> -> memref<1x80x128xf32, #tpu.memory_space<hbm>>
      %dma_wait3A_56 = tpu.memref_squeeze %dma_wait3A_55 : memref<1x80x128xf32, #tpu.memory_space<hbm>> -> memref<80x128xf32, #tpu.memory_space<hbm>>
      %dma_wait3A_57 = arith.constant 0 : i32
      %dma_wait3A_58 = tpu.memref_slice %arg6[%arg0, %add3A_33, %dma_wait3A_57] : memref<2x10240x128xf32, #tpu.memory_space<hbm>> -> memref<1x80x128xf32, #tpu.memory_space<hbm>>
      %dma_wait3A_59 = tpu.memref_squeeze %dma_wait3A_58 : memref<1x80x128xf32, #tpu.memory_space<hbm>> -> memref<80x128xf32, #tpu.memory_space<hbm>>
      tpu.wait_dma2 semaphore(%run_scoped3A_49 : memref<!tpu.dma_semaphore, #tpu.memory_space<semaphore_mem>>) src(%arg11 : memref<80x128xf32, #tpu.memory_space<vmem>>) dst(%dma_wait3A_59 : memref<80x128xf32, #tpu.memory_space<hbm>>)
      tpu.yield
    }) : () -> ()
    %run_scoped3A_34 = arith.constant 3 : i32
    "tpu.region"() ({
      %run_scoped3A_49 = tpu.sem_alloc : memref<!tpu.dma_semaphore, #tpu.memory_space<semaphore_mem>>
      %dma_start3A = arith.constant 0 : i32
      %dma_start3A_50 = tpu.memref_slice %arg8[%run_scoped3A_34, %dma_start3A] : memref<8x80xi32, #tpu.memory_space<vmem>> -> memref<1x80xi32, #tpu.memory_space<vmem>>
      %dma_start3A_51 = tpu.memref_squeeze %dma_start3A_50 : memref<1x80xi32, #tpu.memory_space<vmem>> -> memref<80xi32, #tpu.memory_space<vmem>>
      %dma_start3A_52 = arith.constant 0 : i32
      %dma_start3A_53 = arith.constant 0 : i32
      %dma_start3A_54 = tpu.memref_slice %arg7[%dma_start3A_52, %dma_start3A_53] : memref<10240x128xf32, #tpu.memory_space<vmem_shared>> -> memref<10240x128xf32, #tpu.memory_space<vmem_shared>>
      tpu.enqueue_indirect_dma source(%dma_start3A_54 : memref<10240x128xf32, #tpu.memory_space<vmem_shared>>) target(%arg11 : memref<80x128xf32, #tpu.memory_space<vmem>>) offsets(%dma_start3A_51 : memref<80xi32, #tpu.memory_space<vmem>>) semaphore(%run_scoped3A_49 : memref<!tpu.dma_semaphore, #tpu.memory_space<semaphore_mem>>)
      %dma_wait3A = arith.constant 0 : i32
      %dma_wait3A_55 = tpu.memref_slice %arg8[%run_scoped3A_34, %dma_wait3A] : memref<8x80xi32, #tpu.memory_space<vmem>> -> memref<1x80xi32, #tpu.memory_space<vmem>>
      %dma_wait3A_56 = tpu.memref_squeeze %dma_wait3A_55 : memref<1x80xi32, #tpu.memory_space<vmem>> -> memref<80xi32, #tpu.memory_space<vmem>>
      %dma_wait3A_57 = arith.constant 0 : i32
      %dma_wait3A_58 = arith.constant 0 : i32
      %dma_wait3A_59 = tpu.memref_slice %arg7[%dma_wait3A_57, %dma_wait3A_58] : memref<10240x128xf32, #tpu.memory_space<vmem_shared>> -> memref<10240x128xf32, #tpu.memory_space<vmem_shared>>
      tpu.wait_indirect_dma semaphore(%run_scoped3A_49 : memref<!tpu.dma_semaphore, #tpu.memory_space<semaphore_mem>>) src(%dma_wait3A_59 : memref<10240x128xf32, #tpu.memory_space<vmem_shared>>) dst(%arg11 : memref<80x128xf32, #tpu.memory_space<vmem>>)
      tpu.yield
    }) : () -> ()
    %add3A_35 = arith.constant 240 : i32
    %add3A_36 = arith.addi %mul3A_2, %add3A_35 : i32
    "tpu.region"() ({
      %run_scoped3A_49 = tpu.sem_alloc : memref<!tpu.dma_semaphore, #tpu.memory_space<semaphore_mem>>
      %dma_start3A = arith.constant 0 : i32
      %dma_start3A_50 = tpu.memref_slice %arg6[%arg0, %add3A_36, %dma_start3A] : memref<2x10240x128xf32, #tpu.memory_space<hbm>> -> memref<1x80x128xf32, #tpu.memory_space<hbm>>
      %dma_start3A_51 = tpu.memref_squeeze %dma_start3A_50 : memref<1x80x128xf32, #tpu.memory_space<hbm>> -> memref<80x128xf32, #tpu.memory_space<hbm>>
      %dma_start3A_52 = arith.constant 0 : i32
      %dma_start3A_53 = tpu.memref_slice %arg6[%arg0, %add3A_36, %dma_start3A_52] : memref<2x10240x128xf32, #tpu.memory_space<hbm>> -> memref<1x80x128xf32, #tpu.memory_space<hbm>>
      %dma_start3A_54 = tpu.memref_squeeze %dma_start3A_53 : memref<1x80x128xf32, #tpu.memory_space<hbm>> -> memref<80x128xf32, #tpu.memory_space<hbm>>
      tpu.enqueue_dma source(%arg11 : memref<80x128xf32, #tpu.memory_space<vmem>>) target(%dma_start3A_54 : memref<80x128xf32, #tpu.memory_space<hbm>>) target_semaphore(%run_scoped3A_49 : memref<!tpu.dma_semaphore, #tpu.memory_space<semaphore_mem>>)
      %dma_wait3A = arith.constant 0 : i32
      %dma_wait3A_55 = tpu.memref_slice %arg6[%arg0, %add3A_36, %dma_wait3A] : memref<2x10240x128xf32, #tpu.memory_space<hbm>> -> memref<1x80x128xf32, #tpu.memory_space<hbm>>
      %dma_wait3A_56 = tpu.memref_squeeze %dma_wait3A_55 : memref<1x80x128xf32, #tpu.memory_space<hbm>> -> memref<80x128xf32, #tpu.memory_space<hbm>>
      %dma_wait3A_57 = arith.constant 0 : i32
      %dma_wait3A_58 = tpu.memref_slice %arg6[%arg0, %add3A_36, %dma_wait3A_57] : memref<2x10240x128xf32, #tpu.memory_space<hbm>> -> memref<1x80x128xf32, #tpu.memory_space<hbm>>
      %dma_wait3A_59 = tpu.memref_squeeze %dma_wait3A_58 : memref<1x80x128xf32, #tpu.memory_space<hbm>> -> memref<80x128xf32, #tpu.memory_space<hbm>>
      tpu.wait_dma2 semaphore(%run_scoped3A_49 : memref<!tpu.dma_semaphore, #tpu.memory_space<semaphore_mem>>) src(%arg11 : memref<80x128xf32, #tpu.memory_space<vmem>>) dst(%dma_wait3A_59 : memref<80x128xf32, #tpu.memory_space<hbm>>)
      tpu.yield
    }) : () -> ()
    %run_scoped3A_37 = arith.constant 4 : i32
    "tpu.region"() ({
      %run_scoped3A_49 = tpu.sem_alloc : memref<!tpu.dma_semaphore, #tpu.memory_space<semaphore_mem>>
      %dma_start3A = arith.constant 0 : i32
      %dma_start3A_50 = tpu.memref_slice %arg8[%run_scoped3A_37, %dma_start3A] : memref<8x80xi32, #tpu.memory_space<vmem>> -> memref<1x80xi32, #tpu.memory_space<vmem>>
      %dma_start3A_51 = tpu.memref_squeeze %dma_start3A_50 : memref<1x80xi32, #tpu.memory_space<vmem>> -> memref<80xi32, #tpu.memory_space<vmem>>
      %dma_start3A_52 = arith.constant 0 : i32
      %dma_start3A_53 = arith.constant 0 : i32
      %dma_start3A_54 = tpu.memref_slice %arg7[%dma_start3A_52, %dma_start3A_53] : memref<10240x128xf32, #tpu.memory_space<vmem_shared>> -> memref<10240x128xf32, #tpu.memory_space<vmem_shared>>
      tpu.enqueue_indirect_dma source(%dma_start3A_54 : memref<10240x128xf32, #tpu.memory_space<vmem_shared>>) target(%arg11 : memref<80x128xf32, #tpu.memory_space<vmem>>) offsets(%dma_start3A_51 : memref<80xi32, #tpu.memory_space<vmem>>) semaphore(%run_scoped3A_49 : memref<!tpu.dma_semaphore, #tpu.memory_space<semaphore_mem>>)
      %dma_wait3A = arith.constant 0 : i32
      %dma_wait3A_55 = tpu.memref_slice %arg8[%run_scoped3A_37, %dma_wait3A] : memref<8x80xi32, #tpu.memory_space<vmem>> -> memref<1x80xi32, #tpu.memory_space<vmem>>
      %dma_wait3A_56 = tpu.memref_squeeze %dma_wait3A_55 : memref<1x80xi32, #tpu.memory_space<vmem>> -> memref<80xi32, #tpu.memory_space<vmem>>
      %dma_wait3A_57 = arith.constant 0 : i32
      %dma_wait3A_58 = arith.constant 0 : i32
      %dma_wait3A_59 = tpu.memref_slice %arg7[%dma_wait3A_57, %dma_wait3A_58] : memref<10240x128xf32, #tpu.memory_space<vmem_shared>> -> memref<10240x128xf32, #tpu.memory_space<vmem_shared>>
      tpu.wait_indirect_dma semaphore(%run_scoped3A_49 : memref<!tpu.dma_semaphore, #tpu.memory_space<semaphore_mem>>) src(%dma_wait3A_59 : memref<10240x128xf32, #tpu.memory_space<vmem_shared>>) dst(%arg11 : memref<80x128xf32, #tpu.memory_space<vmem>>)
      tpu.yield
    }) : () -> ()
    %add3A_38 = arith.constant 320 : i32
    %add3A_39 = arith.addi %mul3A_2, %add3A_38 : i32
    "tpu.region"() ({
      %run_scoped3A_49 = tpu.sem_alloc : memref<!tpu.dma_semaphore, #tpu.memory_space<semaphore_mem>>
      %dma_start3A = arith.constant 0 : i32
      %dma_start3A_50 = tpu.memref_slice %arg6[%arg0, %add3A_39, %dma_start3A] : memref<2x10240x128xf32, #tpu.memory_space<hbm>> -> memref<1x80x128xf32, #tpu.memory_space<hbm>>
      %dma_start3A_51 = tpu.memref_squeeze %dma_start3A_50 : memref<1x80x128xf32, #tpu.memory_space<hbm>> -> memref<80x128xf32, #tpu.memory_space<hbm>>
      %dma_start3A_52 = arith.constant 0 : i32
      %dma_start3A_53 = tpu.memref_slice %arg6[%arg0, %add3A_39, %dma_start3A_52] : memref<2x10240x128xf32, #tpu.memory_space<hbm>> -> memref<1x80x128xf32, #tpu.memory_space<hbm>>
      %dma_start3A_54 = tpu.memref_squeeze %dma_start3A_53 : memref<1x80x128xf32, #tpu.memory_space<hbm>> -> memref<80x128xf32, #tpu.memory_space<hbm>>
      tpu.enqueue_dma source(%arg11 : memref<80x128xf32, #tpu.memory_space<vmem>>) target(%dma_start3A_54 : memref<80x128xf32, #tpu.memory_space<hbm>>) target_semaphore(%run_scoped3A_49 : memref<!tpu.dma_semaphore, #tpu.memory_space<semaphore_mem>>)
      %dma_wait3A = arith.constant 0 : i32
      %dma_wait3A_55 = tpu.memref_slice %arg6[%arg0, %add3A_39, %dma_wait3A] : memref<2x10240x128xf32, #tpu.memory_space<hbm>> -> memref<1x80x128xf32, #tpu.memory_space<hbm>>
      %dma_wait3A_56 = tpu.memref_squeeze %dma_wait3A_55 : memref<1x80x128xf32, #tpu.memory_space<hbm>> -> memref<80x128xf32, #tpu.memory_space<hbm>>
      %dma_wait3A_57 = arith.constant 0 : i32
      %dma_wait3A_58 = tpu.memref_slice %arg6[%arg0, %add3A_39, %dma_wait3A_57] : memref<2x10240x128xf32, #tpu.memory_space<hbm>> -> memref<1x80x128xf32, #tpu.memory_space<hbm>>
      %dma_wait3A_59 = tpu.memref_squeeze %dma_wait3A_58 : memref<1x80x128xf32, #tpu.memory_space<hbm>> -> memref<80x128xf32, #tpu.memory_space<hbm>>
      tpu.wait_dma2 semaphore(%run_scoped3A_49 : memref<!tpu.dma_semaphore, #tpu.memory_space<semaphore_mem>>) src(%arg11 : memref<80x128xf32, #tpu.memory_space<vmem>>) dst(%dma_wait3A_59 : memref<80x128xf32, #tpu.memory_space<hbm>>)
      tpu.yield
    }) : () -> ()
    %run_scoped3A_40 = arith.constant 5 : i32
    "tpu.region"() ({
      %run_scoped3A_49 = tpu.sem_alloc : memref<!tpu.dma_semaphore, #tpu.memory_space<semaphore_mem>>
      %dma_start3A = arith.constant 0 : i32
      %dma_start3A_50 = tpu.memref_slice %arg8[%run_scoped3A_40, %dma_start3A] : memref<8x80xi32, #tpu.memory_space<vmem>> -> memref<1x80xi32, #tpu.memory_space<vmem>>
      %dma_start3A_51 = tpu.memref_squeeze %dma_start3A_50 : memref<1x80xi32, #tpu.memory_space<vmem>> -> memref<80xi32, #tpu.memory_space<vmem>>
      %dma_start3A_52 = arith.constant 0 : i32
      %dma_start3A_53 = arith.constant 0 : i32
      %dma_start3A_54 = tpu.memref_slice %arg7[%dma_start3A_52, %dma_start3A_53] : memref<10240x128xf32, #tpu.memory_space<vmem_shared>> -> memref<10240x128xf32, #tpu.memory_space<vmem_shared>>
      tpu.enqueue_indirect_dma source(%dma_start3A_54 : memref<10240x128xf32, #tpu.memory_space<vmem_shared>>) target(%arg11 : memref<80x128xf32, #tpu.memory_space<vmem>>) offsets(%dma_start3A_51 : memref<80xi32, #tpu.memory_space<vmem>>) semaphore(%run_scoped3A_49 : memref<!tpu.dma_semaphore, #tpu.memory_space<semaphore_mem>>)
      %dma_wait3A = arith.constant 0 : i32
      %dma_wait3A_55 = tpu.memref_slice %arg8[%run_scoped3A_40, %dma_wait3A] : memref<8x80xi32, #tpu.memory_space<vmem>> -> memref<1x80xi32, #tpu.memory_space<vmem>>
      %dma_wait3A_56 = tpu.memref_squeeze %dma_wait3A_55 : memref<1x80xi32, #tpu.memory_space<vmem>> -> memref<80xi32, #tpu.memory_space<vmem>>
      %dma_wait3A_57 = arith.constant 0 : i32
      %dma_wait3A_58 = arith.constant 0 : i32
      %dma_wait3A_59 = tpu.memref_slice %arg7[%dma_wait3A_57, %dma_wait3A_58] : memref<10240x128xf32, #tpu.memory_space<vmem_shared>> -> memref<10240x128xf32, #tpu.memory_space<vmem_shared>>
      tpu.wait_indirect_dma semaphore(%run_scoped3A_49 : memref<!tpu.dma_semaphore, #tpu.memory_space<semaphore_mem>>) src(%dma_wait3A_59 : memref<10240x128xf32, #tpu.memory_space<vmem_shared>>) dst(%arg11 : memref<80x128xf32, #tpu.memory_space<vmem>>)
      tpu.yield
    }) : () -> ()
    %add3A_41 = arith.constant 400 : i32
    %add3A_42 = arith.addi %mul3A_2, %add3A_41 : i32
    "tpu.region"() ({
      %run_scoped3A_49 = tpu.sem_alloc : memref<!tpu.dma_semaphore, #tpu.memory_space<semaphore_mem>>
      %dma_start3A = arith.constant 0 : i32
      %dma_start3A_50 = tpu.memref_slice %arg6[%arg0, %add3A_42, %dma_start3A] : memref<2x10240x128xf32, #tpu.memory_space<hbm>> -> memref<1x80x128xf32, #tpu.memory_space<hbm>>
      %dma_start3A_51 = tpu.memref_squeeze %dma_start3A_50 : memref<1x80x128xf32, #tpu.memory_space<hbm>> -> memref<80x128xf32, #tpu.memory_space<hbm>>
      %dma_start3A_52 = arith.constant 0 : i32
      %dma_start3A_53 = tpu.memref_slice %arg6[%arg0, %add3A_42, %dma_start3A_52] : memref<2x10240x128xf32, #tpu.memory_space<hbm>> -> memref<1x80x128xf32, #tpu.memory_space<hbm>>
      %dma_start3A_54 = tpu.memref_squeeze %dma_start3A_53 : memref<1x80x128xf32, #tpu.memory_space<hbm>> -> memref<80x128xf32, #tpu.memory_space<hbm>>
      tpu.enqueue_dma source(%arg11 : memref<80x128xf32, #tpu.memory_space<vmem>>) target(%dma_start3A_54 : memref<80x128xf32, #tpu.memory_space<hbm>>) target_semaphore(%run_scoped3A_49 : memref<!tpu.dma_semaphore, #tpu.memory_space<semaphore_mem>>)
      %dma_wait3A = arith.constant 0 : i32
      %dma_wait3A_55 = tpu.memref_slice %arg6[%arg0, %add3A_42, %dma_wait3A] : memref<2x10240x128xf32, #tpu.memory_space<hbm>> -> memref<1x80x128xf32, #tpu.memory_space<hbm>>
      %dma_wait3A_56 = tpu.memref_squeeze %dma_wait3A_55 : memref<1x80x128xf32, #tpu.memory_space<hbm>> -> memref<80x128xf32, #tpu.memory_space<hbm>>
      %dma_wait3A_57 = arith.constant 0 : i32
      %dma_wait3A_58 = tpu.memref_slice %arg6[%arg0, %add3A_42, %dma_wait3A_57] : memref<2x10240x128xf32, #tpu.memory_space<hbm>> -> memref<1x80x128xf32, #tpu.memory_space<hbm>>
      %dma_wait3A_59 = tpu.memref_squeeze %dma_wait3A_58 : memref<1x80x128xf32, #tpu.memory_space<hbm>> -> memref<80x128xf32, #tpu.memory_space<hbm>>
      tpu.wait_dma2 semaphore(%run_scoped3A_49 : memref<!tpu.dma_semaphore, #tpu.memory_space<semaphore_mem>>) src(%arg11 : memref<80x128xf32, #tpu.memory_space<vmem>>) dst(%dma_wait3A_59 : memref<80x128xf32, #tpu.memory_space<hbm>>)
      tpu.yield
    }) : () -> ()
    %run_scoped3A_43 = arith.constant 6 : i32
    "tpu.region"() ({
      %run_scoped3A_49 = tpu.sem_alloc : memref<!tpu.dma_semaphore, #tpu.memory_space<semaphore_mem>>
      %dma_start3A = arith.constant 0 : i32
      %dma_start3A_50 = tpu.memref_slice %arg8[%run_scoped3A_43, %dma_start3A] : memref<8x80xi32, #tpu.memory_space<vmem>> -> memref<1x80xi32, #tpu.memory_space<vmem>>
      %dma_start3A_51 = tpu.memref_squeeze %dma_start3A_50 : memref<1x80xi32, #tpu.memory_space<vmem>> -> memref<80xi32, #tpu.memory_space<vmem>>
      %dma_start3A_52 = arith.constant 0 : i32
      %dma_start3A_53 = arith.constant 0 : i32
      %dma_start3A_54 = tpu.memref_slice %arg7[%dma_start3A_52, %dma_start3A_53] : memref<10240x128xf32, #tpu.memory_space<vmem_shared>> -> memref<10240x128xf32, #tpu.memory_space<vmem_shared>>
      tpu.enqueue_indirect_dma source(%dma_start3A_54 : memref<10240x128xf32, #tpu.memory_space<vmem_shared>>) target(%arg11 : memref<80x128xf32, #tpu.memory_space<vmem>>) offsets(%dma_start3A_51 : memref<80xi32, #tpu.memory_space<vmem>>) semaphore(%run_scoped3A_49 : memref<!tpu.dma_semaphore, #tpu.memory_space<semaphore_mem>>)
      %dma_wait3A = arith.constant 0 : i32
      %dma_wait3A_55 = tpu.memref_slice %arg8[%run_scoped3A_43, %dma_wait3A] : memref<8x80xi32, #tpu.memory_space<vmem>> -> memref<1x80xi32, #tpu.memory_space<vmem>>
      %dma_wait3A_56 = tpu.memref_squeeze %dma_wait3A_55 : memref<1x80xi32, #tpu.memory_space<vmem>> -> memref<80xi32, #tpu.memory_space<vmem>>
      %dma_wait3A_57 = arith.constant 0 : i32
      %dma_wait3A_58 = arith.constant 0 : i32
      %dma_wait3A_59 = tpu.memref_slice %arg7[%dma_wait3A_57, %dma_wait3A_58] : memref<10240x128xf32, #tpu.memory_space<vmem_shared>> -> memref<10240x128xf32, #tpu.memory_space<vmem_shared>>
      tpu.wait_indirect_dma semaphore(%run_scoped3A_49 : memref<!tpu.dma_semaphore, #tpu.memory_space<semaphore_mem>>) src(%dma_wait3A_59 : memref<10240x128xf32, #tpu.memory_space<vmem_shared>>) dst(%arg11 : memref<80x128xf32, #tpu.memory_space<vmem>>)
      tpu.yield
    }) : () -> ()
    %add3A_44 = arith.constant 480 : i32
    %add3A_45 = arith.addi %mul3A_2, %add3A_44 : i32
    "tpu.region"() ({
      %run_scoped3A_49 = tpu.sem_alloc : memref<!tpu.dma_semaphore, #tpu.memory_space<semaphore_mem>>
      %dma_start3A = arith.constant 0 : i32
      %dma_start3A_50 = tpu.memref_slice %arg6[%arg0, %add3A_45, %dma_start3A] : memref<2x10240x128xf32, #tpu.memory_space<hbm>> -> memref<1x80x128xf32, #tpu.memory_space<hbm>>
      %dma_start3A_51 = tpu.memref_squeeze %dma_start3A_50 : memref<1x80x128xf32, #tpu.memory_space<hbm>> -> memref<80x128xf32, #tpu.memory_space<hbm>>
      %dma_start3A_52 = arith.constant 0 : i32
      %dma_start3A_53 = tpu.memref_slice %arg6[%arg0, %add3A_45, %dma_start3A_52] : memref<2x10240x128xf32, #tpu.memory_space<hbm>> -> memref<1x80x128xf32, #tpu.memory_space<hbm>>
      %dma_start3A_54 = tpu.memref_squeeze %dma_start3A_53 : memref<1x80x128xf32, #tpu.memory_space<hbm>> -> memref<80x128xf32, #tpu.memory_space<hbm>>
      tpu.enqueue_dma source(%arg11 : memref<80x128xf32, #tpu.memory_space<vmem>>) target(%dma_start3A_54 : memref<80x128xf32, #tpu.memory_space<hbm>>) target_semaphore(%run_scoped3A_49 : memref<!tpu.dma_semaphore, #tpu.memory_space<semaphore_mem>>)
      %dma_wait3A = arith.constant 0 : i32
      %dma_wait3A_55 = tpu.memref_slice %arg6[%arg0, %add3A_45, %dma_wait3A] : memref<2x10240x128xf32, #tpu.memory_space<hbm>> -> memref<1x80x128xf32, #tpu.memory_space<hbm>>
      %dma_wait3A_56 = tpu.memref_squeeze %dma_wait3A_55 : memref<1x80x128xf32, #tpu.memory_space<hbm>> -> memref<80x128xf32, #tpu.memory_space<hbm>>
      %dma_wait3A_57 = arith.constant 0 : i32
      %dma_wait3A_58 = tpu.memref_slice %arg6[%arg0, %add3A_45, %dma_wait3A_57] : memref<2x10240x128xf32, #tpu.memory_space<hbm>> -> memref<1x80x128xf32, #tpu.memory_space<hbm>>
      %dma_wait3A_59 = tpu.memref_squeeze %dma_wait3A_58 : memref<1x80x128xf32, #tpu.memory_space<hbm>> -> memref<80x128xf32, #tpu.memory_space<hbm>>
      tpu.wait_dma2 semaphore(%run_scoped3A_49 : memref<!tpu.dma_semaphore, #tpu.memory_space<semaphore_mem>>) src(%arg11 : memref<80x128xf32, #tpu.memory_space<vmem>>) dst(%dma_wait3A_59 : memref<80x128xf32, #tpu.memory_space<hbm>>)
      tpu.yield
    }) : () -> ()
    %run_scoped3A_46 = arith.constant 7 : i32
    "tpu.region"() ({
      %run_scoped3A_49 = tpu.sem_alloc : memref<!tpu.dma_semaphore, #tpu.memory_space<semaphore_mem>>
      %dma_start3A = arith.constant 0 : i32
      %dma_start3A_50 = tpu.memref_slice %arg8[%run_scoped3A_46, %dma_start3A] : memref<8x80xi32, #tpu.memory_space<vmem>> -> memref<1x80xi32, #tpu.memory_space<vmem>>
      %dma_start3A_51 = tpu.memref_squeeze %dma_start3A_50 : memref<1x80xi32, #tpu.memory_space<vmem>> -> memref<80xi32, #tpu.memory_space<vmem>>
      %dma_start3A_52 = arith.constant 0 : i32
      %dma_start3A_53 = arith.constant 0 : i32
      %dma_start3A_54 = tpu.memref_slice %arg7[%dma_start3A_52, %dma_start3A_53] : memref<10240x128xf32, #tpu.memory_space<vmem_shared>> -> memref<10240x128xf32, #tpu.memory_space<vmem_shared>>
      tpu.enqueue_indirect_dma source(%dma_start3A_54 : memref<10240x128xf32, #tpu.memory_space<vmem_shared>>) target(%arg11 : memref<80x128xf32, #tpu.memory_space<vmem>>) offsets(%dma_start3A_51 : memref<80xi32, #tpu.memory_space<vmem>>) semaphore(%run_scoped3A_49 : memref<!tpu.dma_semaphore, #tpu.memory_space<semaphore_mem>>)
      %dma_wait3A = arith.constant 0 : i32
      %dma_wait3A_55 = tpu.memref_slice %arg8[%run_scoped3A_46, %dma_wait3A] : memref<8x80xi32, #tpu.memory_space<vmem>> -> memref<1x80xi32, #tpu.memory_space<vmem>>
      %dma_wait3A_56 = tpu.memref_squeeze %dma_wait3A_55 : memref<1x80xi32, #tpu.memory_space<vmem>> -> memref<80xi32, #tpu.memory_space<vmem>>
      %dma_wait3A_57 = arith.constant 0 : i32
      %dma_wait3A_58 = arith.constant 0 : i32
      %dma_wait3A_59 = tpu.memref_slice %arg7[%dma_wait3A_57, %dma_wait3A_58] : memref<10240x128xf32, #tpu.memory_space<vmem_shared>> -> memref<10240x128xf32, #tpu.memory_space<vmem_shared>>
      tpu.wait_indirect_dma semaphore(%run_scoped3A_49 : memref<!tpu.dma_semaphore, #tpu.memory_space<semaphore_mem>>) src(%dma_wait3A_59 : memref<10240x128xf32, #tpu.memory_space<vmem_shared>>) dst(%arg11 : memref<80x128xf32, #tpu.memory_space<vmem>>)
      tpu.yield
    }) : () -> ()
    %add3A_47 = arith.constant 560 : i32
    %add3A_48 = arith.addi %mul3A_2, %add3A_47 : i32
    "tpu.region"() ({
      %run_scoped3A_49 = tpu.sem_alloc : memref<!tpu.dma_semaphore, #tpu.memory_space<semaphore_mem>>
      %dma_start3A = arith.constant 0 : i32
      %dma_start3A_50 = tpu.memref_slice %arg6[%arg0, %add3A_48, %dma_start3A] : memref<2x10240x128xf32, #tpu.memory_space<hbm>> -> memref<1x80x128xf32, #tpu.memory_space<hbm>>
      %dma_start3A_51 = tpu.memref_squeeze %dma_start3A_50 : memref<1x80x128xf32, #tpu.memory_space<hbm>> -> memref<80x128xf32, #tpu.memory_space<hbm>>
      %dma_start3A_52 = arith.constant 0 : i32
      %dma_start3A_53 = tpu.memref_slice %arg6[%arg0, %add3A_48, %dma_start3A_52] : memref<2x10240x128xf32, #tpu.memory_space<hbm>> -> memref<1x80x128xf32, #tpu.memory_space<hbm>>
      %dma_start3A_54 = tpu.memref_squeeze %dma_start3A_53 : memref<1x80x128xf32, #tpu.memory_space<hbm>> -> memref<80x128xf32, #tpu.memory_space<hbm>>
      tpu.enqueue_dma source(%arg11 : memref<80x128xf32, #tpu.memory_space<vmem>>) target(%dma_start3A_54 : memref<80x128xf32, #tpu.memory_space<hbm>>) target_semaphore(%run_scoped3A_49 : memref<!tpu.dma_semaphore, #tpu.memory_space<semaphore_mem>>)
      %dma_wait3A = arith.constant 0 : i32
      %dma_wait3A_55 = tpu.memref_slice %arg6[%arg0, %add3A_48, %dma_wait3A] : memref<2x10240x128xf32, #tpu.memory_space<hbm>> -> memref<1x80x128xf32, #tpu.memory_space<hbm>>
      %dma_wait3A_56 = tpu.memref_squeeze %dma_wait3A_55 : memref<1x80x128xf32, #tpu.memory_space<hbm>> -> memref<80x128xf32, #tpu.memory_space<hbm>>
      %dma_wait3A_57 = arith.constant 0 : i32
      %dma_wait3A_58 = tpu.memref_slice %arg6[%arg0, %add3A_48, %dma_wait3A_57] : memref<2x10240x128xf32, #tpu.memory_space<hbm>> -> memref<1x80x128xf32, #tpu.memory_space<hbm>>
      %dma_wait3A_59 = tpu.memref_squeeze %dma_wait3A_58 : memref<1x80x128xf32, #tpu.memory_space<hbm>> -> memref<80x128xf32, #tpu.memory_space<hbm>>
      tpu.wait_dma2 semaphore(%run_scoped3A_49 : memref<!tpu.dma_semaphore, #tpu.memory_space<semaphore_mem>>) src(%arg11 : memref<80x128xf32, #tpu.memory_space<vmem>>) dst(%dma_wait3A_59 : memref<80x128xf32, #tpu.memory_space<hbm>>)
      tpu.yield
    }) : () -> ()
    return
  }
}

#map = affine_map<(d0, d1) -> (0, 0)>
#map1 = affine_map<(d0, d1) -> (0, 0, 0)>
#map2 = affine_map<(d0, d1) -> (0, 0, 0, 0)>
#map3 = affine_map<(d0, d1) -> (0)>
module attributes {stable_mosaic.version = 14 : i64} {
  func.func @body(%arg0: i32, %arg1: i32, %arg2: memref<10000x128xf32, #tpu.memory_space<hbm>>, %arg3: memref<16x8x80xi32, #tpu.memory_space<hbm>>, %arg4: memref<32x5x25x80xi32, #tpu.memory_space<hbm>>, %arg5: memref<32x5x25x80xi32, #tpu.memory_space<hbm>>, %arg6: memref<2x10240x128xf32, #tpu.memory_space<hbm>>, %arg7: memref<20480xf32, #tpu.memory_space<hbm>>, %arg8: memref<10240x128xf32, #tpu.memory_space<vmem_shared>>, %arg9: memref<8x80xi32, #tpu.memory_space<vmem>>, %arg10: memref<25x80xi32, #tpu.memory_space<vmem>>, %arg11: memref<25x80xi32, #tpu.memory_space<vmem>>, %arg12: memref<80x128xf32, #tpu.memory_space<vmem>>, %arg13: memref<80x128xf32, #tpu.memory_space<vmem>>, %arg14: memref<80x128xf32, #tpu.memory_space<vmem>>, %arg15: memref<!tpu.dma_semaphore, #tpu.memory_space<semaphore_mem>>, %arg16: memref<!tpu.dma_semaphore, #tpu.memory_space<semaphore_mem>>, %arg17: memref<!tpu.dma_semaphore, #tpu.memory_space<semaphore_mem>>, %arg18: memref<!tpu.dma_semaphore, #tpu.memory_space<semaphore_mem>>, %arg19: memref<!tpu.dma_semaphore, #tpu.memory_space<semaphore_mem>>, %arg20: memref<!tpu.dma_semaphore, #tpu.memory_space<semaphore_mem>>, %arg21: memref<!tpu.dma_semaphore, #tpu.memory_space<semaphore_mem>>, %arg22: memref<10240xf32, #tpu.memory_space<vmem_shared>>, %arg23: memref<80xf32, #tpu.memory_space<vmem>>) attributes {dimension_semantics = [#tpu.dimension_semantics<core_parallel>, #tpu.dimension_semantics<subcore_parallel>], iteration_bounds = array<i64: 2, 16>, scalar_prefetch = 0 : i64, scratch_operands = 16 : i64, tpu.core_type = #tpu.core_type<sc_vector_subcore>, window_params = [{transform_indices = #map}, {transform_indices = #map1}, {transform_indices = #map2}, {transform_indices = #map2}, {transform_indices = #map1}, {transform_indices = #map3}]} {
    %mul3A = arith.constant 16 : i32
    %mul3A_0 = arith.muli %arg0, %mul3A : i32
    %add3A = arith.addi %mul3A_0, %arg1 : i32
    %mul3A_1 = arith.constant 640 : i32
    %mul3A_2 = arith.muli %arg1, %mul3A_1 : i32
    %broadcast_in_dim3A = arith.constant 0.000000e+00 : f32
    %broadcast_in_dim3A_3 = vector.broadcast %broadcast_in_dim3A : f32 to vector<16xf32>
    %broadcast_in_dim3A_4 = arith.constant 1.000000e+00 : f32
    %broadcast_in_dim3A_5 = vector.broadcast %broadcast_in_dim3A_4 : f32 to vector<16xf32>
    "tpu.region"() ({
      %run_scoped3A_144 = tpu.sem_alloc : memref<!tpu.dma_semaphore, #tpu.memory_space<semaphore_mem>>
      %dma_start3A = arith.constant 0 : i32
      %dma_start3A_145 = arith.constant 0 : i32
      %dma_start3A_146 = tpu.memref_slice %arg3[%arg1, %dma_start3A, %dma_start3A_145] : memref<16x8x80xi32, #tpu.memory_space<hbm>> -> memref<1x8x80xi32, #tpu.memory_space<hbm>>
      %dma_start3A_147 = tpu.memref_squeeze %dma_start3A_146 : memref<1x8x80xi32, #tpu.memory_space<hbm>> -> memref<8x80xi32, #tpu.memory_space<hbm>>
      %dma_start3A_148 = arith.constant 0 : i32
      %dma_start3A_149 = arith.constant 0 : i32
      %dma_start3A_150 = tpu.memref_slice %arg3[%arg1, %dma_start3A_148, %dma_start3A_149] : memref<16x8x80xi32, #tpu.memory_space<hbm>> -> memref<1x8x80xi32, #tpu.memory_space<hbm>>
      %dma_start3A_151 = tpu.memref_squeeze %dma_start3A_150 : memref<1x8x80xi32, #tpu.memory_space<hbm>> -> memref<8x80xi32, #tpu.memory_space<hbm>>
      tpu.enqueue_dma source(%dma_start3A_151 : memref<8x80xi32, #tpu.memory_space<hbm>>) target(%arg9 : memref<8x80xi32, #tpu.memory_space<vmem>>) target_semaphore(%run_scoped3A_144 : memref<!tpu.dma_semaphore, #tpu.memory_space<semaphore_mem>>)
      %dma_wait3A = arith.constant 0 : i32
      %dma_wait3A_152 = arith.constant 0 : i32
      %dma_wait3A_153 = tpu.memref_slice %arg3[%arg1, %dma_wait3A, %dma_wait3A_152] : memref<16x8x80xi32, #tpu.memory_space<hbm>> -> memref<1x8x80xi32, #tpu.memory_space<hbm>>
      %dma_wait3A_154 = tpu.memref_squeeze %dma_wait3A_153 : memref<1x8x80xi32, #tpu.memory_space<hbm>> -> memref<8x80xi32, #tpu.memory_space<hbm>>
      %dma_wait3A_155 = arith.constant 0 : i32
      %dma_wait3A_156 = arith.constant 0 : i32
      %dma_wait3A_157 = tpu.memref_slice %arg3[%arg1, %dma_wait3A_155, %dma_wait3A_156] : memref<16x8x80xi32, #tpu.memory_space<hbm>> -> memref<1x8x80xi32, #tpu.memory_space<hbm>>
      %dma_wait3A_158 = tpu.memref_squeeze %dma_wait3A_157 : memref<1x8x80xi32, #tpu.memory_space<hbm>> -> memref<8x80xi32, #tpu.memory_space<hbm>>
      tpu.wait_dma2 semaphore(%run_scoped3A_144 : memref<!tpu.dma_semaphore, #tpu.memory_space<semaphore_mem>>) src(%dma_wait3A_158 : memref<8x80xi32, #tpu.memory_space<hbm>>) dst(%arg9 : memref<8x80xi32, #tpu.memory_space<vmem>>)
      tpu.yield
    }) : () -> ()
    %scan3A = arith.constant 0 : i32
    %scan3A_6 = arith.constant 0 : i32
    %scan3A_7 = arith.constant 80 : i32
    %scan3A_8 = arith.addi %scan3A_6, %scan3A_7 : i32
    %scan3A_9 = arith.constant 1 : i32
    scf.for %scan3A_144 = %scan3A_6 to %scan3A_8 step %scan3A_9  : i32 {
      %swap3A_145 = arith.index_cast %scan3A_144 : i32 to index
      %swap3A_146 = arith.constant 0 : index
      %swap3A_147 = tpu.vector_load %arg12[%swap3A_145, %swap3A_146] {strides = array<i32>} : memref<80x128xf32, #tpu.memory_space<vmem>>, vector<1x16xf32>,
      %swap3A_148 = vector.shape_cast %swap3A_147 : vector<1x16xf32> to vector<16xf32>
      %swap3A_149 = vector.shape_cast %broadcast_in_dim3A_3 : vector<16xf32> to vector<1x16xf32>
      tpu.vector_store %arg12[%swap3A_145, %swap3A_146], %swap3A_149 {strides = array<i32>} : memref<80x128xf32, #tpu.memory_space<vmem>>, vector<1x16xf32>,
      %swap3A_150 = arith.index_cast %scan3A_144 : i32 to index
      %swap3A_151 = arith.constant 16 : index
      %swap3A_152 = tpu.vector_load %arg12[%swap3A_150, %swap3A_151] {strides = array<i32>} : memref<80x128xf32, #tpu.memory_space<vmem>>, vector<1x16xf32>,
      %swap3A_153 = vector.shape_cast %swap3A_152 : vector<1x16xf32> to vector<16xf32>
      %swap3A_154 = vector.shape_cast %broadcast_in_dim3A_3 : vector<16xf32> to vector<1x16xf32>
      tpu.vector_store %arg12[%swap3A_150, %swap3A_151], %swap3A_154 {strides = array<i32>} : memref<80x128xf32, #tpu.memory_space<vmem>>, vector<1x16xf32>,
      %swap3A_155 = arith.index_cast %scan3A_144 : i32 to index
      %swap3A_156 = arith.constant 32 : index
      %swap3A_157 = tpu.vector_load %arg12[%swap3A_155, %swap3A_156] {strides = array<i32>} : memref<80x128xf32, #tpu.memory_space<vmem>>, vector<1x16xf32>,
      %swap3A_158 = vector.shape_cast %swap3A_157 : vector<1x16xf32> to vector<16xf32>
      %swap3A_159 = vector.shape_cast %broadcast_in_dim3A_3 : vector<16xf32> to vector<1x16xf32>
      tpu.vector_store %arg12[%swap3A_155, %swap3A_156], %swap3A_159 {strides = array<i32>} : memref<80x128xf32, #tpu.memory_space<vmem>>, vector<1x16xf32>,
      %swap3A_160 = arith.index_cast %scan3A_144 : i32 to index
      %swap3A_161 = arith.constant 48 : index
      %swap3A_162 = tpu.vector_load %arg12[%swap3A_160, %swap3A_161] {strides = array<i32>} : memref<80x128xf32, #tpu.memory_space<vmem>>, vector<1x16xf32>,
      %swap3A_163 = vector.shape_cast %swap3A_162 : vector<1x16xf32> to vector<16xf32>
      %swap3A_164 = vector.shape_cast %broadcast_in_dim3A_3 : vector<16xf32> to vector<1x16xf32>
      tpu.vector_store %arg12[%swap3A_160, %swap3A_161], %swap3A_164 {strides = array<i32>} : memref<80x128xf32, #tpu.memory_space<vmem>>, vector<1x16xf32>,
      %swap3A_165 = arith.index_cast %scan3A_144 : i32 to index
      %swap3A_166 = arith.constant 64 : index
      %swap3A_167 = tpu.vector_load %arg12[%swap3A_165, %swap3A_166] {strides = array<i32>} : memref<80x128xf32, #tpu.memory_space<vmem>>, vector<1x16xf32>,
      %swap3A_168 = vector.shape_cast %swap3A_167 : vector<1x16xf32> to vector<16xf32>
      %swap3A_169 = vector.shape_cast %broadcast_in_dim3A_3 : vector<16xf32> to vector<1x16xf32>
      tpu.vector_store %arg12[%swap3A_165, %swap3A_166], %swap3A_169 {strides = array<i32>} : memref<80x128xf32, #tpu.memory_space<vmem>>, vector<1x16xf32>,
      %swap3A_170 = arith.index_cast %scan3A_144 : i32 to index
      %swap3A_171 = arith.constant 80 : index
      %swap3A_172 = tpu.vector_load %arg12[%swap3A_170, %swap3A_171] {strides = array<i32>} : memref<80x128xf32, #tpu.memory_space<vmem>>, vector<1x16xf32>,
      %swap3A_173 = vector.shape_cast %swap3A_172 : vector<1x16xf32> to vector<16xf32>
      %swap3A_174 = vector.shape_cast %broadcast_in_dim3A_3 : vector<16xf32> to vector<1x16xf32>
      tpu.vector_store %arg12[%swap3A_170, %swap3A_171], %swap3A_174 {strides = array<i32>} : memref<80x128xf32, #tpu.memory_space<vmem>>, vector<1x16xf32>,
      %swap3A_175 = arith.index_cast %scan3A_144 : i32 to index
      %swap3A_176 = arith.constant 96 : index
      %swap3A_177 = tpu.vector_load %arg12[%swap3A_175, %swap3A_176] {strides = array<i32>} : memref<80x128xf32, #tpu.memory_space<vmem>>, vector<1x16xf32>,
      %swap3A_178 = vector.shape_cast %swap3A_177 : vector<1x16xf32> to vector<16xf32>
      %swap3A_179 = vector.shape_cast %broadcast_in_dim3A_3 : vector<16xf32> to vector<1x16xf32>
      tpu.vector_store %arg12[%swap3A_175, %swap3A_176], %swap3A_179 {strides = array<i32>} : memref<80x128xf32, #tpu.memory_space<vmem>>, vector<1x16xf32>,
      %swap3A_180 = arith.index_cast %scan3A_144 : i32 to index
      %swap3A_181 = arith.constant 112 : index
      %swap3A_182 = tpu.vector_load %arg12[%swap3A_180, %swap3A_181] {strides = array<i32>} : memref<80x128xf32, #tpu.memory_space<vmem>>, vector<1x16xf32>,
      %swap3A_183 = vector.shape_cast %swap3A_182 : vector<1x16xf32> to vector<16xf32>
      %swap3A_184 = vector.shape_cast %broadcast_in_dim3A_3 : vector<16xf32> to vector<1x16xf32>
      tpu.vector_store %arg12[%swap3A_180, %swap3A_181], %swap3A_184 {strides = array<i32>} : memref<80x128xf32, #tpu.memory_space<vmem>>, vector<1x16xf32>,
    }
    %scan3A_10 = arith.constant 80 : i32
    %run_scoped3A = arith.constant 0 : i32
    "tpu.region"() ({
      %run_scoped3A_144 = tpu.sem_alloc : memref<!tpu.dma_semaphore, #tpu.memory_space<semaphore_mem>>
      %dma_start3A = arith.constant 0 : i32
      %dma_start3A_145 = tpu.memref_slice %arg9[%run_scoped3A, %dma_start3A] : memref<8x80xi32, #tpu.memory_space<vmem>> -> memref<1x80xi32, #tpu.memory_space<vmem>>
      %dma_start3A_146 = tpu.memref_squeeze %dma_start3A_145 : memref<1x80xi32, #tpu.memory_space<vmem>> -> memref<80xi32, #tpu.memory_space<vmem>>
      %dma_start3A_147 = arith.constant 0 : i32
      %dma_start3A_148 = arith.constant 0 : i32
      %dma_start3A_149 = tpu.memref_slice %arg8[%dma_start3A_147, %dma_start3A_148] : memref<10240x128xf32, #tpu.memory_space<vmem_shared>> -> memref<10240x128xf32, #tpu.memory_space<vmem_shared>>
      tpu.enqueue_indirect_dma source(%arg12 : memref<80x128xf32, #tpu.memory_space<vmem>>) target(%dma_start3A_149 : memref<10240x128xf32, #tpu.memory_space<vmem_shared>>) offsets(%dma_start3A_146 : memref<80xi32, #tpu.memory_space<vmem>>) semaphore(%run_scoped3A_144 : memref<!tpu.dma_semaphore, #tpu.memory_space<semaphore_mem>>)
      %dma_wait3A = arith.constant 0 : i32
      %dma_wait3A_150 = tpu.memref_slice %arg9[%run_scoped3A, %dma_wait3A] : memref<8x80xi32, #tpu.memory_space<vmem>> -> memref<1x80xi32, #tpu.memory_space<vmem>>
      %dma_wait3A_151 = tpu.memref_squeeze %dma_wait3A_150 : memref<1x80xi32, #tpu.memory_space<vmem>> -> memref<80xi32, #tpu.memory_space<vmem>>
      %dma_wait3A_152 = arith.constant 0 : i32
      %dma_wait3A_153 = arith.constant 0 : i32
      %dma_wait3A_154 = tpu.memref_slice %arg8[%dma_wait3A_152, %dma_wait3A_153] : memref<10240x128xf32, #tpu.memory_space<vmem_shared>> -> memref<10240x128xf32, #tpu.memory_space<vmem_shared>>
      tpu.wait_indirect_dma semaphore(%run_scoped3A_144 : memref<!tpu.dma_semaphore, #tpu.memory_space<semaphore_mem>>) src(%arg12 : memref<80x128xf32, #tpu.memory_space<vmem>>) dst(%dma_wait3A_154 : memref<10240x128xf32, #tpu.memory_space<vmem_shared>>)
      tpu.yield
    }) : () -> ()
    %run_scoped3A_11 = arith.constant 1 : i32
    "tpu.region"() ({
      %run_scoped3A_144 = tpu.sem_alloc : memref<!tpu.dma_semaphore, #tpu.memory_space<semaphore_mem>>
      %dma_start3A = arith.constant 0 : i32
      %dma_start3A_145 = tpu.memref_slice %arg9[%run_scoped3A_11, %dma_start3A] : memref<8x80xi32, #tpu.memory_space<vmem>> -> memref<1x80xi32, #tpu.memory_space<vmem>>
      %dma_start3A_146 = tpu.memref_squeeze %dma_start3A_145 : memref<1x80xi32, #tpu.memory_space<vmem>> -> memref<80xi32, #tpu.memory_space<vmem>>
      %dma_start3A_147 = arith.constant 0 : i32
      %dma_start3A_148 = arith.constant 0 : i32
      %dma_start3A_149 = tpu.memref_slice %arg8[%dma_start3A_147, %dma_start3A_148] : memref<10240x128xf32, #tpu.memory_space<vmem_shared>> -> memref<10240x128xf32, #tpu.memory_space<vmem_shared>>
      tpu.enqueue_indirect_dma source(%arg12 : memref<80x128xf32, #tpu.memory_space<vmem>>) target(%dma_start3A_149 : memref<10240x128xf32, #tpu.memory_space<vmem_shared>>) offsets(%dma_start3A_146 : memref<80xi32, #tpu.memory_space<vmem>>) semaphore(%run_scoped3A_144 : memref<!tpu.dma_semaphore, #tpu.memory_space<semaphore_mem>>)
      %dma_wait3A = arith.constant 0 : i32
      %dma_wait3A_150 = tpu.memref_slice %arg9[%run_scoped3A_11, %dma_wait3A] : memref<8x80xi32, #tpu.memory_space<vmem>> -> memref<1x80xi32, #tpu.memory_space<vmem>>
      %dma_wait3A_151 = tpu.memref_squeeze %dma_wait3A_150 : memref<1x80xi32, #tpu.memory_space<vmem>> -> memref<80xi32, #tpu.memory_space<vmem>>
      %dma_wait3A_152 = arith.constant 0 : i32
      %dma_wait3A_153 = arith.constant 0 : i32
      %dma_wait3A_154 = tpu.memref_slice %arg8[%dma_wait3A_152, %dma_wait3A_153] : memref<10240x128xf32, #tpu.memory_space<vmem_shared>> -> memref<10240x128xf32, #tpu.memory_space<vmem_shared>>
      tpu.wait_indirect_dma semaphore(%run_scoped3A_144 : memref<!tpu.dma_semaphore, #tpu.memory_space<semaphore_mem>>) src(%arg12 : memref<80x128xf32, #tpu.memory_space<vmem>>) dst(%dma_wait3A_154 : memref<10240x128xf32, #tpu.memory_space<vmem_shared>>)
      tpu.yield
    }) : () -> ()
    %run_scoped3A_12 = arith.constant 2 : i32
    "tpu.region"() ({
      %run_scoped3A_144 = tpu.sem_alloc : memref<!tpu.dma_semaphore, #tpu.memory_space<semaphore_mem>>
      %dma_start3A = arith.constant 0 : i32
      %dma_start3A_145 = tpu.memref_slice %arg9[%run_scoped3A_12, %dma_start3A] : memref<8x80xi32, #tpu.memory_space<vmem>> -> memref<1x80xi32, #tpu.memory_space<vmem>>
      %dma_start3A_146 = tpu.memref_squeeze %dma_start3A_145 : memref<1x80xi32, #tpu.memory_space<vmem>> -> memref<80xi32, #tpu.memory_space<vmem>>
      %dma_start3A_147 = arith.constant 0 : i32
      %dma_start3A_148 = arith.constant 0 : i32
      %dma_start3A_149 = tpu.memref_slice %arg8[%dma_start3A_147, %dma_start3A_148] : memref<10240x128xf32, #tpu.memory_space<vmem_shared>> -> memref<10240x128xf32, #tpu.memory_space<vmem_shared>>
      tpu.enqueue_indirect_dma source(%arg12 : memref<80x128xf32, #tpu.memory_space<vmem>>) target(%dma_start3A_149 : memref<10240x128xf32, #tpu.memory_space<vmem_shared>>) offsets(%dma_start3A_146 : memref<80xi32, #tpu.memory_space<vmem>>) semaphore(%run_scoped3A_144 : memref<!tpu.dma_semaphore, #tpu.memory_space<semaphore_mem>>)
      %dma_wait3A = arith.constant 0 : i32
      %dma_wait3A_150 = tpu.memref_slice %arg9[%run_scoped3A_12, %dma_wait3A] : memref<8x80xi32, #tpu.memory_space<vmem>> -> memref<1x80xi32, #tpu.memory_space<vmem>>
      %dma_wait3A_151 = tpu.memref_squeeze %dma_wait3A_150 : memref<1x80xi32, #tpu.memory_space<vmem>> -> memref<80xi32, #tpu.memory_space<vmem>>
      %dma_wait3A_152 = arith.constant 0 : i32
      %dma_wait3A_153 = arith.constant 0 : i32
      %dma_wait3A_154 = tpu.memref_slice %arg8[%dma_wait3A_152, %dma_wait3A_153] : memref<10240x128xf32, #tpu.memory_space<vmem_shared>> -> memref<10240x128xf32, #tpu.memory_space<vmem_shared>>
      tpu.wait_indirect_dma semaphore(%run_scoped3A_144 : memref<!tpu.dma_semaphore, #tpu.memory_space<semaphore_mem>>) src(%arg12 : memref<80x128xf32, #tpu.memory_space<vmem>>) dst(%dma_wait3A_154 : memref<10240x128xf32, #tpu.memory_space<vmem_shared>>)
      tpu.yield
    }) : () -> ()
    %run_scoped3A_13 = arith.constant 3 : i32
    "tpu.region"() ({
      %run_scoped3A_144 = tpu.sem_alloc : memref<!tpu.dma_semaphore, #tpu.memory_space<semaphore_mem>>
      %dma_start3A = arith.constant 0 : i32
      %dma_start3A_145 = tpu.memref_slice %arg9[%run_scoped3A_13, %dma_start3A] : memref<8x80xi32, #tpu.memory_space<vmem>> -> memref<1x80xi32, #tpu.memory_space<vmem>>
      %dma_start3A_146 = tpu.memref_squeeze %dma_start3A_145 : memref<1x80xi32, #tpu.memory_space<vmem>> -> memref<80xi32, #tpu.memory_space<vmem>>
      %dma_start3A_147 = arith.constant 0 : i32
      %dma_start3A_148 = arith.constant 0 : i32
      %dma_start3A_149 = tpu.memref_slice %arg8[%dma_start3A_147, %dma_start3A_148] : memref<10240x128xf32, #tpu.memory_space<vmem_shared>> -> memref<10240x128xf32, #tpu.memory_space<vmem_shared>>
      tpu.enqueue_indirect_dma source(%arg12 : memref<80x128xf32, #tpu.memory_space<vmem>>) target(%dma_start3A_149 : memref<10240x128xf32, #tpu.memory_space<vmem_shared>>) offsets(%dma_start3A_146 : memref<80xi32, #tpu.memory_space<vmem>>) semaphore(%run_scoped3A_144 : memref<!tpu.dma_semaphore, #tpu.memory_space<semaphore_mem>>)
      %dma_wait3A = arith.constant 0 : i32
      %dma_wait3A_150 = tpu.memref_slice %arg9[%run_scoped3A_13, %dma_wait3A] : memref<8x80xi32, #tpu.memory_space<vmem>> -> memref<1x80xi32, #tpu.memory_space<vmem>>
      %dma_wait3A_151 = tpu.memref_squeeze %dma_wait3A_150 : memref<1x80xi32, #tpu.memory_space<vmem>> -> memref<80xi32, #tpu.memory_space<vmem>>
      %dma_wait3A_152 = arith.constant 0 : i32
      %dma_wait3A_153 = arith.constant 0 : i32
      %dma_wait3A_154 = tpu.memref_slice %arg8[%dma_wait3A_152, %dma_wait3A_153] : memref<10240x128xf32, #tpu.memory_space<vmem_shared>> -> memref<10240x128xf32, #tpu.memory_space<vmem_shared>>
      tpu.wait_indirect_dma semaphore(%run_scoped3A_144 : memref<!tpu.dma_semaphore, #tpu.memory_space<semaphore_mem>>) src(%arg12 : memref<80x128xf32, #tpu.memory_space<vmem>>) dst(%dma_wait3A_154 : memref<10240x128xf32, #tpu.memory_space<vmem_shared>>)
      tpu.yield
    }) : () -> ()
    %run_scoped3A_14 = arith.constant 4 : i32
    "tpu.region"() ({
      %run_scoped3A_144 = tpu.sem_alloc : memref<!tpu.dma_semaphore, #tpu.memory_space<semaphore_mem>>
      %dma_start3A = arith.constant 0 : i32
      %dma_start3A_145 = tpu.memref_slice %arg9[%run_scoped3A_14, %dma_start3A] : memref<8x80xi32, #tpu.memory_space<vmem>> -> memref<1x80xi32, #tpu.memory_space<vmem>>
      %dma_start3A_146 = tpu.memref_squeeze %dma_start3A_145 : memref<1x80xi32, #tpu.memory_space<vmem>> -> memref<80xi32, #tpu.memory_space<vmem>>
      %dma_start3A_147 = arith.constant 0 : i32
      %dma_start3A_148 = arith.constant 0 : i32
      %dma_start3A_149 = tpu.memref_slice %arg8[%dma_start3A_147, %dma_start3A_148] : memref<10240x128xf32, #tpu.memory_space<vmem_shared>> -> memref<10240x128xf32, #tpu.memory_space<vmem_shared>>
      tpu.enqueue_indirect_dma source(%arg12 : memref<80x128xf32, #tpu.memory_space<vmem>>) target(%dma_start3A_149 : memref<10240x128xf32, #tpu.memory_space<vmem_shared>>) offsets(%dma_start3A_146 : memref<80xi32, #tpu.memory_space<vmem>>) semaphore(%run_scoped3A_144 : memref<!tpu.dma_semaphore, #tpu.memory_space<semaphore_mem>>)
      %dma_wait3A = arith.constant 0 : i32
      %dma_wait3A_150 = tpu.memref_slice %arg9[%run_scoped3A_14, %dma_wait3A] : memref<8x80xi32, #tpu.memory_space<vmem>> -> memref<1x80xi32, #tpu.memory_space<vmem>>
      %dma_wait3A_151 = tpu.memref_squeeze %dma_wait3A_150 : memref<1x80xi32, #tpu.memory_space<vmem>> -> memref<80xi32, #tpu.memory_space<vmem>>
      %dma_wait3A_152 = arith.constant 0 : i32
      %dma_wait3A_153 = arith.constant 0 : i32
      %dma_wait3A_154 = tpu.memref_slice %arg8[%dma_wait3A_152, %dma_wait3A_153] : memref<10240x128xf32, #tpu.memory_space<vmem_shared>> -> memref<10240x128xf32, #tpu.memory_space<vmem_shared>>
      tpu.wait_indirect_dma semaphore(%run_scoped3A_144 : memref<!tpu.dma_semaphore, #tpu.memory_space<semaphore_mem>>) src(%arg12 : memref<80x128xf32, #tpu.memory_space<vmem>>) dst(%dma_wait3A_154 : memref<10240x128xf32, #tpu.memory_space<vmem_shared>>)
      tpu.yield
    }) : () -> ()
    %run_scoped3A_15 = arith.constant 5 : i32
    "tpu.region"() ({
      %run_scoped3A_144 = tpu.sem_alloc : memref<!tpu.dma_semaphore, #tpu.memory_space<semaphore_mem>>
      %dma_start3A = arith.constant 0 : i32
      %dma_start3A_145 = tpu.memref_slice %arg9[%run_scoped3A_15, %dma_start3A] : memref<8x80xi32, #tpu.memory_space<vmem>> -> memref<1x80xi32, #tpu.memory_space<vmem>>
      %dma_start3A_146 = tpu.memref_squeeze %dma_start3A_145 : memref<1x80xi32, #tpu.memory_space<vmem>> -> memref<80xi32, #tpu.memory_space<vmem>>
      %dma_start3A_147 = arith.constant 0 : i32
      %dma_start3A_148 = arith.constant 0 : i32
      %dma_start3A_149 = tpu.memref_slice %arg8[%dma_start3A_147, %dma_start3A_148] : memref<10240x128xf32, #tpu.memory_space<vmem_shared>> -> memref<10240x128xf32, #tpu.memory_space<vmem_shared>>
      tpu.enqueue_indirect_dma source(%arg12 : memref<80x128xf32, #tpu.memory_space<vmem>>) target(%dma_start3A_149 : memref<10240x128xf32, #tpu.memory_space<vmem_shared>>) offsets(%dma_start3A_146 : memref<80xi32, #tpu.memory_space<vmem>>) semaphore(%run_scoped3A_144 : memref<!tpu.dma_semaphore, #tpu.memory_space<semaphore_mem>>)
      %dma_wait3A = arith.constant 0 : i32
      %dma_wait3A_150 = tpu.memref_slice %arg9[%run_scoped3A_15, %dma_wait3A] : memref<8x80xi32, #tpu.memory_space<vmem>> -> memref<1x80xi32, #tpu.memory_space<vmem>>
      %dma_wait3A_151 = tpu.memref_squeeze %dma_wait3A_150 : memref<1x80xi32, #tpu.memory_space<vmem>> -> memref<80xi32, #tpu.memory_space<vmem>>
      %dma_wait3A_152 = arith.constant 0 : i32
      %dma_wait3A_153 = arith.constant 0 : i32
      %dma_wait3A_154 = tpu.memref_slice %arg8[%dma_wait3A_152, %dma_wait3A_153] : memref<10240x128xf32, #tpu.memory_space<vmem_shared>> -> memref<10240x128xf32, #tpu.memory_space<vmem_shared>>
      tpu.wait_indirect_dma semaphore(%run_scoped3A_144 : memref<!tpu.dma_semaphore, #tpu.memory_space<semaphore_mem>>) src(%arg12 : memref<80x128xf32, #tpu.memory_space<vmem>>) dst(%dma_wait3A_154 : memref<10240x128xf32, #tpu.memory_space<vmem_shared>>)
      tpu.yield
    }) : () -> ()
    %run_scoped3A_16 = arith.constant 6 : i32
    "tpu.region"() ({
      %run_scoped3A_144 = tpu.sem_alloc : memref<!tpu.dma_semaphore, #tpu.memory_space<semaphore_mem>>
      %dma_start3A = arith.constant 0 : i32
      %dma_start3A_145 = tpu.memref_slice %arg9[%run_scoped3A_16, %dma_start3A] : memref<8x80xi32, #tpu.memory_space<vmem>> -> memref<1x80xi32, #tpu.memory_space<vmem>>
      %dma_start3A_146 = tpu.memref_squeeze %dma_start3A_145 : memref<1x80xi32, #tpu.memory_space<vmem>> -> memref<80xi32, #tpu.memory_space<vmem>>
      %dma_start3A_147 = arith.constant 0 : i32
      %dma_start3A_148 = arith.constant 0 : i32
      %dma_start3A_149 = tpu.memref_slice %arg8[%dma_start3A_147, %dma_start3A_148] : memref<10240x128xf32, #tpu.memory_space<vmem_shared>> -> memref<10240x128xf32, #tpu.memory_space<vmem_shared>>
      tpu.enqueue_indirect_dma source(%arg12 : memref<80x128xf32, #tpu.memory_space<vmem>>) target(%dma_start3A_149 : memref<10240x128xf32, #tpu.memory_space<vmem_shared>>) offsets(%dma_start3A_146 : memref<80xi32, #tpu.memory_space<vmem>>) semaphore(%run_scoped3A_144 : memref<!tpu.dma_semaphore, #tpu.memory_space<semaphore_mem>>)
      %dma_wait3A = arith.constant 0 : i32
      %dma_wait3A_150 = tpu.memref_slice %arg9[%run_scoped3A_16, %dma_wait3A] : memref<8x80xi32, #tpu.memory_space<vmem>> -> memref<1x80xi32, #tpu.memory_space<vmem>>
      %dma_wait3A_151 = tpu.memref_squeeze %dma_wait3A_150 : memref<1x80xi32, #tpu.memory_space<vmem>> -> memref<80xi32, #tpu.memory_space<vmem>>
      %dma_wait3A_152 = arith.constant 0 : i32
      %dma_wait3A_153 = arith.constant 0 : i32
      %dma_wait3A_154 = tpu.memref_slice %arg8[%dma_wait3A_152, %dma_wait3A_153] : memref<10240x128xf32, #tpu.memory_space<vmem_shared>> -> memref<10240x128xf32, #tpu.memory_space<vmem_shared>>
      tpu.wait_indirect_dma semaphore(%run_scoped3A_144 : memref<!tpu.dma_semaphore, #tpu.memory_space<semaphore_mem>>) src(%arg12 : memref<80x128xf32, #tpu.memory_space<vmem>>) dst(%dma_wait3A_154 : memref<10240x128xf32, #tpu.memory_space<vmem_shared>>)
      tpu.yield
    }) : () -> ()
    %run_scoped3A_17 = arith.constant 7 : i32
    "tpu.region"() ({
      %run_scoped3A_144 = tpu.sem_alloc : memref<!tpu.dma_semaphore, #tpu.memory_space<semaphore_mem>>
      %dma_start3A = arith.constant 0 : i32
      %dma_start3A_145 = tpu.memref_slice %arg9[%run_scoped3A_17, %dma_start3A] : memref<8x80xi32, #tpu.memory_space<vmem>> -> memref<1x80xi32, #tpu.memory_space<vmem>>
      %dma_start3A_146 = tpu.memref_squeeze %dma_start3A_145 : memref<1x80xi32, #tpu.memory_space<vmem>> -> memref<80xi32, #tpu.memory_space<vmem>>
      %dma_start3A_147 = arith.constant 0 : i32
      %dma_start3A_148 = arith.constant 0 : i32
      %dma_start3A_149 = tpu.memref_slice %arg8[%dma_start3A_147, %dma_start3A_148] : memref<10240x128xf32, #tpu.memory_space<vmem_shared>> -> memref<10240x128xf32, #tpu.memory_space<vmem_shared>>
      tpu.enqueue_indirect_dma source(%arg12 : memref<80x128xf32, #tpu.memory_space<vmem>>) target(%dma_start3A_149 : memref<10240x128xf32, #tpu.memory_space<vmem_shared>>) offsets(%dma_start3A_146 : memref<80xi32, #tpu.memory_space<vmem>>) semaphore(%run_scoped3A_144 : memref<!tpu.dma_semaphore, #tpu.memory_space<semaphore_mem>>)
      %dma_wait3A = arith.constant 0 : i32
      %dma_wait3A_150 = tpu.memref_slice %arg9[%run_scoped3A_17, %dma_wait3A] : memref<8x80xi32, #tpu.memory_space<vmem>> -> memref<1x80xi32, #tpu.memory_space<vmem>>
      %dma_wait3A_151 = tpu.memref_squeeze %dma_wait3A_150 : memref<1x80xi32, #tpu.memory_space<vmem>> -> memref<80xi32, #tpu.memory_space<vmem>>
      %dma_wait3A_152 = arith.constant 0 : i32
      %dma_wait3A_153 = arith.constant 0 : i32
      %dma_wait3A_154 = tpu.memref_slice %arg8[%dma_wait3A_152, %dma_wait3A_153] : memref<10240x128xf32, #tpu.memory_space<vmem_shared>> -> memref<10240x128xf32, #tpu.memory_space<vmem_shared>>
      tpu.wait_indirect_dma semaphore(%run_scoped3A_144 : memref<!tpu.dma_semaphore, #tpu.memory_space<semaphore_mem>>) src(%arg12 : memref<80x128xf32, #tpu.memory_space<vmem>>) dst(%dma_wait3A_154 : memref<10240x128xf32, #tpu.memory_space<vmem_shared>>)
      tpu.yield
    }) : () -> ()
    %swap3A = arith.constant 0 : index
    %swap3A_18 = tpu.vector_load %arg23[%swap3A] {strides = array<i32>} : memref<80xf32, #tpu.memory_space<vmem>>, vector<16xf32>,
    %swap3A_19 = vector.shape_cast %swap3A_18 : vector<16xf32> to vector<16xf32>
    %swap3A_20 = vector.shape_cast %broadcast_in_dim3A_3 : vector<16xf32> to vector<16xf32>
    tpu.vector_store %arg23[%swap3A], %swap3A_20 {strides = array<i32>} : memref<80xf32, #tpu.memory_space<vmem>>, vector<16xf32>,
    %swap3A_21 = arith.constant 16 : index
    %swap3A_22 = tpu.vector_load %arg23[%swap3A_21] {strides = array<i32>} : memref<80xf32, #tpu.memory_space<vmem>>, vector<16xf32>,
    %swap3A_23 = vector.shape_cast %swap3A_22 : vector<16xf32> to vector<16xf32>
    %swap3A_24 = vector.shape_cast %broadcast_in_dim3A_3 : vector<16xf32> to vector<16xf32>
    tpu.vector_store %arg23[%swap3A_21], %swap3A_24 {strides = array<i32>} : memref<80xf32, #tpu.memory_space<vmem>>, vector<16xf32>,
    %swap3A_25 = arith.constant 32 : index
    %swap3A_26 = tpu.vector_load %arg23[%swap3A_25] {strides = array<i32>} : memref<80xf32, #tpu.memory_space<vmem>>, vector<16xf32>,
    %swap3A_27 = vector.shape_cast %swap3A_26 : vector<16xf32> to vector<16xf32>
    %swap3A_28 = vector.shape_cast %broadcast_in_dim3A_3 : vector<16xf32> to vector<16xf32>
    tpu.vector_store %arg23[%swap3A_25], %swap3A_28 {strides = array<i32>} : memref<80xf32, #tpu.memory_space<vmem>>, vector<16xf32>,
    %swap3A_29 = arith.constant 48 : index
    %swap3A_30 = tpu.vector_load %arg23[%swap3A_29] {strides = array<i32>} : memref<80xf32, #tpu.memory_space<vmem>>, vector<16xf32>,
    %swap3A_31 = vector.shape_cast %swap3A_30 : vector<16xf32> to vector<16xf32>
    %swap3A_32 = vector.shape_cast %broadcast_in_dim3A_3 : vector<16xf32> to vector<16xf32>
    tpu.vector_store %arg23[%swap3A_29], %swap3A_32 {strides = array<i32>} : memref<80xf32, #tpu.memory_space<vmem>>, vector<16xf32>,
    %swap3A_33 = arith.constant 64 : index
    %swap3A_34 = tpu.vector_load %arg23[%swap3A_33] {strides = array<i32>} : memref<80xf32, #tpu.memory_space<vmem>>, vector<16xf32>,
    %swap3A_35 = vector.shape_cast %swap3A_34 : vector<16xf32> to vector<16xf32>
    %swap3A_36 = vector.shape_cast %broadcast_in_dim3A_3 : vector<16xf32> to vector<16xf32>
    tpu.vector_store %arg23[%swap3A_33], %swap3A_36 {strides = array<i32>} : memref<80xf32, #tpu.memory_space<vmem>>, vector<16xf32>,
    %run_scoped3A_37 = arith.constant 0 : i32
    "tpu.region"() ({
      %run_scoped3A_144 = tpu.sem_alloc : memref<!tpu.dma_semaphore, #tpu.memory_space<semaphore_mem>>
      %dma_start3A = arith.constant 0 : i32
      %dma_start3A_145 = tpu.memref_slice %arg9[%run_scoped3A_37, %dma_start3A] : memref<8x80xi32, #tpu.memory_space<vmem>> -> memref<1x80xi32, #tpu.memory_space<vmem>>
      %dma_start3A_146 = tpu.memref_squeeze %dma_start3A_145 : memref<1x80xi32, #tpu.memory_space<vmem>> -> memref<80xi32, #tpu.memory_space<vmem>>
      %dma_start3A_147 = arith.constant 0 : i32
      %dma_start3A_148 = tpu.memref_slice %arg22[%dma_start3A_147] : memref<10240xf32, #tpu.memory_space<vmem_shared>> -> memref<10240xf32, #tpu.memory_space<vmem_shared>>
      tpu.enqueue_indirect_dma source(%arg23 : memref<80xf32, #tpu.memory_space<vmem>>) target(%dma_start3A_148 : memref<10240xf32, #tpu.memory_space<vmem_shared>>) offsets(%dma_start3A_146 : memref<80xi32, #tpu.memory_space<vmem>>) semaphore(%run_scoped3A_144 : memref<!tpu.dma_semaphore, #tpu.memory_space<semaphore_mem>>)
      %dma_wait3A = arith.constant 0 : i32
      %dma_wait3A_149 = tpu.memref_slice %arg9[%run_scoped3A_37, %dma_wait3A] : memref<8x80xi32, #tpu.memory_space<vmem>> -> memref<1x80xi32, #tpu.memory_space<vmem>>
      %dma_wait3A_150 = tpu.memref_squeeze %dma_wait3A_149 : memref<1x80xi32, #tpu.memory_space<vmem>> -> memref<80xi32, #tpu.memory_space<vmem>>
      %dma_wait3A_151 = arith.constant 0 : i32
      %dma_wait3A_152 = tpu.memref_slice %arg22[%dma_wait3A_151] : memref<10240xf32, #tpu.memory_space<vmem_shared>> -> memref<10240xf32, #tpu.memory_space<vmem_shared>>
      tpu.wait_indirect_dma semaphore(%run_scoped3A_144 : memref<!tpu.dma_semaphore, #tpu.memory_space<semaphore_mem>>) src(%arg23 : memref<80xf32, #tpu.memory_space<vmem>>) dst(%dma_wait3A_152 : memref<10240xf32, #tpu.memory_space<vmem_shared>>)
      tpu.yield
    }) : () -> ()
    %run_scoped3A_38 = arith.constant 1 : i32
    "tpu.region"() ({
      %run_scoped3A_144 = tpu.sem_alloc : memref<!tpu.dma_semaphore, #tpu.memory_space<semaphore_mem>>
      %dma_start3A = arith.constant 0 : i32
      %dma_start3A_145 = tpu.memref_slice %arg9[%run_scoped3A_38, %dma_start3A] : memref<8x80xi32, #tpu.memory_space<vmem>> -> memref<1x80xi32, #tpu.memory_space<vmem>>
      %dma_start3A_146 = tpu.memref_squeeze %dma_start3A_145 : memref<1x80xi32, #tpu.memory_space<vmem>> -> memref<80xi32, #tpu.memory_space<vmem>>
      %dma_start3A_147 = arith.constant 0 : i32
      %dma_start3A_148 = tpu.memref_slice %arg22[%dma_start3A_147] : memref<10240xf32, #tpu.memory_space<vmem_shared>> -> memref<10240xf32, #tpu.memory_space<vmem_shared>>
      tpu.enqueue_indirect_dma source(%arg23 : memref<80xf32, #tpu.memory_space<vmem>>) target(%dma_start3A_148 : memref<10240xf32, #tpu.memory_space<vmem_shared>>) offsets(%dma_start3A_146 : memref<80xi32, #tpu.memory_space<vmem>>) semaphore(%run_scoped3A_144 : memref<!tpu.dma_semaphore, #tpu.memory_space<semaphore_mem>>)
      %dma_wait3A = arith.constant 0 : i32
      %dma_wait3A_149 = tpu.memref_slice %arg9[%run_scoped3A_38, %dma_wait3A] : memref<8x80xi32, #tpu.memory_space<vmem>> -> memref<1x80xi32, #tpu.memory_space<vmem>>
      %dma_wait3A_150 = tpu.memref_squeeze %dma_wait3A_149 : memref<1x80xi32, #tpu.memory_space<vmem>> -> memref<80xi32, #tpu.memory_space<vmem>>
      %dma_wait3A_151 = arith.constant 0 : i32
      %dma_wait3A_152 = tpu.memref_slice %arg22[%dma_wait3A_151] : memref<10240xf32, #tpu.memory_space<vmem_shared>> -> memref<10240xf32, #tpu.memory_space<vmem_shared>>
      tpu.wait_indirect_dma semaphore(%run_scoped3A_144 : memref<!tpu.dma_semaphore, #tpu.memory_space<semaphore_mem>>) src(%arg23 : memref<80xf32, #tpu.memory_space<vmem>>) dst(%dma_wait3A_152 : memref<10240xf32, #tpu.memory_space<vmem_shared>>)
      tpu.yield
    }) : () -> ()
    %run_scoped3A_39 = arith.constant 2 : i32
    "tpu.region"() ({
      %run_scoped3A_144 = tpu.sem_alloc : memref<!tpu.dma_semaphore, #tpu.memory_space<semaphore_mem>>
      %dma_start3A = arith.constant 0 : i32
      %dma_start3A_145 = tpu.memref_slice %arg9[%run_scoped3A_39, %dma_start3A] : memref<8x80xi32, #tpu.memory_space<vmem>> -> memref<1x80xi32, #tpu.memory_space<vmem>>
      %dma_start3A_146 = tpu.memref_squeeze %dma_start3A_145 : memref<1x80xi32, #tpu.memory_space<vmem>> -> memref<80xi32, #tpu.memory_space<vmem>>
      %dma_start3A_147 = arith.constant 0 : i32
      %dma_start3A_148 = tpu.memref_slice %arg22[%dma_start3A_147] : memref<10240xf32, #tpu.memory_space<vmem_shared>> -> memref<10240xf32, #tpu.memory_space<vmem_shared>>
      tpu.enqueue_indirect_dma source(%arg23 : memref<80xf32, #tpu.memory_space<vmem>>) target(%dma_start3A_148 : memref<10240xf32, #tpu.memory_space<vmem_shared>>) offsets(%dma_start3A_146 : memref<80xi32, #tpu.memory_space<vmem>>) semaphore(%run_scoped3A_144 : memref<!tpu.dma_semaphore, #tpu.memory_space<semaphore_mem>>)
      %dma_wait3A = arith.constant 0 : i32
      %dma_wait3A_149 = tpu.memref_slice %arg9[%run_scoped3A_39, %dma_wait3A] : memref<8x80xi32, #tpu.memory_space<vmem>> -> memref<1x80xi32, #tpu.memory_space<vmem>>
      %dma_wait3A_150 = tpu.memref_squeeze %dma_wait3A_149 : memref<1x80xi32, #tpu.memory_space<vmem>> -> memref<80xi32, #tpu.memory_space<vmem>>
      %dma_wait3A_151 = arith.constant 0 : i32
      %dma_wait3A_152 = tpu.memref_slice %arg22[%dma_wait3A_151] : memref<10240xf32, #tpu.memory_space<vmem_shared>> -> memref<10240xf32, #tpu.memory_space<vmem_shared>>
      tpu.wait_indirect_dma semaphore(%run_scoped3A_144 : memref<!tpu.dma_semaphore, #tpu.memory_space<semaphore_mem>>) src(%arg23 : memref<80xf32, #tpu.memory_space<vmem>>) dst(%dma_wait3A_152 : memref<10240xf32, #tpu.memory_space<vmem_shared>>)
      tpu.yield
    }) : () -> ()
    %run_scoped3A_40 = arith.constant 3 : i32
    "tpu.region"() ({
      %run_scoped3A_144 = tpu.sem_alloc : memref<!tpu.dma_semaphore, #tpu.memory_space<semaphore_mem>>
      %dma_start3A = arith.constant 0 : i32
      %dma_start3A_145 = tpu.memref_slice %arg9[%run_scoped3A_40, %dma_start3A] : memref<8x80xi32, #tpu.memory_space<vmem>> -> memref<1x80xi32, #tpu.memory_space<vmem>>
      %dma_start3A_146 = tpu.memref_squeeze %dma_start3A_145 : memref<1x80xi32, #tpu.memory_space<vmem>> -> memref<80xi32, #tpu.memory_space<vmem>>
      %dma_start3A_147 = arith.constant 0 : i32
      %dma_start3A_148 = tpu.memref_slice %arg22[%dma_start3A_147] : memref<10240xf32, #tpu.memory_space<vmem_shared>> -> memref<10240xf32, #tpu.memory_space<vmem_shared>>
      tpu.enqueue_indirect_dma source(%arg23 : memref<80xf32, #tpu.memory_space<vmem>>) target(%dma_start3A_148 : memref<10240xf32, #tpu.memory_space<vmem_shared>>) offsets(%dma_start3A_146 : memref<80xi32, #tpu.memory_space<vmem>>) semaphore(%run_scoped3A_144 : memref<!tpu.dma_semaphore, #tpu.memory_space<semaphore_mem>>)
      %dma_wait3A = arith.constant 0 : i32
      %dma_wait3A_149 = tpu.memref_slice %arg9[%run_scoped3A_40, %dma_wait3A] : memref<8x80xi32, #tpu.memory_space<vmem>> -> memref<1x80xi32, #tpu.memory_space<vmem>>
      %dma_wait3A_150 = tpu.memref_squeeze %dma_wait3A_149 : memref<1x80xi32, #tpu.memory_space<vmem>> -> memref<80xi32, #tpu.memory_space<vmem>>
      %dma_wait3A_151 = arith.constant 0 : i32
      %dma_wait3A_152 = tpu.memref_slice %arg22[%dma_wait3A_151] : memref<10240xf32, #tpu.memory_space<vmem_shared>> -> memref<10240xf32, #tpu.memory_space<vmem_shared>>
      tpu.wait_indirect_dma semaphore(%run_scoped3A_144 : memref<!tpu.dma_semaphore, #tpu.memory_space<semaphore_mem>>) src(%arg23 : memref<80xf32, #tpu.memory_space<vmem>>) dst(%dma_wait3A_152 : memref<10240xf32, #tpu.memory_space<vmem_shared>>)
      tpu.yield
    }) : () -> ()
    %run_scoped3A_41 = arith.constant 4 : i32
    "tpu.region"() ({
      %run_scoped3A_144 = tpu.sem_alloc : memref<!tpu.dma_semaphore, #tpu.memory_space<semaphore_mem>>
      %dma_start3A = arith.constant 0 : i32
      %dma_start3A_145 = tpu.memref_slice %arg9[%run_scoped3A_41, %dma_start3A] : memref<8x80xi32, #tpu.memory_space<vmem>> -> memref<1x80xi32, #tpu.memory_space<vmem>>
      %dma_start3A_146 = tpu.memref_squeeze %dma_start3A_145 : memref<1x80xi32, #tpu.memory_space<vmem>> -> memref<80xi32, #tpu.memory_space<vmem>>
      %dma_start3A_147 = arith.constant 0 : i32
      %dma_start3A_148 = tpu.memref_slice %arg22[%dma_start3A_147] : memref<10240xf32, #tpu.memory_space<vmem_shared>> -> memref<10240xf32, #tpu.memory_space<vmem_shared>>
      tpu.enqueue_indirect_dma source(%arg23 : memref<80xf32, #tpu.memory_space<vmem>>) target(%dma_start3A_148 : memref<10240xf32, #tpu.memory_space<vmem_shared>>) offsets(%dma_start3A_146 : memref<80xi32, #tpu.memory_space<vmem>>) semaphore(%run_scoped3A_144 : memref<!tpu.dma_semaphore, #tpu.memory_space<semaphore_mem>>)
      %dma_wait3A = arith.constant 0 : i32
      %dma_wait3A_149 = tpu.memref_slice %arg9[%run_scoped3A_41, %dma_wait3A] : memref<8x80xi32, #tpu.memory_space<vmem>> -> memref<1x80xi32, #tpu.memory_space<vmem>>
      %dma_wait3A_150 = tpu.memref_squeeze %dma_wait3A_149 : memref<1x80xi32, #tpu.memory_space<vmem>> -> memref<80xi32, #tpu.memory_space<vmem>>
      %dma_wait3A_151 = arith.constant 0 : i32
      %dma_wait3A_152 = tpu.memref_slice %arg22[%dma_wait3A_151] : memref<10240xf32, #tpu.memory_space<vmem_shared>> -> memref<10240xf32, #tpu.memory_space<vmem_shared>>
      tpu.wait_indirect_dma semaphore(%run_scoped3A_144 : memref<!tpu.dma_semaphore, #tpu.memory_space<semaphore_mem>>) src(%arg23 : memref<80xf32, #tpu.memory_space<vmem>>) dst(%dma_wait3A_152 : memref<10240xf32, #tpu.memory_space<vmem_shared>>)
      tpu.yield
    }) : () -> ()
    %run_scoped3A_42 = arith.constant 5 : i32
    "tpu.region"() ({
      %run_scoped3A_144 = tpu.sem_alloc : memref<!tpu.dma_semaphore, #tpu.memory_space<semaphore_mem>>
      %dma_start3A = arith.constant 0 : i32
      %dma_start3A_145 = tpu.memref_slice %arg9[%run_scoped3A_42, %dma_start3A] : memref<8x80xi32, #tpu.memory_space<vmem>> -> memref<1x80xi32, #tpu.memory_space<vmem>>
      %dma_start3A_146 = tpu.memref_squeeze %dma_start3A_145 : memref<1x80xi32, #tpu.memory_space<vmem>> -> memref<80xi32, #tpu.memory_space<vmem>>
      %dma_start3A_147 = arith.constant 0 : i32
      %dma_start3A_148 = tpu.memref_slice %arg22[%dma_start3A_147] : memref<10240xf32, #tpu.memory_space<vmem_shared>> -> memref<10240xf32, #tpu.memory_space<vmem_shared>>
      tpu.enqueue_indirect_dma source(%arg23 : memref<80xf32, #tpu.memory_space<vmem>>) target(%dma_start3A_148 : memref<10240xf32, #tpu.memory_space<vmem_shared>>) offsets(%dma_start3A_146 : memref<80xi32, #tpu.memory_space<vmem>>) semaphore(%run_scoped3A_144 : memref<!tpu.dma_semaphore, #tpu.memory_space<semaphore_mem>>)
      %dma_wait3A = arith.constant 0 : i32
      %dma_wait3A_149 = tpu.memref_slice %arg9[%run_scoped3A_42, %dma_wait3A] : memref<8x80xi32, #tpu.memory_space<vmem>> -> memref<1x80xi32, #tpu.memory_space<vmem>>
      %dma_wait3A_150 = tpu.memref_squeeze %dma_wait3A_149 : memref<1x80xi32, #tpu.memory_space<vmem>> -> memref<80xi32, #tpu.memory_space<vmem>>
      %dma_wait3A_151 = arith.constant 0 : i32
      %dma_wait3A_152 = tpu.memref_slice %arg22[%dma_wait3A_151] : memref<10240xf32, #tpu.memory_space<vmem_shared>> -> memref<10240xf32, #tpu.memory_space<vmem_shared>>
      tpu.wait_indirect_dma semaphore(%run_scoped3A_144 : memref<!tpu.dma_semaphore, #tpu.memory_space<semaphore_mem>>) src(%arg23 : memref<80xf32, #tpu.memory_space<vmem>>) dst(%dma_wait3A_152 : memref<10240xf32, #tpu.memory_space<vmem_shared>>)
      tpu.yield
    }) : () -> ()
    %run_scoped3A_43 = arith.constant 6 : i32
    "tpu.region"() ({
      %run_scoped3A_144 = tpu.sem_alloc : memref<!tpu.dma_semaphore, #tpu.memory_space<semaphore_mem>>
      %dma_start3A = arith.constant 0 : i32
      %dma_start3A_145 = tpu.memref_slice %arg9[%run_scoped3A_43, %dma_start3A] : memref<8x80xi32, #tpu.memory_space<vmem>> -> memref<1x80xi32, #tpu.memory_space<vmem>>
      %dma_start3A_146 = tpu.memref_squeeze %dma_start3A_145 : memref<1x80xi32, #tpu.memory_space<vmem>> -> memref<80xi32, #tpu.memory_space<vmem>>
      %dma_start3A_147 = arith.constant 0 : i32
      %dma_start3A_148 = tpu.memref_slice %arg22[%dma_start3A_147] : memref<10240xf32, #tpu.memory_space<vmem_shared>> -> memref<10240xf32, #tpu.memory_space<vmem_shared>>
      tpu.enqueue_indirect_dma source(%arg23 : memref<80xf32, #tpu.memory_space<vmem>>) target(%dma_start3A_148 : memref<10240xf32, #tpu.memory_space<vmem_shared>>) offsets(%dma_start3A_146 : memref<80xi32, #tpu.memory_space<vmem>>) semaphore(%run_scoped3A_144 : memref<!tpu.dma_semaphore, #tpu.memory_space<semaphore_mem>>)
      %dma_wait3A = arith.constant 0 : i32
      %dma_wait3A_149 = tpu.memref_slice %arg9[%run_scoped3A_43, %dma_wait3A] : memref<8x80xi32, #tpu.memory_space<vmem>> -> memref<1x80xi32, #tpu.memory_space<vmem>>
      %dma_wait3A_150 = tpu.memref_squeeze %dma_wait3A_149 : memref<1x80xi32, #tpu.memory_space<vmem>> -> memref<80xi32, #tpu.memory_space<vmem>>
      %dma_wait3A_151 = arith.constant 0 : i32
      %dma_wait3A_152 = tpu.memref_slice %arg22[%dma_wait3A_151] : memref<10240xf32, #tpu.memory_space<vmem_shared>> -> memref<10240xf32, #tpu.memory_space<vmem_shared>>
      tpu.wait_indirect_dma semaphore(%run_scoped3A_144 : memref<!tpu.dma_semaphore, #tpu.memory_space<semaphore_mem>>) src(%arg23 : memref<80xf32, #tpu.memory_space<vmem>>) dst(%dma_wait3A_152 : memref<10240xf32, #tpu.memory_space<vmem_shared>>)
      tpu.yield
    }) : () -> ()
    %run_scoped3A_44 = arith.constant 7 : i32
    "tpu.region"() ({
      %run_scoped3A_144 = tpu.sem_alloc : memref<!tpu.dma_semaphore, #tpu.memory_space<semaphore_mem>>
      %dma_start3A = arith.constant 0 : i32
      %dma_start3A_145 = tpu.memref_slice %arg9[%run_scoped3A_44, %dma_start3A] : memref<8x80xi32, #tpu.memory_space<vmem>> -> memref<1x80xi32, #tpu.memory_space<vmem>>
      %dma_start3A_146 = tpu.memref_squeeze %dma_start3A_145 : memref<1x80xi32, #tpu.memory_space<vmem>> -> memref<80xi32, #tpu.memory_space<vmem>>
      %dma_start3A_147 = arith.constant 0 : i32
      %dma_start3A_148 = tpu.memref_slice %arg22[%dma_start3A_147] : memref<10240xf32, #tpu.memory_space<vmem_shared>> -> memref<10240xf32, #tpu.memory_space<vmem_shared>>
      tpu.enqueue_indirect_dma source(%arg23 : memref<80xf32, #tpu.memory_space<vmem>>) target(%dma_start3A_148 : memref<10240xf32, #tpu.memory_space<vmem_shared>>) offsets(%dma_start3A_146 : memref<80xi32, #tpu.memory_space<vmem>>) semaphore(%run_scoped3A_144 : memref<!tpu.dma_semaphore, #tpu.memory_space<semaphore_mem>>)
      %dma_wait3A = arith.constant 0 : i32
      %dma_wait3A_149 = tpu.memref_slice %arg9[%run_scoped3A_44, %dma_wait3A] : memref<8x80xi32, #tpu.memory_space<vmem>> -> memref<1x80xi32, #tpu.memory_space<vmem>>
      %dma_wait3A_150 = tpu.memref_squeeze %dma_wait3A_149 : memref<1x80xi32, #tpu.memory_space<vmem>> -> memref<80xi32, #tpu.memory_space<vmem>>
      %dma_wait3A_151 = arith.constant 0 : i32
      %dma_wait3A_152 = tpu.memref_slice %arg22[%dma_wait3A_151] : memref<10240xf32, #tpu.memory_space<vmem_shared>> -> memref<10240xf32, #tpu.memory_space<vmem_shared>>
      tpu.wait_indirect_dma semaphore(%run_scoped3A_144 : memref<!tpu.dma_semaphore, #tpu.memory_space<semaphore_mem>>) src(%arg23 : memref<80xf32, #tpu.memory_space<vmem>>) dst(%dma_wait3A_152 : memref<10240xf32, #tpu.memory_space<vmem_shared>>)
      tpu.yield
    }) : () -> ()
    %swap3A_45 = arith.constant 0 : index
    %swap3A_46 = tpu.vector_load %arg23[%swap3A_45] {strides = array<i32>} : memref<80xf32, #tpu.memory_space<vmem>>, vector<16xf32>,
    %swap3A_47 = vector.shape_cast %swap3A_46 : vector<16xf32> to vector<16xf32>
    %swap3A_48 = vector.shape_cast %broadcast_in_dim3A_5 : vector<16xf32> to vector<16xf32>
    tpu.vector_store %arg23[%swap3A_45], %swap3A_48 {strides = array<i32>} : memref<80xf32, #tpu.memory_space<vmem>>, vector<16xf32>,
    %swap3A_49 = arith.constant 16 : index
    %swap3A_50 = tpu.vector_load %arg23[%swap3A_49] {strides = array<i32>} : memref<80xf32, #tpu.memory_space<vmem>>, vector<16xf32>,
    %swap3A_51 = vector.shape_cast %swap3A_50 : vector<16xf32> to vector<16xf32>
    %swap3A_52 = vector.shape_cast %broadcast_in_dim3A_5 : vector<16xf32> to vector<16xf32>
    tpu.vector_store %arg23[%swap3A_49], %swap3A_52 {strides = array<i32>} : memref<80xf32, #tpu.memory_space<vmem>>, vector<16xf32>,
    %swap3A_53 = arith.constant 32 : index
    %swap3A_54 = tpu.vector_load %arg23[%swap3A_53] {strides = array<i32>} : memref<80xf32, #tpu.memory_space<vmem>>, vector<16xf32>,
    %swap3A_55 = vector.shape_cast %swap3A_54 : vector<16xf32> to vector<16xf32>
    %swap3A_56 = vector.shape_cast %broadcast_in_dim3A_5 : vector<16xf32> to vector<16xf32>
    tpu.vector_store %arg23[%swap3A_53], %swap3A_56 {strides = array<i32>} : memref<80xf32, #tpu.memory_space<vmem>>, vector<16xf32>,
    %swap3A_57 = arith.constant 48 : index
    %swap3A_58 = tpu.vector_load %arg23[%swap3A_57] {strides = array<i32>} : memref<80xf32, #tpu.memory_space<vmem>>, vector<16xf32>,
    %swap3A_59 = vector.shape_cast %swap3A_58 : vector<16xf32> to vector<16xf32>
    %swap3A_60 = vector.shape_cast %broadcast_in_dim3A_5 : vector<16xf32> to vector<16xf32>
    tpu.vector_store %arg23[%swap3A_57], %swap3A_60 {strides = array<i32>} : memref<80xf32, #tpu.memory_space<vmem>>, vector<16xf32>,
    %swap3A_61 = arith.constant 64 : index
    %swap3A_62 = tpu.vector_load %arg23[%swap3A_61] {strides = array<i32>} : memref<80xf32, #tpu.memory_space<vmem>>, vector<16xf32>,
    %swap3A_63 = vector.shape_cast %swap3A_62 : vector<16xf32> to vector<16xf32>
    %swap3A_64 = vector.shape_cast %broadcast_in_dim3A_5 : vector<16xf32> to vector<16xf32>
    tpu.vector_store %arg23[%swap3A_61], %swap3A_64 {strides = array<i32>} : memref<80xf32, #tpu.memory_space<vmem>>, vector<16xf32>,
    %barrier3A = arith.constant 0 : index
    tpu.barrier barrier_id(%barrier3A)
    %scan3A_65 = arith.constant 0 : i32
    %scan3A_66 = arith.constant 0 : i32
    %scan3A_67 = arith.constant 5 : i32
    %scan3A_68 = arith.addi %scan3A_66, %scan3A_67 : i32
    %scan3A_69 = arith.constant 1 : i32
    scf.for %scan3A_144 = %scan3A_66 to %scan3A_68 step %scan3A_69  : i32 {
      "tpu.region"() ({
        %run_scoped3A_537 = tpu.sem_alloc : memref<!tpu.dma_semaphore, #tpu.memory_space<semaphore_mem>>
        %dma_start3A_538 = arith.constant 0 : i32
        %dma_start3A_539 = arith.constant 0 : i32
        %dma_start3A_540 = tpu.memref_slice %arg4[%add3A, %scan3A_144, %dma_start3A_538, %dma_start3A_539] : memref<32x5x25x80xi32, #tpu.memory_space<hbm>> -> memref<1x1x25x80xi32, #tpu.memory_space<hbm>>
        %dma_start3A_541 = tpu.memref_squeeze %dma_start3A_540 : memref<1x1x25x80xi32, #tpu.memory_space<hbm>> -> memref<25x80xi32, #tpu.memory_space<hbm>>
        %dma_start3A_542 = arith.constant 0 : i32
        %dma_start3A_543 = arith.constant 0 : i32
        %dma_start3A_544 = tpu.memref_slice %arg4[%add3A, %scan3A_144, %dma_start3A_542, %dma_start3A_543] : memref<32x5x25x80xi32, #tpu.memory_space<hbm>> -> memref<1x1x25x80xi32, #tpu.memory_space<hbm>>
        %dma_start3A_545 = tpu.memref_squeeze %dma_start3A_544 : memref<1x1x25x80xi32, #tpu.memory_space<hbm>> -> memref<25x80xi32, #tpu.memory_space<hbm>>
        tpu.enqueue_dma source(%dma_start3A_545 : memref<25x80xi32, #tpu.memory_space<hbm>>) target(%arg10 : memref<25x80xi32, #tpu.memory_space<vmem>>) target_semaphore(%run_scoped3A_537 : memref<!tpu.dma_semaphore, #tpu.memory_space<semaphore_mem>>)
        %dma_wait3A_546 = arith.constant 0 : i32
        %dma_wait3A_547 = arith.constant 0 : i32
        %dma_wait3A_548 = tpu.memref_slice %arg4[%add3A, %scan3A_144, %dma_wait3A_546, %dma_wait3A_547] : memref<32x5x25x80xi32, #tpu.memory_space<hbm>> -> memref<1x1x25x80xi32, #tpu.memory_space<hbm>>
        %dma_wait3A_549 = tpu.memref_squeeze %dma_wait3A_548 : memref<1x1x25x80xi32, #tpu.memory_space<hbm>> -> memref<25x80xi32, #tpu.memory_space<hbm>>
        %dma_wait3A_550 = arith.constant 0 : i32
        %dma_wait3A_551 = arith.constant 0 : i32
        %dma_wait3A_552 = tpu.memref_slice %arg4[%add3A, %scan3A_144, %dma_wait3A_550, %dma_wait3A_551] : memref<32x5x25x80xi32, #tpu.memory_space<hbm>> -> memref<1x1x25x80xi32, #tpu.memory_space<hbm>>
        %dma_wait3A_553 = tpu.memref_squeeze %dma_wait3A_552 : memref<1x1x25x80xi32, #tpu.memory_space<hbm>> -> memref<25x80xi32, #tpu.memory_space<hbm>>
        tpu.wait_dma2 semaphore(%run_scoped3A_537 : memref<!tpu.dma_semaphore, #tpu.memory_space<semaphore_mem>>) src(%dma_wait3A_553 : memref<25x80xi32, #tpu.memory_space<hbm>>) dst(%arg10 : memref<25x80xi32, #tpu.memory_space<vmem>>)
        tpu.yield
      }) : () -> ()
      "tpu.region"() ({
        %run_scoped3A_537 = tpu.sem_alloc : memref<!tpu.dma_semaphore, #tpu.memory_space<semaphore_mem>>
        %dma_start3A_538 = arith.constant 0 : i32
        %dma_start3A_539 = arith.constant 0 : i32
        %dma_start3A_540 = tpu.memref_slice %arg5[%add3A, %scan3A_144, %dma_start3A_538, %dma_start3A_539] : memref<32x5x25x80xi32, #tpu.memory_space<hbm>> -> memref<1x1x25x80xi32, #tpu.memory_space<hbm>>
        %dma_start3A_541 = tpu.memref_squeeze %dma_start3A_540 : memref<1x1x25x80xi32, #tpu.memory_space<hbm>> -> memref<25x80xi32, #tpu.memory_space<hbm>>
        %dma_start3A_542 = arith.constant 0 : i32
        %dma_start3A_543 = arith.constant 0 : i32
        %dma_start3A_544 = tpu.memref_slice %arg5[%add3A, %scan3A_144, %dma_start3A_542, %dma_start3A_543] : memref<32x5x25x80xi32, #tpu.memory_space<hbm>> -> memref<1x1x25x80xi32, #tpu.memory_space<hbm>>
        %dma_start3A_545 = tpu.memref_squeeze %dma_start3A_544 : memref<1x1x25x80xi32, #tpu.memory_space<hbm>> -> memref<25x80xi32, #tpu.memory_space<hbm>>
        tpu.enqueue_dma source(%dma_start3A_545 : memref<25x80xi32, #tpu.memory_space<hbm>>) target(%arg11 : memref<25x80xi32, #tpu.memory_space<vmem>>) target_semaphore(%run_scoped3A_537 : memref<!tpu.dma_semaphore, #tpu.memory_space<semaphore_mem>>)
        %dma_wait3A_546 = arith.constant 0 : i32
        %dma_wait3A_547 = arith.constant 0 : i32
        %dma_wait3A_548 = tpu.memref_slice %arg5[%add3A, %scan3A_144, %dma_wait3A_546, %dma_wait3A_547] : memref<32x5x25x80xi32, #tpu.memory_space<hbm>> -> memref<1x1x25x80xi32, #tpu.memory_space<hbm>>
        %dma_wait3A_549 = tpu.memref_squeeze %dma_wait3A_548 : memref<1x1x25x80xi32, #tpu.memory_space<hbm>> -> memref<25x80xi32, #tpu.memory_space<hbm>>
        %dma_wait3A_550 = arith.constant 0 : i32
        %dma_wait3A_551 = arith.constant 0 : i32
        %dma_wait3A_552 = tpu.memref_slice %arg5[%add3A, %scan3A_144, %dma_wait3A_550, %dma_wait3A_551] : memref<32x5x25x80xi32, #tpu.memory_space<hbm>> -> memref<1x1x25x80xi32, #tpu.memory_space<hbm>>
        %dma_wait3A_553 = tpu.memref_squeeze %dma_wait3A_552 : memref<1x1x25x80xi32, #tpu.memory_space<hbm>> -> memref<25x80xi32, #tpu.memory_space<hbm>>
        tpu.wait_dma2 semaphore(%run_scoped3A_537 : memref<!tpu.dma_semaphore, #tpu.memory_space<semaphore_mem>>) src(%dma_wait3A_553 : memref<25x80xi32, #tpu.memory_space<hbm>>) dst(%arg11 : memref<25x80xi32, #tpu.memory_space<vmem>>)
        tpu.yield
      }) : () -> ()
      %dma_start3A = arith.constant 0 : i32
      %dma_start3A_145 = arith.constant 0 : i32
      %dma_start3A_146 = tpu.memref_slice %arg10[%dma_start3A, %dma_start3A_145] : memref<25x80xi32, #tpu.memory_space<vmem>> -> memref<1x80xi32, #tpu.memory_space<vmem>>
      %dma_start3A_147 = tpu.memref_squeeze %dma_start3A_146 : memref<1x80xi32, #tpu.memory_space<vmem>> -> memref<80xi32, #tpu.memory_space<vmem>>
      %dma_start3A_148 = arith.constant 0 : i32
      %dma_start3A_149 = arith.constant 0 : i32
      %dma_start3A_150 = tpu.memref_slice %arg2[%dma_start3A_148, %dma_start3A_149] : memref<10000x128xf32, #tpu.memory_space<hbm>> -> memref<10000x128xf32, #tpu.memory_space<hbm>>
      tpu.enqueue_indirect_dma source(%dma_start3A_150 : memref<10000x128xf32, #tpu.memory_space<hbm>>) target(%arg12 : memref<80x128xf32, #tpu.memory_space<vmem>>) offsets(%dma_start3A_147 : memref<80xi32, #tpu.memory_space<vmem>>) semaphore(%arg15 : memref<!tpu.dma_semaphore, #tpu.memory_space<semaphore_mem>>)
      %dma_start3A_151 = arith.constant 1 : i32
      %dma_start3A_152 = arith.constant 0 : i32
      %dma_start3A_153 = tpu.memref_slice %arg10[%dma_start3A_151, %dma_start3A_152] : memref<25x80xi32, #tpu.memory_space<vmem>> -> memref<1x80xi32, #tpu.memory_space<vmem>>
      %dma_start3A_154 = tpu.memref_squeeze %dma_start3A_153 : memref<1x80xi32, #tpu.memory_space<vmem>> -> memref<80xi32, #tpu.memory_space<vmem>>
      %dma_start3A_155 = arith.constant 0 : i32
      %dma_start3A_156 = arith.constant 0 : i32
      %dma_start3A_157 = tpu.memref_slice %arg2[%dma_start3A_155, %dma_start3A_156] : memref<10000x128xf32, #tpu.memory_space<hbm>> -> memref<10000x128xf32, #tpu.memory_space<hbm>>
      tpu.enqueue_indirect_dma source(%dma_start3A_157 : memref<10000x128xf32, #tpu.memory_space<hbm>>) target(%arg13 : memref<80x128xf32, #tpu.memory_space<vmem>>) offsets(%dma_start3A_154 : memref<80xi32, #tpu.memory_space<vmem>>) semaphore(%arg16 : memref<!tpu.dma_semaphore, #tpu.memory_space<semaphore_mem>>)
      %dma_wait3A = arith.constant 0 : i32
      %dma_wait3A_158 = arith.constant 0 : i32
      %dma_wait3A_159 = tpu.memref_slice %arg10[%dma_wait3A, %dma_wait3A_158] : memref<25x80xi32, #tpu.memory_space<vmem>> -> memref<1x80xi32, #tpu.memory_space<vmem>>
      %dma_wait3A_160 = tpu.memref_squeeze %dma_wait3A_159 : memref<1x80xi32, #tpu.memory_space<vmem>> -> memref<80xi32, #tpu.memory_space<vmem>>
      %dma_wait3A_161 = arith.constant 0 : i32
      %dma_wait3A_162 = arith.constant 0 : i32
      %dma_wait3A_163 = tpu.memref_slice %arg2[%dma_wait3A_161, %dma_wait3A_162] : memref<10000x128xf32, #tpu.memory_space<hbm>> -> memref<10000x128xf32, #tpu.memory_space<hbm>>
      tpu.wait_indirect_dma semaphore(%arg15 : memref<!tpu.dma_semaphore, #tpu.memory_space<semaphore_mem>>) src(%dma_wait3A_163 : memref<10000x128xf32, #tpu.memory_space<hbm>>) dst(%arg12 : memref<80x128xf32, #tpu.memory_space<vmem>>)
      %dma_start3A_164 = arith.constant 0 : i32
      %dma_start3A_165 = arith.constant 0 : i32
      %dma_start3A_166 = tpu.memref_slice %arg11[%dma_start3A_164, %dma_start3A_165] : memref<25x80xi32, #tpu.memory_space<vmem>> -> memref<1x80xi32, #tpu.memory_space<vmem>>
      %dma_start3A_167 = tpu.memref_squeeze %dma_start3A_166 : memref<1x80xi32, #tpu.memory_space<vmem>> -> memref<80xi32, #tpu.memory_space<vmem>>
      %dma_start3A_168 = arith.constant 0 : i32
      %dma_start3A_169 = arith.constant 0 : i32
      %dma_start3A_170 = tpu.memref_slice %arg8[%dma_start3A_168, %dma_start3A_169] : memref<10240x128xf32, #tpu.memory_space<vmem_shared>> -> memref<10240x128xf32, #tpu.memory_space<vmem_shared>>
      tpu.enqueue_indirect_dma source(%arg12 : memref<80x128xf32, #tpu.memory_space<vmem>>) target(%dma_start3A_170 : memref<10240x128xf32, #tpu.memory_space<vmem_shared>>) offsets(%dma_start3A_167 : memref<80xi32, #tpu.memory_space<vmem>>) semaphore(%arg18 : memref<!tpu.dma_semaphore, #tpu.memory_space<semaphore_mem>>) {add = true}
      %dma_start3A_171 = arith.constant 0 : i32
      %dma_start3A_172 = arith.constant 0 : i32
      %dma_start3A_173 = tpu.memref_slice %arg11[%dma_start3A_171, %dma_start3A_172] : memref<25x80xi32, #tpu.memory_space<vmem>> -> memref<1x80xi32, #tpu.memory_space<vmem>>
      %dma_start3A_174 = tpu.memref_squeeze %dma_start3A_173 : memref<1x80xi32, #tpu.memory_space<vmem>> -> memref<80xi32, #tpu.memory_space<vmem>>
      %dma_start3A_175 = arith.constant 0 : i32
      %dma_start3A_176 = tpu.memref_slice %arg22[%dma_start3A_175] : memref<10240xf32, #tpu.memory_space<vmem_shared>> -> memref<10240xf32, #tpu.memory_space<vmem_shared>>
      tpu.enqueue_indirect_dma source(%arg23 : memref<80xf32, #tpu.memory_space<vmem>>) target(%dma_start3A_176 : memref<10240xf32, #tpu.memory_space<vmem_shared>>) offsets(%dma_start3A_174 : memref<80xi32, #tpu.memory_space<vmem>>) semaphore(%arg21 : memref<!tpu.dma_semaphore, #tpu.memory_space<semaphore_mem>>) {add = true}
      %dma_start3A_177 = arith.constant 2 : i32
      %dma_start3A_178 = arith.constant 0 : i32
      %dma_start3A_179 = tpu.memref_slice %arg10[%dma_start3A_177, %dma_start3A_178] : memref<25x80xi32, #tpu.memory_space<vmem>> -> memref<1x80xi32, #tpu.memory_space<vmem>>
      %dma_start3A_180 = tpu.memref_squeeze %dma_start3A_179 : memref<1x80xi32, #tpu.memory_space<vmem>> -> memref<80xi32, #tpu.memory_space<vmem>>
      %dma_start3A_181 = arith.constant 0 : i32
      %dma_start3A_182 = arith.constant 0 : i32
      %dma_start3A_183 = tpu.memref_slice %arg2[%dma_start3A_181, %dma_start3A_182] : memref<10000x128xf32, #tpu.memory_space<hbm>> -> memref<10000x128xf32, #tpu.memory_space<hbm>>
      tpu.enqueue_indirect_dma source(%dma_start3A_183 : memref<10000x128xf32, #tpu.memory_space<hbm>>) target(%arg14 : memref<80x128xf32, #tpu.memory_space<vmem>>) offsets(%dma_start3A_180 : memref<80xi32, #tpu.memory_space<vmem>>) semaphore(%arg17 : memref<!tpu.dma_semaphore, #tpu.memory_space<semaphore_mem>>)
      %dma_wait3A_184 = arith.constant 0 : i32
      %dma_wait3A_185 = arith.constant 0 : i32
      %dma_wait3A_186 = tpu.memref_slice %arg10[%dma_wait3A_184, %dma_wait3A_185] : memref<25x80xi32, #tpu.memory_space<vmem>> -> memref<1x80xi32, #tpu.memory_space<vmem>>
      %dma_wait3A_187 = tpu.memref_squeeze %dma_wait3A_186 : memref<1x80xi32, #tpu.memory_space<vmem>> -> memref<80xi32, #tpu.memory_space<vmem>>
      %dma_wait3A_188 = arith.constant 0 : i32
      %dma_wait3A_189 = arith.constant 0 : i32
      %dma_wait3A_190 = tpu.memref_slice %arg2[%dma_wait3A_188, %dma_wait3A_189] : memref<10000x128xf32, #tpu.memory_space<hbm>> -> memref<10000x128xf32, #tpu.memory_space<hbm>>
      tpu.wait_indirect_dma semaphore(%arg16 : memref<!tpu.dma_semaphore, #tpu.memory_space<semaphore_mem>>) src(%dma_wait3A_190 : memref<10000x128xf32, #tpu.memory_space<hbm>>) dst(%arg13 : memref<80x128xf32, #tpu.memory_space<vmem>>)
      %dma_start3A_191 = arith.constant 1 : i32
      %dma_start3A_192 = arith.constant 0 : i32
      %dma_start3A_193 = tpu.memref_slice %arg11[%dma_start3A_191, %dma_start3A_192] : memref<25x80xi32, #tpu.memory_space<vmem>> -> memref<1x80xi32, #tpu.memory_space<vmem>>
      %dma_start3A_194 = tpu.memref_squeeze %dma_start3A_193 : memref<1x80xi32, #tpu.memory_space<vmem>> -> memref<80xi32, #tpu.memory_space<vmem>>
      %dma_start3A_195 = arith.constant 0 : i32
      %dma_start3A_196 = arith.constant 0 : i32
      %dma_start3A_197 = tpu.memref_slice %arg8[%dma_start3A_195, %dma_start3A_196] : memref<10240x128xf32, #tpu.memory_space<vmem_shared>> -> memref<10240x128xf32, #tpu.memory_space<vmem_shared>>
      tpu.enqueue_indirect_dma source(%arg13 : memref<80x128xf32, #tpu.memory_space<vmem>>) target(%dma_start3A_197 : memref<10240x128xf32, #tpu.memory_space<vmem_shared>>) offsets(%dma_start3A_194 : memref<80xi32, #tpu.memory_space<vmem>>) semaphore(%arg19 : memref<!tpu.dma_semaphore, #tpu.memory_space<semaphore_mem>>) {add = true}
      %dma_start3A_198 = arith.constant 1 : i32
      %dma_start3A_199 = arith.constant 0 : i32
      %dma_start3A_200 = tpu.memref_slice %arg11[%dma_start3A_198, %dma_start3A_199] : memref<25x80xi32, #tpu.memory_space<vmem>> -> memref<1x80xi32, #tpu.memory_space<vmem>>
      %dma_start3A_201 = tpu.memref_squeeze %dma_start3A_200 : memref<1x80xi32, #tpu.memory_space<vmem>> -> memref<80xi32, #tpu.memory_space<vmem>>
      %dma_start3A_202 = arith.constant 0 : i32
      %dma_start3A_203 = tpu.memref_slice %arg22[%dma_start3A_202] : memref<10240xf32, #tpu.memory_space<vmem_shared>> -> memref<10240xf32, #tpu.memory_space<vmem_shared>>
      tpu.enqueue_indirect_dma source(%arg23 : memref<80xf32, #tpu.memory_space<vmem>>) target(%dma_start3A_203 : memref<10240xf32, #tpu.memory_space<vmem_shared>>) offsets(%dma_start3A_201 : memref<80xi32, #tpu.memory_space<vmem>>) semaphore(%arg21 : memref<!tpu.dma_semaphore, #tpu.memory_space<semaphore_mem>>) {add = true}
      %dma_wait3A_204 = arith.constant 0 : i32
      %dma_wait3A_205 = arith.constant 0 : i32
      %dma_wait3A_206 = tpu.memref_slice %arg11[%dma_wait3A_204, %dma_wait3A_205] : memref<25x80xi32, #tpu.memory_space<vmem>> -> memref<1x80xi32, #tpu.memory_space<vmem>>
      %dma_wait3A_207 = tpu.memref_squeeze %dma_wait3A_206 : memref<1x80xi32, #tpu.memory_space<vmem>> -> memref<80xi32, #tpu.memory_space<vmem>>
      %dma_wait3A_208 = arith.constant 0 : i32
      %dma_wait3A_209 = arith.constant 0 : i32
      %dma_wait3A_210 = tpu.memref_slice %arg8[%dma_wait3A_208, %dma_wait3A_209] : memref<10240x128xf32, #tpu.memory_space<vmem_shared>> -> memref<10240x128xf32, #tpu.memory_space<vmem_shared>>
      tpu.wait_indirect_dma semaphore(%arg18 : memref<!tpu.dma_semaphore, #tpu.memory_space<semaphore_mem>>) src(%arg12 : memref<80x128xf32, #tpu.memory_space<vmem>>) dst(%dma_wait3A_210 : memref<10240x128xf32, #tpu.memory_space<vmem_shared>>)
      %dma_start3A_211 = arith.constant 3 : i32
      %dma_start3A_212 = arith.constant 0 : i32
      %dma_start3A_213 = tpu.memref_slice %arg10[%dma_start3A_211, %dma_start3A_212] : memref<25x80xi32, #tpu.memory_space<vmem>> -> memref<1x80xi32, #tpu.memory_space<vmem>>
      %dma_start3A_214 = tpu.memref_squeeze %dma_start3A_213 : memref<1x80xi32, #tpu.memory_space<vmem>> -> memref<80xi32, #tpu.memory_space<vmem>>
      %dma_start3A_215 = arith.constant 0 : i32
      %dma_start3A_216 = arith.constant 0 : i32
      %dma_start3A_217 = tpu.memref_slice %arg2[%dma_start3A_215, %dma_start3A_216] : memref<10000x128xf32, #tpu.memory_space<hbm>> -> memref<10000x128xf32, #tpu.memory_space<hbm>>
      tpu.enqueue_indirect_dma source(%dma_start3A_217 : memref<10000x128xf32, #tpu.memory_space<hbm>>) target(%arg12 : memref<80x128xf32, #tpu.memory_space<vmem>>) offsets(%dma_start3A_214 : memref<80xi32, #tpu.memory_space<vmem>>) semaphore(%arg15 : memref<!tpu.dma_semaphore, #tpu.memory_space<semaphore_mem>>)
      %dma_wait3A_218 = arith.constant 0 : i32
      %dma_wait3A_219 = arith.constant 0 : i32
      %dma_wait3A_220 = tpu.memref_slice %arg10[%dma_wait3A_218, %dma_wait3A_219] : memref<25x80xi32, #tpu.memory_space<vmem>> -> memref<1x80xi32, #tpu.memory_space<vmem>>
      %dma_wait3A_221 = tpu.memref_squeeze %dma_wait3A_220 : memref<1x80xi32, #tpu.memory_space<vmem>> -> memref<80xi32, #tpu.memory_space<vmem>>
      %dma_wait3A_222 = arith.constant 0 : i32
      %dma_wait3A_223 = arith.constant 0 : i32
      %dma_wait3A_224 = tpu.memref_slice %arg2[%dma_wait3A_222, %dma_wait3A_223] : memref<10000x128xf32, #tpu.memory_space<hbm>> -> memref<10000x128xf32, #tpu.memory_space<hbm>>
      tpu.wait_indirect_dma semaphore(%arg17 : memref<!tpu.dma_semaphore, #tpu.memory_space<semaphore_mem>>) src(%dma_wait3A_224 : memref<10000x128xf32, #tpu.memory_space<hbm>>) dst(%arg14 : memref<80x128xf32, #tpu.memory_space<vmem>>)
      %dma_start3A_225 = arith.constant 2 : i32
      %dma_start3A_226 = arith.constant 0 : i32
      %dma_start3A_227 = tpu.memref_slice %arg11[%dma_start3A_225, %dma_start3A_226] : memref<25x80xi32, #tpu.memory_space<vmem>> -> memref<1x80xi32, #tpu.memory_space<vmem>>
      %dma_start3A_228 = tpu.memref_squeeze %dma_start3A_227 : memref<1x80xi32, #tpu.memory_space<vmem>> -> memref<80xi32, #tpu.memory_space<vmem>>
      %dma_start3A_229 = arith.constant 0 : i32
      %dma_start3A_230 = arith.constant 0 : i32
      %dma_start3A_231 = tpu.memref_slice %arg8[%dma_start3A_229, %dma_start3A_230] : memref<10240x128xf32, #tpu.memory_space<vmem_shared>> -> memref<10240x128xf32, #tpu.memory_space<vmem_shared>>
      tpu.enqueue_indirect_dma source(%arg14 : memref<80x128xf32, #tpu.memory_space<vmem>>) target(%dma_start3A_231 : memref<10240x128xf32, #tpu.memory_space<vmem_shared>>) offsets(%dma_start3A_228 : memref<80xi32, #tpu.memory_space<vmem>>) semaphore(%arg20 : memref<!tpu.dma_semaphore, #tpu.memory_space<semaphore_mem>>) {add = true}
      %dma_start3A_232 = arith.constant 2 : i32
      %dma_start3A_233 = arith.constant 0 : i32
      %dma_start3A_234 = tpu.memref_slice %arg11[%dma_start3A_232, %dma_start3A_233] : memref<25x80xi32, #tpu.memory_space<vmem>> -> memref<1x80xi32, #tpu.memory_space<vmem>>
      %dma_start3A_235 = tpu.memref_squeeze %dma_start3A_234 : memref<1x80xi32, #tpu.memory_space<vmem>> -> memref<80xi32, #tpu.memory_space<vmem>>
      %dma_start3A_236 = arith.constant 0 : i32
      %dma_start3A_237 = tpu.memref_slice %arg22[%dma_start3A_236] : memref<10240xf32, #tpu.memory_space<vmem_shared>> -> memref<10240xf32, #tpu.memory_space<vmem_shared>>
      tpu.enqueue_indirect_dma source(%arg23 : memref<80xf32, #tpu.memory_space<vmem>>) target(%dma_start3A_237 : memref<10240xf32, #tpu.memory_space<vmem_shared>>) offsets(%dma_start3A_235 : memref<80xi32, #tpu.memory_space<vmem>>) semaphore(%arg21 : memref<!tpu.dma_semaphore, #tpu.memory_space<semaphore_mem>>) {add = true}
      %dma_wait3A_238 = arith.constant 0 : i32
      %dma_wait3A_239 = arith.constant 0 : i32
      %dma_wait3A_240 = tpu.memref_slice %arg11[%dma_wait3A_238, %dma_wait3A_239] : memref<25x80xi32, #tpu.memory_space<vmem>> -> memref<1x80xi32, #tpu.memory_space<vmem>>
      %dma_wait3A_241 = tpu.memref_squeeze %dma_wait3A_240 : memref<1x80xi32, #tpu.memory_space<vmem>> -> memref<80xi32, #tpu.memory_space<vmem>>
      %dma_wait3A_242 = arith.constant 0 : i32
      %dma_wait3A_243 = arith.constant 0 : i32
      %dma_wait3A_244 = tpu.memref_slice %arg8[%dma_wait3A_242, %dma_wait3A_243] : memref<10240x128xf32, #tpu.memory_space<vmem_shared>> -> memref<10240x128xf32, #tpu.memory_space<vmem_shared>>
      tpu.wait_indirect_dma semaphore(%arg19 : memref<!tpu.dma_semaphore, #tpu.memory_space<semaphore_mem>>) src(%arg13 : memref<80x128xf32, #tpu.memory_space<vmem>>) dst(%dma_wait3A_244 : memref<10240x128xf32, #tpu.memory_space<vmem_shared>>)
      %dma_start3A_245 = arith.constant 4 : i32
      %dma_start3A_246 = arith.constant 0 : i32
      %dma_start3A_247 = tpu.memref_slice %arg10[%dma_start3A_245, %dma_start3A_246] : memref<25x80xi32, #tpu.memory_space<vmem>> -> memref<1x80xi32, #tpu.memory_space<vmem>>
      %dma_start3A_248 = tpu.memref_squeeze %dma_start3A_247 : memref<1x80xi32, #tpu.memory_space<vmem>> -> memref<80xi32, #tpu.memory_space<vmem>>
      %dma_start3A_249 = arith.constant 0 : i32
      %dma_start3A_250 = arith.constant 0 : i32
      %dma_start3A_251 = tpu.memref_slice %arg2[%dma_start3A_249, %dma_start3A_250] : memref<10000x128xf32, #tpu.memory_space<hbm>> -> memref<10000x128xf32, #tpu.memory_space<hbm>>
      tpu.enqueue_indirect_dma source(%dma_start3A_251 : memref<10000x128xf32, #tpu.memory_space<hbm>>) target(%arg13 : memref<80x128xf32, #tpu.memory_space<vmem>>) offsets(%dma_start3A_248 : memref<80xi32, #tpu.memory_space<vmem>>) semaphore(%arg16 : memref<!tpu.dma_semaphore, #tpu.memory_space<semaphore_mem>>)
      %scan3A_252 = arith.constant 0 : i32
      %scan3A_253 = arith.constant 1 : i32
      %scan3A_254 = arith.constant 6 : i32
      %scan3A_255 = arith.addi %scan3A_253, %scan3A_254 : i32
      %scan3A_256 = arith.constant 1 : i32
      scf.for %scan3A_537 = %scan3A_253 to %scan3A_255 step %scan3A_256  : i32 {
        %mul3A_538 = arith.constant 3 : i32
        %mul3A_539 = arith.muli %mul3A_538, %scan3A_537 : i32
        %add3A_540 = arith.constant 0 : i32
        %add3A_541 = arith.addi %mul3A_539, %add3A_540 : i32
        %dma_wait3A_542 = arith.constant 0 : i32
        %dma_wait3A_543 = arith.constant 0 : i32
        %dma_wait3A_544 = tpu.memref_slice %arg10[%dma_wait3A_542, %dma_wait3A_543] : memref<25x80xi32, #tpu.memory_space<vmem>> -> memref<1x80xi32, #tpu.memory_space<vmem>>
        %dma_wait3A_545 = tpu.memref_squeeze %dma_wait3A_544 : memref<1x80xi32, #tpu.memory_space<vmem>> -> memref<80xi32, #tpu.memory_space<vmem>>
        %dma_wait3A_546 = arith.constant 0 : i32
        %dma_wait3A_547 = arith.constant 0 : i32
        %dma_wait3A_548 = tpu.memref_slice %arg2[%dma_wait3A_546, %dma_wait3A_547] : memref<10000x128xf32, #tpu.memory_space<hbm>> -> memref<10000x128xf32, #tpu.memory_space<hbm>>
        tpu.wait_indirect_dma semaphore(%arg15 : memref<!tpu.dma_semaphore, #tpu.memory_space<semaphore_mem>>) src(%dma_wait3A_548 : memref<10000x128xf32, #tpu.memory_space<hbm>>) dst(%arg12 : memref<80x128xf32, #tpu.memory_space<vmem>>)
        %dma_start3A_549 = arith.constant 0 : i32
        %dma_start3A_550 = tpu.memref_slice %arg11[%add3A_541, %dma_start3A_549] : memref<25x80xi32, #tpu.memory_space<vmem>> -> memref<1x80xi32, #tpu.memory_space<vmem>>
        %dma_start3A_551 = tpu.memref_squeeze %dma_start3A_550 : memref<1x80xi32, #tpu.memory_space<vmem>> -> memref<80xi32, #tpu.memory_space<vmem>>
        %dma_start3A_552 = arith.constant 0 : i32
        %dma_start3A_553 = arith.constant 0 : i32
        %dma_start3A_554 = tpu.memref_slice %arg8[%dma_start3A_552, %dma_start3A_553] : memref<10240x128xf32, #tpu.memory_space<vmem_shared>> -> memref<10240x128xf32, #tpu.memory_space<vmem_shared>>
        tpu.enqueue_indirect_dma source(%arg12 : memref<80x128xf32, #tpu.memory_space<vmem>>) target(%dma_start3A_554 : memref<10240x128xf32, #tpu.memory_space<vmem_shared>>) offsets(%dma_start3A_551 : memref<80xi32, #tpu.memory_space<vmem>>) semaphore(%arg18 : memref<!tpu.dma_semaphore, #tpu.memory_space<semaphore_mem>>) {add = true}
        %dma_start3A_555 = arith.constant 0 : i32
        %dma_start3A_556 = tpu.memref_slice %arg11[%add3A_541, %dma_start3A_555] : memref<25x80xi32, #tpu.memory_space<vmem>> -> memref<1x80xi32, #tpu.memory_space<vmem>>
        %dma_start3A_557 = tpu.memref_squeeze %dma_start3A_556 : memref<1x80xi32, #tpu.memory_space<vmem>> -> memref<80xi32, #tpu.memory_space<vmem>>
        %dma_start3A_558 = arith.constant 0 : i32
        %dma_start3A_559 = tpu.memref_slice %arg22[%dma_start3A_558] : memref<10240xf32, #tpu.memory_space<vmem_shared>> -> memref<10240xf32, #tpu.memory_space<vmem_shared>>
        tpu.enqueue_indirect_dma source(%arg23 : memref<80xf32, #tpu.memory_space<vmem>>) target(%dma_start3A_559 : memref<10240xf32, #tpu.memory_space<vmem_shared>>) offsets(%dma_start3A_557 : memref<80xi32, #tpu.memory_space<vmem>>) semaphore(%arg21 : memref<!tpu.dma_semaphore, #tpu.memory_space<semaphore_mem>>) {add = true}
        %dma_wait3A_560 = arith.constant 0 : i32
        %dma_wait3A_561 = arith.constant 0 : i32
        %dma_wait3A_562 = tpu.memref_slice %arg11[%dma_wait3A_560, %dma_wait3A_561] : memref<25x80xi32, #tpu.memory_space<vmem>> -> memref<1x80xi32, #tpu.memory_space<vmem>>
        %dma_wait3A_563 = tpu.memref_squeeze %dma_wait3A_562 : memref<1x80xi32, #tpu.memory_space<vmem>> -> memref<80xi32, #tpu.memory_space<vmem>>
        %dma_wait3A_564 = arith.constant 0 : i32
        %dma_wait3A_565 = arith.constant 0 : i32
        %dma_wait3A_566 = tpu.memref_slice %arg8[%dma_wait3A_564, %dma_wait3A_565] : memref<10240x128xf32, #tpu.memory_space<vmem_shared>> -> memref<10240x128xf32, #tpu.memory_space<vmem_shared>>
        tpu.wait_indirect_dma semaphore(%arg20 : memref<!tpu.dma_semaphore, #tpu.memory_space<semaphore_mem>>) src(%arg14 : memref<80x128xf32, #tpu.memory_space<vmem>>) dst(%dma_wait3A_566 : memref<10240x128xf32, #tpu.memory_space<vmem_shared>>)
        %add3A_567 = arith.constant 2 : i32
        %add3A_568 = arith.addi %add3A_541, %add3A_567 : i32
        %dma_start3A_569 = arith.constant 0 : i32
        %dma_start3A_570 = tpu.memref_slice %arg10[%add3A_568, %dma_start3A_569] : memref<25x80xi32, #tpu.memory_space<vmem>> -> memref<1x80xi32, #tpu.memory_space<vmem>>
        %dma_start3A_571 = tpu.memref_squeeze %dma_start3A_570 : memref<1x80xi32, #tpu.memory_space<vmem>> -> memref<80xi32, #tpu.memory_space<vmem>>
        %dma_start3A_572 = arith.constant 0 : i32
        %dma_start3A_573 = arith.constant 0 : i32
        %dma_start3A_574 = tpu.memref_slice %arg2[%dma_start3A_572, %dma_start3A_573] : memref<10000x128xf32, #tpu.memory_space<hbm>> -> memref<10000x128xf32, #tpu.memory_space<hbm>>
        tpu.enqueue_indirect_dma source(%dma_start3A_574 : memref<10000x128xf32, #tpu.memory_space<hbm>>) target(%arg14 : memref<80x128xf32, #tpu.memory_space<vmem>>) offsets(%dma_start3A_571 : memref<80xi32, #tpu.memory_space<vmem>>) semaphore(%arg17 : memref<!tpu.dma_semaphore, #tpu.memory_space<semaphore_mem>>)
        %add3A_575 = arith.constant 1 : i32
        %add3A_576 = arith.addi %mul3A_539, %add3A_575 : i32
        %dma_wait3A_577 = arith.constant 0 : i32
        %dma_wait3A_578 = arith.constant 0 : i32
        %dma_wait3A_579 = tpu.memref_slice %arg10[%dma_wait3A_577, %dma_wait3A_578] : memref<25x80xi32, #tpu.memory_space<vmem>> -> memref<1x80xi32, #tpu.memory_space<vmem>>
        %dma_wait3A_580 = tpu.memref_squeeze %dma_wait3A_579 : memref<1x80xi32, #tpu.memory_space<vmem>> -> memref<80xi32, #tpu.memory_space<vmem>>
        %dma_wait3A_581 = arith.constant 0 : i32
        %dma_wait3A_582 = arith.constant 0 : i32
        %dma_wait3A_583 = tpu.memref_slice %arg2[%dma_wait3A_581, %dma_wait3A_582] : memref<10000x128xf32, #tpu.memory_space<hbm>> -> memref<10000x128xf32, #tpu.memory_space<hbm>>
        tpu.wait_indirect_dma semaphore(%arg16 : memref<!tpu.dma_semaphore, #tpu.memory_space<semaphore_mem>>) src(%dma_wait3A_583 : memref<10000x128xf32, #tpu.memory_space<hbm>>) dst(%arg13 : memref<80x128xf32, #tpu.memory_space<vmem>>)
        %dma_start3A_584 = arith.constant 0 : i32
        %dma_start3A_585 = tpu.memref_slice %arg11[%add3A_576, %dma_start3A_584] : memref<25x80xi32, #tpu.memory_space<vmem>> -> memref<1x80xi32, #tpu.memory_space<vmem>>
        %dma_start3A_586 = tpu.memref_squeeze %dma_start3A_585 : memref<1x80xi32, #tpu.memory_space<vmem>> -> memref<80xi32, #tpu.memory_space<vmem>>
        %dma_start3A_587 = arith.constant 0 : i32
        %dma_start3A_588 = arith.constant 0 : i32
        %dma_start3A_589 = tpu.memref_slice %arg8[%dma_start3A_587, %dma_start3A_588] : memref<10240x128xf32, #tpu.memory_space<vmem_shared>> -> memref<10240x128xf32, #tpu.memory_space<vmem_shared>>
        tpu.enqueue_indirect_dma source(%arg13 : memref<80x128xf32, #tpu.memory_space<vmem>>) target(%dma_start3A_589 : memref<10240x128xf32, #tpu.memory_space<vmem_shared>>) offsets(%dma_start3A_586 : memref<80xi32, #tpu.memory_space<vmem>>) semaphore(%arg19 : memref<!tpu.dma_semaphore, #tpu.memory_space<semaphore_mem>>) {add = true}
        %dma_start3A_590 = arith.constant 0 : i32
        %dma_start3A_591 = tpu.memref_slice %arg11[%add3A_576, %dma_start3A_590] : memref<25x80xi32, #tpu.memory_space<vmem>> -> memref<1x80xi32, #tpu.memory_space<vmem>>
        %dma_start3A_592 = tpu.memref_squeeze %dma_start3A_591 : memref<1x80xi32, #tpu.memory_space<vmem>> -> memref<80xi32, #tpu.memory_space<vmem>>
        %dma_start3A_593 = arith.constant 0 : i32
        %dma_start3A_594 = tpu.memref_slice %arg22[%dma_start3A_593] : memref<10240xf32, #tpu.memory_space<vmem_shared>> -> memref<10240xf32, #tpu.memory_space<vmem_shared>>
        tpu.enqueue_indirect_dma source(%arg23 : memref<80xf32, #tpu.memory_space<vmem>>) target(%dma_start3A_594 : memref<10240xf32, #tpu.memory_space<vmem_shared>>) offsets(%dma_start3A_592 : memref<80xi32, #tpu.memory_space<vmem>>) semaphore(%arg21 : memref<!tpu.dma_semaphore, #tpu.memory_space<semaphore_mem>>) {add = true}
        %dma_wait3A_595 = arith.constant 0 : i32
        %dma_wait3A_596 = arith.constant 0 : i32
        %dma_wait3A_597 = tpu.memref_slice %arg11[%dma_wait3A_595, %dma_wait3A_596] : memref<25x80xi32, #tpu.memory_space<vmem>> -> memref<1x80xi32, #tpu.memory_space<vmem>>
        %dma_wait3A_598 = tpu.memref_squeeze %dma_wait3A_597 : memref<1x80xi32, #tpu.memory_space<vmem>> -> memref<80xi32, #tpu.memory_space<vmem>>
        %dma_wait3A_599 = arith.constant 0 : i32
        %dma_wait3A_600 = arith.constant 0 : i32
        %dma_wait3A_601 = tpu.memref_slice %arg8[%dma_wait3A_599, %dma_wait3A_600] : memref<10240x128xf32, #tpu.memory_space<vmem_shared>> -> memref<10240x128xf32, #tpu.memory_space<vmem_shared>>
        tpu.wait_indirect_dma semaphore(%arg18 : memref<!tpu.dma_semaphore, #tpu.memory_space<semaphore_mem>>) src(%arg12 : memref<80x128xf32, #tpu.memory_space<vmem>>) dst(%dma_wait3A_601 : memref<10240x128xf32, #tpu.memory_space<vmem_shared>>)
        %add3A_602 = arith.constant 2 : i32
        %add3A_603 = arith.addi %add3A_576, %add3A_602 : i32
        %dma_start3A_604 = arith.constant 0 : i32
        %dma_start3A_605 = tpu.memref_slice %arg10[%add3A_603, %dma_start3A_604] : memref<25x80xi32, #tpu.memory_space<vmem>> -> memref<1x80xi32, #tpu.memory_space<vmem>>
        %dma_start3A_606 = tpu.memref_squeeze %dma_start3A_605 : memref<1x80xi32, #tpu.memory_space<vmem>> -> memref<80xi32, #tpu.memory_space<vmem>>
        %dma_start3A_607 = arith.constant 0 : i32
        %dma_start3A_608 = arith.constant 0 : i32
        %dma_start3A_609 = tpu.memref_slice %arg2[%dma_start3A_607, %dma_start3A_608] : memref<10000x128xf32, #tpu.memory_space<hbm>> -> memref<10000x128xf32, #tpu.memory_space<hbm>>
        tpu.enqueue_indirect_dma source(%dma_start3A_609 : memref<10000x128xf32, #tpu.memory_space<hbm>>) target(%arg12 : memref<80x128xf32, #tpu.memory_space<vmem>>) offsets(%dma_start3A_606 : memref<80xi32, #tpu.memory_space<vmem>>) semaphore(%arg15 : memref<!tpu.dma_semaphore, #tpu.memory_space<semaphore_mem>>)
        %add3A_610 = arith.constant 2 : i32
        %add3A_611 = arith.addi %mul3A_539, %add3A_610 : i32
        %dma_wait3A_612 = arith.constant 0 : i32
        %dma_wait3A_613 = arith.constant 0 : i32
        %dma_wait3A_614 = tpu.memref_slice %arg10[%dma_wait3A_612, %dma_wait3A_613] : memref<25x80xi32, #tpu.memory_space<vmem>> -> memref<1x80xi32, #tpu.memory_space<vmem>>
        %dma_wait3A_615 = tpu.memref_squeeze %dma_wait3A_614 : memref<1x80xi32, #tpu.memory_space<vmem>> -> memref<80xi32, #tpu.memory_space<vmem>>
        %dma_wait3A_616 = arith.constant 0 : i32
        %dma_wait3A_617 = arith.constant 0 : i32
        %dma_wait3A_618 = tpu.memref_slice %arg2[%dma_wait3A_616, %dma_wait3A_617] : memref<10000x128xf32, #tpu.memory_space<hbm>> -> memref<10000x128xf32, #tpu.memory_space<hbm>>
        tpu.wait_indirect_dma semaphore(%arg17 : memref<!tpu.dma_semaphore, #tpu.memory_space<semaphore_mem>>) src(%dma_wait3A_618 : memref<10000x128xf32, #tpu.memory_space<hbm>>) dst(%arg14 : memref<80x128xf32, #tpu.memory_space<vmem>>)
        %dma_start3A_619 = arith.constant 0 : i32
        %dma_start3A_620 = tpu.memref_slice %arg11[%add3A_611, %dma_start3A_619] : memref<25x80xi32, #tpu.memory_space<vmem>> -> memref<1x80xi32, #tpu.memory_space<vmem>>
        %dma_start3A_621 = tpu.memref_squeeze %dma_start3A_620 : memref<1x80xi32, #tpu.memory_space<vmem>> -> memref<80xi32, #tpu.memory_space<vmem>>
        %dma_start3A_622 = arith.constant 0 : i32
        %dma_start3A_623 = arith.constant 0 : i32
        %dma_start3A_624 = tpu.memref_slice %arg8[%dma_start3A_622, %dma_start3A_623] : memref<10240x128xf32, #tpu.memory_space<vmem_shared>> -> memref<10240x128xf32, #tpu.memory_space<vmem_shared>>
        tpu.enqueue_indirect_dma source(%arg14 : memref<80x128xf32, #tpu.memory_space<vmem>>) target(%dma_start3A_624 : memref<10240x128xf32, #tpu.memory_space<vmem_shared>>) offsets(%dma_start3A_621 : memref<80xi32, #tpu.memory_space<vmem>>) semaphore(%arg20 : memref<!tpu.dma_semaphore, #tpu.memory_space<semaphore_mem>>) {add = true}
        %dma_start3A_625 = arith.constant 0 : i32
        %dma_start3A_626 = tpu.memref_slice %arg11[%add3A_611, %dma_start3A_625] : memref<25x80xi32, #tpu.memory_space<vmem>> -> memref<1x80xi32, #tpu.memory_space<vmem>>
        %dma_start3A_627 = tpu.memref_squeeze %dma_start3A_626 : memref<1x80xi32, #tpu.memory_space<vmem>> -> memref<80xi32, #tpu.memory_space<vmem>>
        %dma_start3A_628 = arith.constant 0 : i32
        %dma_start3A_629 = tpu.memref_slice %arg22[%dma_start3A_628] : memref<10240xf32, #tpu.memory_space<vmem_shared>> -> memref<10240xf32, #tpu.memory_space<vmem_shared>>
        tpu.enqueue_indirect_dma source(%arg23 : memref<80xf32, #tpu.memory_space<vmem>>) target(%dma_start3A_629 : memref<10240xf32, #tpu.memory_space<vmem_shared>>) offsets(%dma_start3A_627 : memref<80xi32, #tpu.memory_space<vmem>>) semaphore(%arg21 : memref<!tpu.dma_semaphore, #tpu.memory_space<semaphore_mem>>) {add = true}
        %dma_wait3A_630 = arith.constant 0 : i32
        %dma_wait3A_631 = arith.constant 0 : i32
        %dma_wait3A_632 = tpu.memref_slice %arg11[%dma_wait3A_630, %dma_wait3A_631] : memref<25x80xi32, #tpu.memory_space<vmem>> -> memref<1x80xi32, #tpu.memory_space<vmem>>
        %dma_wait3A_633 = tpu.memref_squeeze %dma_wait3A_632 : memref<1x80xi32, #tpu.memory_space<vmem>> -> memref<80xi32, #tpu.memory_space<vmem>>
        %dma_wait3A_634 = arith.constant 0 : i32
        %dma_wait3A_635 = arith.constant 0 : i32
        %dma_wait3A_636 = tpu.memref_slice %arg8[%dma_wait3A_634, %dma_wait3A_635] : memref<10240x128xf32, #tpu.memory_space<vmem_shared>> -> memref<10240x128xf32, #tpu.memory_space<vmem_shared>>
        tpu.wait_indirect_dma semaphore(%arg19 : memref<!tpu.dma_semaphore, #tpu.memory_space<semaphore_mem>>) src(%arg13 : memref<80x128xf32, #tpu.memory_space<vmem>>) dst(%dma_wait3A_636 : memref<10240x128xf32, #tpu.memory_space<vmem_shared>>)
        %add3A_637 = arith.constant 2 : i32
        %add3A_638 = arith.addi %add3A_611, %add3A_637 : i32
        %dma_start3A_639 = arith.constant 0 : i32
        %dma_start3A_640 = tpu.memref_slice %arg10[%add3A_638, %dma_start3A_639] : memref<25x80xi32, #tpu.memory_space<vmem>> -> memref<1x80xi32, #tpu.memory_space<vmem>>
        %dma_start3A_641 = tpu.memref_squeeze %dma_start3A_640 : memref<1x80xi32, #tpu.memory_space<vmem>> -> memref<80xi32, #tpu.memory_space<vmem>>
        %dma_start3A_642 = arith.constant 0 : i32
        %dma_start3A_643 = arith.constant 0 : i32
        %dma_start3A_644 = tpu.memref_slice %arg2[%dma_start3A_642, %dma_start3A_643] : memref<10000x128xf32, #tpu.memory_space<hbm>> -> memref<10000x128xf32, #tpu.memory_space<hbm>>
        tpu.enqueue_indirect_dma source(%dma_start3A_644 : memref<10000x128xf32, #tpu.memory_space<hbm>>) target(%arg13 : memref<80x128xf32, #tpu.memory_space<vmem>>) offsets(%dma_start3A_641 : memref<80xi32, #tpu.memory_space<vmem>>) semaphore(%arg16 : memref<!tpu.dma_semaphore, #tpu.memory_space<semaphore_mem>>)
      }
      %scan3A_257 = arith.constant 6 : i32
      %dma_wait3A_258 = arith.constant 0 : i32
      %dma_wait3A_259 = arith.constant 0 : i32
      %dma_wait3A_260 = tpu.memref_slice %arg10[%dma_wait3A_258, %dma_wait3A_259] : memref<25x80xi32, #tpu.memory_space<vmem>> -> memref<1x80xi32, #tpu.memory_space<vmem>>
      %dma_wait3A_261 = tpu.memref_squeeze %dma_wait3A_260 : memref<1x80xi32, #tpu.memory_space<vmem>> -> memref<80xi32, #tpu.memory_space<vmem>>
      %dma_wait3A_262 = arith.constant 0 : i32
      %dma_wait3A_263 = arith.constant 0 : i32
      %dma_wait3A_264 = tpu.memref_slice %arg2[%dma_wait3A_262, %dma_wait3A_263] : memref<10000x128xf32, #tpu.memory_space<hbm>> -> memref<10000x128xf32, #tpu.memory_space<hbm>>
      tpu.wait_indirect_dma semaphore(%arg15 : memref<!tpu.dma_semaphore, #tpu.memory_space<semaphore_mem>>) src(%dma_wait3A_264 : memref<10000x128xf32, #tpu.memory_space<hbm>>) dst(%arg12 : memref<80x128xf32, #tpu.memory_space<vmem>>)
      %dma_start3A_265 = arith.constant 21 : i32
      %dma_start3A_266 = arith.constant 0 : i32
      %dma_start3A_267 = tpu.memref_slice %arg11[%dma_start3A_265, %dma_start3A_266] : memref<25x80xi32, #tpu.memory_space<vmem>> -> memref<1x80xi32, #tpu.memory_space<vmem>>
      %dma_start3A_268 = tpu.memref_squeeze %dma_start3A_267 : memref<1x80xi32, #tpu.memory_space<vmem>> -> memref<80xi32, #tpu.memory_space<vmem>>
      %dma_start3A_269 = arith.constant 0 : i32
      %dma_start3A_270 = arith.constant 0 : i32
      %dma_start3A_271 = tpu.memref_slice %arg8[%dma_start3A_269, %dma_start3A_270] : memref<10240x128xf32, #tpu.memory_space<vmem_shared>> -> memref<10240x128xf32, #tpu.memory_space<vmem_shared>>
      tpu.enqueue_indirect_dma source(%arg12 : memref<80x128xf32, #tpu.memory_space<vmem>>) target(%dma_start3A_271 : memref<10240x128xf32, #tpu.memory_space<vmem_shared>>) offsets(%dma_start3A_268 : memref<80xi32, #tpu.memory_space<vmem>>) semaphore(%arg18 : memref<!tpu.dma_semaphore, #tpu.memory_space<semaphore_mem>>) {add = true}
      %dma_start3A_272 = arith.constant 21 : i32
      %dma_start3A_273 = arith.constant 0 : i32
      %dma_start3A_274 = tpu.memref_slice %arg11[%dma_start3A_272, %dma_start3A_273] : memref<25x80xi32, #tpu.memory_space<vmem>> -> memref<1x80xi32, #tpu.memory_space<vmem>>
      %dma_start3A_275 = tpu.memref_squeeze %dma_start3A_274 : memref<1x80xi32, #tpu.memory_space<vmem>> -> memref<80xi32, #tpu.memory_space<vmem>>
      %dma_start3A_276 = arith.constant 0 : i32
      %dma_start3A_277 = tpu.memref_slice %arg22[%dma_start3A_276] : memref<10240xf32, #tpu.memory_space<vmem_shared>> -> memref<10240xf32, #tpu.memory_space<vmem_shared>>
      tpu.enqueue_indirect_dma source(%arg23 : memref<80xf32, #tpu.memory_space<vmem>>) target(%dma_start3A_277 : memref<10240xf32, #tpu.memory_space<vmem_shared>>) offsets(%dma_start3A_275 : memref<80xi32, #tpu.memory_space<vmem>>) semaphore(%arg21 : memref<!tpu.dma_semaphore, #tpu.memory_space<semaphore_mem>>) {add = true}
      %dma_wait3A_278 = arith.constant 0 : i32
      %dma_wait3A_279 = arith.constant 0 : i32
      %dma_wait3A_280 = tpu.memref_slice %arg11[%dma_wait3A_278, %dma_wait3A_279] : memref<25x80xi32, #tpu.memory_space<vmem>> -> memref<1x80xi32, #tpu.memory_space<vmem>>
      %dma_wait3A_281 = tpu.memref_squeeze %dma_wait3A_280 : memref<1x80xi32, #tpu.memory_space<vmem>> -> memref<80xi32, #tpu.memory_space<vmem>>
      %dma_wait3A_282 = arith.constant 0 : i32
      %dma_wait3A_283 = arith.constant 0 : i32
      %dma_wait3A_284 = tpu.memref_slice %arg8[%dma_wait3A_282, %dma_wait3A_283] : memref<10240x128xf32, #tpu.memory_space<vmem_shared>> -> memref<10240x128xf32, #tpu.memory_space<vmem_shared>>
      tpu.wait_indirect_dma semaphore(%arg20 : memref<!tpu.dma_semaphore, #tpu.memory_space<semaphore_mem>>) src(%arg14 : memref<80x128xf32, #tpu.memory_space<vmem>>) dst(%dma_wait3A_284 : memref<10240x128xf32, #tpu.memory_space<vmem_shared>>)
      %dma_start3A_285 = arith.constant 23 : i32
      %dma_start3A_286 = arith.constant 0 : i32
      %dma_start3A_287 = tpu.memref_slice %arg10[%dma_start3A_285, %dma_start3A_286] : memref<25x80xi32, #tpu.memory_space<vmem>> -> memref<1x80xi32, #tpu.memory_space<vmem>>
      %dma_start3A_288 = tpu.memref_squeeze %dma_start3A_287 : memref<1x80xi32, #tpu.memory_space<vmem>> -> memref<80xi32, #tpu.memory_space<vmem>>
      %dma_start3A_289 = arith.constant 0 : i32
      %dma_start3A_290 = arith.constant 0 : i32
      %dma_start3A_291 = tpu.memref_slice %arg2[%dma_start3A_289, %dma_start3A_290] : memref<10000x128xf32, #tpu.memory_space<hbm>> -> memref<10000x128xf32, #tpu.memory_space<hbm>>
      tpu.enqueue_indirect_dma source(%dma_start3A_291 : memref<10000x128xf32, #tpu.memory_space<hbm>>) target(%arg14 : memref<80x128xf32, #tpu.memory_space<vmem>>) offsets(%dma_start3A_288 : memref<80xi32, #tpu.memory_space<vmem>>) semaphore(%arg17 : memref<!tpu.dma_semaphore, #tpu.memory_space<semaphore_mem>>)
      %dma_wait3A_292 = arith.constant 0 : i32
      %dma_wait3A_293 = arith.constant 0 : i32
      %dma_wait3A_294 = tpu.memref_slice %arg10[%dma_wait3A_292, %dma_wait3A_293] : memref<25x80xi32, #tpu.memory_space<vmem>> -> memref<1x80xi32, #tpu.memory_space<vmem>>
      %dma_wait3A_295 = tpu.memref_squeeze %dma_wait3A_294 : memref<1x80xi32, #tpu.memory_space<vmem>> -> memref<80xi32, #tpu.memory_space<vmem>>
      %dma_wait3A_296 = arith.constant 0 : i32
      %dma_wait3A_297 = arith.constant 0 : i32
      %dma_wait3A_298 = tpu.memref_slice %arg2[%dma_wait3A_296, %dma_wait3A_297] : memref<10000x128xf32, #tpu.memory_space<hbm>> -> memref<10000x128xf32, #tpu.memory_space<hbm>>
      tpu.wait_indirect_dma semaphore(%arg16 : memref<!tpu.dma_semaphore, #tpu.memory_space<semaphore_mem>>) src(%dma_wait3A_298 : memref<10000x128xf32, #tpu.memory_space<hbm>>) dst(%arg13 : memref<80x128xf32, #tpu.memory_space<vmem>>)
      %dma_start3A_299 = arith.constant 22 : i32
      %dma_start3A_300 = arith.constant 0 : i32
      %dma_start3A_301 = tpu.memref_slice %arg11[%dma_start3A_299, %dma_start3A_300] : memref<25x80xi32, #tpu.memory_space<vmem>> -> memref<1x80xi32, #tpu.memory_space<vmem>>
      %dma_start3A_302 = tpu.memref_squeeze %dma_start3A_301 : memref<1x80xi32, #tpu.memory_space<vmem>> -> memref<80xi32, #tpu.memory_space<vmem>>
      %dma_start3A_303 = arith.constant 0 : i32
      %dma_start3A_304 = arith.constant 0 : i32
      %dma_start3A_305 = tpu.memref_slice %arg8[%dma_start3A_303, %dma_start3A_304] : memref<10240x128xf32, #tpu.memory_space<vmem_shared>> -> memref<10240x128xf32, #tpu.memory_space<vmem_shared>>
      tpu.enqueue_indirect_dma source(%arg13 : memref<80x128xf32, #tpu.memory_space<vmem>>) target(%dma_start3A_305 : memref<10240x128xf32, #tpu.memory_space<vmem_shared>>) offsets(%dma_start3A_302 : memref<80xi32, #tpu.memory_space<vmem>>) semaphore(%arg19 : memref<!tpu.dma_semaphore, #tpu.memory_space<semaphore_mem>>) {add = true}
      %dma_start3A_306 = arith.constant 22 : i32
      %dma_start3A_307 = arith.constant 0 : i32
      %dma_start3A_308 = tpu.memref_slice %arg11[%dma_start3A_306, %dma_start3A_307] : memref<25x80xi32, #tpu.memory_space<vmem>> -> memref<1x80xi32, #tpu.memory_space<vmem>>
      %dma_start3A_309 = tpu.memref_squeeze %dma_start3A_308 : memref<1x80xi32, #tpu.memory_space<vmem>> -> memref<80xi32, #tpu.memory_space<vmem>>
      %dma_start3A_310 = arith.constant 0 : i32
      %dma_start3A_311 = tpu.memref_slice %arg22[%dma_start3A_310] : memref<10240xf32, #tpu.memory_space<vmem_shared>> -> memref<10240xf32, #tpu.memory_space<vmem_shared>>
      tpu.enqueue_indirect_dma source(%arg23 : memref<80xf32, #tpu.memory_space<vmem>>) target(%dma_start3A_311 : memref<10240xf32, #tpu.memory_space<vmem_shared>>) offsets(%dma_start3A_309 : memref<80xi32, #tpu.memory_space<vmem>>) semaphore(%arg21 : memref<!tpu.dma_semaphore, #tpu.memory_space<semaphore_mem>>) {add = true}
      %dma_wait3A_312 = arith.constant 0 : i32
      %dma_wait3A_313 = arith.constant 0 : i32
      %dma_wait3A_314 = tpu.memref_slice %arg11[%dma_wait3A_312, %dma_wait3A_313] : memref<25x80xi32, #tpu.memory_space<vmem>> -> memref<1x80xi32, #tpu.memory_space<vmem>>
      %dma_wait3A_315 = tpu.memref_squeeze %dma_wait3A_314 : memref<1x80xi32, #tpu.memory_space<vmem>> -> memref<80xi32, #tpu.memory_space<vmem>>
      %dma_wait3A_316 = arith.constant 0 : i32
      %dma_wait3A_317 = arith.constant 0 : i32
      %dma_wait3A_318 = tpu.memref_slice %arg8[%dma_wait3A_316, %dma_wait3A_317] : memref<10240x128xf32, #tpu.memory_space<vmem_shared>> -> memref<10240x128xf32, #tpu.memory_space<vmem_shared>>
      tpu.wait_indirect_dma semaphore(%arg18 : memref<!tpu.dma_semaphore, #tpu.memory_space<semaphore_mem>>) src(%arg12 : memref<80x128xf32, #tpu.memory_space<vmem>>) dst(%dma_wait3A_318 : memref<10240x128xf32, #tpu.memory_space<vmem_shared>>)
      %dma_start3A_319 = arith.constant 24 : i32
      %dma_start3A_320 = arith.constant 0 : i32
      %dma_start3A_321 = tpu.memref_slice %arg10[%dma_start3A_319, %dma_start3A_320] : memref<25x80xi32, #tpu.memory_space<vmem>> -> memref<1x80xi32, #tpu.memory_space<vmem>>
      %dma_start3A_322 = tpu.memref_squeeze %dma_start3A_321 : memref<1x80xi32, #tpu.memory_space<vmem>> -> memref<80xi32, #tpu.memory_space<vmem>>
      %dma_start3A_323 = arith.constant 0 : i32
      %dma_start3A_324 = arith.constant 0 : i32
      %dma_start3A_325 = tpu.memref_slice %arg2[%dma_start3A_323, %dma_start3A_324] : memref<10000x128xf32, #tpu.memory_space<hbm>> -> memref<10000x128xf32, #tpu.memory_space<hbm>>
      tpu.enqueue_indirect_dma source(%dma_start3A_325 : memref<10000x128xf32, #tpu.memory_space<hbm>>) target(%arg12 : memref<80x128xf32, #tpu.memory_space<vmem>>) offsets(%dma_start3A_322 : memref<80xi32, #tpu.memory_space<vmem>>) semaphore(%arg15 : memref<!tpu.dma_semaphore, #tpu.memory_space<semaphore_mem>>)
      %dma_wait3A_326 = arith.constant 0 : i32
      %dma_wait3A_327 = arith.constant 0 : i32
      %dma_wait3A_328 = tpu.memref_slice %arg10[%dma_wait3A_326, %dma_wait3A_327] : memref<25x80xi32, #tpu.memory_space<vmem>> -> memref<1x80xi32, #tpu.memory_space<vmem>>
      %dma_wait3A_329 = tpu.memref_squeeze %dma_wait3A_328 : memref<1x80xi32, #tpu.memory_space<vmem>> -> memref<80xi32, #tpu.memory_space<vmem>>
      %dma_wait3A_330 = arith.constant 0 : i32
      %dma_wait3A_331 = arith.constant 0 : i32
      %dma_wait3A_332 = tpu.memref_slice %arg2[%dma_wait3A_330, %dma_wait3A_331] : memref<10000x128xf32, #tpu.memory_space<hbm>> -> memref<10000x128xf32, #tpu.memory_space<hbm>>
      tpu.wait_indirect_dma semaphore(%arg17 : memref<!tpu.dma_semaphore, #tpu.memory_space<semaphore_mem>>) src(%dma_wait3A_332 : memref<10000x128xf32, #tpu.memory_space<hbm>>) dst(%arg14 : memref<80x128xf32, #tpu.memory_space<vmem>>)
      %dma_start3A_333 = arith.constant 23 : i32
      %dma_start3A_334 = arith.constant 0 : i32
      %dma_start3A_335 = tpu.memref_slice %arg11[%dma_start3A_333, %dma_start3A_334] : memref<25x80xi32, #tpu.memory_space<vmem>> -> memref<1x80xi32, #tpu.memory_space<vmem>>
      %dma_start3A_336 = tpu.memref_squeeze %dma_start3A_335 : memref<1x80xi32, #tpu.memory_space<vmem>> -> memref<80xi32, #tpu.memory_space<vmem>>
      %dma_start3A_337 = arith.constant 0 : i32
      %dma_start3A_338 = arith.constant 0 : i32
      %dma_start3A_339 = tpu.memref_slice %arg8[%dma_start3A_337, %dma_start3A_338] : memref<10240x128xf32, #tpu.memory_space<vmem_shared>> -> memref<10240x128xf32, #tpu.memory_space<vmem_shared>>
      tpu.enqueue_indirect_dma source(%arg14 : memref<80x128xf32, #tpu.memory_space<vmem>>) target(%dma_start3A_339 : memref<10240x128xf32, #tpu.memory_space<vmem_shared>>) offsets(%dma_start3A_336 : memref<80xi32, #tpu.memory_space<vmem>>) semaphore(%arg20 : memref<!tpu.dma_semaphore, #tpu.memory_space<semaphore_mem>>) {add = true}
      %dma_start3A_340 = arith.constant 23 : i32
      %dma_start3A_341 = arith.constant 0 : i32
      %dma_start3A_342 = tpu.memref_slice %arg11[%dma_start3A_340, %dma_start3A_341] : memref<25x80xi32, #tpu.memory_space<vmem>> -> memref<1x80xi32, #tpu.memory_space<vmem>>
      %dma_start3A_343 = tpu.memref_squeeze %dma_start3A_342 : memref<1x80xi32, #tpu.memory_space<vmem>> -> memref<80xi32, #tpu.memory_space<vmem>>
      %dma_start3A_344 = arith.constant 0 : i32
      %dma_start3A_345 = tpu.memref_slice %arg22[%dma_start3A_344] : memref<10240xf32, #tpu.memory_space<vmem_shared>> -> memref<10240xf32, #tpu.memory_space<vmem_shared>>
      tpu.enqueue_indirect_dma source(%arg23 : memref<80xf32, #tpu.memory_space<vmem>>) target(%dma_start3A_345 : memref<10240xf32, #tpu.memory_space<vmem_shared>>) offsets(%dma_start3A_343 : memref<80xi32, #tpu.memory_space<vmem>>) semaphore(%arg21 : memref<!tpu.dma_semaphore, #tpu.memory_space<semaphore_mem>>) {add = true}
      %dma_wait3A_346 = arith.constant 0 : i32
      %dma_wait3A_347 = arith.constant 0 : i32
      %dma_wait3A_348 = tpu.memref_slice %arg11[%dma_wait3A_346, %dma_wait3A_347] : memref<25x80xi32, #tpu.memory_space<vmem>> -> memref<1x80xi32, #tpu.memory_space<vmem>>
      %dma_wait3A_349 = tpu.memref_squeeze %dma_wait3A_348 : memref<1x80xi32, #tpu.memory_space<vmem>> -> memref<80xi32, #tpu.memory_space<vmem>>
      %dma_wait3A_350 = arith.constant 0 : i32
      %dma_wait3A_351 = arith.constant 0 : i32
      %dma_wait3A_352 = tpu.memref_slice %arg8[%dma_wait3A_350, %dma_wait3A_351] : memref<10240x128xf32, #tpu.memory_space<vmem_shared>> -> memref<10240x128xf32, #tpu.memory_space<vmem_shared>>
      tpu.wait_indirect_dma semaphore(%arg19 : memref<!tpu.dma_semaphore, #tpu.memory_space<semaphore_mem>>) src(%arg13 : memref<80x128xf32, #tpu.memory_space<vmem>>) dst(%dma_wait3A_352 : memref<10240x128xf32, #tpu.memory_space<vmem_shared>>)
      %dma_wait3A_353 = arith.constant 0 : i32
      %dma_wait3A_354 = arith.constant 0 : i32
      %dma_wait3A_355 = tpu.memref_slice %arg10[%dma_wait3A_353, %dma_wait3A_354] : memref<25x80xi32, #tpu.memory_space<vmem>> -> memref<1x80xi32, #tpu.memory_space<vmem>>
      %dma_wait3A_356 = tpu.memref_squeeze %dma_wait3A_355 : memref<1x80xi32, #tpu.memory_space<vmem>> -> memref<80xi32, #tpu.memory_space<vmem>>
      %dma_wait3A_357 = arith.constant 0 : i32
      %dma_wait3A_358 = arith.constant 0 : i32
      %dma_wait3A_359 = tpu.memref_slice %arg2[%dma_wait3A_357, %dma_wait3A_358] : memref<10000x128xf32, #tpu.memory_space<hbm>> -> memref<10000x128xf32, #tpu.memory_space<hbm>>
      tpu.wait_indirect_dma semaphore(%arg15 : memref<!tpu.dma_semaphore, #tpu.memory_space<semaphore_mem>>) src(%dma_wait3A_359 : memref<10000x128xf32, #tpu.memory_space<hbm>>) dst(%arg12 : memref<80x128xf32, #tpu.memory_space<vmem>>)
      %dma_start3A_360 = arith.constant 24 : i32
      %dma_start3A_361 = arith.constant 0 : i32
      %dma_start3A_362 = tpu.memref_slice %arg11[%dma_start3A_360, %dma_start3A_361] : memref<25x80xi32, #tpu.memory_space<vmem>> -> memref<1x80xi32, #tpu.memory_space<vmem>>
      %dma_start3A_363 = tpu.memref_squeeze %dma_start3A_362 : memref<1x80xi32, #tpu.memory_space<vmem>> -> memref<80xi32, #tpu.memory_space<vmem>>
      %dma_start3A_364 = arith.constant 0 : i32
      %dma_start3A_365 = arith.constant 0 : i32
      %dma_start3A_366 = tpu.memref_slice %arg8[%dma_start3A_364, %dma_start3A_365] : memref<10240x128xf32, #tpu.memory_space<vmem_shared>> -> memref<10240x128xf32, #tpu.memory_space<vmem_shared>>
      tpu.enqueue_indirect_dma source(%arg12 : memref<80x128xf32, #tpu.memory_space<vmem>>) target(%dma_start3A_366 : memref<10240x128xf32, #tpu.memory_space<vmem_shared>>) offsets(%dma_start3A_363 : memref<80xi32, #tpu.memory_space<vmem>>) semaphore(%arg18 : memref<!tpu.dma_semaphore, #tpu.memory_space<semaphore_mem>>) {add = true}
      %dma_start3A_367 = arith.constant 24 : i32
      %dma_start3A_368 = arith.constant 0 : i32
      %dma_start3A_369 = tpu.memref_slice %arg11[%dma_start3A_367, %dma_start3A_368] : memref<25x80xi32, #tpu.memory_space<vmem>> -> memref<1x80xi32, #tpu.memory_space<vmem>>
      %dma_start3A_370 = tpu.memref_squeeze %dma_start3A_369 : memref<1x80xi32, #tpu.memory_space<vmem>> -> memref<80xi32, #tpu.memory_space<vmem>>
      %dma_start3A_371 = arith.constant 0 : i32
      %dma_start3A_372 = tpu.memref_slice %arg22[%dma_start3A_371] : memref<10240xf32, #tpu.memory_space<vmem_shared>> -> memref<10240xf32, #tpu.memory_space<vmem_shared>>
      tpu.enqueue_indirect_dma source(%arg23 : memref<80xf32, #tpu.memory_space<vmem>>) target(%dma_start3A_372 : memref<10240xf32, #tpu.memory_space<vmem_shared>>) offsets(%dma_start3A_370 : memref<80xi32, #tpu.memory_space<vmem>>) semaphore(%arg21 : memref<!tpu.dma_semaphore, #tpu.memory_space<semaphore_mem>>) {add = true}
      %dma_wait3A_373 = arith.constant 0 : i32
      %dma_wait3A_374 = arith.constant 0 : i32
      %dma_wait3A_375 = tpu.memref_slice %arg11[%dma_wait3A_373, %dma_wait3A_374] : memref<25x80xi32, #tpu.memory_space<vmem>> -> memref<1x80xi32, #tpu.memory_space<vmem>>
      %dma_wait3A_376 = tpu.memref_squeeze %dma_wait3A_375 : memref<1x80xi32, #tpu.memory_space<vmem>> -> memref<80xi32, #tpu.memory_space<vmem>>
      %dma_wait3A_377 = arith.constant 0 : i32
      %dma_wait3A_378 = arith.constant 0 : i32
      %dma_wait3A_379 = tpu.memref_slice %arg8[%dma_wait3A_377, %dma_wait3A_378] : memref<10240x128xf32, #tpu.memory_space<vmem_shared>> -> memref<10240x128xf32, #tpu.memory_space<vmem_shared>>
      tpu.wait_indirect_dma semaphore(%arg20 : memref<!tpu.dma_semaphore, #tpu.memory_space<semaphore_mem>>) src(%arg14 : memref<80x128xf32, #tpu.memory_space<vmem>>) dst(%dma_wait3A_379 : memref<10240x128xf32, #tpu.memory_space<vmem_shared>>)
      %dma_wait3A_380 = arith.constant 0 : i32
      %dma_wait3A_381 = arith.constant 0 : i32
      %dma_wait3A_382 = tpu.memref_slice %arg11[%dma_wait3A_380, %dma_wait3A_381] : memref<25x80xi32, #tpu.memory_space<vmem>> -> memref<1x80xi32, #tpu.memory_space<vmem>>
      %dma_wait3A_383 = tpu.memref_squeeze %dma_wait3A_382 : memref<1x80xi32, #tpu.memory_space<vmem>> -> memref<80xi32, #tpu.memory_space<vmem>>
      %dma_wait3A_384 = arith.constant 0 : i32
      %dma_wait3A_385 = arith.constant 0 : i32
      %dma_wait3A_386 = tpu.memref_slice %arg8[%dma_wait3A_384, %dma_wait3A_385] : memref<10240x128xf32, #tpu.memory_space<vmem_shared>> -> memref<10240x128xf32, #tpu.memory_space<vmem_shared>>
      tpu.wait_indirect_dma semaphore(%arg18 : memref<!tpu.dma_semaphore, #tpu.memory_space<semaphore_mem>>) src(%arg12 : memref<80x128xf32, #tpu.memory_space<vmem>>) dst(%dma_wait3A_386 : memref<10240x128xf32, #tpu.memory_space<vmem_shared>>)
      %dma_wait3A_387 = arith.constant 0 : i32
      %dma_wait3A_388 = arith.constant 0 : i32
      %dma_wait3A_389 = tpu.memref_slice %arg11[%dma_wait3A_387, %dma_wait3A_388] : memref<25x80xi32, #tpu.memory_space<vmem>> -> memref<1x80xi32, #tpu.memory_space<vmem>>
      %dma_wait3A_390 = tpu.memref_squeeze %dma_wait3A_389 : memref<1x80xi32, #tpu.memory_space<vmem>> -> memref<80xi32, #tpu.memory_space<vmem>>
      %dma_wait3A_391 = arith.constant 0 : i32
      %dma_wait3A_392 = tpu.memref_slice %arg22[%dma_wait3A_391] : memref<10240xf32, #tpu.memory_space<vmem_shared>> -> memref<10240xf32, #tpu.memory_space<vmem_shared>>
      tpu.wait_indirect_dma semaphore(%arg21 : memref<!tpu.dma_semaphore, #tpu.memory_space<semaphore_mem>>) src(%arg23 : memref<80xf32, #tpu.memory_space<vmem>>) dst(%dma_wait3A_392 : memref<10240xf32, #tpu.memory_space<vmem_shared>>)
      %dma_wait3A_393 = arith.constant 0 : i32
      %dma_wait3A_394 = arith.constant 0 : i32
      %dma_wait3A_395 = tpu.memref_slice %arg11[%dma_wait3A_393, %dma_wait3A_394] : memref<25x80xi32, #tpu.memory_space<vmem>> -> memref<1x80xi32, #tpu.memory_space<vmem>>
      %dma_wait3A_396 = tpu.memref_squeeze %dma_wait3A_395 : memref<1x80xi32, #tpu.memory_space<vmem>> -> memref<80xi32, #tpu.memory_space<vmem>>
      %dma_wait3A_397 = arith.constant 0 : i32
      %dma_wait3A_398 = tpu.memref_slice %arg22[%dma_wait3A_397] : memref<10240xf32, #tpu.memory_space<vmem_shared>> -> memref<10240xf32, #tpu.memory_space<vmem_shared>>
      tpu.wait_indirect_dma semaphore(%arg21 : memref<!tpu.dma_semaphore, #tpu.memory_space<semaphore_mem>>) src(%arg23 : memref<80xf32, #tpu.memory_space<vmem>>) dst(%dma_wait3A_398 : memref<10240xf32, #tpu.memory_space<vmem_shared>>)
      %dma_wait3A_399 = arith.constant 0 : i32
      %dma_wait3A_400 = arith.constant 0 : i32
      %dma_wait3A_401 = tpu.memref_slice %arg11[%dma_wait3A_399, %dma_wait3A_400] : memref<25x80xi32, #tpu.memory_space<vmem>> -> memref<1x80xi32, #tpu.memory_space<vmem>>
      %dma_wait3A_402 = tpu.memref_squeeze %dma_wait3A_401 : memref<1x80xi32, #tpu.memory_space<vmem>> -> memref<80xi32, #tpu.memory_space<vmem>>
      %dma_wait3A_403 = arith.constant 0 : i32
      %dma_wait3A_404 = tpu.memref_slice %arg22[%dma_wait3A_403] : memref<10240xf32, #tpu.memory_space<vmem_shared>> -> memref<10240xf32, #tpu.memory_space<vmem_shared>>
      tpu.wait_indirect_dma semaphore(%arg21 : memref<!tpu.dma_semaphore, #tpu.memory_space<semaphore_mem>>) src(%arg23 : memref<80xf32, #tpu.memory_space<vmem>>) dst(%dma_wait3A_404 : memref<10240xf32, #tpu.memory_space<vmem_shared>>)
      %dma_wait3A_405 = arith.constant 0 : i32
      %dma_wait3A_406 = arith.constant 0 : i32
      %dma_wait3A_407 = tpu.memref_slice %arg11[%dma_wait3A_405, %dma_wait3A_406] : memref<25x80xi32, #tpu.memory_space<vmem>> -> memref<1x80xi32, #tpu.memory_space<vmem>>
      %dma_wait3A_408 = tpu.memref_squeeze %dma_wait3A_407 : memref<1x80xi32, #tpu.memory_space<vmem>> -> memref<80xi32, #tpu.memory_space<vmem>>
      %dma_wait3A_409 = arith.constant 0 : i32
      %dma_wait3A_410 = tpu.memref_slice %arg22[%dma_wait3A_409] : memref<10240xf32, #tpu.memory_space<vmem_shared>> -> memref<10240xf32, #tpu.memory_space<vmem_shared>>
      tpu.wait_indirect_dma semaphore(%arg21 : memref<!tpu.dma_semaphore, #tpu.memory_space<semaphore_mem>>) src(%arg23 : memref<80xf32, #tpu.memory_space<vmem>>) dst(%dma_wait3A_410 : memref<10240xf32, #tpu.memory_space<vmem_shared>>)
      %dma_wait3A_411 = arith.constant 0 : i32
      %dma_wait3A_412 = arith.constant 0 : i32
      %dma_wait3A_413 = tpu.memref_slice %arg11[%dma_wait3A_411, %dma_wait3A_412] : memref<25x80xi32, #tpu.memory_space<vmem>> -> memref<1x80xi32, #tpu.memory_space<vmem>>
      %dma_wait3A_414 = tpu.memref_squeeze %dma_wait3A_413 : memref<1x80xi32, #tpu.memory_space<vmem>> -> memref<80xi32, #tpu.memory_space<vmem>>
      %dma_wait3A_415 = arith.constant 0 : i32
      %dma_wait3A_416 = tpu.memref_slice %arg22[%dma_wait3A_415] : memref<10240xf32, #tpu.memory_space<vmem_shared>> -> memref<10240xf32, #tpu.memory_space<vmem_shared>>
      tpu.wait_indirect_dma semaphore(%arg21 : memref<!tpu.dma_semaphore, #tpu.memory_space<semaphore_mem>>) src(%arg23 : memref<80xf32, #tpu.memory_space<vmem>>) dst(%dma_wait3A_416 : memref<10240xf32, #tpu.memory_space<vmem_shared>>)
      %dma_wait3A_417 = arith.constant 0 : i32
      %dma_wait3A_418 = arith.constant 0 : i32
      %dma_wait3A_419 = tpu.memref_slice %arg11[%dma_wait3A_417, %dma_wait3A_418] : memref<25x80xi32, #tpu.memory_space<vmem>> -> memref<1x80xi32, #tpu.memory_space<vmem>>
      %dma_wait3A_420 = tpu.memref_squeeze %dma_wait3A_419 : memref<1x80xi32, #tpu.memory_space<vmem>> -> memref<80xi32, #tpu.memory_space<vmem>>
      %dma_wait3A_421 = arith.constant 0 : i32
      %dma_wait3A_422 = tpu.memref_slice %arg22[%dma_wait3A_421] : memref<10240xf32, #tpu.memory_space<vmem_shared>> -> memref<10240xf32, #tpu.memory_space<vmem_shared>>
      tpu.wait_indirect_dma semaphore(%arg21 : memref<!tpu.dma_semaphore, #tpu.memory_space<semaphore_mem>>) src(%arg23 : memref<80xf32, #tpu.memory_space<vmem>>) dst(%dma_wait3A_422 : memref<10240xf32, #tpu.memory_space<vmem_shared>>)
      %dma_wait3A_423 = arith.constant 0 : i32
      %dma_wait3A_424 = arith.constant 0 : i32
      %dma_wait3A_425 = tpu.memref_slice %arg11[%dma_wait3A_423, %dma_wait3A_424] : memref<25x80xi32, #tpu.memory_space<vmem>> -> memref<1x80xi32, #tpu.memory_space<vmem>>
      %dma_wait3A_426 = tpu.memref_squeeze %dma_wait3A_425 : memref<1x80xi32, #tpu.memory_space<vmem>> -> memref<80xi32, #tpu.memory_space<vmem>>
      %dma_wait3A_427 = arith.constant 0 : i32
      %dma_wait3A_428 = tpu.memref_slice %arg22[%dma_wait3A_427] : memref<10240xf32, #tpu.memory_space<vmem_shared>> -> memref<10240xf32, #tpu.memory_space<vmem_shared>>
      tpu.wait_indirect_dma semaphore(%arg21 : memref<!tpu.dma_semaphore, #tpu.memory_space<semaphore_mem>>) src(%arg23 : memref<80xf32, #tpu.memory_space<vmem>>) dst(%dma_wait3A_428 : memref<10240xf32, #tpu.memory_space<vmem_shared>>)
      %dma_wait3A_429 = arith.constant 0 : i32
      %dma_wait3A_430 = arith.constant 0 : i32
      %dma_wait3A_431 = tpu.memref_slice %arg11[%dma_wait3A_429, %dma_wait3A_430] : memref<25x80xi32, #tpu.memory_space<vmem>> -> memref<1x80xi32, #tpu.memory_space<vmem>>
      %dma_wait3A_432 = tpu.memref_squeeze %dma_wait3A_431 : memref<1x80xi32, #tpu.memory_space<vmem>> -> memref<80xi32, #tpu.memory_space<vmem>>
      %dma_wait3A_433 = arith.constant 0 : i32
      %dma_wait3A_434 = tpu.memref_slice %arg22[%dma_wait3A_433] : memref<10240xf32, #tpu.memory_space<vmem_shared>> -> memref<10240xf32, #tpu.memory_space<vmem_shared>>
      tpu.wait_indirect_dma semaphore(%arg21 : memref<!tpu.dma_semaphore, #tpu.memory_space<semaphore_mem>>) src(%arg23 : memref<80xf32, #tpu.memory_space<vmem>>) dst(%dma_wait3A_434 : memref<10240xf32, #tpu.memory_space<vmem_shared>>)
      %dma_wait3A_435 = arith.constant 0 : i32
      %dma_wait3A_436 = arith.constant 0 : i32
      %dma_wait3A_437 = tpu.memref_slice %arg11[%dma_wait3A_435, %dma_wait3A_436] : memref<25x80xi32, #tpu.memory_space<vmem>> -> memref<1x80xi32, #tpu.memory_space<vmem>>
      %dma_wait3A_438 = tpu.memref_squeeze %dma_wait3A_437 : memref<1x80xi32, #tpu.memory_space<vmem>> -> memref<80xi32, #tpu.memory_space<vmem>>
      %dma_wait3A_439 = arith.constant 0 : i32
      %dma_wait3A_440 = tpu.memref_slice %arg22[%dma_wait3A_439] : memref<10240xf32, #tpu.memory_space<vmem_shared>> -> memref<10240xf32, #tpu.memory_space<vmem_shared>>
      tpu.wait_indirect_dma semaphore(%arg21 : memref<!tpu.dma_semaphore, #tpu.memory_space<semaphore_mem>>) src(%arg23 : memref<80xf32, #tpu.memory_space<vmem>>) dst(%dma_wait3A_440 : memref<10240xf32, #tpu.memory_space<vmem_shared>>)
      %dma_wait3A_441 = arith.constant 0 : i32
      %dma_wait3A_442 = arith.constant 0 : i32
      %dma_wait3A_443 = tpu.memref_slice %arg11[%dma_wait3A_441, %dma_wait3A_442] : memref<25x80xi32, #tpu.memory_space<vmem>> -> memref<1x80xi32, #tpu.memory_space<vmem>>
      %dma_wait3A_444 = tpu.memref_squeeze %dma_wait3A_443 : memref<1x80xi32, #tpu.memory_space<vmem>> -> memref<80xi32, #tpu.memory_space<vmem>>
      %dma_wait3A_445 = arith.constant 0 : i32
      %dma_wait3A_446 = tpu.memref_slice %arg22[%dma_wait3A_445] : memref<10240xf32, #tpu.memory_space<vmem_shared>> -> memref<10240xf32, #tpu.memory_space<vmem_shared>>
      tpu.wait_indirect_dma semaphore(%arg21 : memref<!tpu.dma_semaphore, #tpu.memory_space<semaphore_mem>>) src(%arg23 : memref<80xf32, #tpu.memory_space<vmem>>) dst(%dma_wait3A_446 : memref<10240xf32, #tpu.memory_space<vmem_shared>>)
      %dma_wait3A_447 = arith.constant 0 : i32
      %dma_wait3A_448 = arith.constant 0 : i32
      %dma_wait3A_449 = tpu.memref_slice %arg11[%dma_wait3A_447, %dma_wait3A_448] : memref<25x80xi32, #tpu.memory_space<vmem>> -> memref<1x80xi32, #tpu.memory_space<vmem>>
      %dma_wait3A_450 = tpu.memref_squeeze %dma_wait3A_449 : memref<1x80xi32, #tpu.memory_space<vmem>> -> memref<80xi32, #tpu.memory_space<vmem>>
      %dma_wait3A_451 = arith.constant 0 : i32
      %dma_wait3A_452 = tpu.memref_slice %arg22[%dma_wait3A_451] : memref<10240xf32, #tpu.memory_space<vmem_shared>> -> memref<10240xf32, #tpu.memory_space<vmem_shared>>
      tpu.wait_indirect_dma semaphore(%arg21 : memref<!tpu.dma_semaphore, #tpu.memory_space<semaphore_mem>>) src(%arg23 : memref<80xf32, #tpu.memory_space<vmem>>) dst(%dma_wait3A_452 : memref<10240xf32, #tpu.memory_space<vmem_shared>>)
      %dma_wait3A_453 = arith.constant 0 : i32
      %dma_wait3A_454 = arith.constant 0 : i32
      %dma_wait3A_455 = tpu.memref_slice %arg11[%dma_wait3A_453, %dma_wait3A_454] : memref<25x80xi32, #tpu.memory_space<vmem>> -> memref<1x80xi32, #tpu.memory_space<vmem>>
      %dma_wait3A_456 = tpu.memref_squeeze %dma_wait3A_455 : memref<1x80xi32, #tpu.memory_space<vmem>> -> memref<80xi32, #tpu.memory_space<vmem>>
      %dma_wait3A_457 = arith.constant 0 : i32
      %dma_wait3A_458 = tpu.memref_slice %arg22[%dma_wait3A_457] : memref<10240xf32, #tpu.memory_space<vmem_shared>> -> memref<10240xf32, #tpu.memory_space<vmem_shared>>
      tpu.wait_indirect_dma semaphore(%arg21 : memref<!tpu.dma_semaphore, #tpu.memory_space<semaphore_mem>>) src(%arg23 : memref<80xf32, #tpu.memory_space<vmem>>) dst(%dma_wait3A_458 : memref<10240xf32, #tpu.memory_space<vmem_shared>>)
      %dma_wait3A_459 = arith.constant 0 : i32
      %dma_wait3A_460 = arith.constant 0 : i32
      %dma_wait3A_461 = tpu.memref_slice %arg11[%dma_wait3A_459, %dma_wait3A_460] : memref<25x80xi32, #tpu.memory_space<vmem>> -> memref<1x80xi32, #tpu.memory_space<vmem>>
      %dma_wait3A_462 = tpu.memref_squeeze %dma_wait3A_461 : memref<1x80xi32, #tpu.memory_space<vmem>> -> memref<80xi32, #tpu.memory_space<vmem>>
      %dma_wait3A_463 = arith.constant 0 : i32
      %dma_wait3A_464 = tpu.memref_slice %arg22[%dma_wait3A_463] : memref<10240xf32, #tpu.memory_space<vmem_shared>> -> memref<10240xf32, #tpu.memory_space<vmem_shared>>
      tpu.wait_indirect_dma semaphore(%arg21 : memref<!tpu.dma_semaphore, #tpu.memory_space<semaphore_mem>>) src(%arg23 : memref<80xf32, #tpu.memory_space<vmem>>) dst(%dma_wait3A_464 : memref<10240xf32, #tpu.memory_space<vmem_shared>>)
      %dma_wait3A_465 = arith.constant 0 : i32
      %dma_wait3A_466 = arith.constant 0 : i32
      %dma_wait3A_467 = tpu.memref_slice %arg11[%dma_wait3A_465, %dma_wait3A_466] : memref<25x80xi32, #tpu.memory_space<vmem>> -> memref<1x80xi32, #tpu.memory_space<vmem>>
      %dma_wait3A_468 = tpu.memref_squeeze %dma_wait3A_467 : memref<1x80xi32, #tpu.memory_space<vmem>> -> memref<80xi32, #tpu.memory_space<vmem>>
      %dma_wait3A_469 = arith.constant 0 : i32
      %dma_wait3A_470 = tpu.memref_slice %arg22[%dma_wait3A_469] : memref<10240xf32, #tpu.memory_space<vmem_shared>> -> memref<10240xf32, #tpu.memory_space<vmem_shared>>
      tpu.wait_indirect_dma semaphore(%arg21 : memref<!tpu.dma_semaphore, #tpu.memory_space<semaphore_mem>>) src(%arg23 : memref<80xf32, #tpu.memory_space<vmem>>) dst(%dma_wait3A_470 : memref<10240xf32, #tpu.memory_space<vmem_shared>>)
      %dma_wait3A_471 = arith.constant 0 : i32
      %dma_wait3A_472 = arith.constant 0 : i32
      %dma_wait3A_473 = tpu.memref_slice %arg11[%dma_wait3A_471, %dma_wait3A_472] : memref<25x80xi32, #tpu.memory_space<vmem>> -> memref<1x80xi32, #tpu.memory_space<vmem>>
      %dma_wait3A_474 = tpu.memref_squeeze %dma_wait3A_473 : memref<1x80xi32, #tpu.memory_space<vmem>> -> memref<80xi32, #tpu.memory_space<vmem>>
      %dma_wait3A_475 = arith.constant 0 : i32
      %dma_wait3A_476 = tpu.memref_slice %arg22[%dma_wait3A_475] : memref<10240xf32, #tpu.memory_space<vmem_shared>> -> memref<10240xf32, #tpu.memory_space<vmem_shared>>
      tpu.wait_indirect_dma semaphore(%arg21 : memref<!tpu.dma_semaphore, #tpu.memory_space<semaphore_mem>>) src(%arg23 : memref<80xf32, #tpu.memory_space<vmem>>) dst(%dma_wait3A_476 : memref<10240xf32, #tpu.memory_space<vmem_shared>>)
      %dma_wait3A_477 = arith.constant 0 : i32
      %dma_wait3A_478 = arith.constant 0 : i32
      %dma_wait3A_479 = tpu.memref_slice %arg11[%dma_wait3A_477, %dma_wait3A_478] : memref<25x80xi32, #tpu.memory_space<vmem>> -> memref<1x80xi32, #tpu.memory_space<vmem>>
      %dma_wait3A_480 = tpu.memref_squeeze %dma_wait3A_479 : memref<1x80xi32, #tpu.memory_space<vmem>> -> memref<80xi32, #tpu.memory_space<vmem>>
      %dma_wait3A_481 = arith.constant 0 : i32
      %dma_wait3A_482 = tpu.memref_slice %arg22[%dma_wait3A_481] : memref<10240xf32, #tpu.memory_space<vmem_shared>> -> memref<10240xf32, #tpu.memory_space<vmem_shared>>
      tpu.wait_indirect_dma semaphore(%arg21 : memref<!tpu.dma_semaphore, #tpu.memory_space<semaphore_mem>>) src(%arg23 : memref<80xf32, #tpu.memory_space<vmem>>) dst(%dma_wait3A_482 : memref<10240xf32, #tpu.memory_space<vmem_shared>>)
      %dma_wait3A_483 = arith.constant 0 : i32
      %dma_wait3A_484 = arith.constant 0 : i32
      %dma_wait3A_485 = tpu.memref_slice %arg11[%dma_wait3A_483, %dma_wait3A_484] : memref<25x80xi32, #tpu.memory_space<vmem>> -> memref<1x80xi32, #tpu.memory_space<vmem>>
      %dma_wait3A_486 = tpu.memref_squeeze %dma_wait3A_485 : memref<1x80xi32, #tpu.memory_space<vmem>> -> memref<80xi32, #tpu.memory_space<vmem>>
      %dma_wait3A_487 = arith.constant 0 : i32
      %dma_wait3A_488 = tpu.memref_slice %arg22[%dma_wait3A_487] : memref<10240xf32, #tpu.memory_space<vmem_shared>> -> memref<10240xf32, #tpu.memory_space<vmem_shared>>
      tpu.wait_indirect_dma semaphore(%arg21 : memref<!tpu.dma_semaphore, #tpu.memory_space<semaphore_mem>>) src(%arg23 : memref<80xf32, #tpu.memory_space<vmem>>) dst(%dma_wait3A_488 : memref<10240xf32, #tpu.memory_space<vmem_shared>>)
      %dma_wait3A_489 = arith.constant 0 : i32
      %dma_wait3A_490 = arith.constant 0 : i32
      %dma_wait3A_491 = tpu.memref_slice %arg11[%dma_wait3A_489, %dma_wait3A_490] : memref<25x80xi32, #tpu.memory_space<vmem>> -> memref<1x80xi32, #tpu.memory_space<vmem>>
      %dma_wait3A_492 = tpu.memref_squeeze %dma_wait3A_491 : memref<1x80xi32, #tpu.memory_space<vmem>> -> memref<80xi32, #tpu.memory_space<vmem>>
      %dma_wait3A_493 = arith.constant 0 : i32
      %dma_wait3A_494 = tpu.memref_slice %arg22[%dma_wait3A_493] : memref<10240xf32, #tpu.memory_space<vmem_shared>> -> memref<10240xf32, #tpu.memory_space<vmem_shared>>
      tpu.wait_indirect_dma semaphore(%arg21 : memref<!tpu.dma_semaphore, #tpu.memory_space<semaphore_mem>>) src(%arg23 : memref<80xf32, #tpu.memory_space<vmem>>) dst(%dma_wait3A_494 : memref<10240xf32, #tpu.memory_space<vmem_shared>>)
      %dma_wait3A_495 = arith.constant 0 : i32
      %dma_wait3A_496 = arith.constant 0 : i32
      %dma_wait3A_497 = tpu.memref_slice %arg11[%dma_wait3A_495, %dma_wait3A_496] : memref<25x80xi32, #tpu.memory_space<vmem>> -> memref<1x80xi32, #tpu.memory_space<vmem>>
      %dma_wait3A_498 = tpu.memref_squeeze %dma_wait3A_497 : memref<1x80xi32, #tpu.memory_space<vmem>> -> memref<80xi32, #tpu.memory_space<vmem>>
      %dma_wait3A_499 = arith.constant 0 : i32
      %dma_wait3A_500 = tpu.memref_slice %arg22[%dma_wait3A_499] : memref<10240xf32, #tpu.memory_space<vmem_shared>> -> memref<10240xf32, #tpu.memory_space<vmem_shared>>
      tpu.wait_indirect_dma semaphore(%arg21 : memref<!tpu.dma_semaphore, #tpu.memory_space<semaphore_mem>>) src(%arg23 : memref<80xf32, #tpu.memory_space<vmem>>) dst(%dma_wait3A_500 : memref<10240xf32, #tpu.memory_space<vmem_shared>>)
      %dma_wait3A_501 = arith.constant 0 : i32
      %dma_wait3A_502 = arith.constant 0 : i32
      %dma_wait3A_503 = tpu.memref_slice %arg11[%dma_wait3A_501, %dma_wait3A_502] : memref<25x80xi32, #tpu.memory_space<vmem>> -> memref<1x80xi32, #tpu.memory_space<vmem>>
      %dma_wait3A_504 = tpu.memref_squeeze %dma_wait3A_503 : memref<1x80xi32, #tpu.memory_space<vmem>> -> memref<80xi32, #tpu.memory_space<vmem>>
      %dma_wait3A_505 = arith.constant 0 : i32
      %dma_wait3A_506 = tpu.memref_slice %arg22[%dma_wait3A_505] : memref<10240xf32, #tpu.memory_space<vmem_shared>> -> memref<10240xf32, #tpu.memory_space<vmem_shared>>
      tpu.wait_indirect_dma semaphore(%arg21 : memref<!tpu.dma_semaphore, #tpu.memory_space<semaphore_mem>>) src(%arg23 : memref<80xf32, #tpu.memory_space<vmem>>) dst(%dma_wait3A_506 : memref<10240xf32, #tpu.memory_space<vmem_shared>>)
      %dma_wait3A_507 = arith.constant 0 : i32
      %dma_wait3A_508 = arith.constant 0 : i32
      %dma_wait3A_509 = tpu.memref_slice %arg11[%dma_wait3A_507, %dma_wait3A_508] : memref<25x80xi32, #tpu.memory_space<vmem>> -> memref<1x80xi32, #tpu.memory_space<vmem>>
      %dma_wait3A_510 = tpu.memref_squeeze %dma_wait3A_509 : memref<1x80xi32, #tpu.memory_space<vmem>> -> memref<80xi32, #tpu.memory_space<vmem>>
      %dma_wait3A_511 = arith.constant 0 : i32
      %dma_wait3A_512 = tpu.memref_slice %arg22[%dma_wait3A_511] : memref<10240xf32, #tpu.memory_space<vmem_shared>> -> memref<10240xf32, #tpu.memory_space<vmem_shared>>
      tpu.wait_indirect_dma semaphore(%arg21 : memref<!tpu.dma_semaphore, #tpu.memory_space<semaphore_mem>>) src(%arg23 : memref<80xf32, #tpu.memory_space<vmem>>) dst(%dma_wait3A_512 : memref<10240xf32, #tpu.memory_space<vmem_shared>>)
      %dma_wait3A_513 = arith.constant 0 : i32
      %dma_wait3A_514 = arith.constant 0 : i32
      %dma_wait3A_515 = tpu.memref_slice %arg11[%dma_wait3A_513, %dma_wait3A_514] : memref<25x80xi32, #tpu.memory_space<vmem>> -> memref<1x80xi32, #tpu.memory_space<vmem>>
      %dma_wait3A_516 = tpu.memref_squeeze %dma_wait3A_515 : memref<1x80xi32, #tpu.memory_space<vmem>> -> memref<80xi32, #tpu.memory_space<vmem>>
      %dma_wait3A_517 = arith.constant 0 : i32
      %dma_wait3A_518 = tpu.memref_slice %arg22[%dma_wait3A_517] : memref<10240xf32, #tpu.memory_space<vmem_shared>> -> memref<10240xf32, #tpu.memory_space<vmem_shared>>
      tpu.wait_indirect_dma semaphore(%arg21 : memref<!tpu.dma_semaphore, #tpu.memory_space<semaphore_mem>>) src(%arg23 : memref<80xf32, #tpu.memory_space<vmem>>) dst(%dma_wait3A_518 : memref<10240xf32, #tpu.memory_space<vmem_shared>>)
      %dma_wait3A_519 = arith.constant 0 : i32
      %dma_wait3A_520 = arith.constant 0 : i32
      %dma_wait3A_521 = tpu.memref_slice %arg11[%dma_wait3A_519, %dma_wait3A_520] : memref<25x80xi32, #tpu.memory_space<vmem>> -> memref<1x80xi32, #tpu.memory_space<vmem>>
      %dma_wait3A_522 = tpu.memref_squeeze %dma_wait3A_521 : memref<1x80xi32, #tpu.memory_space<vmem>> -> memref<80xi32, #tpu.memory_space<vmem>>
      %dma_wait3A_523 = arith.constant 0 : i32
      %dma_wait3A_524 = tpu.memref_slice %arg22[%dma_wait3A_523] : memref<10240xf32, #tpu.memory_space<vmem_shared>> -> memref<10240xf32, #tpu.memory_space<vmem_shared>>
      tpu.wait_indirect_dma semaphore(%arg21 : memref<!tpu.dma_semaphore, #tpu.memory_space<semaphore_mem>>) src(%arg23 : memref<80xf32, #tpu.memory_space<vmem>>) dst(%dma_wait3A_524 : memref<10240xf32, #tpu.memory_space<vmem_shared>>)
      %dma_wait3A_525 = arith.constant 0 : i32
      %dma_wait3A_526 = arith.constant 0 : i32
      %dma_wait3A_527 = tpu.memref_slice %arg11[%dma_wait3A_525, %dma_wait3A_526] : memref<25x80xi32, #tpu.memory_space<vmem>> -> memref<1x80xi32, #tpu.memory_space<vmem>>
      %dma_wait3A_528 = tpu.memref_squeeze %dma_wait3A_527 : memref<1x80xi32, #tpu.memory_space<vmem>> -> memref<80xi32, #tpu.memory_space<vmem>>
      %dma_wait3A_529 = arith.constant 0 : i32
      %dma_wait3A_530 = tpu.memref_slice %arg22[%dma_wait3A_529] : memref<10240xf32, #tpu.memory_space<vmem_shared>> -> memref<10240xf32, #tpu.memory_space<vmem_shared>>
      tpu.wait_indirect_dma semaphore(%arg21 : memref<!tpu.dma_semaphore, #tpu.memory_space<semaphore_mem>>) src(%arg23 : memref<80xf32, #tpu.memory_space<vmem>>) dst(%dma_wait3A_530 : memref<10240xf32, #tpu.memory_space<vmem_shared>>)
      %dma_wait3A_531 = arith.constant 0 : i32
      %dma_wait3A_532 = arith.constant 0 : i32
      %dma_wait3A_533 = tpu.memref_slice %arg11[%dma_wait3A_531, %dma_wait3A_532] : memref<25x80xi32, #tpu.memory_space<vmem>> -> memref<1x80xi32, #tpu.memory_space<vmem>>
      %dma_wait3A_534 = tpu.memref_squeeze %dma_wait3A_533 : memref<1x80xi32, #tpu.memory_space<vmem>> -> memref<80xi32, #tpu.memory_space<vmem>>
      %dma_wait3A_535 = arith.constant 0 : i32
      %dma_wait3A_536 = tpu.memref_slice %arg22[%dma_wait3A_535] : memref<10240xf32, #tpu.memory_space<vmem_shared>> -> memref<10240xf32, #tpu.memory_space<vmem_shared>>
      tpu.wait_indirect_dma semaphore(%arg21 : memref<!tpu.dma_semaphore, #tpu.memory_space<semaphore_mem>>) src(%arg23 : memref<80xf32, #tpu.memory_space<vmem>>) dst(%dma_wait3A_536 : memref<10240xf32, #tpu.memory_space<vmem_shared>>)
    }
    %scan3A_70 = arith.constant 5 : i32
    %barrier3A_71 = arith.constant 0 : index
    tpu.barrier barrier_id(%barrier3A_71)
    %run_scoped3A_72 = arith.constant 0 : i32
    "tpu.region"() ({
      %run_scoped3A_144 = tpu.sem_alloc : memref<!tpu.dma_semaphore, #tpu.memory_space<semaphore_mem>>
      %dma_start3A = arith.constant 0 : i32
      %dma_start3A_145 = tpu.memref_slice %arg9[%run_scoped3A_72, %dma_start3A] : memref<8x80xi32, #tpu.memory_space<vmem>> -> memref<1x80xi32, #tpu.memory_space<vmem>>
      %dma_start3A_146 = tpu.memref_squeeze %dma_start3A_145 : memref<1x80xi32, #tpu.memory_space<vmem>> -> memref<80xi32, #tpu.memory_space<vmem>>
      %dma_start3A_147 = arith.constant 0 : i32
      %dma_start3A_148 = arith.constant 0 : i32
      %dma_start3A_149 = tpu.memref_slice %arg8[%dma_start3A_147, %dma_start3A_148] : memref<10240x128xf32, #tpu.memory_space<vmem_shared>> -> memref<10240x128xf32, #tpu.memory_space<vmem_shared>>
      tpu.enqueue_indirect_dma source(%dma_start3A_149 : memref<10240x128xf32, #tpu.memory_space<vmem_shared>>) target(%arg12 : memref<80x128xf32, #tpu.memory_space<vmem>>) offsets(%dma_start3A_146 : memref<80xi32, #tpu.memory_space<vmem>>) semaphore(%run_scoped3A_144 : memref<!tpu.dma_semaphore, #tpu.memory_space<semaphore_mem>>)
      %dma_wait3A = arith.constant 0 : i32
      %dma_wait3A_150 = tpu.memref_slice %arg9[%run_scoped3A_72, %dma_wait3A] : memref<8x80xi32, #tpu.memory_space<vmem>> -> memref<1x80xi32, #tpu.memory_space<vmem>>
      %dma_wait3A_151 = tpu.memref_squeeze %dma_wait3A_150 : memref<1x80xi32, #tpu.memory_space<vmem>> -> memref<80xi32, #tpu.memory_space<vmem>>
      %dma_wait3A_152 = arith.constant 0 : i32
      %dma_wait3A_153 = arith.constant 0 : i32
      %dma_wait3A_154 = tpu.memref_slice %arg8[%dma_wait3A_152, %dma_wait3A_153] : memref<10240x128xf32, #tpu.memory_space<vmem_shared>> -> memref<10240x128xf32, #tpu.memory_space<vmem_shared>>
      tpu.wait_indirect_dma semaphore(%run_scoped3A_144 : memref<!tpu.dma_semaphore, #tpu.memory_space<semaphore_mem>>) src(%dma_wait3A_154 : memref<10240x128xf32, #tpu.memory_space<vmem_shared>>) dst(%arg12 : memref<80x128xf32, #tpu.memory_space<vmem>>)
      tpu.yield
    }) : () -> ()
    %add3A_73 = arith.constant 0 : i32
    %add3A_74 = arith.addi %mul3A_2, %add3A_73 : i32
    "tpu.region"() ({
      %run_scoped3A_144 = tpu.sem_alloc : memref<!tpu.dma_semaphore, #tpu.memory_space<semaphore_mem>>
      %dma_start3A = arith.constant 0 : i32
      %dma_start3A_145 = tpu.memref_slice %arg6[%arg0, %add3A_74, %dma_start3A] : memref<2x10240x128xf32, #tpu.memory_space<hbm>> -> memref<1x80x128xf32, #tpu.memory_space<hbm>>
      %dma_start3A_146 = tpu.memref_squeeze %dma_start3A_145 : memref<1x80x128xf32, #tpu.memory_space<hbm>> -> memref<80x128xf32, #tpu.memory_space<hbm>>
      %dma_start3A_147 = arith.constant 0 : i32
      %dma_start3A_148 = tpu.memref_slice %arg6[%arg0, %add3A_74, %dma_start3A_147] : memref<2x10240x128xf32, #tpu.memory_space<hbm>> -> memref<1x80x128xf32, #tpu.memory_space<hbm>>
      %dma_start3A_149 = tpu.memref_squeeze %dma_start3A_148 : memref<1x80x128xf32, #tpu.memory_space<hbm>> -> memref<80x128xf32, #tpu.memory_space<hbm>>
      tpu.enqueue_dma source(%arg12 : memref<80x128xf32, #tpu.memory_space<vmem>>) target(%dma_start3A_149 : memref<80x128xf32, #tpu.memory_space<hbm>>) target_semaphore(%run_scoped3A_144 : memref<!tpu.dma_semaphore, #tpu.memory_space<semaphore_mem>>)
      %dma_wait3A = arith.constant 0 : i32
      %dma_wait3A_150 = tpu.memref_slice %arg6[%arg0, %add3A_74, %dma_wait3A] : memref<2x10240x128xf32, #tpu.memory_space<hbm>> -> memref<1x80x128xf32, #tpu.memory_space<hbm>>
      %dma_wait3A_151 = tpu.memref_squeeze %dma_wait3A_150 : memref<1x80x128xf32, #tpu.memory_space<hbm>> -> memref<80x128xf32, #tpu.memory_space<hbm>>
      %dma_wait3A_152 = arith.constant 0 : i32
      %dma_wait3A_153 = tpu.memref_slice %arg6[%arg0, %add3A_74, %dma_wait3A_152] : memref<2x10240x128xf32, #tpu.memory_space<hbm>> -> memref<1x80x128xf32, #tpu.memory_space<hbm>>
      %dma_wait3A_154 = tpu.memref_squeeze %dma_wait3A_153 : memref<1x80x128xf32, #tpu.memory_space<hbm>> -> memref<80x128xf32, #tpu.memory_space<hbm>>
      tpu.wait_dma2 semaphore(%run_scoped3A_144 : memref<!tpu.dma_semaphore, #tpu.memory_space<semaphore_mem>>) src(%arg12 : memref<80x128xf32, #tpu.memory_space<vmem>>) dst(%dma_wait3A_154 : memref<80x128xf32, #tpu.memory_space<hbm>>)
      tpu.yield
    }) : () -> ()
    %run_scoped3A_75 = arith.constant 1 : i32
    "tpu.region"() ({
      %run_scoped3A_144 = tpu.sem_alloc : memref<!tpu.dma_semaphore, #tpu.memory_space<semaphore_mem>>
      %dma_start3A = arith.constant 0 : i32
      %dma_start3A_145 = tpu.memref_slice %arg9[%run_scoped3A_75, %dma_start3A] : memref<8x80xi32, #tpu.memory_space<vmem>> -> memref<1x80xi32, #tpu.memory_space<vmem>>
      %dma_start3A_146 = tpu.memref_squeeze %dma_start3A_145 : memref<1x80xi32, #tpu.memory_space<vmem>> -> memref<80xi32, #tpu.memory_space<vmem>>
      %dma_start3A_147 = arith.constant 0 : i32
      %dma_start3A_148 = arith.constant 0 : i32
      %dma_start3A_149 = tpu.memref_slice %arg8[%dma_start3A_147, %dma_start3A_148] : memref<10240x128xf32, #tpu.memory_space<vmem_shared>> -> memref<10240x128xf32, #tpu.memory_space<vmem_shared>>
      tpu.enqueue_indirect_dma source(%dma_start3A_149 : memref<10240x128xf32, #tpu.memory_space<vmem_shared>>) target(%arg12 : memref<80x128xf32, #tpu.memory_space<vmem>>) offsets(%dma_start3A_146 : memref<80xi32, #tpu.memory_space<vmem>>) semaphore(%run_scoped3A_144 : memref<!tpu.dma_semaphore, #tpu.memory_space<semaphore_mem>>)
      %dma_wait3A = arith.constant 0 : i32
      %dma_wait3A_150 = tpu.memref_slice %arg9[%run_scoped3A_75, %dma_wait3A] : memref<8x80xi32, #tpu.memory_space<vmem>> -> memref<1x80xi32, #tpu.memory_space<vmem>>
      %dma_wait3A_151 = tpu.memref_squeeze %dma_wait3A_150 : memref<1x80xi32, #tpu.memory_space<vmem>> -> memref<80xi32, #tpu.memory_space<vmem>>
      %dma_wait3A_152 = arith.constant 0 : i32
      %dma_wait3A_153 = arith.constant 0 : i32
      %dma_wait3A_154 = tpu.memref_slice %arg8[%dma_wait3A_152, %dma_wait3A_153] : memref<10240x128xf32, #tpu.memory_space<vmem_shared>> -> memref<10240x128xf32, #tpu.memory_space<vmem_shared>>
      tpu.wait_indirect_dma semaphore(%run_scoped3A_144 : memref<!tpu.dma_semaphore, #tpu.memory_space<semaphore_mem>>) src(%dma_wait3A_154 : memref<10240x128xf32, #tpu.memory_space<vmem_shared>>) dst(%arg12 : memref<80x128xf32, #tpu.memory_space<vmem>>)
      tpu.yield
    }) : () -> ()
    %add3A_76 = arith.constant 80 : i32
    %add3A_77 = arith.addi %mul3A_2, %add3A_76 : i32
    "tpu.region"() ({
      %run_scoped3A_144 = tpu.sem_alloc : memref<!tpu.dma_semaphore, #tpu.memory_space<semaphore_mem>>
      %dma_start3A = arith.constant 0 : i32
      %dma_start3A_145 = tpu.memref_slice %arg6[%arg0, %add3A_77, %dma_start3A] : memref<2x10240x128xf32, #tpu.memory_space<hbm>> -> memref<1x80x128xf32, #tpu.memory_space<hbm>>
      %dma_start3A_146 = tpu.memref_squeeze %dma_start3A_145 : memref<1x80x128xf32, #tpu.memory_space<hbm>> -> memref<80x128xf32, #tpu.memory_space<hbm>>
      %dma_start3A_147 = arith.constant 0 : i32
      %dma_start3A_148 = tpu.memref_slice %arg6[%arg0, %add3A_77, %dma_start3A_147] : memref<2x10240x128xf32, #tpu.memory_space<hbm>> -> memref<1x80x128xf32, #tpu.memory_space<hbm>>
      %dma_start3A_149 = tpu.memref_squeeze %dma_start3A_148 : memref<1x80x128xf32, #tpu.memory_space<hbm>> -> memref<80x128xf32, #tpu.memory_space<hbm>>
      tpu.enqueue_dma source(%arg12 : memref<80x128xf32, #tpu.memory_space<vmem>>) target(%dma_start3A_149 : memref<80x128xf32, #tpu.memory_space<hbm>>) target_semaphore(%run_scoped3A_144 : memref<!tpu.dma_semaphore, #tpu.memory_space<semaphore_mem>>)
      %dma_wait3A = arith.constant 0 : i32
      %dma_wait3A_150 = tpu.memref_slice %arg6[%arg0, %add3A_77, %dma_wait3A] : memref<2x10240x128xf32, #tpu.memory_space<hbm>> -> memref<1x80x128xf32, #tpu.memory_space<hbm>>
      %dma_wait3A_151 = tpu.memref_squeeze %dma_wait3A_150 : memref<1x80x128xf32, #tpu.memory_space<hbm>> -> memref<80x128xf32, #tpu.memory_space<hbm>>
      %dma_wait3A_152 = arith.constant 0 : i32
      %dma_wait3A_153 = tpu.memref_slice %arg6[%arg0, %add3A_77, %dma_wait3A_152] : memref<2x10240x128xf32, #tpu.memory_space<hbm>> -> memref<1x80x128xf32, #tpu.memory_space<hbm>>
      %dma_wait3A_154 = tpu.memref_squeeze %dma_wait3A_153 : memref<1x80x128xf32, #tpu.memory_space<hbm>> -> memref<80x128xf32, #tpu.memory_space<hbm>>
      tpu.wait_dma2 semaphore(%run_scoped3A_144 : memref<!tpu.dma_semaphore, #tpu.memory_space<semaphore_mem>>) src(%arg12 : memref<80x128xf32, #tpu.memory_space<vmem>>) dst(%dma_wait3A_154 : memref<80x128xf32, #tpu.memory_space<hbm>>)
      tpu.yield
    }) : () -> ()
    %run_scoped3A_78 = arith.constant 2 : i32
    "tpu.region"() ({
      %run_scoped3A_144 = tpu.sem_alloc : memref<!tpu.dma_semaphore, #tpu.memory_space<semaphore_mem>>
      %dma_start3A = arith.constant 0 : i32
      %dma_start3A_145 = tpu.memref_slice %arg9[%run_scoped3A_78, %dma_start3A] : memref<8x80xi32, #tpu.memory_space<vmem>> -> memref<1x80xi32, #tpu.memory_space<vmem>>
      %dma_start3A_146 = tpu.memref_squeeze %dma_start3A_145 : memref<1x80xi32, #tpu.memory_space<vmem>> -> memref<80xi32, #tpu.memory_space<vmem>>
      %dma_start3A_147 = arith.constant 0 : i32
      %dma_start3A_148 = arith.constant 0 : i32
      %dma_start3A_149 = tpu.memref_slice %arg8[%dma_start3A_147, %dma_start3A_148] : memref<10240x128xf32, #tpu.memory_space<vmem_shared>> -> memref<10240x128xf32, #tpu.memory_space<vmem_shared>>
      tpu.enqueue_indirect_dma source(%dma_start3A_149 : memref<10240x128xf32, #tpu.memory_space<vmem_shared>>) target(%arg12 : memref<80x128xf32, #tpu.memory_space<vmem>>) offsets(%dma_start3A_146 : memref<80xi32, #tpu.memory_space<vmem>>) semaphore(%run_scoped3A_144 : memref<!tpu.dma_semaphore, #tpu.memory_space<semaphore_mem>>)
      %dma_wait3A = arith.constant 0 : i32
      %dma_wait3A_150 = tpu.memref_slice %arg9[%run_scoped3A_78, %dma_wait3A] : memref<8x80xi32, #tpu.memory_space<vmem>> -> memref<1x80xi32, #tpu.memory_space<vmem>>
      %dma_wait3A_151 = tpu.memref_squeeze %dma_wait3A_150 : memref<1x80xi32, #tpu.memory_space<vmem>> -> memref<80xi32, #tpu.memory_space<vmem>>
      %dma_wait3A_152 = arith.constant 0 : i32
      %dma_wait3A_153 = arith.constant 0 : i32
      %dma_wait3A_154 = tpu.memref_slice %arg8[%dma_wait3A_152, %dma_wait3A_153] : memref<10240x128xf32, #tpu.memory_space<vmem_shared>> -> memref<10240x128xf32, #tpu.memory_space<vmem_shared>>
      tpu.wait_indirect_dma semaphore(%run_scoped3A_144 : memref<!tpu.dma_semaphore, #tpu.memory_space<semaphore_mem>>) src(%dma_wait3A_154 : memref<10240x128xf32, #tpu.memory_space<vmem_shared>>) dst(%arg12 : memref<80x128xf32, #tpu.memory_space<vmem>>)
      tpu.yield
    }) : () -> ()
    %add3A_79 = arith.constant 160 : i32
    %add3A_80 = arith.addi %mul3A_2, %add3A_79 : i32
    "tpu.region"() ({
      %run_scoped3A_144 = tpu.sem_alloc : memref<!tpu.dma_semaphore, #tpu.memory_space<semaphore_mem>>
      %dma_start3A = arith.constant 0 : i32
      %dma_start3A_145 = tpu.memref_slice %arg6[%arg0, %add3A_80, %dma_start3A] : memref<2x10240x128xf32, #tpu.memory_space<hbm>> -> memref<1x80x128xf32, #tpu.memory_space<hbm>>
      %dma_start3A_146 = tpu.memref_squeeze %dma_start3A_145 : memref<1x80x128xf32, #tpu.memory_space<hbm>> -> memref<80x128xf32, #tpu.memory_space<hbm>>
      %dma_start3A_147 = arith.constant 0 : i32
      %dma_start3A_148 = tpu.memref_slice %arg6[%arg0, %add3A_80, %dma_start3A_147] : memref<2x10240x128xf32, #tpu.memory_space<hbm>> -> memref<1x80x128xf32, #tpu.memory_space<hbm>>
      %dma_start3A_149 = tpu.memref_squeeze %dma_start3A_148 : memref<1x80x128xf32, #tpu.memory_space<hbm>> -> memref<80x128xf32, #tpu.memory_space<hbm>>
      tpu.enqueue_dma source(%arg12 : memref<80x128xf32, #tpu.memory_space<vmem>>) target(%dma_start3A_149 : memref<80x128xf32, #tpu.memory_space<hbm>>) target_semaphore(%run_scoped3A_144 : memref<!tpu.dma_semaphore, #tpu.memory_space<semaphore_mem>>)
      %dma_wait3A = arith.constant 0 : i32
      %dma_wait3A_150 = tpu.memref_slice %arg6[%arg0, %add3A_80, %dma_wait3A] : memref<2x10240x128xf32, #tpu.memory_space<hbm>> -> memref<1x80x128xf32, #tpu.memory_space<hbm>>
      %dma_wait3A_151 = tpu.memref_squeeze %dma_wait3A_150 : memref<1x80x128xf32, #tpu.memory_space<hbm>> -> memref<80x128xf32, #tpu.memory_space<hbm>>
      %dma_wait3A_152 = arith.constant 0 : i32
      %dma_wait3A_153 = tpu.memref_slice %arg6[%arg0, %add3A_80, %dma_wait3A_152] : memref<2x10240x128xf32, #tpu.memory_space<hbm>> -> memref<1x80x128xf32, #tpu.memory_space<hbm>>
      %dma_wait3A_154 = tpu.memref_squeeze %dma_wait3A_153 : memref<1x80x128xf32, #tpu.memory_space<hbm>> -> memref<80x128xf32, #tpu.memory_space<hbm>>
      tpu.wait_dma2 semaphore(%run_scoped3A_144 : memref<!tpu.dma_semaphore, #tpu.memory_space<semaphore_mem>>) src(%arg12 : memref<80x128xf32, #tpu.memory_space<vmem>>) dst(%dma_wait3A_154 : memref<80x128xf32, #tpu.memory_space<hbm>>)
      tpu.yield
    }) : () -> ()
    %run_scoped3A_81 = arith.constant 3 : i32
    "tpu.region"() ({
      %run_scoped3A_144 = tpu.sem_alloc : memref<!tpu.dma_semaphore, #tpu.memory_space<semaphore_mem>>
      %dma_start3A = arith.constant 0 : i32
      %dma_start3A_145 = tpu.memref_slice %arg9[%run_scoped3A_81, %dma_start3A] : memref<8x80xi32, #tpu.memory_space<vmem>> -> memref<1x80xi32, #tpu.memory_space<vmem>>
      %dma_start3A_146 = tpu.memref_squeeze %dma_start3A_145 : memref<1x80xi32, #tpu.memory_space<vmem>> -> memref<80xi32, #tpu.memory_space<vmem>>
      %dma_start3A_147 = arith.constant 0 : i32
      %dma_start3A_148 = arith.constant 0 : i32
      %dma_start3A_149 = tpu.memref_slice %arg8[%dma_start3A_147, %dma_start3A_148] : memref<10240x128xf32, #tpu.memory_space<vmem_shared>> -> memref<10240x128xf32, #tpu.memory_space<vmem_shared>>
      tpu.enqueue_indirect_dma source(%dma_start3A_149 : memref<10240x128xf32, #tpu.memory_space<vmem_shared>>) target(%arg12 : memref<80x128xf32, #tpu.memory_space<vmem>>) offsets(%dma_start3A_146 : memref<80xi32, #tpu.memory_space<vmem>>) semaphore(%run_scoped3A_144 : memref<!tpu.dma_semaphore, #tpu.memory_space<semaphore_mem>>)
      %dma_wait3A = arith.constant 0 : i32
      %dma_wait3A_150 = tpu.memref_slice %arg9[%run_scoped3A_81, %dma_wait3A] : memref<8x80xi32, #tpu.memory_space<vmem>> -> memref<1x80xi32, #tpu.memory_space<vmem>>
      %dma_wait3A_151 = tpu.memref_squeeze %dma_wait3A_150 : memref<1x80xi32, #tpu.memory_space<vmem>> -> memref<80xi32, #tpu.memory_space<vmem>>
      %dma_wait3A_152 = arith.constant 0 : i32
      %dma_wait3A_153 = arith.constant 0 : i32
      %dma_wait3A_154 = tpu.memref_slice %arg8[%dma_wait3A_152, %dma_wait3A_153] : memref<10240x128xf32, #tpu.memory_space<vmem_shared>> -> memref<10240x128xf32, #tpu.memory_space<vmem_shared>>
      tpu.wait_indirect_dma semaphore(%run_scoped3A_144 : memref<!tpu.dma_semaphore, #tpu.memory_space<semaphore_mem>>) src(%dma_wait3A_154 : memref<10240x128xf32, #tpu.memory_space<vmem_shared>>) dst(%arg12 : memref<80x128xf32, #tpu.memory_space<vmem>>)
      tpu.yield
    }) : () -> ()
    %add3A_82 = arith.constant 240 : i32
    %add3A_83 = arith.addi %mul3A_2, %add3A_82 : i32
    "tpu.region"() ({
      %run_scoped3A_144 = tpu.sem_alloc : memref<!tpu.dma_semaphore, #tpu.memory_space<semaphore_mem>>
      %dma_start3A = arith.constant 0 : i32
      %dma_start3A_145 = tpu.memref_slice %arg6[%arg0, %add3A_83, %dma_start3A] : memref<2x10240x128xf32, #tpu.memory_space<hbm>> -> memref<1x80x128xf32, #tpu.memory_space<hbm>>
      %dma_start3A_146 = tpu.memref_squeeze %dma_start3A_145 : memref<1x80x128xf32, #tpu.memory_space<hbm>> -> memref<80x128xf32, #tpu.memory_space<hbm>>
      %dma_start3A_147 = arith.constant 0 : i32
      %dma_start3A_148 = tpu.memref_slice %arg6[%arg0, %add3A_83, %dma_start3A_147] : memref<2x10240x128xf32, #tpu.memory_space<hbm>> -> memref<1x80x128xf32, #tpu.memory_space<hbm>>
      %dma_start3A_149 = tpu.memref_squeeze %dma_start3A_148 : memref<1x80x128xf32, #tpu.memory_space<hbm>> -> memref<80x128xf32, #tpu.memory_space<hbm>>
      tpu.enqueue_dma source(%arg12 : memref<80x128xf32, #tpu.memory_space<vmem>>) target(%dma_start3A_149 : memref<80x128xf32, #tpu.memory_space<hbm>>) target_semaphore(%run_scoped3A_144 : memref<!tpu.dma_semaphore, #tpu.memory_space<semaphore_mem>>)
      %dma_wait3A = arith.constant 0 : i32
      %dma_wait3A_150 = tpu.memref_slice %arg6[%arg0, %add3A_83, %dma_wait3A] : memref<2x10240x128xf32, #tpu.memory_space<hbm>> -> memref<1x80x128xf32, #tpu.memory_space<hbm>>
      %dma_wait3A_151 = tpu.memref_squeeze %dma_wait3A_150 : memref<1x80x128xf32, #tpu.memory_space<hbm>> -> memref<80x128xf32, #tpu.memory_space<hbm>>
      %dma_wait3A_152 = arith.constant 0 : i32
      %dma_wait3A_153 = tpu.memref_slice %arg6[%arg0, %add3A_83, %dma_wait3A_152] : memref<2x10240x128xf32, #tpu.memory_space<hbm>> -> memref<1x80x128xf32, #tpu.memory_space<hbm>>
      %dma_wait3A_154 = tpu.memref_squeeze %dma_wait3A_153 : memref<1x80x128xf32, #tpu.memory_space<hbm>> -> memref<80x128xf32, #tpu.memory_space<hbm>>
      tpu.wait_dma2 semaphore(%run_scoped3A_144 : memref<!tpu.dma_semaphore, #tpu.memory_space<semaphore_mem>>) src(%arg12 : memref<80x128xf32, #tpu.memory_space<vmem>>) dst(%dma_wait3A_154 : memref<80x128xf32, #tpu.memory_space<hbm>>)
      tpu.yield
    }) : () -> ()
    %run_scoped3A_84 = arith.constant 4 : i32
    "tpu.region"() ({
      %run_scoped3A_144 = tpu.sem_alloc : memref<!tpu.dma_semaphore, #tpu.memory_space<semaphore_mem>>
      %dma_start3A = arith.constant 0 : i32
      %dma_start3A_145 = tpu.memref_slice %arg9[%run_scoped3A_84, %dma_start3A] : memref<8x80xi32, #tpu.memory_space<vmem>> -> memref<1x80xi32, #tpu.memory_space<vmem>>
      %dma_start3A_146 = tpu.memref_squeeze %dma_start3A_145 : memref<1x80xi32, #tpu.memory_space<vmem>> -> memref<80xi32, #tpu.memory_space<vmem>>
      %dma_start3A_147 = arith.constant 0 : i32
      %dma_start3A_148 = arith.constant 0 : i32
      %dma_start3A_149 = tpu.memref_slice %arg8[%dma_start3A_147, %dma_start3A_148] : memref<10240x128xf32, #tpu.memory_space<vmem_shared>> -> memref<10240x128xf32, #tpu.memory_space<vmem_shared>>
      tpu.enqueue_indirect_dma source(%dma_start3A_149 : memref<10240x128xf32, #tpu.memory_space<vmem_shared>>) target(%arg12 : memref<80x128xf32, #tpu.memory_space<vmem>>) offsets(%dma_start3A_146 : memref<80xi32, #tpu.memory_space<vmem>>) semaphore(%run_scoped3A_144 : memref<!tpu.dma_semaphore, #tpu.memory_space<semaphore_mem>>)
      %dma_wait3A = arith.constant 0 : i32
      %dma_wait3A_150 = tpu.memref_slice %arg9[%run_scoped3A_84, %dma_wait3A] : memref<8x80xi32, #tpu.memory_space<vmem>> -> memref<1x80xi32, #tpu.memory_space<vmem>>
      %dma_wait3A_151 = tpu.memref_squeeze %dma_wait3A_150 : memref<1x80xi32, #tpu.memory_space<vmem>> -> memref<80xi32, #tpu.memory_space<vmem>>
      %dma_wait3A_152 = arith.constant 0 : i32
      %dma_wait3A_153 = arith.constant 0 : i32
      %dma_wait3A_154 = tpu.memref_slice %arg8[%dma_wait3A_152, %dma_wait3A_153] : memref<10240x128xf32, #tpu.memory_space<vmem_shared>> -> memref<10240x128xf32, #tpu.memory_space<vmem_shared>>
      tpu.wait_indirect_dma semaphore(%run_scoped3A_144 : memref<!tpu.dma_semaphore, #tpu.memory_space<semaphore_mem>>) src(%dma_wait3A_154 : memref<10240x128xf32, #tpu.memory_space<vmem_shared>>) dst(%arg12 : memref<80x128xf32, #tpu.memory_space<vmem>>)
      tpu.yield
    }) : () -> ()
    %add3A_85 = arith.constant 320 : i32
    %add3A_86 = arith.addi %mul3A_2, %add3A_85 : i32
    "tpu.region"() ({
      %run_scoped3A_144 = tpu.sem_alloc : memref<!tpu.dma_semaphore, #tpu.memory_space<semaphore_mem>>
      %dma_start3A = arith.constant 0 : i32
      %dma_start3A_145 = tpu.memref_slice %arg6[%arg0, %add3A_86, %dma_start3A] : memref<2x10240x128xf32, #tpu.memory_space<hbm>> -> memref<1x80x128xf32, #tpu.memory_space<hbm>>
      %dma_start3A_146 = tpu.memref_squeeze %dma_start3A_145 : memref<1x80x128xf32, #tpu.memory_space<hbm>> -> memref<80x128xf32, #tpu.memory_space<hbm>>
      %dma_start3A_147 = arith.constant 0 : i32
      %dma_start3A_148 = tpu.memref_slice %arg6[%arg0, %add3A_86, %dma_start3A_147] : memref<2x10240x128xf32, #tpu.memory_space<hbm>> -> memref<1x80x128xf32, #tpu.memory_space<hbm>>
      %dma_start3A_149 = tpu.memref_squeeze %dma_start3A_148 : memref<1x80x128xf32, #tpu.memory_space<hbm>> -> memref<80x128xf32, #tpu.memory_space<hbm>>
      tpu.enqueue_dma source(%arg12 : memref<80x128xf32, #tpu.memory_space<vmem>>) target(%dma_start3A_149 : memref<80x128xf32, #tpu.memory_space<hbm>>) target_semaphore(%run_scoped3A_144 : memref<!tpu.dma_semaphore, #tpu.memory_space<semaphore_mem>>)
      %dma_wait3A = arith.constant 0 : i32
      %dma_wait3A_150 = tpu.memref_slice %arg6[%arg0, %add3A_86, %dma_wait3A] : memref<2x10240x128xf32, #tpu.memory_space<hbm>> -> memref<1x80x128xf32, #tpu.memory_space<hbm>>
      %dma_wait3A_151 = tpu.memref_squeeze %dma_wait3A_150 : memref<1x80x128xf32, #tpu.memory_space<hbm>> -> memref<80x128xf32, #tpu.memory_space<hbm>>
      %dma_wait3A_152 = arith.constant 0 : i32
      %dma_wait3A_153 = tpu.memref_slice %arg6[%arg0, %add3A_86, %dma_wait3A_152] : memref<2x10240x128xf32, #tpu.memory_space<hbm>> -> memref<1x80x128xf32, #tpu.memory_space<hbm>>
      %dma_wait3A_154 = tpu.memref_squeeze %dma_wait3A_153 : memref<1x80x128xf32, #tpu.memory_space<hbm>> -> memref<80x128xf32, #tpu.memory_space<hbm>>
      tpu.wait_dma2 semaphore(%run_scoped3A_144 : memref<!tpu.dma_semaphore, #tpu.memory_space<semaphore_mem>>) src(%arg12 : memref<80x128xf32, #tpu.memory_space<vmem>>) dst(%dma_wait3A_154 : memref<80x128xf32, #tpu.memory_space<hbm>>)
      tpu.yield
    }) : () -> ()
    %run_scoped3A_87 = arith.constant 5 : i32
    "tpu.region"() ({
      %run_scoped3A_144 = tpu.sem_alloc : memref<!tpu.dma_semaphore, #tpu.memory_space<semaphore_mem>>
      %dma_start3A = arith.constant 0 : i32
      %dma_start3A_145 = tpu.memref_slice %arg9[%run_scoped3A_87, %dma_start3A] : memref<8x80xi32, #tpu.memory_space<vmem>> -> memref<1x80xi32, #tpu.memory_space<vmem>>
      %dma_start3A_146 = tpu.memref_squeeze %dma_start3A_145 : memref<1x80xi32, #tpu.memory_space<vmem>> -> memref<80xi32, #tpu.memory_space<vmem>>
      %dma_start3A_147 = arith.constant 0 : i32
      %dma_start3A_148 = arith.constant 0 : i32
      %dma_start3A_149 = tpu.memref_slice %arg8[%dma_start3A_147, %dma_start3A_148] : memref<10240x128xf32, #tpu.memory_space<vmem_shared>> -> memref<10240x128xf32, #tpu.memory_space<vmem_shared>>
      tpu.enqueue_indirect_dma source(%dma_start3A_149 : memref<10240x128xf32, #tpu.memory_space<vmem_shared>>) target(%arg12 : memref<80x128xf32, #tpu.memory_space<vmem>>) offsets(%dma_start3A_146 : memref<80xi32, #tpu.memory_space<vmem>>) semaphore(%run_scoped3A_144 : memref<!tpu.dma_semaphore, #tpu.memory_space<semaphore_mem>>)
      %dma_wait3A = arith.constant 0 : i32
      %dma_wait3A_150 = tpu.memref_slice %arg9[%run_scoped3A_87, %dma_wait3A] : memref<8x80xi32, #tpu.memory_space<vmem>> -> memref<1x80xi32, #tpu.memory_space<vmem>>
      %dma_wait3A_151 = tpu.memref_squeeze %dma_wait3A_150 : memref<1x80xi32, #tpu.memory_space<vmem>> -> memref<80xi32, #tpu.memory_space<vmem>>
      %dma_wait3A_152 = arith.constant 0 : i32
      %dma_wait3A_153 = arith.constant 0 : i32
      %dma_wait3A_154 = tpu.memref_slice %arg8[%dma_wait3A_152, %dma_wait3A_153] : memref<10240x128xf32, #tpu.memory_space<vmem_shared>> -> memref<10240x128xf32, #tpu.memory_space<vmem_shared>>
      tpu.wait_indirect_dma semaphore(%run_scoped3A_144 : memref<!tpu.dma_semaphore, #tpu.memory_space<semaphore_mem>>) src(%dma_wait3A_154 : memref<10240x128xf32, #tpu.memory_space<vmem_shared>>) dst(%arg12 : memref<80x128xf32, #tpu.memory_space<vmem>>)
      tpu.yield
    }) : () -> ()
    %add3A_88 = arith.constant 400 : i32
    %add3A_89 = arith.addi %mul3A_2, %add3A_88 : i32
    "tpu.region"() ({
      %run_scoped3A_144 = tpu.sem_alloc : memref<!tpu.dma_semaphore, #tpu.memory_space<semaphore_mem>>
      %dma_start3A = arith.constant 0 : i32
      %dma_start3A_145 = tpu.memref_slice %arg6[%arg0, %add3A_89, %dma_start3A] : memref<2x10240x128xf32, #tpu.memory_space<hbm>> -> memref<1x80x128xf32, #tpu.memory_space<hbm>>
      %dma_start3A_146 = tpu.memref_squeeze %dma_start3A_145 : memref<1x80x128xf32, #tpu.memory_space<hbm>> -> memref<80x128xf32, #tpu.memory_space<hbm>>
      %dma_start3A_147 = arith.constant 0 : i32
      %dma_start3A_148 = tpu.memref_slice %arg6[%arg0, %add3A_89, %dma_start3A_147] : memref<2x10240x128xf32, #tpu.memory_space<hbm>> -> memref<1x80x128xf32, #tpu.memory_space<hbm>>
      %dma_start3A_149 = tpu.memref_squeeze %dma_start3A_148 : memref<1x80x128xf32, #tpu.memory_space<hbm>> -> memref<80x128xf32, #tpu.memory_space<hbm>>
      tpu.enqueue_dma source(%arg12 : memref<80x128xf32, #tpu.memory_space<vmem>>) target(%dma_start3A_149 : memref<80x128xf32, #tpu.memory_space<hbm>>) target_semaphore(%run_scoped3A_144 : memref<!tpu.dma_semaphore, #tpu.memory_space<semaphore_mem>>)
      %dma_wait3A = arith.constant 0 : i32
      %dma_wait3A_150 = tpu.memref_slice %arg6[%arg0, %add3A_89, %dma_wait3A] : memref<2x10240x128xf32, #tpu.memory_space<hbm>> -> memref<1x80x128xf32, #tpu.memory_space<hbm>>
      %dma_wait3A_151 = tpu.memref_squeeze %dma_wait3A_150 : memref<1x80x128xf32, #tpu.memory_space<hbm>> -> memref<80x128xf32, #tpu.memory_space<hbm>>
      %dma_wait3A_152 = arith.constant 0 : i32
      %dma_wait3A_153 = tpu.memref_slice %arg6[%arg0, %add3A_89, %dma_wait3A_152] : memref<2x10240x128xf32, #tpu.memory_space<hbm>> -> memref<1x80x128xf32, #tpu.memory_space<hbm>>
      %dma_wait3A_154 = tpu.memref_squeeze %dma_wait3A_153 : memref<1x80x128xf32, #tpu.memory_space<hbm>> -> memref<80x128xf32, #tpu.memory_space<hbm>>
      tpu.wait_dma2 semaphore(%run_scoped3A_144 : memref<!tpu.dma_semaphore, #tpu.memory_space<semaphore_mem>>) src(%arg12 : memref<80x128xf32, #tpu.memory_space<vmem>>) dst(%dma_wait3A_154 : memref<80x128xf32, #tpu.memory_space<hbm>>)
      tpu.yield
    }) : () -> ()
    %run_scoped3A_90 = arith.constant 6 : i32
    "tpu.region"() ({
      %run_scoped3A_144 = tpu.sem_alloc : memref<!tpu.dma_semaphore, #tpu.memory_space<semaphore_mem>>
      %dma_start3A = arith.constant 0 : i32
      %dma_start3A_145 = tpu.memref_slice %arg9[%run_scoped3A_90, %dma_start3A] : memref<8x80xi32, #tpu.memory_space<vmem>> -> memref<1x80xi32, #tpu.memory_space<vmem>>
      %dma_start3A_146 = tpu.memref_squeeze %dma_start3A_145 : memref<1x80xi32, #tpu.memory_space<vmem>> -> memref<80xi32, #tpu.memory_space<vmem>>
      %dma_start3A_147 = arith.constant 0 : i32
      %dma_start3A_148 = arith.constant 0 : i32
      %dma_start3A_149 = tpu.memref_slice %arg8[%dma_start3A_147, %dma_start3A_148] : memref<10240x128xf32, #tpu.memory_space<vmem_shared>> -> memref<10240x128xf32, #tpu.memory_space<vmem_shared>>
      tpu.enqueue_indirect_dma source(%dma_start3A_149 : memref<10240x128xf32, #tpu.memory_space<vmem_shared>>) target(%arg12 : memref<80x128xf32, #tpu.memory_space<vmem>>) offsets(%dma_start3A_146 : memref<80xi32, #tpu.memory_space<vmem>>) semaphore(%run_scoped3A_144 : memref<!tpu.dma_semaphore, #tpu.memory_space<semaphore_mem>>)
      %dma_wait3A = arith.constant 0 : i32
      %dma_wait3A_150 = tpu.memref_slice %arg9[%run_scoped3A_90, %dma_wait3A] : memref<8x80xi32, #tpu.memory_space<vmem>> -> memref<1x80xi32, #tpu.memory_space<vmem>>
      %dma_wait3A_151 = tpu.memref_squeeze %dma_wait3A_150 : memref<1x80xi32, #tpu.memory_space<vmem>> -> memref<80xi32, #tpu.memory_space<vmem>>
      %dma_wait3A_152 = arith.constant 0 : i32
      %dma_wait3A_153 = arith.constant 0 : i32
      %dma_wait3A_154 = tpu.memref_slice %arg8[%dma_wait3A_152, %dma_wait3A_153] : memref<10240x128xf32, #tpu.memory_space<vmem_shared>> -> memref<10240x128xf32, #tpu.memory_space<vmem_shared>>
      tpu.wait_indirect_dma semaphore(%run_scoped3A_144 : memref<!tpu.dma_semaphore, #tpu.memory_space<semaphore_mem>>) src(%dma_wait3A_154 : memref<10240x128xf32, #tpu.memory_space<vmem_shared>>) dst(%arg12 : memref<80x128xf32, #tpu.memory_space<vmem>>)
      tpu.yield
    }) : () -> ()
    %add3A_91 = arith.constant 480 : i32
    %add3A_92 = arith.addi %mul3A_2, %add3A_91 : i32
    "tpu.region"() ({
      %run_scoped3A_144 = tpu.sem_alloc : memref<!tpu.dma_semaphore, #tpu.memory_space<semaphore_mem>>
      %dma_start3A = arith.constant 0 : i32
      %dma_start3A_145 = tpu.memref_slice %arg6[%arg0, %add3A_92, %dma_start3A] : memref<2x10240x128xf32, #tpu.memory_space<hbm>> -> memref<1x80x128xf32, #tpu.memory_space<hbm>>
      %dma_start3A_146 = tpu.memref_squeeze %dma_start3A_145 : memref<1x80x128xf32, #tpu.memory_space<hbm>> -> memref<80x128xf32, #tpu.memory_space<hbm>>
      %dma_start3A_147 = arith.constant 0 : i32
      %dma_start3A_148 = tpu.memref_slice %arg6[%arg0, %add3A_92, %dma_start3A_147] : memref<2x10240x128xf32, #tpu.memory_space<hbm>> -> memref<1x80x128xf32, #tpu.memory_space<hbm>>
      %dma_start3A_149 = tpu.memref_squeeze %dma_start3A_148 : memref<1x80x128xf32, #tpu.memory_space<hbm>> -> memref<80x128xf32, #tpu.memory_space<hbm>>
      tpu.enqueue_dma source(%arg12 : memref<80x128xf32, #tpu.memory_space<vmem>>) target(%dma_start3A_149 : memref<80x128xf32, #tpu.memory_space<hbm>>) target_semaphore(%run_scoped3A_144 : memref<!tpu.dma_semaphore, #tpu.memory_space<semaphore_mem>>)
      %dma_wait3A = arith.constant 0 : i32
      %dma_wait3A_150 = tpu.memref_slice %arg6[%arg0, %add3A_92, %dma_wait3A] : memref<2x10240x128xf32, #tpu.memory_space<hbm>> -> memref<1x80x128xf32, #tpu.memory_space<hbm>>
      %dma_wait3A_151 = tpu.memref_squeeze %dma_wait3A_150 : memref<1x80x128xf32, #tpu.memory_space<hbm>> -> memref<80x128xf32, #tpu.memory_space<hbm>>
      %dma_wait3A_152 = arith.constant 0 : i32
      %dma_wait3A_153 = tpu.memref_slice %arg6[%arg0, %add3A_92, %dma_wait3A_152] : memref<2x10240x128xf32, #tpu.memory_space<hbm>> -> memref<1x80x128xf32, #tpu.memory_space<hbm>>
      %dma_wait3A_154 = tpu.memref_squeeze %dma_wait3A_153 : memref<1x80x128xf32, #tpu.memory_space<hbm>> -> memref<80x128xf32, #tpu.memory_space<hbm>>
      tpu.wait_dma2 semaphore(%run_scoped3A_144 : memref<!tpu.dma_semaphore, #tpu.memory_space<semaphore_mem>>) src(%arg12 : memref<80x128xf32, #tpu.memory_space<vmem>>) dst(%dma_wait3A_154 : memref<80x128xf32, #tpu.memory_space<hbm>>)
      tpu.yield
    }) : () -> ()
    %run_scoped3A_93 = arith.constant 7 : i32
    "tpu.region"() ({
      %run_scoped3A_144 = tpu.sem_alloc : memref<!tpu.dma_semaphore, #tpu.memory_space<semaphore_mem>>
      %dma_start3A = arith.constant 0 : i32
      %dma_start3A_145 = tpu.memref_slice %arg9[%run_scoped3A_93, %dma_start3A] : memref<8x80xi32, #tpu.memory_space<vmem>> -> memref<1x80xi32, #tpu.memory_space<vmem>>
      %dma_start3A_146 = tpu.memref_squeeze %dma_start3A_145 : memref<1x80xi32, #tpu.memory_space<vmem>> -> memref<80xi32, #tpu.memory_space<vmem>>
      %dma_start3A_147 = arith.constant 0 : i32
      %dma_start3A_148 = arith.constant 0 : i32
      %dma_start3A_149 = tpu.memref_slice %arg8[%dma_start3A_147, %dma_start3A_148] : memref<10240x128xf32, #tpu.memory_space<vmem_shared>> -> memref<10240x128xf32, #tpu.memory_space<vmem_shared>>
      tpu.enqueue_indirect_dma source(%dma_start3A_149 : memref<10240x128xf32, #tpu.memory_space<vmem_shared>>) target(%arg12 : memref<80x128xf32, #tpu.memory_space<vmem>>) offsets(%dma_start3A_146 : memref<80xi32, #tpu.memory_space<vmem>>) semaphore(%run_scoped3A_144 : memref<!tpu.dma_semaphore, #tpu.memory_space<semaphore_mem>>)
      %dma_wait3A = arith.constant 0 : i32
      %dma_wait3A_150 = tpu.memref_slice %arg9[%run_scoped3A_93, %dma_wait3A] : memref<8x80xi32, #tpu.memory_space<vmem>> -> memref<1x80xi32, #tpu.memory_space<vmem>>
      %dma_wait3A_151 = tpu.memref_squeeze %dma_wait3A_150 : memref<1x80xi32, #tpu.memory_space<vmem>> -> memref<80xi32, #tpu.memory_space<vmem>>
      %dma_wait3A_152 = arith.constant 0 : i32
      %dma_wait3A_153 = arith.constant 0 : i32
      %dma_wait3A_154 = tpu.memref_slice %arg8[%dma_wait3A_152, %dma_wait3A_153] : memref<10240x128xf32, #tpu.memory_space<vmem_shared>> -> memref<10240x128xf32, #tpu.memory_space<vmem_shared>>
      tpu.wait_indirect_dma semaphore(%run_scoped3A_144 : memref<!tpu.dma_semaphore, #tpu.memory_space<semaphore_mem>>) src(%dma_wait3A_154 : memref<10240x128xf32, #tpu.memory_space<vmem_shared>>) dst(%arg12 : memref<80x128xf32, #tpu.memory_space<vmem>>)
      tpu.yield
    }) : () -> ()
    %add3A_94 = arith.constant 560 : i32
    %add3A_95 = arith.addi %mul3A_2, %add3A_94 : i32
    "tpu.region"() ({
      %run_scoped3A_144 = tpu.sem_alloc : memref<!tpu.dma_semaphore, #tpu.memory_space<semaphore_mem>>
      %dma_start3A = arith.constant 0 : i32
      %dma_start3A_145 = tpu.memref_slice %arg6[%arg0, %add3A_95, %dma_start3A] : memref<2x10240x128xf32, #tpu.memory_space<hbm>> -> memref<1x80x128xf32, #tpu.memory_space<hbm>>
      %dma_start3A_146 = tpu.memref_squeeze %dma_start3A_145 : memref<1x80x128xf32, #tpu.memory_space<hbm>> -> memref<80x128xf32, #tpu.memory_space<hbm>>
      %dma_start3A_147 = arith.constant 0 : i32
      %dma_start3A_148 = tpu.memref_slice %arg6[%arg0, %add3A_95, %dma_start3A_147] : memref<2x10240x128xf32, #tpu.memory_space<hbm>> -> memref<1x80x128xf32, #tpu.memory_space<hbm>>
      %dma_start3A_149 = tpu.memref_squeeze %dma_start3A_148 : memref<1x80x128xf32, #tpu.memory_space<hbm>> -> memref<80x128xf32, #tpu.memory_space<hbm>>
      tpu.enqueue_dma source(%arg12 : memref<80x128xf32, #tpu.memory_space<vmem>>) target(%dma_start3A_149 : memref<80x128xf32, #tpu.memory_space<hbm>>) target_semaphore(%run_scoped3A_144 : memref<!tpu.dma_semaphore, #tpu.memory_space<semaphore_mem>>)
      %dma_wait3A = arith.constant 0 : i32
      %dma_wait3A_150 = tpu.memref_slice %arg6[%arg0, %add3A_95, %dma_wait3A] : memref<2x10240x128xf32, #tpu.memory_space<hbm>> -> memref<1x80x128xf32, #tpu.memory_space<hbm>>
      %dma_wait3A_151 = tpu.memref_squeeze %dma_wait3A_150 : memref<1x80x128xf32, #tpu.memory_space<hbm>> -> memref<80x128xf32, #tpu.memory_space<hbm>>
      %dma_wait3A_152 = arith.constant 0 : i32
      %dma_wait3A_153 = tpu.memref_slice %arg6[%arg0, %add3A_95, %dma_wait3A_152] : memref<2x10240x128xf32, #tpu.memory_space<hbm>> -> memref<1x80x128xf32, #tpu.memory_space<hbm>>
      %dma_wait3A_154 = tpu.memref_squeeze %dma_wait3A_153 : memref<1x80x128xf32, #tpu.memory_space<hbm>> -> memref<80x128xf32, #tpu.memory_space<hbm>>
      tpu.wait_dma2 semaphore(%run_scoped3A_144 : memref<!tpu.dma_semaphore, #tpu.memory_space<semaphore_mem>>) src(%arg12 : memref<80x128xf32, #tpu.memory_space<vmem>>) dst(%dma_wait3A_154 : memref<80x128xf32, #tpu.memory_space<hbm>>)
      tpu.yield
    }) : () -> ()
    %run_scoped3A_96 = arith.constant 0 : i32
    "tpu.region"() ({
      %run_scoped3A_144 = tpu.sem_alloc : memref<!tpu.dma_semaphore, #tpu.memory_space<semaphore_mem>>
      %dma_start3A = arith.constant 0 : i32
      %dma_start3A_145 = tpu.memref_slice %arg9[%run_scoped3A_96, %dma_start3A] : memref<8x80xi32, #tpu.memory_space<vmem>> -> memref<1x80xi32, #tpu.memory_space<vmem>>
      %dma_start3A_146 = tpu.memref_squeeze %dma_start3A_145 : memref<1x80xi32, #tpu.memory_space<vmem>> -> memref<80xi32, #tpu.memory_space<vmem>>
      %dma_start3A_147 = arith.constant 0 : i32
      %dma_start3A_148 = tpu.memref_slice %arg22[%dma_start3A_147] : memref<10240xf32, #tpu.memory_space<vmem_shared>> -> memref<10240xf32, #tpu.memory_space<vmem_shared>>
      tpu.enqueue_indirect_dma source(%dma_start3A_148 : memref<10240xf32, #tpu.memory_space<vmem_shared>>) target(%arg23 : memref<80xf32, #tpu.memory_space<vmem>>) offsets(%dma_start3A_146 : memref<80xi32, #tpu.memory_space<vmem>>) semaphore(%run_scoped3A_144 : memref<!tpu.dma_semaphore, #tpu.memory_space<semaphore_mem>>)
      %dma_wait3A = arith.constant 0 : i32
      %dma_wait3A_149 = tpu.memref_slice %arg9[%run_scoped3A_96, %dma_wait3A] : memref<8x80xi32, #tpu.memory_space<vmem>> -> memref<1x80xi32, #tpu.memory_space<vmem>>
      %dma_wait3A_150 = tpu.memref_squeeze %dma_wait3A_149 : memref<1x80xi32, #tpu.memory_space<vmem>> -> memref<80xi32, #tpu.memory_space<vmem>>
      %dma_wait3A_151 = arith.constant 0 : i32
      %dma_wait3A_152 = tpu.memref_slice %arg22[%dma_wait3A_151] : memref<10240xf32, #tpu.memory_space<vmem_shared>> -> memref<10240xf32, #tpu.memory_space<vmem_shared>>
      tpu.wait_indirect_dma semaphore(%run_scoped3A_144 : memref<!tpu.dma_semaphore, #tpu.memory_space<semaphore_mem>>) src(%dma_wait3A_152 : memref<10240xf32, #tpu.memory_space<vmem_shared>>) dst(%arg23 : memref<80xf32, #tpu.memory_space<vmem>>)
      tpu.yield
    }) : () -> ()
    %mul3A_97 = arith.constant 10240 : i32
    %mul3A_98 = arith.muli %arg0, %mul3A_97 : i32
    %add3A_99 = arith.addi %mul3A_98, %mul3A_2 : i32
    %add3A_100 = arith.constant 0 : i32
    %add3A_101 = arith.addi %add3A_99, %add3A_100 : i32
    "tpu.region"() ({
      %run_scoped3A_144 = tpu.sem_alloc : memref<!tpu.dma_semaphore, #tpu.memory_space<semaphore_mem>>
      %dma_start3A = tpu.memref_slice %arg7[%add3A_101] : memref<20480xf32, #tpu.memory_space<hbm>> -> memref<80xf32, #tpu.memory_space<hbm>>
      %dma_start3A_145 = tpu.memref_slice %arg7[%add3A_101] : memref<20480xf32, #tpu.memory_space<hbm>> -> memref<80xf32, #tpu.memory_space<hbm>>
      tpu.enqueue_dma source(%arg23 : memref<80xf32, #tpu.memory_space<vmem>>) target(%dma_start3A_145 : memref<80xf32, #tpu.memory_space<hbm>>) target_semaphore(%run_scoped3A_144 : memref<!tpu.dma_semaphore, #tpu.memory_space<semaphore_mem>>)
      %dma_wait3A = tpu.memref_slice %arg7[%add3A_101] : memref<20480xf32, #tpu.memory_space<hbm>> -> memref<80xf32, #tpu.memory_space<hbm>>
      %dma_wait3A_146 = tpu.memref_slice %arg7[%add3A_101] : memref<20480xf32, #tpu.memory_space<hbm>> -> memref<80xf32, #tpu.memory_space<hbm>>
      tpu.wait_dma2 semaphore(%run_scoped3A_144 : memref<!tpu.dma_semaphore, #tpu.memory_space<semaphore_mem>>) src(%arg23 : memref<80xf32, #tpu.memory_space<vmem>>) dst(%dma_wait3A_146 : memref<80xf32, #tpu.memory_space<hbm>>)
      tpu.yield
    }) : () -> ()
    %run_scoped3A_102 = arith.constant 1 : i32
    "tpu.region"() ({
      %run_scoped3A_144 = tpu.sem_alloc : memref<!tpu.dma_semaphore, #tpu.memory_space<semaphore_mem>>
      %dma_start3A = arith.constant 0 : i32
      %dma_start3A_145 = tpu.memref_slice %arg9[%run_scoped3A_102, %dma_start3A] : memref<8x80xi32, #tpu.memory_space<vmem>> -> memref<1x80xi32, #tpu.memory_space<vmem>>
      %dma_start3A_146 = tpu.memref_squeeze %dma_start3A_145 : memref<1x80xi32, #tpu.memory_space<vmem>> -> memref<80xi32, #tpu.memory_space<vmem>>
      %dma_start3A_147 = arith.constant 0 : i32
      %dma_start3A_148 = tpu.memref_slice %arg22[%dma_start3A_147] : memref<10240xf32, #tpu.memory_space<vmem_shared>> -> memref<10240xf32, #tpu.memory_space<vmem_shared>>
      tpu.enqueue_indirect_dma source(%dma_start3A_148 : memref<10240xf32, #tpu.memory_space<vmem_shared>>) target(%arg23 : memref<80xf32, #tpu.memory_space<vmem>>) offsets(%dma_start3A_146 : memref<80xi32, #tpu.memory_space<vmem>>) semaphore(%run_scoped3A_144 : memref<!tpu.dma_semaphore, #tpu.memory_space<semaphore_mem>>)
      %dma_wait3A = arith.constant 0 : i32
      %dma_wait3A_149 = tpu.memref_slice %arg9[%run_scoped3A_102, %dma_wait3A] : memref<8x80xi32, #tpu.memory_space<vmem>> -> memref<1x80xi32, #tpu.memory_space<vmem>>
      %dma_wait3A_150 = tpu.memref_squeeze %dma_wait3A_149 : memref<1x80xi32, #tpu.memory_space<vmem>> -> memref<80xi32, #tpu.memory_space<vmem>>
      %dma_wait3A_151 = arith.constant 0 : i32
      %dma_wait3A_152 = tpu.memref_slice %arg22[%dma_wait3A_151] : memref<10240xf32, #tpu.memory_space<vmem_shared>> -> memref<10240xf32, #tpu.memory_space<vmem_shared>>
      tpu.wait_indirect_dma semaphore(%run_scoped3A_144 : memref<!tpu.dma_semaphore, #tpu.memory_space<semaphore_mem>>) src(%dma_wait3A_152 : memref<10240xf32, #tpu.memory_space<vmem_shared>>) dst(%arg23 : memref<80xf32, #tpu.memory_space<vmem>>)
      tpu.yield
    }) : () -> ()
    %mul3A_103 = arith.constant 10240 : i32
    %mul3A_104 = arith.muli %arg0, %mul3A_103 : i32
    %add3A_105 = arith.addi %mul3A_104, %mul3A_2 : i32
    %add3A_106 = arith.constant 80 : i32
    %add3A_107 = arith.addi %add3A_105, %add3A_106 : i32
    "tpu.region"() ({
      %run_scoped3A_144 = tpu.sem_alloc : memref<!tpu.dma_semaphore, #tpu.memory_space<semaphore_mem>>
      %dma_start3A = tpu.memref_slice %arg7[%add3A_107] : memref<20480xf32, #tpu.memory_space<hbm>> -> memref<80xf32, #tpu.memory_space<hbm>>
      %dma_start3A_145 = tpu.memref_slice %arg7[%add3A_107] : memref<20480xf32, #tpu.memory_space<hbm>> -> memref<80xf32, #tpu.memory_space<hbm>>
      tpu.enqueue_dma source(%arg23 : memref<80xf32, #tpu.memory_space<vmem>>) target(%dma_start3A_145 : memref<80xf32, #tpu.memory_space<hbm>>) target_semaphore(%run_scoped3A_144 : memref<!tpu.dma_semaphore, #tpu.memory_space<semaphore_mem>>)
      %dma_wait3A = tpu.memref_slice %arg7[%add3A_107] : memref<20480xf32, #tpu.memory_space<hbm>> -> memref<80xf32, #tpu.memory_space<hbm>>
      %dma_wait3A_146 = tpu.memref_slice %arg7[%add3A_107] : memref<20480xf32, #tpu.memory_space<hbm>> -> memref<80xf32, #tpu.memory_space<hbm>>
      tpu.wait_dma2 semaphore(%run_scoped3A_144 : memref<!tpu.dma_semaphore, #tpu.memory_space<semaphore_mem>>) src(%arg23 : memref<80xf32, #tpu.memory_space<vmem>>) dst(%dma_wait3A_146 : memref<80xf32, #tpu.memory_space<hbm>>)
      tpu.yield
    }) : () -> ()
    %run_scoped3A_108 = arith.constant 2 : i32
    "tpu.region"() ({
      %run_scoped3A_144 = tpu.sem_alloc : memref<!tpu.dma_semaphore, #tpu.memory_space<semaphore_mem>>
      %dma_start3A = arith.constant 0 : i32
      %dma_start3A_145 = tpu.memref_slice %arg9[%run_scoped3A_108, %dma_start3A] : memref<8x80xi32, #tpu.memory_space<vmem>> -> memref<1x80xi32, #tpu.memory_space<vmem>>
      %dma_start3A_146 = tpu.memref_squeeze %dma_start3A_145 : memref<1x80xi32, #tpu.memory_space<vmem>> -> memref<80xi32, #tpu.memory_space<vmem>>
      %dma_start3A_147 = arith.constant 0 : i32
      %dma_start3A_148 = tpu.memref_slice %arg22[%dma_start3A_147] : memref<10240xf32, #tpu.memory_space<vmem_shared>> -> memref<10240xf32, #tpu.memory_space<vmem_shared>>
      tpu.enqueue_indirect_dma source(%dma_start3A_148 : memref<10240xf32, #tpu.memory_space<vmem_shared>>) target(%arg23 : memref<80xf32, #tpu.memory_space<vmem>>) offsets(%dma_start3A_146 : memref<80xi32, #tpu.memory_space<vmem>>) semaphore(%run_scoped3A_144 : memref<!tpu.dma_semaphore, #tpu.memory_space<semaphore_mem>>)
      %dma_wait3A = arith.constant 0 : i32
      %dma_wait3A_149 = tpu.memref_slice %arg9[%run_scoped3A_108, %dma_wait3A] : memref<8x80xi32, #tpu.memory_space<vmem>> -> memref<1x80xi32, #tpu.memory_space<vmem>>
      %dma_wait3A_150 = tpu.memref_squeeze %dma_wait3A_149 : memref<1x80xi32, #tpu.memory_space<vmem>> -> memref<80xi32, #tpu.memory_space<vmem>>
      %dma_wait3A_151 = arith.constant 0 : i32
      %dma_wait3A_152 = tpu.memref_slice %arg22[%dma_wait3A_151] : memref<10240xf32, #tpu.memory_space<vmem_shared>> -> memref<10240xf32, #tpu.memory_space<vmem_shared>>
      tpu.wait_indirect_dma semaphore(%run_scoped3A_144 : memref<!tpu.dma_semaphore, #tpu.memory_space<semaphore_mem>>) src(%dma_wait3A_152 : memref<10240xf32, #tpu.memory_space<vmem_shared>>) dst(%arg23 : memref<80xf32, #tpu.memory_space<vmem>>)
      tpu.yield
    }) : () -> ()
    %mul3A_109 = arith.constant 10240 : i32
    %mul3A_110 = arith.muli %arg0, %mul3A_109 : i32
    %add3A_111 = arith.addi %mul3A_110, %mul3A_2 : i32
    %add3A_112 = arith.constant 160 : i32
    %add3A_113 = arith.addi %add3A_111, %add3A_112 : i32
    "tpu.region"() ({
      %run_scoped3A_144 = tpu.sem_alloc : memref<!tpu.dma_semaphore, #tpu.memory_space<semaphore_mem>>
      %dma_start3A = tpu.memref_slice %arg7[%add3A_113] : memref<20480xf32, #tpu.memory_space<hbm>> -> memref<80xf32, #tpu.memory_space<hbm>>
      %dma_start3A_145 = tpu.memref_slice %arg7[%add3A_113] : memref<20480xf32, #tpu.memory_space<hbm>> -> memref<80xf32, #tpu.memory_space<hbm>>
      tpu.enqueue_dma source(%arg23 : memref<80xf32, #tpu.memory_space<vmem>>) target(%dma_start3A_145 : memref<80xf32, #tpu.memory_space<hbm>>) target_semaphore(%run_scoped3A_144 : memref<!tpu.dma_semaphore, #tpu.memory_space<semaphore_mem>>)
      %dma_wait3A = tpu.memref_slice %arg7[%add3A_113] : memref<20480xf32, #tpu.memory_space<hbm>> -> memref<80xf32, #tpu.memory_space<hbm>>
      %dma_wait3A_146 = tpu.memref_slice %arg7[%add3A_113] : memref<20480xf32, #tpu.memory_space<hbm>> -> memref<80xf32, #tpu.memory_space<hbm>>
      tpu.wait_dma2 semaphore(%run_scoped3A_144 : memref<!tpu.dma_semaphore, #tpu.memory_space<semaphore_mem>>) src(%arg23 : memref<80xf32, #tpu.memory_space<vmem>>) dst(%dma_wait3A_146 : memref<80xf32, #tpu.memory_space<hbm>>)
      tpu.yield
    }) : () -> ()
    %run_scoped3A_114 = arith.constant 3 : i32
    "tpu.region"() ({
      %run_scoped3A_144 = tpu.sem_alloc : memref<!tpu.dma_semaphore, #tpu.memory_space<semaphore_mem>>
      %dma_start3A = arith.constant 0 : i32
      %dma_start3A_145 = tpu.memref_slice %arg9[%run_scoped3A_114, %dma_start3A] : memref<8x80xi32, #tpu.memory_space<vmem>> -> memref<1x80xi32, #tpu.memory_space<vmem>>
      %dma_start3A_146 = tpu.memref_squeeze %dma_start3A_145 : memref<1x80xi32, #tpu.memory_space<vmem>> -> memref<80xi32, #tpu.memory_space<vmem>>
      %dma_start3A_147 = arith.constant 0 : i32
      %dma_start3A_148 = tpu.memref_slice %arg22[%dma_start3A_147] : memref<10240xf32, #tpu.memory_space<vmem_shared>> -> memref<10240xf32, #tpu.memory_space<vmem_shared>>
      tpu.enqueue_indirect_dma source(%dma_start3A_148 : memref<10240xf32, #tpu.memory_space<vmem_shared>>) target(%arg23 : memref<80xf32, #tpu.memory_space<vmem>>) offsets(%dma_start3A_146 : memref<80xi32, #tpu.memory_space<vmem>>) semaphore(%run_scoped3A_144 : memref<!tpu.dma_semaphore, #tpu.memory_space<semaphore_mem>>)
      %dma_wait3A = arith.constant 0 : i32
      %dma_wait3A_149 = tpu.memref_slice %arg9[%run_scoped3A_114, %dma_wait3A] : memref<8x80xi32, #tpu.memory_space<vmem>> -> memref<1x80xi32, #tpu.memory_space<vmem>>
      %dma_wait3A_150 = tpu.memref_squeeze %dma_wait3A_149 : memref<1x80xi32, #tpu.memory_space<vmem>> -> memref<80xi32, #tpu.memory_space<vmem>>
      %dma_wait3A_151 = arith.constant 0 : i32
      %dma_wait3A_152 = tpu.memref_slice %arg22[%dma_wait3A_151] : memref<10240xf32, #tpu.memory_space<vmem_shared>> -> memref<10240xf32, #tpu.memory_space<vmem_shared>>
      tpu.wait_indirect_dma semaphore(%run_scoped3A_144 : memref<!tpu.dma_semaphore, #tpu.memory_space<semaphore_mem>>) src(%dma_wait3A_152 : memref<10240xf32, #tpu.memory_space<vmem_shared>>) dst(%arg23 : memref<80xf32, #tpu.memory_space<vmem>>)
      tpu.yield
    }) : () -> ()
    %mul3A_115 = arith.constant 10240 : i32
    %mul3A_116 = arith.muli %arg0, %mul3A_115 : i32
    %add3A_117 = arith.addi %mul3A_116, %mul3A_2 : i32
    %add3A_118 = arith.constant 240 : i32
    %add3A_119 = arith.addi %add3A_117, %add3A_118 : i32
    "tpu.region"() ({
      %run_scoped3A_144 = tpu.sem_alloc : memref<!tpu.dma_semaphore, #tpu.memory_space<semaphore_mem>>
      %dma_start3A = tpu.memref_slice %arg7[%add3A_119] : memref<20480xf32, #tpu.memory_space<hbm>> -> memref<80xf32, #tpu.memory_space<hbm>>
      %dma_start3A_145 = tpu.memref_slice %arg7[%add3A_119] : memref<20480xf32, #tpu.memory_space<hbm>> -> memref<80xf32, #tpu.memory_space<hbm>>
      tpu.enqueue_dma source(%arg23 : memref<80xf32, #tpu.memory_space<vmem>>) target(%dma_start3A_145 : memref<80xf32, #tpu.memory_space<hbm>>) target_semaphore(%run_scoped3A_144 : memref<!tpu.dma_semaphore, #tpu.memory_space<semaphore_mem>>)
      %dma_wait3A = tpu.memref_slice %arg7[%add3A_119] : memref<20480xf32, #tpu.memory_space<hbm>> -> memref<80xf32, #tpu.memory_space<hbm>>
      %dma_wait3A_146 = tpu.memref_slice %arg7[%add3A_119] : memref<20480xf32, #tpu.memory_space<hbm>> -> memref<80xf32, #tpu.memory_space<hbm>>
      tpu.wait_dma2 semaphore(%run_scoped3A_144 : memref<!tpu.dma_semaphore, #tpu.memory_space<semaphore_mem>>) src(%arg23 : memref<80xf32, #tpu.memory_space<vmem>>) dst(%dma_wait3A_146 : memref<80xf32, #tpu.memory_space<hbm>>)
      tpu.yield
    }) : () -> ()
    %run_scoped3A_120 = arith.constant 4 : i32
    "tpu.region"() ({
      %run_scoped3A_144 = tpu.sem_alloc : memref<!tpu.dma_semaphore, #tpu.memory_space<semaphore_mem>>
      %dma_start3A = arith.constant 0 : i32
      %dma_start3A_145 = tpu.memref_slice %arg9[%run_scoped3A_120, %dma_start3A] : memref<8x80xi32, #tpu.memory_space<vmem>> -> memref<1x80xi32, #tpu.memory_space<vmem>>
      %dma_start3A_146 = tpu.memref_squeeze %dma_start3A_145 : memref<1x80xi32, #tpu.memory_space<vmem>> -> memref<80xi32, #tpu.memory_space<vmem>>
      %dma_start3A_147 = arith.constant 0 : i32
      %dma_start3A_148 = tpu.memref_slice %arg22[%dma_start3A_147] : memref<10240xf32, #tpu.memory_space<vmem_shared>> -> memref<10240xf32, #tpu.memory_space<vmem_shared>>
      tpu.enqueue_indirect_dma source(%dma_start3A_148 : memref<10240xf32, #tpu.memory_space<vmem_shared>>) target(%arg23 : memref<80xf32, #tpu.memory_space<vmem>>) offsets(%dma_start3A_146 : memref<80xi32, #tpu.memory_space<vmem>>) semaphore(%run_scoped3A_144 : memref<!tpu.dma_semaphore, #tpu.memory_space<semaphore_mem>>)
      %dma_wait3A = arith.constant 0 : i32
      %dma_wait3A_149 = tpu.memref_slice %arg9[%run_scoped3A_120, %dma_wait3A] : memref<8x80xi32, #tpu.memory_space<vmem>> -> memref<1x80xi32, #tpu.memory_space<vmem>>
      %dma_wait3A_150 = tpu.memref_squeeze %dma_wait3A_149 : memref<1x80xi32, #tpu.memory_space<vmem>> -> memref<80xi32, #tpu.memory_space<vmem>>
      %dma_wait3A_151 = arith.constant 0 : i32
      %dma_wait3A_152 = tpu.memref_slice %arg22[%dma_wait3A_151] : memref<10240xf32, #tpu.memory_space<vmem_shared>> -> memref<10240xf32, #tpu.memory_space<vmem_shared>>
      tpu.wait_indirect_dma semaphore(%run_scoped3A_144 : memref<!tpu.dma_semaphore, #tpu.memory_space<semaphore_mem>>) src(%dma_wait3A_152 : memref<10240xf32, #tpu.memory_space<vmem_shared>>) dst(%arg23 : memref<80xf32, #tpu.memory_space<vmem>>)
      tpu.yield
    }) : () -> ()
    %mul3A_121 = arith.constant 10240 : i32
    %mul3A_122 = arith.muli %arg0, %mul3A_121 : i32
    %add3A_123 = arith.addi %mul3A_122, %mul3A_2 : i32
    %add3A_124 = arith.constant 320 : i32
    %add3A_125 = arith.addi %add3A_123, %add3A_124 : i32
    "tpu.region"() ({
      %run_scoped3A_144 = tpu.sem_alloc : memref<!tpu.dma_semaphore, #tpu.memory_space<semaphore_mem>>
      %dma_start3A = tpu.memref_slice %arg7[%add3A_125] : memref<20480xf32, #tpu.memory_space<hbm>> -> memref<80xf32, #tpu.memory_space<hbm>>
      %dma_start3A_145 = tpu.memref_slice %arg7[%add3A_125] : memref<20480xf32, #tpu.memory_space<hbm>> -> memref<80xf32, #tpu.memory_space<hbm>>
      tpu.enqueue_dma source(%arg23 : memref<80xf32, #tpu.memory_space<vmem>>) target(%dma_start3A_145 : memref<80xf32, #tpu.memory_space<hbm>>) target_semaphore(%run_scoped3A_144 : memref<!tpu.dma_semaphore, #tpu.memory_space<semaphore_mem>>)
      %dma_wait3A = tpu.memref_slice %arg7[%add3A_125] : memref<20480xf32, #tpu.memory_space<hbm>> -> memref<80xf32, #tpu.memory_space<hbm>>
      %dma_wait3A_146 = tpu.memref_slice %arg7[%add3A_125] : memref<20480xf32, #tpu.memory_space<hbm>> -> memref<80xf32, #tpu.memory_space<hbm>>
      tpu.wait_dma2 semaphore(%run_scoped3A_144 : memref<!tpu.dma_semaphore, #tpu.memory_space<semaphore_mem>>) src(%arg23 : memref<80xf32, #tpu.memory_space<vmem>>) dst(%dma_wait3A_146 : memref<80xf32, #tpu.memory_space<hbm>>)
      tpu.yield
    }) : () -> ()
    %run_scoped3A_126 = arith.constant 5 : i32
    "tpu.region"() ({
      %run_scoped3A_144 = tpu.sem_alloc : memref<!tpu.dma_semaphore, #tpu.memory_space<semaphore_mem>>
      %dma_start3A = arith.constant 0 : i32
      %dma_start3A_145 = tpu.memref_slice %arg9[%run_scoped3A_126, %dma_start3A] : memref<8x80xi32, #tpu.memory_space<vmem>> -> memref<1x80xi32, #tpu.memory_space<vmem>>
      %dma_start3A_146 = tpu.memref_squeeze %dma_start3A_145 : memref<1x80xi32, #tpu.memory_space<vmem>> -> memref<80xi32, #tpu.memory_space<vmem>>
      %dma_start3A_147 = arith.constant 0 : i32
      %dma_start3A_148 = tpu.memref_slice %arg22[%dma_start3A_147] : memref<10240xf32, #tpu.memory_space<vmem_shared>> -> memref<10240xf32, #tpu.memory_space<vmem_shared>>
      tpu.enqueue_indirect_dma source(%dma_start3A_148 : memref<10240xf32, #tpu.memory_space<vmem_shared>>) target(%arg23 : memref<80xf32, #tpu.memory_space<vmem>>) offsets(%dma_start3A_146 : memref<80xi32, #tpu.memory_space<vmem>>) semaphore(%run_scoped3A_144 : memref<!tpu.dma_semaphore, #tpu.memory_space<semaphore_mem>>)
      %dma_wait3A = arith.constant 0 : i32
      %dma_wait3A_149 = tpu.memref_slice %arg9[%run_scoped3A_126, %dma_wait3A] : memref<8x80xi32, #tpu.memory_space<vmem>> -> memref<1x80xi32, #tpu.memory_space<vmem>>
      %dma_wait3A_150 = tpu.memref_squeeze %dma_wait3A_149 : memref<1x80xi32, #tpu.memory_space<vmem>> -> memref<80xi32, #tpu.memory_space<vmem>>
      %dma_wait3A_151 = arith.constant 0 : i32
      %dma_wait3A_152 = tpu.memref_slice %arg22[%dma_wait3A_151] : memref<10240xf32, #tpu.memory_space<vmem_shared>> -> memref<10240xf32, #tpu.memory_space<vmem_shared>>
      tpu.wait_indirect_dma semaphore(%run_scoped3A_144 : memref<!tpu.dma_semaphore, #tpu.memory_space<semaphore_mem>>) src(%dma_wait3A_152 : memref<10240xf32, #tpu.memory_space<vmem_shared>>) dst(%arg23 : memref<80xf32, #tpu.memory_space<vmem>>)
      tpu.yield
    }) : () -> ()
    %mul3A_127 = arith.constant 10240 : i32
    %mul3A_128 = arith.muli %arg0, %mul3A_127 : i32
    %add3A_129 = arith.addi %mul3A_128, %mul3A_2 : i32
    %add3A_130 = arith.constant 400 : i32
    %add3A_131 = arith.addi %add3A_129, %add3A_130 : i32
    "tpu.region"() ({
      %run_scoped3A_144 = tpu.sem_alloc : memref<!tpu.dma_semaphore, #tpu.memory_space<semaphore_mem>>
      %dma_start3A = tpu.memref_slice %arg7[%add3A_131] : memref<20480xf32, #tpu.memory_space<hbm>> -> memref<80xf32, #tpu.memory_space<hbm>>
      %dma_start3A_145 = tpu.memref_slice %arg7[%add3A_131] : memref<20480xf32, #tpu.memory_space<hbm>> -> memref<80xf32, #tpu.memory_space<hbm>>
      tpu.enqueue_dma source(%arg23 : memref<80xf32, #tpu.memory_space<vmem>>) target(%dma_start3A_145 : memref<80xf32, #tpu.memory_space<hbm>>) target_semaphore(%run_scoped3A_144 : memref<!tpu.dma_semaphore, #tpu.memory_space<semaphore_mem>>)
      %dma_wait3A = tpu.memref_slice %arg7[%add3A_131] : memref<20480xf32, #tpu.memory_space<hbm>> -> memref<80xf32, #tpu.memory_space<hbm>>
      %dma_wait3A_146 = tpu.memref_slice %arg7[%add3A_131] : memref<20480xf32, #tpu.memory_space<hbm>> -> memref<80xf32, #tpu.memory_space<hbm>>
      tpu.wait_dma2 semaphore(%run_scoped3A_144 : memref<!tpu.dma_semaphore, #tpu.memory_space<semaphore_mem>>) src(%arg23 : memref<80xf32, #tpu.memory_space<vmem>>) dst(%dma_wait3A_146 : memref<80xf32, #tpu.memory_space<hbm>>)
      tpu.yield
    }) : () -> ()
    %run_scoped3A_132 = arith.constant 6 : i32
    "tpu.region"() ({
      %run_scoped3A_144 = tpu.sem_alloc : memref<!tpu.dma_semaphore, #tpu.memory_space<semaphore_mem>>
      %dma_start3A = arith.constant 0 : i32
      %dma_start3A_145 = tpu.memref_slice %arg9[%run_scoped3A_132, %dma_start3A] : memref<8x80xi32, #tpu.memory_space<vmem>> -> memref<1x80xi32, #tpu.memory_space<vmem>>
      %dma_start3A_146 = tpu.memref_squeeze %dma_start3A_145 : memref<1x80xi32, #tpu.memory_space<vmem>> -> memref<80xi32, #tpu.memory_space<vmem>>
      %dma_start3A_147 = arith.constant 0 : i32
      %dma_start3A_148 = tpu.memref_slice %arg22[%dma_start3A_147] : memref<10240xf32, #tpu.memory_space<vmem_shared>> -> memref<10240xf32, #tpu.memory_space<vmem_shared>>
      tpu.enqueue_indirect_dma source(%dma_start3A_148 : memref<10240xf32, #tpu.memory_space<vmem_shared>>) target(%arg23 : memref<80xf32, #tpu.memory_space<vmem>>) offsets(%dma_start3A_146 : memref<80xi32, #tpu.memory_space<vmem>>) semaphore(%run_scoped3A_144 : memref<!tpu.dma_semaphore, #tpu.memory_space<semaphore_mem>>)
      %dma_wait3A = arith.constant 0 : i32
      %dma_wait3A_149 = tpu.memref_slice %arg9[%run_scoped3A_132, %dma_wait3A] : memref<8x80xi32, #tpu.memory_space<vmem>> -> memref<1x80xi32, #tpu.memory_space<vmem>>
      %dma_wait3A_150 = tpu.memref_squeeze %dma_wait3A_149 : memref<1x80xi32, #tpu.memory_space<vmem>> -> memref<80xi32, #tpu.memory_space<vmem>>
      %dma_wait3A_151 = arith.constant 0 : i32
      %dma_wait3A_152 = tpu.memref_slice %arg22[%dma_wait3A_151] : memref<10240xf32, #tpu.memory_space<vmem_shared>> -> memref<10240xf32, #tpu.memory_space<vmem_shared>>
      tpu.wait_indirect_dma semaphore(%run_scoped3A_144 : memref<!tpu.dma_semaphore, #tpu.memory_space<semaphore_mem>>) src(%dma_wait3A_152 : memref<10240xf32, #tpu.memory_space<vmem_shared>>) dst(%arg23 : memref<80xf32, #tpu.memory_space<vmem>>)
      tpu.yield
    }) : () -> ()
    %mul3A_133 = arith.constant 10240 : i32
    %mul3A_134 = arith.muli %arg0, %mul3A_133 : i32
    %add3A_135 = arith.addi %mul3A_134, %mul3A_2 : i32
    %add3A_136 = arith.constant 480 : i32
    %add3A_137 = arith.addi %add3A_135, %add3A_136 : i32
    "tpu.region"() ({
      %run_scoped3A_144 = tpu.sem_alloc : memref<!tpu.dma_semaphore, #tpu.memory_space<semaphore_mem>>
      %dma_start3A = tpu.memref_slice %arg7[%add3A_137] : memref<20480xf32, #tpu.memory_space<hbm>> -> memref<80xf32, #tpu.memory_space<hbm>>
      %dma_start3A_145 = tpu.memref_slice %arg7[%add3A_137] : memref<20480xf32, #tpu.memory_space<hbm>> -> memref<80xf32, #tpu.memory_space<hbm>>
      tpu.enqueue_dma source(%arg23 : memref<80xf32, #tpu.memory_space<vmem>>) target(%dma_start3A_145 : memref<80xf32, #tpu.memory_space<hbm>>) target_semaphore(%run_scoped3A_144 : memref<!tpu.dma_semaphore, #tpu.memory_space<semaphore_mem>>)
      %dma_wait3A = tpu.memref_slice %arg7[%add3A_137] : memref<20480xf32, #tpu.memory_space<hbm>> -> memref<80xf32, #tpu.memory_space<hbm>>
      %dma_wait3A_146 = tpu.memref_slice %arg7[%add3A_137] : memref<20480xf32, #tpu.memory_space<hbm>> -> memref<80xf32, #tpu.memory_space<hbm>>
      tpu.wait_dma2 semaphore(%run_scoped3A_144 : memref<!tpu.dma_semaphore, #tpu.memory_space<semaphore_mem>>) src(%arg23 : memref<80xf32, #tpu.memory_space<vmem>>) dst(%dma_wait3A_146 : memref<80xf32, #tpu.memory_space<hbm>>)
      tpu.yield
    }) : () -> ()
    %run_scoped3A_138 = arith.constant 7 : i32
    "tpu.region"() ({
      %run_scoped3A_144 = tpu.sem_alloc : memref<!tpu.dma_semaphore, #tpu.memory_space<semaphore_mem>>
      %dma_start3A = arith.constant 0 : i32
      %dma_start3A_145 = tpu.memref_slice %arg9[%run_scoped3A_138, %dma_start3A] : memref<8x80xi32, #tpu.memory_space<vmem>> -> memref<1x80xi32, #tpu.memory_space<vmem>>
      %dma_start3A_146 = tpu.memref_squeeze %dma_start3A_145 : memref<1x80xi32, #tpu.memory_space<vmem>> -> memref<80xi32, #tpu.memory_space<vmem>>
      %dma_start3A_147 = arith.constant 0 : i32
      %dma_start3A_148 = tpu.memref_slice %arg22[%dma_start3A_147] : memref<10240xf32, #tpu.memory_space<vmem_shared>> -> memref<10240xf32, #tpu.memory_space<vmem_shared>>
      tpu.enqueue_indirect_dma source(%dma_start3A_148 : memref<10240xf32, #tpu.memory_space<vmem_shared>>) target(%arg23 : memref<80xf32, #tpu.memory_space<vmem>>) offsets(%dma_start3A_146 : memref<80xi32, #tpu.memory_space<vmem>>) semaphore(%run_scoped3A_144 : memref<!tpu.dma_semaphore, #tpu.memory_space<semaphore_mem>>)
      %dma_wait3A = arith.constant 0 : i32
      %dma_wait3A_149 = tpu.memref_slice %arg9[%run_scoped3A_138, %dma_wait3A] : memref<8x80xi32, #tpu.memory_space<vmem>> -> memref<1x80xi32, #tpu.memory_space<vmem>>
      %dma_wait3A_150 = tpu.memref_squeeze %dma_wait3A_149 : memref<1x80xi32, #tpu.memory_space<vmem>> -> memref<80xi32, #tpu.memory_space<vmem>>
      %dma_wait3A_151 = arith.constant 0 : i32
      %dma_wait3A_152 = tpu.memref_slice %arg22[%dma_wait3A_151] : memref<10240xf32, #tpu.memory_space<vmem_shared>> -> memref<10240xf32, #tpu.memory_space<vmem_shared>>
      tpu.wait_indirect_dma semaphore(%run_scoped3A_144 : memref<!tpu.dma_semaphore, #tpu.memory_space<semaphore_mem>>) src(%dma_wait3A_152 : memref<10240xf32, #tpu.memory_space<vmem_shared>>) dst(%arg23 : memref<80xf32, #tpu.memory_space<vmem>>)
      tpu.yield
    }) : () -> ()
    %mul3A_139 = arith.constant 10240 : i32
    %mul3A_140 = arith.muli %arg0, %mul3A_139 : i32
    %add3A_141 = arith.addi %mul3A_140, %mul3A_2 : i32
    %add3A_142 = arith.constant 560 : i32
    %add3A_143 = arith.addi %add3A_141, %add3A_142 : i32
    "tpu.region"() ({
      %run_scoped3A_144 = tpu.sem_alloc : memref<!tpu.dma_semaphore, #tpu.memory_space<semaphore_mem>>
      %dma_start3A = tpu.memref_slice %arg7[%add3A_143] : memref<20480xf32, #tpu.memory_space<hbm>> -> memref<80xf32, #tpu.memory_space<hbm>>
      %dma_start3A_145 = tpu.memref_slice %arg7[%add3A_143] : memref<20480xf32, #tpu.memory_space<hbm>> -> memref<80xf32, #tpu.memory_space<hbm>>
      tpu.enqueue_dma source(%arg23 : memref<80xf32, #tpu.memory_space<vmem>>) target(%dma_start3A_145 : memref<80xf32, #tpu.memory_space<hbm>>) target_semaphore(%run_scoped3A_144 : memref<!tpu.dma_semaphore, #tpu.memory_space<semaphore_mem>>)
      %dma_wait3A = tpu.memref_slice %arg7[%add3A_143] : memref<20480xf32, #tpu.memory_space<hbm>> -> memref<80xf32, #tpu.memory_space<hbm>>
      %dma_wait3A_146 = tpu.memref_slice %arg7[%add3A_143] : memref<20480xf32, #tpu.memory_space<hbm>> -> memref<80xf32, #tpu.memory_space<hbm>>
      tpu.wait_dma2 semaphore(%run_scoped3A_144 : memref<!tpu.dma_semaphore, #tpu.memory_space<semaphore_mem>>) src(%arg23 : memref<80xf32, #tpu.memory_space<vmem>>) dst(%dma_wait3A_146 : memref<80xf32, #tpu.memory_space<hbm>>)
      tpu.yield
    }) : () -> ()
    return
  }
}

module attributes {stable_mosaic.version = 14 : i64} {
  func.func @_dense_a_body(%arg0: i32, %arg1: memref<1000x128xf32, #tpu.memory_space<vmem>>, %arg2: memref<1x1000x128xf32, #tpu.memory_space<vmem>>, %arg3: memref<1x1000x128xf32, #tpu.memory_space<vmem>>, %arg4: memref<1x1000x1xf32, #tpu.memory_space<vmem>>, %arg5: memref<1x1000x1xf32, #tpu.memory_space<vmem>>, %arg6: memref<128x256xf32, #tpu.memory_space<vmem>>, %arg7: memref<128x256xf32, #tpu.memory_space<vmem>>, %arg8: memref<1x256xf32, #tpu.memory_space<vmem>>, %arg9: memref<1000x256xf32, #tpu.memory_space<vmem>>, %arg10: memref<1x256xf32, #tpu.memory_space<vmem>>, %arg11: memref<1x256xf32, #tpu.memory_space<vmem>>) attributes {dimension_semantics = [#tpu.dimension_semantics<arbitrary>], iteration_bounds = array<i64: 10>, scalar_prefetch = 0 : i64, scratch_operands = 0 : i64, tpu.core_type = #tpu.core_type<tc>, window_params = [{transform_indices = @transform_0, window_bounds = array<i64: 1000, 128>}, {transform_indices = @transform_1, window_bounds = array<i64: 1, 1000, 128>}, {transform_indices = @transform_2, window_bounds = array<i64: 1, 1000, 128>}, {transform_indices = @transform_3, window_bounds = array<i64: 1, 1000, 1>}, {transform_indices = @transform_4, window_bounds = array<i64: 1, 1000, 1>}, {pipeline_mode = #tpu.pipeline_mode<synchronous>, transform_indices = @transform_5, window_bounds = array<i64: 128, 256>}, {pipeline_mode = #tpu.pipeline_mode<synchronous>, transform_indices = @transform_6, window_bounds = array<i64: 128, 256>}, {pipeline_mode = #tpu.pipeline_mode<synchronous>, transform_indices = @transform_7, window_bounds = array<i64: 1, 256>}, {transform_indices = @transform_8, window_bounds = array<i64: 1000, 256>}, {pipeline_mode = #tpu.pipeline_mode<synchronous>, transform_indices = @transform_9, window_bounds = array<i64: 1, 256>}, {pipeline_mode = #tpu.pipeline_mode<synchronous>, transform_indices = @transform_10, window_bounds = array<i64: 1, 256>}]} {
    %get3A = arith.constant 0 : index
    %get3A_0 = arith.constant 0 : index
    %get3A_1 = arith.constant 0 : index
    %get3A_2 = vector.load %arg4[%get3A, %get3A_0, %get3A_1] : memref<1x1000x1xf32, #tpu.memory_space<vmem>>, vector<1x1000x1xf32>
    %get3A_3 = vector.shape_cast %get3A_2 : vector<1x1000x1xf32> to vector<1000x1xf32>
    %get3A_4 = arith.constant 0 : index
    %get3A_5 = arith.constant 0 : index
    %get3A_6 = arith.constant 0 : index
    %get3A_7 = vector.load %arg5[%get3A_4, %get3A_5, %get3A_6] : memref<1x1000x1xf32, #tpu.memory_space<vmem>>, vector<1x1000x1xf32>
    %get3A_8 = vector.shape_cast %get3A_7 : vector<1x1000x1xf32> to vector<1000x1xf32>
    %add3A = arith.addf %get3A_3, %get3A_8 : vector<1000x1xf32>
    %add3A_9 = arith.constant 1.000000e+00 : f32
    %add3A_10 = vector.broadcast %add3A_9 : f32 to vector<1000x1xf32>
    %add3A_11 = arith.addf %add3A, %add3A_10 : vector<1000x1xf32>
    %div3A = arith.constant 1.000000e+00 : f32
    %div3A_12 = vector.broadcast %div3A : f32 to vector<1000x1xf32>
    %div3A_13 = arith.divf %div3A_12, %add3A_11 : vector<1000x1xf32>
    %get3A_14 = arith.constant 0 : index
    %get3A_15 = arith.constant 0 : index
    %get3A_16 = arith.constant 0 : index
    %get3A_17 = vector.load %arg2[%get3A_14, %get3A_15, %get3A_16] : memref<1x1000x128xf32, #tpu.memory_space<vmem>>, vector<1x1000x128xf32>
    %get3A_18 = vector.shape_cast %get3A_17 : vector<1x1000x128xf32> to vector<1000x128xf32>
    %get3A_19 = arith.constant 0 : index
    %get3A_20 = arith.constant 0 : index
    %get3A_21 = arith.constant 0 : index
    %get3A_22 = vector.load %arg3[%get3A_19, %get3A_20, %get3A_21] : memref<1x1000x128xf32, #tpu.memory_space<vmem>>, vector<1x1000x128xf32>
    %get3A_23 = vector.shape_cast %get3A_22 : vector<1x1000x128xf32> to vector<1000x128xf32>
    %add3A_24 = arith.addf %get3A_18, %get3A_23 : vector<1000x128xf32>
    %get3A_25 = arith.constant 0 : index
    %get3A_26 = arith.constant 0 : index
    %get3A_27 = vector.load %arg1[%get3A_25, %get3A_26] : memref<1000x128xf32, #tpu.memory_space<vmem>>, vector<1000x128xf32>
    %add3A_28 = arith.addf %add3A_24, %get3A_27 : vector<1000x128xf32>
    %mul3A = vector.broadcast %div3A_13 : vector<1000x1xf32> to vector<1000x128xf32>
    %mul3A_29 = arith.mulf %add3A_28, %mul3A : vector<1000x128xf32>
    %get3A_30 = arith.constant 0 : index
    %get3A_31 = arith.constant 0 : index
    %get3A_32 = vector.load %arg6[%get3A_30, %get3A_31] : memref<128x256xf32, #tpu.memory_space<vmem>>, vector<128x256xf32>
    %dot_general3A = arith.constant dense<0.000000e+00> : vector<1000x256xf32>
    %dot_general3A_33 = tpu.matmul %mul3A_29, %get3A_32, %dot_general3A {dimension_numbers = #tpu.dot_dimension_numbers<[1], [0], [0], [1], [0, 0, 1, 1], [], []>, transpose_lhs_hint = false} : vector<1000x128xf32>, vector<128x256xf32>, vector<1000x256xf32> -> vector<1000x256xf32>
    %get3A_34 = arith.constant 0 : index
    %get3A_35 = arith.constant 0 : index
    %get3A_36 = vector.load %arg1[%get3A_34, %get3A_35] : memref<1000x128xf32, #tpu.memory_space<vmem>>, vector<1000x128xf32>
    %get3A_37 = arith.constant 0 : index
    %get3A_38 = arith.constant 0 : index
    %get3A_39 = vector.load %arg7[%get3A_37, %get3A_38] : memref<128x256xf32, #tpu.memory_space<vmem>>, vector<128x256xf32>
    %dot_general3A_40 = arith.constant dense<0.000000e+00> : vector<1000x256xf32>
    %dot_general3A_41 = tpu.matmul %get3A_36, %get3A_39, %dot_general3A_40 {dimension_numbers = #tpu.dot_dimension_numbers<[1], [0], [0], [1], [0, 0, 1, 1], [], []>, transpose_lhs_hint = false} : vector<1000x128xf32>, vector<128x256xf32>, vector<1000x256xf32> -> vector<1000x256xf32>
    %add3A_42 = arith.addf %dot_general3A_33, %dot_general3A_41 : vector<1000x256xf32>
    %get3A_43 = arith.constant 0 : index
    %get3A_44 = arith.constant 0 : index
    %get3A_45 = vector.load %arg8[%get3A_43, %get3A_44] : memref<1x256xf32, #tpu.memory_space<vmem>>, vector<1x256xf32>
    %add3A_46 = vector.broadcast %get3A_45 : vector<1x256xf32> to vector<1000x256xf32>
    %add3A_47 = arith.addf %add3A_42, %add3A_46 : vector<1000x256xf32>
    %swap3A = arith.constant 0 : index
    %swap3A_48 = arith.constant 0 : index
    %swap3A_49 = vector.load %arg9[%swap3A, %swap3A_48] : memref<1000x256xf32, #tpu.memory_space<vmem>>, vector<1000x256xf32>
    tpu.vector_store %arg9[%swap3A, %swap3A_48], %add3A_47 {strides = array<i32>} : memref<1000x256xf32, #tpu.memory_space<vmem>>, vector<1000x256xf32>,
    %eq3A = arith.constant 0 : i32
    %eq3A_50 = arith.cmpi eq, %arg0, %eq3A : i32
    %convert_element_type3A = arith.extui %eq3A_50 : i1 to i32
    %cond3A = arith.constant 0 : i32
    %cond3A_51 = arith.cmpi ne, %convert_element_type3A, %cond3A : i32
    scf.if %cond3A_51 {
      %broadcast_in_dim3A_71 = arith.constant 0.000000e+00 : f32
      %broadcast_in_dim3A_72 = vector.broadcast %broadcast_in_dim3A_71 : f32 to vector<1x256xf32>
      %swap3A_73 = arith.constant 0 : index
      %swap3A_74 = arith.constant 0 : index
      %swap3A_75 = vector.load %arg10[%swap3A_73, %swap3A_74] : memref<1x256xf32, #tpu.memory_space<vmem>>, vector<1x256xf32>
      tpu.vector_store %arg10[%swap3A_73, %swap3A_74], %broadcast_in_dim3A_72 {strides = array<i32>} : memref<1x256xf32, #tpu.memory_space<vmem>>, vector<1x256xf32>,
      %broadcast_in_dim3A_76 = arith.constant 0.000000e+00 : f32
      %broadcast_in_dim3A_77 = vector.broadcast %broadcast_in_dim3A_76 : f32 to vector<1x256xf32>
      %swap3A_78 = arith.constant 0 : index
      %swap3A_79 = arith.constant 0 : index
      %swap3A_80 = vector.load %arg11[%swap3A_78, %swap3A_79] : memref<1x256xf32, #tpu.memory_space<vmem>>, vector<1x256xf32>
      tpu.vector_store %arg11[%swap3A_78, %swap3A_79], %broadcast_in_dim3A_77 {strides = array<i32>} : memref<1x256xf32, #tpu.memory_space<vmem>>, vector<1x256xf32>,
    } else {
    }
    %get3A_52 = arith.constant 0 : index
    %get3A_53 = arith.constant 0 : index
    %get3A_54 = vector.load %arg10[%get3A_52, %get3A_53] : memref<1x256xf32, #tpu.memory_space<vmem>>, vector<1x256xf32>
    %reduce_sum3A = arith.constant dense<0.000000e+00> : vector<256xf32>
    %reduce_sum3A_55 = vector.multi_reduction <add>, %add3A_47, %reduce_sum3A [0] : vector<1000x256xf32> to vector<256xf32>
    %broadcast_in_dim3A = vector.shape_cast %reduce_sum3A_55 : vector<256xf32> to vector<1x256xf32>
    %add3A_56 = arith.addf %get3A_54, %broadcast_in_dim3A : vector<1x256xf32>
    %swap3A_57 = arith.constant 0 : index
    %swap3A_58 = arith.constant 0 : index
    %swap3A_59 = vector.load %arg10[%swap3A_57, %swap3A_58] : memref<1x256xf32, #tpu.memory_space<vmem>>, vector<1x256xf32>
    tpu.vector_store %arg10[%swap3A_57, %swap3A_58], %add3A_56 {strides = array<i32>} : memref<1x256xf32, #tpu.memory_space<vmem>>, vector<1x256xf32>,
    %get3A_60 = arith.constant 0 : index
    %get3A_61 = arith.constant 0 : index
    %get3A_62 = vector.load %arg11[%get3A_60, %get3A_61] : memref<1x256xf32, #tpu.memory_space<vmem>>, vector<1x256xf32>
    %mul3A_63 = arith.mulf %add3A_47, %add3A_47 : vector<1000x256xf32>
    %reduce_sum3A_64 = arith.constant dense<0.000000e+00> : vector<256xf32>
    %reduce_sum3A_65 = vector.multi_reduction <add>, %mul3A_63, %reduce_sum3A_64 [0] : vector<1000x256xf32> to vector<256xf32>
    %broadcast_in_dim3A_66 = vector.shape_cast %reduce_sum3A_65 : vector<256xf32> to vector<1x256xf32>
    %add3A_67 = arith.addf %get3A_62, %broadcast_in_dim3A_66 : vector<1x256xf32>
    %swap3A_68 = arith.constant 0 : index
    %swap3A_69 = arith.constant 0 : index
    %swap3A_70 = vector.load %arg11[%swap3A_68, %swap3A_69] : memref<1x256xf32, #tpu.memory_space<vmem>>, vector<1x256xf32>
    tpu.vector_store %arg11[%swap3A_68, %swap3A_69], %add3A_67 {strides = array<i32>} : memref<1x256xf32, #tpu.memory_space<vmem>>, vector<1x256xf32>,
    return
  }
  func.func @transform_0(%arg0: i32) -> (i32, i32) {
    %c0_i32 = arith.constant 0 : i32
    %c0_i32_0 = arith.constant 0 : i32
    return %arg0, %c0_i32 : i32, i32
  }
  func.func @transform_1(%arg0: i32) -> (i32, i32, i32) {
    %c0_i32 = arith.constant 0 : i32
    %c0_i32_0 = arith.constant 0 : i32
    %c0_i32_1 = arith.constant 0 : i32
    return %c0_i32, %arg0, %c0_i32_0 : i32, i32, i32
  }
  func.func @transform_2(%arg0: i32) -> (i32, i32, i32) {
    %c1_i32 = arith.constant 1 : i32
    %c0_i32 = arith.constant 0 : i32
    %c0_i32_0 = arith.constant 0 : i32
    return %c1_i32, %arg0, %c0_i32 : i32, i32, i32
  }
  func.func @transform_3(%arg0: i32) -> (i32, i32, i32) {
    %c0_i32 = arith.constant 0 : i32
    %c0_i32_0 = arith.constant 0 : i32
    %c0_i32_1 = arith.constant 0 : i32
    return %c0_i32, %arg0, %c0_i32_0 : i32, i32, i32
  }
  func.func @transform_4(%arg0: i32) -> (i32, i32, i32) {
    %c1_i32 = arith.constant 1 : i32
    %c0_i32 = arith.constant 0 : i32
    %c0_i32_0 = arith.constant 0 : i32
    return %c1_i32, %arg0, %c0_i32 : i32, i32, i32
  }
  func.func @transform_5(%arg0: i32) -> (i32, i32) {
    %c0_i32 = arith.constant 0 : i32
    %c0_i32_0 = arith.constant 0 : i32
    %c0_i32_1 = arith.constant 0 : i32
    return %c0_i32, %c0_i32_0 : i32, i32
  }
  func.func @transform_6(%arg0: i32) -> (i32, i32) {
    %c0_i32 = arith.constant 0 : i32
    %c0_i32_0 = arith.constant 0 : i32
    %c0_i32_1 = arith.constant 0 : i32
    return %c0_i32, %c0_i32_0 : i32, i32
  }
  func.func @transform_7(%arg0: i32) -> (i32, i32) {
    %c0_i32 = arith.constant 0 : i32
    %c0_i32_0 = arith.constant 0 : i32
    %c0_i32_1 = arith.constant 0 : i32
    return %c0_i32, %c0_i32_0 : i32, i32
  }
  func.func @transform_8(%arg0: i32) -> (i32, i32) {
    %c0_i32 = arith.constant 0 : i32
    %c0_i32_0 = arith.constant 0 : i32
    return %arg0, %c0_i32 : i32, i32
  }
  func.func @transform_9(%arg0: i32) -> (i32, i32) {
    %c0_i32 = arith.constant 0 : i32
    %c0_i32_0 = arith.constant 0 : i32
    %c0_i32_1 = arith.constant 0 : i32
    return %c0_i32, %c0_i32_0 : i32, i32
  }
  func.func @transform_10(%arg0: i32) -> (i32, i32) {
    %c0_i32 = arith.constant 0 : i32
    %c0_i32_0 = arith.constant 0 : i32
    %c0_i32_1 = arith.constant 0 : i32
    return %c0_i32, %c0_i32_0 : i32, i32
  }
}

module attributes {stable_mosaic.version = 14 : i64} {
  func.func @_dense_b_body(%arg0: i32, %arg1: memref<1000x256xf32, #tpu.memory_space<vmem>>, %arg2: memref<1x256xf32, #tpu.memory_space<vmem>>, %arg3: memref<1x256xf32, #tpu.memory_space<vmem>>, %arg4: memref<1x256xf32, #tpu.memory_space<vmem>>, %arg5: memref<1x256xf32, #tpu.memory_space<vmem>>, %arg6: memref<256x128xf32, #tpu.memory_space<vmem>>, %arg7: memref<256x128xf32, #tpu.memory_space<vmem>>, %arg8: memref<1x128xf32, #tpu.memory_space<vmem>>, %arg9: memref<1000x128xf32, #tpu.memory_space<vmem>>, %arg10: memref<1000x128xf32, #tpu.memory_space<vmem>>) attributes {dimension_semantics = [#tpu.dimension_semantics<arbitrary>], iteration_bounds = array<i64: 10>, scalar_prefetch = 0 : i64, scratch_operands = 0 : i64, tpu.core_type = #tpu.core_type<tc>, window_params = [{transform_indices = @transform_0, window_bounds = array<i64: 1000, 256>}, {pipeline_mode = #tpu.pipeline_mode<synchronous>, transform_indices = @transform_1, window_bounds = array<i64: 1, 256>}, {pipeline_mode = #tpu.pipeline_mode<synchronous>, transform_indices = @transform_2, window_bounds = array<i64: 1, 256>}, {pipeline_mode = #tpu.pipeline_mode<synchronous>, transform_indices = @transform_3, window_bounds = array<i64: 1, 256>}, {pipeline_mode = #tpu.pipeline_mode<synchronous>, transform_indices = @transform_4, window_bounds = array<i64: 1, 256>}, {pipeline_mode = #tpu.pipeline_mode<synchronous>, transform_indices = @transform_5, window_bounds = array<i64: 256, 128>}, {pipeline_mode = #tpu.pipeline_mode<synchronous>, transform_indices = @transform_6, window_bounds = array<i64: 256, 128>}, {pipeline_mode = #tpu.pipeline_mode<synchronous>, transform_indices = @transform_7, window_bounds = array<i64: 1, 128>}, {transform_indices = @transform_8, window_bounds = array<i64: 1000, 128>}, {transform_indices = @transform_9, window_bounds = array<i64: 1000, 128>}]} {
    %get3A = arith.constant 0 : index
    %get3A_0 = arith.constant 0 : index
    %get3A_1 = vector.load %arg2[%get3A, %get3A_0] : memref<1x256xf32, #tpu.memory_space<vmem>>, vector<1x256xf32>
    %div3A = arith.constant 1.000000e+04 : f32
    %div3A_2 = vector.broadcast %div3A : f32 to vector<1x256xf32>
    %div3A_3 = arith.divf %get3A_1, %div3A_2 : vector<1x256xf32>
    %get3A_4 = arith.constant 0 : index
    %get3A_5 = arith.constant 0 : index
    %get3A_6 = vector.load %arg3[%get3A_4, %get3A_5] : memref<1x256xf32, #tpu.memory_space<vmem>>, vector<1x256xf32>
    %div3A_7 = arith.constant 1.000000e+04 : f32
    %div3A_8 = vector.broadcast %div3A_7 : f32 to vector<1x256xf32>
    %div3A_9 = arith.divf %get3A_6, %div3A_8 : vector<1x256xf32>
    %mul3A = arith.mulf %div3A_3, %div3A_3 : vector<1x256xf32>
    %sub3A = arith.subf %div3A_9, %mul3A : vector<1x256xf32>
    %add3A = arith.constant 9.99999974E-6 : f32
    %add3A_10 = vector.broadcast %add3A : f32 to vector<1x256xf32>
    %add3A_11 = arith.addf %sub3A, %add3A_10 : vector<1x256xf32>
    %rsqrt3A = math.rsqrt %add3A_11 : vector<1x256xf32>
    %get3A_12 = arith.constant 0 : index
    %get3A_13 = arith.constant 0 : index
    %get3A_14 = vector.load %arg1[%get3A_12, %get3A_13] : memref<1000x256xf32, #tpu.memory_space<vmem>>, vector<1000x256xf32>
    %sub3A_15 = vector.broadcast %div3A_3 : vector<1x256xf32> to vector<1000x256xf32>
    %sub3A_16 = arith.subf %get3A_14, %sub3A_15 : vector<1000x256xf32>
    %get3A_17 = arith.constant 0 : index
    %get3A_18 = arith.constant 0 : index
    %get3A_19 = vector.load %arg4[%get3A_17, %get3A_18] : memref<1x256xf32, #tpu.memory_space<vmem>>, vector<1x256xf32>
    %mul3A_20 = arith.mulf %rsqrt3A, %get3A_19 : vector<1x256xf32>
    %mul3A_21 = vector.broadcast %mul3A_20 : vector<1x256xf32> to vector<1000x256xf32>
    %mul3A_22 = arith.mulf %sub3A_16, %mul3A_21 : vector<1000x256xf32>
    %get3A_23 = arith.constant 0 : index
    %get3A_24 = arith.constant 0 : index
    %get3A_25 = vector.load %arg5[%get3A_23, %get3A_24] : memref<1x256xf32, #tpu.memory_space<vmem>>, vector<1x256xf32>
    %add3A_26 = vector.broadcast %get3A_25 : vector<1x256xf32> to vector<1000x256xf32>
    %add3A_27 = arith.addf %mul3A_22, %add3A_26 : vector<1000x256xf32>
    %ge3A = arith.constant 0.000000e+00 : f32
    %ge3A_28 = vector.broadcast %ge3A : f32 to vector<1000x256xf32>
    %ge3A_29 = arith.cmpf oge, %add3A_27, %ge3A_28 : vector<1000x256xf32>
    %mul3A_30 = arith.constant 0.00999999977 : f32
    %mul3A_31 = vector.broadcast %mul3A_30 : f32 to vector<1000x256xf32>
    %mul3A_32 = arith.mulf %mul3A_31, %add3A_27 : vector<1000x256xf32>
    %select_n3A = arith.select %ge3A_29, %add3A_27, %mul3A_32 : vector<1000x256xi1>, vector<1000x256xf32>
    %get3A_33 = arith.constant 0 : index
    %get3A_34 = arith.constant 0 : index
    %get3A_35 = vector.load %arg6[%get3A_33, %get3A_34] : memref<256x128xf32, #tpu.memory_space<vmem>>, vector<256x128xf32>
    %dot_general3A = arith.constant dense<0.000000e+00> : vector<1000x128xf32>
    %dot_general3A_36 = tpu.matmul %select_n3A, %get3A_35, %dot_general3A {dimension_numbers = #tpu.dot_dimension_numbers<[1], [0], [0], [1], [0, 0, 1, 1], [], []>, transpose_lhs_hint = false} : vector<1000x256xf32>, vector<256x128xf32>, vector<1000x128xf32> -> vector<1000x128xf32>
    %swap3A = arith.constant 0 : index
    %swap3A_37 = arith.constant 0 : index
    %swap3A_38 = vector.load %arg9[%swap3A, %swap3A_37] : memref<1000x128xf32, #tpu.memory_space<vmem>>, vector<1000x128xf32>
    tpu.vector_store %arg9[%swap3A, %swap3A_37], %dot_general3A_36 {strides = array<i32>} : memref<1000x128xf32, #tpu.memory_space<vmem>>, vector<1000x128xf32>,
    %get3A_39 = arith.constant 0 : index
    %get3A_40 = arith.constant 0 : index
    %get3A_41 = vector.load %arg7[%get3A_39, %get3A_40] : memref<256x128xf32, #tpu.memory_space<vmem>>, vector<256x128xf32>
    %dot_general3A_42 = arith.constant dense<0.000000e+00> : vector<1000x128xf32>
    %dot_general3A_43 = tpu.matmul %select_n3A, %get3A_41, %dot_general3A_42 {dimension_numbers = #tpu.dot_dimension_numbers<[1], [0], [0], [1], [0, 0, 1, 1], [], []>, transpose_lhs_hint = false} : vector<1000x256xf32>, vector<256x128xf32>, vector<1000x128xf32> -> vector<1000x128xf32>
    %get3A_44 = arith.constant 0 : index
    %get3A_45 = arith.constant 0 : index
    %get3A_46 = vector.load %arg8[%get3A_44, %get3A_45] : memref<1x128xf32, #tpu.memory_space<vmem>>, vector<1x128xf32>
    %add3A_47 = vector.broadcast %get3A_46 : vector<1x128xf32> to vector<1000x128xf32>
    %add3A_48 = arith.addf %dot_general3A_43, %add3A_47 : vector<1000x128xf32>
    %swap3A_49 = arith.constant 0 : index
    %swap3A_50 = arith.constant 0 : index
    %swap3A_51 = vector.load %arg10[%swap3A_49, %swap3A_50] : memref<1000x128xf32, #tpu.memory_space<vmem>>, vector<1000x128xf32>
    tpu.vector_store %arg10[%swap3A_49, %swap3A_50], %add3A_48 {strides = array<i32>} : memref<1000x128xf32, #tpu.memory_space<vmem>>, vector<1000x128xf32>,
    return
  }
  func.func @transform_0(%arg0: i32) -> (i32, i32) {
    %c0_i32 = arith.constant 0 : i32
    %c0_i32_0 = arith.constant 0 : i32
    return %arg0, %c0_i32 : i32, i32
  }
  func.func @transform_1(%arg0: i32) -> (i32, i32) {
    %c0_i32 = arith.constant 0 : i32
    %c0_i32_0 = arith.constant 0 : i32
    %c0_i32_1 = arith.constant 0 : i32
    return %c0_i32, %c0_i32_0 : i32, i32
  }
  func.func @transform_2(%arg0: i32) -> (i32, i32) {
    %c0_i32 = arith.constant 0 : i32
    %c0_i32_0 = arith.constant 0 : i32
    %c0_i32_1 = arith.constant 0 : i32
    return %c0_i32, %c0_i32_0 : i32, i32
  }
  func.func @transform_3(%arg0: i32) -> (i32, i32) {
    %c0_i32 = arith.constant 0 : i32
    %c0_i32_0 = arith.constant 0 : i32
    %c0_i32_1 = arith.constant 0 : i32
    return %c0_i32, %c0_i32_0 : i32, i32
  }
  func.func @transform_4(%arg0: i32) -> (i32, i32) {
    %c0_i32 = arith.constant 0 : i32
    %c0_i32_0 = arith.constant 0 : i32
    %c0_i32_1 = arith.constant 0 : i32
    return %c0_i32, %c0_i32_0 : i32, i32
  }
  func.func @transform_5(%arg0: i32) -> (i32, i32) {
    %c0_i32 = arith.constant 0 : i32
    %c0_i32_0 = arith.constant 0 : i32
    %c0_i32_1 = arith.constant 0 : i32
    return %c0_i32, %c0_i32_0 : i32, i32
  }
  func.func @transform_6(%arg0: i32) -> (i32, i32) {
    %c0_i32 = arith.constant 0 : i32
    %c0_i32_0 = arith.constant 0 : i32
    %c0_i32_1 = arith.constant 0 : i32
    return %c0_i32, %c0_i32_0 : i32, i32
  }
  func.func @transform_7(%arg0: i32) -> (i32, i32) {
    %c0_i32 = arith.constant 0 : i32
    %c0_i32_0 = arith.constant 0 : i32
    %c0_i32_1 = arith.constant 0 : i32
    return %c0_i32, %c0_i32_0 : i32, i32
  }
  func.func @transform_8(%arg0: i32) -> (i32, i32) {
    %c0_i32 = arith.constant 0 : i32
    %c0_i32_0 = arith.constant 0 : i32
    return %arg0, %c0_i32 : i32, i32
  }
  func.func @transform_9(%arg0: i32) -> (i32, i32) {
    %c0_i32 = arith.constant 0 : i32
    %c0_i32_0 = arith.constant 0 : i32
    return %arg0, %c0_i32 : i32, i32
  }
}

module attributes {stable_mosaic.version = 14 : i64} {
  func.func @_dense_c_body(%arg0: i32, %arg1: memref<1x1000x128xf32, #tpu.memory_space<vmem>>, %arg2: memref<1x1000x128xf32, #tpu.memory_space<vmem>>, %arg3: memref<1000x128xf32, #tpu.memory_space<vmem>>, %arg4: memref<1000x128xf32, #tpu.memory_space<vmem>>, %arg5: memref<1x1000x1xf32, #tpu.memory_space<vmem>>, %arg6: memref<1x1000x1xf32, #tpu.memory_space<vmem>>, %arg7: memref<1x128xf32, #tpu.memory_space<vmem>>, %arg8: memref<1000x128xf32, #tpu.memory_space<vmem>>) attributes {dimension_semantics = [#tpu.dimension_semantics<arbitrary>], iteration_bounds = array<i64: 10>, scalar_prefetch = 0 : i64, scratch_operands = 0 : i64, tpu.core_type = #tpu.core_type<tc>, window_params = [{transform_indices = @transform_0, window_bounds = array<i64: 1, 1000, 128>}, {transform_indices = @transform_1, window_bounds = array<i64: 1, 1000, 128>}, {transform_indices = @transform_2, window_bounds = array<i64: 1000, 128>}, {transform_indices = @transform_3, window_bounds = array<i64: 1000, 128>}, {transform_indices = @transform_4, window_bounds = array<i64: 1, 1000, 1>}, {transform_indices = @transform_5, window_bounds = array<i64: 1, 1000, 1>}, {pipeline_mode = #tpu.pipeline_mode<synchronous>, transform_indices = @transform_6, window_bounds = array<i64: 1, 128>}, {transform_indices = @transform_7, window_bounds = array<i64: 1000, 128>}]} {
    %get3A = arith.constant 0 : index
    %get3A_0 = arith.constant 0 : index
    %get3A_1 = arith.constant 0 : index
    %get3A_2 = vector.load %arg5[%get3A, %get3A_0, %get3A_1] : memref<1x1000x1xf32, #tpu.memory_space<vmem>>, vector<1x1000x1xf32>
    %get3A_3 = vector.shape_cast %get3A_2 : vector<1x1000x1xf32> to vector<1000x1xf32>
    %get3A_4 = arith.constant 0 : index
    %get3A_5 = arith.constant 0 : index
    %get3A_6 = arith.constant 0 : index
    %get3A_7 = vector.load %arg6[%get3A_4, %get3A_5, %get3A_6] : memref<1x1000x1xf32, #tpu.memory_space<vmem>>, vector<1x1000x1xf32>
    %get3A_8 = vector.shape_cast %get3A_7 : vector<1x1000x1xf32> to vector<1000x1xf32>
    %add3A = arith.addf %get3A_3, %get3A_8 : vector<1000x1xf32>
    %add3A_9 = arith.constant 1.000000e+00 : f32
    %add3A_10 = vector.broadcast %add3A_9 : f32 to vector<1000x1xf32>
    %add3A_11 = arith.addf %add3A, %add3A_10 : vector<1000x1xf32>
    %div3A = arith.constant 1.000000e+00 : f32
    %div3A_12 = vector.broadcast %div3A : f32 to vector<1000x1xf32>
    %div3A_13 = arith.divf %div3A_12, %add3A_11 : vector<1000x1xf32>
    %get3A_14 = arith.constant 0 : index
    %get3A_15 = arith.constant 0 : index
    %get3A_16 = arith.constant 0 : index
    %get3A_17 = vector.load %arg1[%get3A_14, %get3A_15, %get3A_16] : memref<1x1000x128xf32, #tpu.memory_space<vmem>>, vector<1x1000x128xf32>
    %get3A_18 = vector.shape_cast %get3A_17 : vector<1x1000x128xf32> to vector<1000x128xf32>
    %get3A_19 = arith.constant 0 : index
    %get3A_20 = arith.constant 0 : index
    %get3A_21 = arith.constant 0 : index
    %get3A_22 = vector.load %arg2[%get3A_19, %get3A_20, %get3A_21] : memref<1x1000x128xf32, #tpu.memory_space<vmem>>, vector<1x1000x128xf32>
    %get3A_23 = vector.shape_cast %get3A_22 : vector<1x1000x128xf32> to vector<1000x128xf32>
    %add3A_24 = arith.addf %get3A_18, %get3A_23 : vector<1000x128xf32>
    %get3A_25 = arith.constant 0 : index
    %get3A_26 = arith.constant 0 : index
    %get3A_27 = vector.load %arg3[%get3A_25, %get3A_26] : memref<1000x128xf32, #tpu.memory_space<vmem>>, vector<1000x128xf32>
    %add3A_28 = arith.addf %add3A_24, %get3A_27 : vector<1000x128xf32>
    %mul3A = vector.broadcast %div3A_13 : vector<1000x1xf32> to vector<1000x128xf32>
    %mul3A_29 = arith.mulf %add3A_28, %mul3A : vector<1000x128xf32>
    %get3A_30 = arith.constant 0 : index
    %get3A_31 = arith.constant 0 : index
    %get3A_32 = vector.load %arg4[%get3A_30, %get3A_31] : memref<1000x128xf32, #tpu.memory_space<vmem>>, vector<1000x128xf32>
    %add3A_33 = arith.addf %mul3A_29, %get3A_32 : vector<1000x128xf32>
    %get3A_34 = arith.constant 0 : index
    %get3A_35 = arith.constant 0 : index
    %get3A_36 = vector.load %arg7[%get3A_34, %get3A_35] : memref<1x128xf32, #tpu.memory_space<vmem>>, vector<1x128xf32>
    %add3A_37 = vector.broadcast %get3A_36 : vector<1x128xf32> to vector<1000x128xf32>
    %add3A_38 = arith.addf %add3A_33, %add3A_37 : vector<1000x128xf32>
    %swap3A = arith.constant 0 : index
    %swap3A_39 = arith.constant 0 : index
    %swap3A_40 = vector.load %arg8[%swap3A, %swap3A_39] : memref<1000x128xf32, #tpu.memory_space<vmem>>, vector<1000x128xf32>
    tpu.vector_store %arg8[%swap3A, %swap3A_39], %add3A_38 {strides = array<i32>} : memref<1000x128xf32, #tpu.memory_space<vmem>>, vector<1000x128xf32>,
    return
  }
  func.func @transform_0(%arg0: i32) -> (i32, i32, i32) {
    %c0_i32 = arith.constant 0 : i32
    %c0_i32_0 = arith.constant 0 : i32
    %c0_i32_1 = arith.constant 0 : i32
    return %c0_i32, %arg0, %c0_i32_0 : i32, i32, i32
  }
  func.func @transform_1(%arg0: i32) -> (i32, i32, i32) {
    %c1_i32 = arith.constant 1 : i32
    %c0_i32 = arith.constant 0 : i32
    %c0_i32_0 = arith.constant 0 : i32
    return %c1_i32, %arg0, %c0_i32 : i32, i32, i32
  }
  func.func @transform_2(%arg0: i32) -> (i32, i32) {
    %c0_i32 = arith.constant 0 : i32
    %c0_i32_0 = arith.constant 0 : i32
    return %arg0, %c0_i32 : i32, i32
  }
  func.func @transform_3(%arg0: i32) -> (i32, i32) {
    %c0_i32 = arith.constant 0 : i32
    %c0_i32_0 = arith.constant 0 : i32
    return %arg0, %c0_i32 : i32, i32
  }
  func.func @transform_4(%arg0: i32) -> (i32, i32, i32) {
    %c0_i32 = arith.constant 0 : i32
    %c0_i32_0 = arith.constant 0 : i32
    %c0_i32_1 = arith.constant 0 : i32
    return %c0_i32, %arg0, %c0_i32_0 : i32, i32, i32
  }
  func.func @transform_5(%arg0: i32) -> (i32, i32, i32) {
    %c1_i32 = arith.constant 1 : i32
    %c0_i32 = arith.constant 0 : i32
    %c0_i32_0 = arith.constant 0 : i32
    return %c1_i32, %arg0, %c0_i32 : i32, i32, i32
  }
  func.func @transform_6(%arg0: i32) -> (i32, i32) {
    %c0_i32 = arith.constant 0 : i32
    %c0_i32_0 = arith.constant 0 : i32
    %c0_i32_1 = arith.constant 0 : i32
    return %c0_i32, %c0_i32_0 : i32, i32
  }
  func.func @transform_7(%arg0: i32) -> (i32, i32) {
    %c0_i32 = arith.constant 0 : i32
    %c0_i32_0 = arith.constant 0 : i32
    return %arg0, %c0_i32 : i32, i32
  }
}

</mosaic_0001>

<sc_bundles>
// kernel: kernel.10.cloned.1.call-start
scs
__scs_entry_jumppad:
0x0: {  	(pc) =	sbr.rel $0x88, $3  }
0x1: {  	(tag) =	ssettag $0x0;
	lr =	simm.s32 $0x1  }
0x2: {  	[smem:$0x3F95] =	sst lr;
	_ =	strace $0xD0000000  }
0x3: {  	_ = 	snop  }
0x4: {  	_ = 	snop  }
0x5: {  	_ = 	snop  }
0x6: {  	_ = 	snop  }
0x7: {  	_ = 	snop  }
__scs_overlays_trampoline_lowered:
0x8: {  	[smem:$0x3FA4] =	sst s0  }
0x9: {  	[smem:$0x3FA5] =	sst s1  }
0xa: {  	[smem:$0x3FA6] =	sst s2  }
0xb: {  	[smem:$0x3FA7] =	sst s3  }
0xc: {  	[smem:$0x3FA8] =	sst s4  }
0xd: {  	[smem:$0x3FA9] =	sst s5  }
0xe: {  	[smem:$0x3FAA] =	sst s6  }
0xf: {  	[smem:$0x3FAB] =	sst s7  }
0x10: {  	[smem:$0x3FAC] =	sst s8  }
0x11: {  	[smem:$0x3FAD] =	sst s9;
	s0 =	simm.s32 @!p0 $0x0  }
0x12: {  	s1 =	sld [smem:$0x3F93];
	s0 =	simm.s32 @p0 $0x1  }
0x13: {  	[smem:$0x3FAE] =	sst s0;
	s0 =	simm.s32 @!p1 $0x0  }
0x14: {  	s2 =	sld [smem:$0x3F92];
	s0 =	simm.s32 @p1 $0x1  }
0x15: {  	[smem:$0x3FAF] =	sst s0;
	s0 =	simm.s32 @!p2 $0x0  }
0x16: {  	s3 =	sld [smem:$0x3FDB];
	s0 =	simm.s32 @p2 $0x1  }
0x17: {  	s4 =	simm.s32 $0x1BF5;
	[smem:$0x3FB1] =	sst s0  }
0x18: {  	s0 =	sld [smem:$0x3F94];
	_ =	swait.ge [sflag:s4], $0x0  }
0x19: {  	s7 =	sld [smem:$0x3F95]  }
0x1a: {  	s8 =	sadd.s32 $0xFFFFE003, lr  }
0x1b: {  	s9 =	sadd.s32 $0xFFFFFEF7, lr;
	s5 =	simm.s32 $0xFFFFFFFF;
	p2 =	slt.u32 s8, $0xFFFFF086  }
0x1c: {  	p1 =	slt.u32 s9, $0xF7A;
	s5 =	simm.s32 @!p2 $0x0  }
0x1d: {  	s5 =	simm.s32 @p1 $0x1;
	p0 =	seq.s32 s7, s2  }
0x1e: {  	s7 =	smul.u32 @!p0 $0xF7A, s2;
	p2 =	seq.s32 @!p0 s5, $0x0  }
0x1f: {  	s9 =	smul.u32 $0xF7A, s1;
	s8 =	simm.s32 @!p0 $0x1BF5;
	p2 =	por !p2, p0  }
0x20: {  	[sflag:s8] =	ssyncset.s32 @!p0 $0xFFFFF086;
	s6 =	sadd.s32 @!p0 s3, s7;
	s7 =	simm.s32 @!p0 $0x108  }
0x21: {  	s3 =	sadd.s32 s3, s9;
	s6 =	sadd.s32 @!p0 $0x88, s6;
	s7 =	simm.s32 @p2 $0x1082  }
0x22: {  	[simem:s7], [sflag:s8] =	dma.local @!p0 [hbm:s6], $0xF7A  }
0x23: {  	s9 =	sor.u32 $0xD0000000, s2;
	s6 =	simm.s32 $0x108;
	_ =	swait.ge @!p0 [sflag:s8], $0x0  }
0x24: {  	s3 =	sadd.s32 $0x88, s3;
	s6 =	simm.s32 @!p1 $0x1082;
	[sflag:s4] =	ssyncset.s32 $0xFFFFF086  }
0x25: {  	[simem:s6], [sflag:s4] =	dma.local [hbm:s3], $0xF7A  }
0x26: {  	[smem:$0x3F95] =	sst s1;
	(tag) =	ssettag s2;
	_ =	strace s9  }
0x27: {  	s1 =	sld [smem:$0x3FA5]  }
0x28: {  	s2 =	sld [smem:$0x3FA6]  }
0x29: {  	s4 =	sld [smem:$0x3FA8]  }
0x2a: {  	p0 =	seq.s32 s5, $0x0;
	s5 =	sld [smem:$0x3FA9]  }
0x2b: {  	s6 =	sld [smem:$0x3FAA]  }
0x2c: {  	s7 =	sld [smem:$0x3FAB]  }
0x2d: {  	s3 =	simm.s32 $0x108;
	s8 =	sld [smem:$0x3FAC]  }
0x2e: {  	s3 =	simm.s32 @!p0 $0x1082;
	s9 =	sld [smem:$0x3FAD]  }
0x2f: {  	lr =	sadd.s32 s0, s3;
	s0 =	sld [smem:$0x3FA4]  }
0x30: {  	s3 =	sld [smem:$0x3FA7]  }
0x31: {  	[smem:$0x3FB0] =	sst s10  }
0x32: {  	s10 =	sld [smem:$0x3FAE];
	_ =	sdelay $0x3  }
0x33: {  	p0 =	seq.s32 s10, $0x1;
	s10 =	sld [smem:$0x3FB0];
	_ =	sdelay $0x3  }
0x34: {  	[smem:$0x3FB0] =	sst s10  }
0x35: {  	s10 =	sld [smem:$0x3FAF];
	_ =	sdelay $0x3  }
0x36: {  	p1 =	seq.s32 s10, $0x1;
	s10 =	sld [smem:$0x3FB0];
	_ =	sdelay $0x3  }
0x37: {  	[smem:$0x3FB0] =	sst s10  }
0x38: {  	s10 =	sld [smem:$0x3FB1]  }
0x39: {  	_ = 	snop;
	(pc) =	sbr.ind lr, $3  }
0x3a: {  	_ = 	snop  }
0x3b: {  	_ = 	snop  }
0x3c: {  	p2 =	seq.s32 s10, $0x1;
	s10 =	sld [smem:$0x3FB0]  }
0x3d: {  	_ =	shalt  }
0x3e: {  	_ =	shalt  }
0x3f: {  	_ =	shalt  }
0x40: {  	_ =	shalt  }
0x41: {  	_ =	shalt  }
0x42: {  	_ =	shalt  }
0x43: {  	_ =	shalt  }
0x44: {  	_ =	shalt  }
0x45: {  	_ =	shalt  }
0x46: {  	_ =	shalt  }
0x47: {  	_ =	shalt  }
0x48: {  	_ =	shalt  }
0x49: {  	_ =	shalt  }
0x4a: {  	_ =	shalt  }
0x4b: {  	_ =	shalt  }
0x4c: {  	_ =	shalt  }
0x4d: {  	_ =	shalt  }
0x4e: {  	_ =	shalt  }
0x4f: {  	_ =	shalt  }
0x50: {  	_ =	shalt  }
0x51: {  	_ =	shalt  }
0x52: {  	_ =	shalt  }
0x53: {  	_ =	shalt  }
0x54: {  	_ =	shalt  }
0x55: {  	_ =	shalt  }
0x56: {  	_ =	shalt  }
0x57: {  	_ =	shalt  }
0x58: {  	_ =	shalt  }
0x59: {  	_ =	shalt  }
0x5a: {  	_ =	shalt  }
0x5b: {  	_ =	shalt  }
0x5c: {  	_ =	shalt  }
0x5d: {  	_ =	shalt  }
0x5e: {  	_ =	shalt  }
0x5f: {  	_ =	shalt  }
0x60: {  	_ =	shalt  }
0x61: {  	_ =	shalt  }
0x62: {  	_ =	shalt  }
0x63: {  	_ =	shalt  }
0x64: {  	_ =	shalt  }
0x65: {  	_ =	shalt  }
0x66: {  	_ =	shalt  }
0x67: {  	_ =	shalt  }
0x68: {  	_ =	shalt  }
0x69: {  	_ =	shalt  }
0x6a: {  	_ =	shalt  }
0x6b: {  	_ =	shalt  }
0x6c: {  	_ =	shalt  }
0x6d: {  	_ =	shalt  }
0x6e: {  	_ =	shalt  }
0x6f: {  	_ =	shalt  }
0x70: {  	_ =	shalt  }
0x71: {  	_ =	shalt  }
0x72: {  	_ =	shalt  }
0x73: {  	_ =	shalt  }
0x74: {  	_ =	shalt  }
0x75: {  	_ =	shalt  }
0x76: {  	_ =	shalt  }
0x77: {  	_ =	shalt  }
0x78: {  	_ =	shalt  }
0x79: {  	_ =	shalt  }
0x7a: {  	_ =	shalt  }
0x7b: {  	_ =	shalt  }
0x7c: {  	_ =	shalt  }
0x7d: {  	_ =	shalt  }
0x7e: {  	_ =	shalt  }
0x7f: {  	_ =	shalt  }
0x80: {  	_ =	shalt  }
0x81: {  	_ =	shalt  }
0x82: {  	_ =	shalt  }
0x83: {  	_ =	shalt  }
0x84: {  	_ =	shalt  }
0x85: {  	_ =	shalt  }
0x86: {  	_ =	shalt  }
0x87: {  	_ =	shalt  }
.Lfunc_end0:
.L_simem_size_0:
called_computation.1_lowered:
.L_overlay_start_0:
0x88: {  	s2 =	sld [smem:$0x3FD9]  }
0x89: {  	s3 =	sld [smem:$0x3FFE];
	_ =	sdelay $0x1  }
0x8a: {  	s1 =	srdreg.scid  }
0x8b: {  	s0 =	sand.u32 $0x1, s1  }
0x8c: {  	s17 =	sshll.u32 s0, $0xA;
	s2 =	sadd.s32 s3, s2  }
0x8d: {  	s2 =	sadd.s32 s2, s17  }
0x8e: {  	[smem:$0x3FBC] =	sst s2  }
0x8f: {  	_ = 	snop  }
0x90: {  	s2 =	sld [smem:$0x3FD0];
	(tm) =	ssettm $0x1  }
0x91: {  	s18 =	sld [smem:$0x3FFB];
	_ =	sdelay $0x3  }
0x92: {  	_ =	strace s18  }
0x93: {  	s3 =	sld [smem:$0x3FFC];
	_ =	sdelay $0x3  }
0x94: {  	_ =	strace s3  }
0x95: {  	s3 =	sld [smem:$0x3FFD];
	_ =	sdelay $0x3  }
0x96: {  	_ =	strace s3  }
0x97: {  	_ =	strace $0x8FFFFFFF  }
0x98: {  	s19 =	sld [smem:$0x3FDB];
	_ =	sdelay $0x1  }
0x99: {  	s4 =	simm.s32 $_scs_section_size  }
0x9a: {  	s5 =	simm.s32 $_size__tile_overlayer_lowered;
	s6 =	simm.s32 $_tile_overlayer_lowered  }
0x9b: {  	s22 =	simm.s32 $0x1BFF;
	s21 =	sshll.u32 s6, $0x1;
	s3 =	sadd.s32 s4, s19  }
0x9c: {  	s7 =	simm.s32 $0x0;
	s20 =	sshll.u32 s5, $0x1;
	s5 =	sadd.s32 s21, s3  }
0x9d: {  	[timem:s7], [sflag:s22] =	dma.local [hbm:s5], s20  }
0x9e: {  	_ =	swait.ge [sflag:s22], s20  }
0x9f: {  	s4 =	ssub.s32 $0x0, s20;
	[sflag:s22] =	ssyncset.done $0x0  }
0xa0: {  	[sflag:s22] =	ssyncadd.s32 s4;
	_ =	sdelay $0x1  }
0xa1: {  	s23 =	simm.s32 $0x1B8B  }
0xa2: {  	_ =	swait.ge [sflag:s23], $0x1  }
0xa3: {  	[sflag:s23] =	ssyncset.done $0x0  }
0xa4: {  	s25 =	simm.s32 $0x1B8E;
	s24 =	sld [smem:$0x3FFE];
	[sflag:s23] =	ssyncadd.s32 $0xFFFFFFFF  }
0xa5: {  	s26 =	simm.s32 $execute0_lowered;
	[smem:$0x3FD2] =	sst s25  }
0xa6: {  	s5 =	sshll.u32 s26, $0x1;
	_ =	strace $0x80000049;
	[dreg:$0x1] =	wrdreg $0xFFFFFFFF  }
0xa7: {  	s28 =	simm.s32 $_size_execute0_lowered;
	s3 =	sadd.s32 s3, s5;
	[dreg:$0x0] =	wrdreg $0x0  }
0xa8: {  	s5 =	sshll.u32 s28, $0x1;
	[dreg:$0x2] =	wrdreg s3  }
0xa9: {  	[dreg:$0x3] =	wrdreg s5  }
0xaa: {  	[dreg:$0x4] =	wrdreg $0xC0  }
0xab: {  	_ =	task [dreg:s7], $0x5FFFF  }
0xac: {  	[dreg:$0x1] =	wrdreg $0xFFFFFFFF  }
0xad: {  	[dreg:$0x0] =	wrdreg $0x60  }
0xae: {  	[dreg:$0x2] =	wrdreg s2  }
0xaf: {  	[dreg:$0x3] =	wrdreg s24  }
0xb0: {  	[dreg:$0x4] =	wrdreg $0x0  }
0xb1: {  	[dreg:$0x5] =	wrdreg $0x9  }
0xb2: {  	_ =	task.clear_ibuf [dreg:s7], $0x6FFFF;
	_ =	strace $0x90000049  }
0xb3: {  	s29 =	simm.s32 $0x9;
	_ =	strace $0x8000004B  }
0xb4: {  	_ =	swait.ge [sflag:s29], $0x1  }
0xb5: {  	[sflag:s29] =	ssyncadd.s32 $0xFFFFFFFF  }
0xb6: {  	_ =	strace $0x9000004B  }
0xb7: {  	_ =	sfence  }
0xb8: {  	s30 =	sld [smem:$0x0];
	_ =	sdelay $0x2  }
0xb9: {  	s31 =	sshll.u32 s1, $0xD;
	s1 =	sshrl.u32 s1, $0x2  }
0xba: {  	s3 =	sand.u32 $0x4000, s31;
	s1 =	sadd.s32 s1, s30  }
0xbb: {  	s0 =	sor.u32 s3, s0;
	s1 =	sshll.u32 s1, $0x11  }
0xbc: {  	s0 =	sor.u32 s1, s0  }
0xbd: {  	s0 =	sadd.s32 $0x8F2B, s0  }
0xbe: {  	[sflag:s0] =	ssyncadd.remote.s32 $0x1  }
0xbf: {  	_ =	sfence.sel $0xFFFF  }
0xc0: {  	[dreg:$0x0] =	wrdreg $0xFFFFFFFF;
	(pc) =	sbr.abs _section_cstart, $3  }
0xc1: {  	[dreg:$0x1] =	wrdreg $0xFFFFFFFF  }
0xc2: {  	_ =	task.clear_ibuf [dreg:s7], $0x2FFFF;
	_ =	strace $0x9FFFFFFF  }
0xc3: {  	(tm) =	ssettm $0x7FFFFFFF  }
tec
execute0_lowered:
.L_overlay_start_1:
0x0: {  	(tag) =	ssettag $0x1  }
0x1: {  	s0 =	srdreg.scid;
	s8 =	stileid.u32  }
0x2: {  	s0 =	sand.u32 $0x1, s0;
	s4 =	smul.u32 $0x5000, s8  }
0x3: {  	s2 =	rddreg [dreg:$0x0];
	s1 =	smul.u32 $0x50000, s0  }
0x4: {  	s5 =	rddreg [dreg:$0x1]  }
0x5: {  	s3 =	rddreg [dreg:$0x2];
	s1 =	sadd.s32 s4, s1;
	s4 =	simm.s32 $0x0  }
0x6: {  	s15 =	simm.s32 $0x14480;
	[smem:$0x7FF] =	sst s4  }
0x7: {  	s16 =	simm.s32 $0x14500;
	_ =	strace $0x8000004A;
	[dreg:$0x6] =	wrdreg s15  }
0x8: {  	s17 =	simm.s32 $0x15480;
	[dreg:$0x7] =	wrdreg s16  }
0x9: {  	s18 =	simm.s32 $0x14580;
	[dreg:$0x8] =	wrdreg s17  }
0xa: {  	s19 =	simm.s32 $0x15500;
	[dreg:$0x9] =	wrdreg s18  }
0xb: {  	s20 =	simm.s32 $0x14600;
	[dreg:$0xa] =	wrdreg s19  }
0xc: {  	s21 =	simm.s32 $0x15580;
	[dreg:$0xb] =	wrdreg s20  }
0xd: {  	s23 =	simm.s32 $0x14680;
	[dreg:$0xc] =	wrdreg s21  }
0xe: {  	s24 =	simm.s32 $0x15600;
	[dreg:$0xd] =	wrdreg s23  }
0xf: {  	s25 =	simm.s32 $0x14700;
	[dreg:$0xe] =	wrdreg s24  }
0x10: {  	s26 =	simm.s32 $0x15680;
	s9 =	simm.s32 $0x14780;
	[dreg:$0xf] =	wrdreg s25  }
0x11: {  	s10 =	simm.s32 $0x15700;
	s11 =	simm.s32 $0x14800;
	[dreg:$0x10] =	wrdreg s26  }
0x12: {  	s22 =	sshll.u32 s8, $0x7;
	s8 =	smul.u32 $0x14000, s8;
	[dreg:$0x11] =	wrdreg s9  }
0x13: {  	s12 =	simm.s32 $0x15780;
	s7 =	smul.u32 $0x140000, s0;
	[dreg:$0x12] =	wrdreg s10  }
0x14: {  	s14 =	simm.s32 $0x14880;
	s0 =	ssub.s32 $0x2, s0;
	[dreg:$0x13] =	wrdreg s11  }
0x15: {  	s13 =	sshrl.u32 s0, $0x1;
	s7 =	sadd.s32 s8, s7;
	[dreg:$0x14] =	wrdreg s12  }
0x16: {  	s0 =	ssub.s32 s0, s13;
	s8 =	simm.s32 $0x14A80;
	[dreg:$0x15] =	wrdreg s14  }
0x17: {  	s0 =	smax.u32 s0, $0x1;
	[dreg:$0x1d] =	wrdreg s8  }
0x18: {  	s13 =	simm.s32 $0x14B80;
	[smem:$0x7F2] =	sst s0  }
0x19: {  	s15 =	simm.s32 $0x15800;
	[smem:$0x7F4] =	sst s13  }
0x1a: {  	s16 =	simm.s32 $0x14900;
	[dreg:$0x16] =	wrdreg s15  }
0x1b: {  	s18 =	simm.s32 $0x15880;
	[dreg:$0x17] =	wrdreg s16  }
0x1c: {  	s20 =	simm.s32 $0x14980;
	[dreg:$0x18] =	wrdreg s18  }
0x1d: {  	s28 =	simm.s32 $0x15400;
	s24 =	simm.s32 $0x14A00;
	[dreg:$0x19] =	wrdreg s20  }
0x1e: {  	s29 =	simm.s32 $0x18C00;
	s26 =	simm.s32 $0x15980;
	[dreg:$0x1b] =	wrdreg s24  }
0x1f: {  	s30 =	simm.s32 $0x1;
	s10 =	simm.s32 $0x15A00;
	[dreg:$0x1c] =	wrdreg s26  }
0x20: {  	s31 =	simm.s32 $0x1B400;
	s11 =	simm.s32 $0x14B00;
	[dreg:$0x1e] =	wrdreg s10  }
0x21: {  	s1 =	sshrl.u32 s1, $0x3;
	s12 =	simm.s32 $0x15A80;
	[dreg:$0x1f] =	wrdreg s11  }
0x22: {  	s1 =	sadd.s32 s1, s5;
	s14 =	simm.s32 $0x15B00;
	[smem:$0x7F3] =	sst s12  }
0x23: {  	s7 =	sshrl.u32 s7, $0x3;
	s6 =	sadd.s32 $0x3C00, s1;
	[smem:$0x7F5] =	sst s14  }
0x24: {  	s0 =	simm.s32 $0x4;
	s1 =	sadd.s32 $0x17C00, s1;
	[dreg:$0x4] =	wrdreg s6  }
0x25: {  	s8 =	simm.s32 $0x14E00;
	s15 =	simm.s32 $0x14C00;
	[dreg:$0x5] =	wrdreg s1  }
0x26: {  	s13 =	simm.s32 $0x14F80;
	s20 =	simm.s32 $0x14C80;
	[smem:$0x7F6] =	sst s15  }
0x27: {  	s16 =	simm.s32 $0x7;
	s24 =	simm.s32 $0x15C80;
	[smem:$0x7F8] =	sst s20  }
0x28: {  	s18 =	simm.s32 $0x16400;
	s26 =	simm.s32 $0x15D00;
	[smem:$0x7FB] =	sst s24  }
0x29: {  	s6 =	sadd.s32 s22, s5;
	s22 =	simm.s32 $0x15900;
	[smem:$0x7FD] =	sst s26  }
0x2a: {  	s5 =	sadd.s32 s7, s5;
	s6 =	sadd.s32 $0x3400, s6;
	[dreg:$0x1a] =	wrdreg s22  }
0x2b: {  	s10 =	simm.s32 $0x14E80;
	s17 =	sadd.s32 $0xCBC00, s5;
	[smem:$0x7E9] =	sst s6  }
0x2c: {  	s11 =	simm.s32 $0x15E00;
	s19 =	sadd.s32 $0xCC100, s5;
	[smem:$0x7EA] =	sst s17  }
0x2d: {  	s12 =	simm.s32 $0x14F00;
	s21 =	sadd.s32 $0xCC600, s5;
	[smem:$0x7EB] =	sst s19  }
0x2e: {  	s14 =	simm.s32 $0x15000;
	s23 =	sadd.s32 $0xCCB00, s5;
	[smem:$0x7EC] =	sst s21  }
0x2f: {  	s26 =	simm.s32 $0x14400;
	s25 =	sadd.s32 $0xCD000, s5;
	[smem:$0x7ED] =	sst s23  }
0x30: {  	s1 =	simm.s32 $0x2;
	s7 =	sadd.s32 $0xCD500, s5;
	[smem:$0x7EE] =	sst s25  }
0x31: {  	s20 =	simm.s32 $0x15F00;
	s9 =	sadd.s32 $0xCDA00, s5;
	[smem:$0x7EF] =	sst s7  }
0x32: {  	s24 =	simm.s32 $0x0;
	s5 =	sadd.s32 $0xCDF00, s5;
	[smem:$0x7F0] =	sst s9  }
0x33: {  	s22 =	simm.s32 $0x14D00;
	[smem:$0x7F1] =	sst s5;
	s23 =	simm.s32 $0x14000  }
0x34: {  	s17 =	simm.s32 $0x50;
	s19 =	simm.s32 $0x15B80;
	s21 =	simm.s32 $0x15C00  }
0x35: {  	[smem:$0x7FA] =	sst s22;
	s25 =	simm.s32 $0x14D80;
	s5 =	simm.s32 $0x3  }
0x36: {  	s6 =	simm.s32 $0x5;
	s7 =	simm.s32 $0x6;
	[smem:$0x7F7] =	sst s19  }
0x37: {  	s9 =	simm.s32 $0x15D80;
	s22 =	simm.s32 $0x16000;
	[smem:$0x7F9] =	sst s21  }
0x38: {  	v0 =	vimm.f32 $0.0e+00;
	[smem:$0x7FC] =	sst s25;
	s19 =	simm.s32 $0x15E80;
	s21 =	simm.s32 $0x15F80  }
.LBB2_1:
0x39: {  	s15 =	sld [smem:$0x7E9];
	_ =	sdelay $0x1  }
0x3a: {  	[smem:$0x7E8] =	sst s24  }
0x3b: {  	[tilespmem:s23], [sflag:$0x7] =	stream.linear.gather [hbm4b:s15+s4], $0x400, $0x38;
	[tilespmem:$0x1DC00] =	vst v63  }
0x3c: {  	_ =	swait.ge [sflag:s16], $0x400  }
0x3d: {  	[sflag:s16] =	ssyncset.done $0x0  }
0x3e: {  	s24 =	simm.s32 $0x0;
	s25 =	simm.s32 $0x200;
	[sflag:s16] =	ssyncadd.s32 $0xFFFFFC00  }
.LBB2_2:
0x3f: {  	p0 =	sne.s32 s25, $0x9E00;
	[tilespmem:s24+$0x16470] =	vst v0  }
0x40: {  	[tilespmem:s24+$0x16400] =	vst v0  }
0x41: {  	[tilespmem:s24+$0x16410] =	vst v0  }
.Ltmp0:
0x42: {  	[tilespmem:s24+$0x16420] =	vst v0;
	(pc) =	sbr.rel @p0 .LBB2_2-.Ltmp0, $4  }
0x43: {  	[tilespmem:s24+$0x16430] =	vst v0  }
0x44: {  	[tilespmem:s24+$0x16440] =	vst v0  }
0x45: {  	[tilespmem:s24+$0x16450] =	vst v0  }
0x46: {  	[tilespmem:s24+$0x16460] =	vst v0;
	s24 =	sshra.s32 s25, $0x2;
	s25 =	sadd.s32 $0x200, s25  }
0x47: {  	[tilespmem:s24+$0x16470] =	vst v0  }
0x48: {  	[tilespmem:s24+$0x16400] =	vst v0  }
0x49: {  	[tilespmem:s24+$0x16410] =	vst v0  }
0x4a: {  	[tilespmem:s24+$0x16420] =	vst v0  }
0x4b: {  	[tilespmem:s24+$0x16430] =	vst v0  }
0x4c: {  	[tilespmem:s24+$0x16440] =	vst v0  }
0x4d: {  	[tilespmem:s24+$0x16450] =	vst v0  }
0x4e: {  	[tilespmem:s24+$0x16460] =	vst v0  }
0x4f: {  	[spmem:s3] =	stream.indirect.scatter [tilespmem:s18], [sflag:$0x7], $0x80, s23, s17, $0xb8;
	[tilespmem:$0x1DC00] =	vst v63  }
0x50: {  	_ =	swait.ge [sflag:s16], $0x2800  }
0x51: {  	[sflag:s16] =	ssyncset.done $0x0  }
0x52: {  	s15 =	simm.s32 $0x14080;
	[sflag:s16] =	ssyncadd.s32 $0xFFFFD800  }
0x53: {  	[spmem:s3] =	stream.indirect.scatter [tilespmem:s18], [sflag:$0x7], $0x80, s15, s17, $0xb8;
	[tilespmem:$0x1DC00] =	vst v63  }
0x54: {  	_ =	swait.ge [sflag:s16], $0x2800  }
0x55: {  	[sflag:s16] =	ssyncset.done $0x0  }
0x56: {  	s23 =	simm.s32 $0x14100;
	[sflag:s16] =	ssyncadd.s32 $0xFFFFD800  }
0x57: {  	[spmem:s3] =	stream.indirect.scatter [tilespmem:s18], [sflag:$0x7], $0x80, s23, s17, $0xb8;
	[tilespmem:$0x1DC00] =	vst v63  }
0x58: {  	_ =	swait.ge [sflag:s16], $0x2800  }
0x59: {  	[sflag:s16] =	ssyncset.done $0x0  }
0x5a: {  	s24 =	simm.s32 $0x14180;
	[sflag:s16] =	ssyncadd.s32 $0xFFFFD800  }
0x5b: {  	[spmem:s3] =	stream.indirect.scatter [tilespmem:s18], [sflag:$0x7], $0x80, s24, s17, $0xb8;
	[tilespmem:$0x1DC00] =	vst v63  }
0x5c: {  	_ =	swait.ge [sflag:s16], $0x2800  }
0x5d: {  	[sflag:s16] =	ssyncset.done $0x0  }
0x5e: {  	s25 =	simm.s32 $0x14200;
	[sflag:s16] =	ssyncadd.s32 $0xFFFFD800  }
0x5f: {  	[spmem:s3] =	stream.indirect.scatter [tilespmem:s18], [sflag:$0x7], $0x80, s25, s17, $0xb8;
	[tilespmem:$0x1DC00] =	vst v63  }
0x60: {  	_ =	swait.ge [sflag:s16], $0x2800  }
0x61: {  	[sflag:s16] =	ssyncset.done $0x0  }
0x62: {  	s23 =	simm.s32 $0x14280;
	[sflag:s16] =	ssyncadd.s32 $0xFFFFD800  }
0x63: {  	[spmem:s3] =	stream.indirect.scatter [tilespmem:s18], [sflag:$0x7], $0x80, s23, s17, $0xb8;
	[tilespmem:$0x1DC00] =	vst v63  }
0x64: {  	_ =	swait.ge [sflag:s16], $0x2800  }
0x65: {  	[sflag:s16] =	ssyncset.done $0x0  }
0x66: {  	s24 =	simm.s32 $0x14300;
	[sflag:s16] =	ssyncadd.s32 $0xFFFFD800  }
0x67: {  	[spmem:s3] =	stream.indirect.scatter [tilespmem:s18], [sflag:$0x7], $0x80, s24, s17, $0xb8;
	[tilespmem:$0x1DC00] =	vst v63  }
0x68: {  	_ =	swait.ge [sflag:s16], $0x2800  }
0x69: {  	[sflag:s16] =	ssyncset.done $0x0  }
0x6a: {  	s25 =	simm.s32 $0x14380;
	[sflag:s16] =	ssyncadd.s32 $0xFFFFD800  }
0x6b: {  	[spmem:s3] =	stream.indirect.scatter [tilespmem:s18], [sflag:$0x7], $0x80, s25, s17, $0xb8;
	[tilespmem:$0x1DC00] =	vst v63  }
0x6c: {  	_ =	swait.ge [sflag:s16], $0x2800  }
0x6d: {  	[sflag:s16] =	ssyncset.done $0x0  }
0x6e: {  	[sflag:s16] =	ssyncadd.s32 $0xFFFFD800  }
0x6f: {  	[bflag:$0x0] =	sbarrier.arrive $0xFFFF  }
0x70: {  	s23 =	rddreg [dreg:$0x5]  }
0x71: {  	s15 =	sadd.s32 $0x0, s23  }
0x72: {  	[tilespmem:s26], [sflag:$0x7] =	stream.linear.gather [hbm4b:s15+s4], $0xC80, $0x38;
	[tilespmem:$0x1DC00] =	vst v63  }
0x73: {  	_ =	swait.ge [sflag:s16], $0xC80  }
0x74: {  	s24 =	rddreg [dreg:$0x4];
	[sflag:s16] =	ssyncset.done $0x0  }
0x75: {  	[sflag:s16] =	ssyncadd.s32 $0xFFFFF380;
	s15 =	sadd.s32 $0x0, s24  }
0x76: {  	[tilespmem:s28], [sflag:$0x7] =	stream.linear.gather [hbm4b:s15+s4], $0xC80, $0x38;
	[tilespmem:$0x1DC00] =	vst v63  }
0x77: {  	_ =	swait.ge [sflag:s16], $0xC80  }
0x78: {  	[sflag:s16] =	ssyncset.done $0x0  }
0x79: {  	[sflag:s16] =	ssyncadd.s32 $0xFFFFF380  }
0x7a: {  	[tilespmem:s18], [sflag:$0x1] =	stream.indirect.gather [hbm4b:s2+s17], $0x80, s26, s17, $0xb8;
	[tilespmem:$0x1DC00] =	vst v63  }
0x7b: {  	s25 =	rddreg [dreg:$0x6]  }
0x7c: {  	[tilespmem:s29], [sflag:$0x2] =	stream.indirect.gather [hbm4b:s2+s17], $0x80, s25, s17, $0xb8;
	[tilespmem:$0x1DC00] =	vst v63  }
0x7d: {  	_ =	swait.ge [sflag:s30], $0x2800  }
0x7e: {  	[sflag:s30] =	ssyncset.done $0x0  }
0x7f: {  	[sflag:s30] =	ssyncadd.s32 $0xFFFFD800  }
0x80: {  	[spmem:s3] =	stream.indirect.scatter.add.f32 [tilespmem:s18], [sflag:$0x4], $0x80, s28, s17, $0xb8;
	[tilespmem:$0x1DC00] =	vst v63  }
0x81: {  	s23 =	rddreg [dreg:$0x7]  }
0x82: {  	[tilespmem:s31], [sflag:$0x3] =	stream.indirect.gather [hbm4b:s2+s17], $0x80, s23, s17, $0xb8;
	[tilespmem:$0x1DC00] =	vst v63  }
0x83: {  	_ =	swait.ge [sflag:s1], $0x2800  }
0x84: {  	[sflag:s1] =	ssyncset.done $0x0  }
0x85: {  	s24 =	rddreg [dreg:$0x8];
	[sflag:s1] =	ssyncadd.s32 $0xFFFFD800  }
0x86: {  	[spmem:s3] =	stream.indirect.scatter.add.f32 [tilespmem:s29], [sflag:$0x5], $0x80, s24, s17, $0xb8;
	[tilespmem:$0x1DC00] =	vst v63  }
0x87: {  	_ =	swait.ge [sflag:s0], $0x2800  }
0x88: {  	[sflag:s0] =	ssyncset.done $0x0  }
0x89: {  	s25 =	rddreg [dreg:$0x9];
	[sflag:s0] =	ssyncadd.s32 $0xFFFFD800  }
0x8a: {  	[tilespmem:s18], [sflag:$0x1] =	stream.indirect.gather [hbm4b:s2+s17], $0x80, s25, s17, $0xb8;
	[tilespmem:$0x1DC00] =	vst v63  }
0x8b: {  	_ =	swait.ge [sflag:s5], $0x2800  }
0x8c: {  	[sflag:s5] =	ssyncset.done $0x0  }
0x8d: {  	s23 =	rddreg [dreg:$0xa];
	[sflag:s5] =	ssyncadd.s32 $0xFFFFD800  }
0x8e: {  	[spmem:s3] =	stream.indirect.scatter.add.f32 [tilespmem:s31], [sflag:$0x6], $0x80, s23, s17, $0xb8;
	[tilespmem:$0x1DC00] =	vst v63  }
0x8f: {  	_ =	swait.ge [sflag:s6], $0x2800  }
0x90: {  	[sflag:s6] =	ssyncset.done $0x0  }
0x91: {  	s24 =	rddreg [dreg:$0xb];
	[sflag:s6] =	ssyncadd.s32 $0xFFFFD800  }
0x92: {  	[tilespmem:s29], [sflag:$0x2] =	stream.indirect.gather [hbm4b:s2+s17], $0x80, s24, s17, $0xb8;
	[tilespmem:$0x1DC00] =	vst v63  }
0x93: {  	_ =	swait.ge [sflag:s30], $0x2800  }
0x94: {  	[sflag:s30] =	ssyncset.done $0x0  }
0x95: {  	s25 =	rddreg [dreg:$0xc];
	[sflag:s30] =	ssyncadd.s32 $0xFFFFD800  }
0x96: {  	[spmem:s3] =	stream.indirect.scatter.add.f32 [tilespmem:s18], [sflag:$0x4], $0x80, s25, s17, $0xb8;
	[tilespmem:$0x1DC00] =	vst v63  }
0x97: {  	_ =	swait.ge [sflag:s7], $0x2800  }
0x98: {  	[sflag:s7] =	ssyncset.done $0x0  }
0x99: {  	s23 =	rddreg [dreg:$0xd];
	[sflag:s7] =	ssyncadd.s32 $0xFFFFD800  }
0x9a: {  	[tilespmem:s31], [sflag:$0x3] =	stream.indirect.gather [hbm4b:s2+s17], $0x80, s23, s17, $0xb8;
	[tilespmem:$0x1DC00] =	vst v63  }
0x9b: {  	_ =	swait.ge [sflag:s1], $0x2800  }
0x9c: {  	[sflag:s1] =	ssyncset.done $0x0  }
0x9d: {  	s24 =	rddreg [dreg:$0xe];
	[sflag:s1] =	ssyncadd.s32 $0xFFFFD800  }
0x9e: {  	[spmem:s3] =	stream.indirect.scatter.add.f32 [tilespmem:s29], [sflag:$0x5], $0x80, s24, s17, $0xb8;
	[tilespmem:$0x1DC00] =	vst v63  }
0x9f: {  	_ =	swait.ge [sflag:s0], $0x2800  }
0xa0: {  	[sflag:s0] =	ssyncset.done $0x0  }
0xa1: {  	s25 =	rddreg [dreg:$0xf];
	[sflag:s0] =	ssyncadd.s32 $0xFFFFD800  }
0xa2: {  	[tilespmem:s18], [sflag:$0x1] =	stream.indirect.gather [hbm4b:s2+s17], $0x80, s25, s17, $0xb8;
	[tilespmem:$0x1DC00] =	vst v63  }
0xa3: {  	_ =	swait.ge [sflag:s5], $0x2800  }
0xa4: {  	[sflag:s5] =	ssyncset.done $0x0  }
0xa5: {  	s23 =	rddreg [dreg:$0x10];
	[sflag:s5] =	ssyncadd.s32 $0xFFFFD800  }
0xa6: {  	[spmem:s3] =	stream.indirect.scatter.add.f32 [tilespmem:s31], [sflag:$0x6], $0x80, s23, s17, $0xb8;
	[tilespmem:$0x1DC00] =	vst v63  }
0xa7: {  	_ =	swait.ge [sflag:s6], $0x2800  }
0xa8: {  	[sflag:s6] =	ssyncset.done $0x0  }
0xa9: {  	s24 =	rddreg [dreg:$0x11];
	[sflag:s6] =	ssyncadd.s32 $0xFFFFD800  }
0xaa: {  	[tilespmem:s29], [sflag:$0x2] =	stream.indirect.gather [hbm4b:s2+s17], $0x80, s24, s17, $0xb8;
	[tilespmem:$0x1DC00] =	vst v63  }
0xab: {  	_ =	swait.ge [sflag:s30], $0x2800  }
0xac: {  	[sflag:s30] =	ssyncset.done $0x0  }
0xad: {  	s25 =	rddreg [dreg:$0x12];
	[sflag:s30] =	ssyncadd.s32 $0xFFFFD800  }
0xae: {  	[spmem:s3] =	stream.indirect.scatter.add.f32 [tilespmem:s18], [sflag:$0x4], $0x80, s25, s17, $0xb8;
	[tilespmem:$0x1DC00] =	vst v63  }
0xaf: {  	_ =	swait.ge [sflag:s7], $0x2800  }
0xb0: {  	[sflag:s7] =	ssyncset.done $0x0  }
0xb1: {  	s23 =	rddreg [dreg:$0x13];
	[sflag:s7] =	ssyncadd.s32 $0xFFFFD800  }
0xb2: {  	[tilespmem:s31], [sflag:$0x3] =	stream.indirect.gather [hbm4b:s2+s17], $0x80, s23, s17, $0xb8;
	[tilespmem:$0x1DC00] =	vst v63  }
0xb3: {  	_ =	swait.ge [sflag:s1], $0x2800  }
0xb4: {  	[sflag:s1] =	ssyncset.done $0x0  }
0xb5: {  	s24 =	rddreg [dreg:$0x14];
	[sflag:s1] =	ssyncadd.s32 $0xFFFFD800  }
0xb6: {  	[spmem:s3] =	stream.indirect.scatter.add.f32 [tilespmem:s29], [sflag:$0x5], $0x80, s24, s17, $0xb8;
	[tilespmem:$0x1DC00] =	vst v63  }
0xb7: {  	_ =	swait.ge [sflag:s0], $0x2800  }
0xb8: {  	[sflag:s0] =	ssyncset.done $0x0  }
0xb9: {  	s25 =	rddreg [dreg:$0x15];
	[sflag:s0] =	ssyncadd.s32 $0xFFFFD800  }
0xba: {  	[tilespmem:s18], [sflag:$0x1] =	stream.indirect.gather [hbm4b:s2+s17], $0x80, s25, s17, $0xb8;
	[tilespmem:$0x1DC00] =	vst v63  }
0xbb: {  	_ =	swait.ge [sflag:s5], $0x2800  }
0xbc: {  	[sflag:s5] =	ssyncset.done $0x0  }
0xbd: {  	s23 =	rddreg [dreg:$0x16];
	[sflag:s5] =	ssyncadd.s32 $0xFFFFD800  }
0xbe: {  	[spmem:s3] =	stream.indirect.scatter.add.f32 [tilespmem:s31], [sflag:$0x6], $0x80, s23, s17, $0xb8;
	[tilespmem:$0x1DC00] =	vst v63  }
0xbf: {  	_ =	swait.ge [sflag:s6], $0x2800  }
0xc0: {  	[sflag:s6] =	ssyncset.done $0x0  }
0xc1: {  	s24 =	rddreg [dreg:$0x17];
	[sflag:s6] =	ssyncadd.s32 $0xFFFFD800  }
0xc2: {  	[tilespmem:s29], [sflag:$0x2] =	stream.indirect.gather [hbm4b:s2+s17], $0x80, s24, s17, $0xb8;
	[tilespmem:$0x1DC00] =	vst v63  }
0xc3: {  	_ =	swait.ge [sflag:s30], $0x2800  }
0xc4: {  	[sflag:s30] =	ssyncset.done $0x0  }
0xc5: {  	s25 =	rddreg [dreg:$0x18];
	[sflag:s30] =	ssyncadd.s32 $0xFFFFD800  }
0xc6: {  	[spmem:s3] =	stream.indirect.scatter.add.f32 [tilespmem:s18], [sflag:$0x4], $0x80, s25, s17, $0xb8;
	[tilespmem:$0x1DC00] =	vst v63  }
0xc7: {  	_ =	swait.ge [sflag:s7], $0x2800  }
0xc8: {  	[sflag:s7] =	ssyncset.done $0x0  }
0xc9: {  	s23 =	rddreg [dreg:$0x19];
	[sflag:s7] =	ssyncadd.s32 $0xFFFFD800  }
0xca: {  	[tilespmem:s31], [sflag:$0x3] =	stream.indirect.gather [hbm4b:s2+s17], $0x80, s23, s17, $0xb8;
	[tilespmem:$0x1DC00] =	vst v63  }
0xcb: {  	_ =	swait.ge [sflag:s1], $0x2800  }
0xcc: {  	[sflag:s1] =	ssyncset.done $0x0  }
0xcd: {  	s24 =	rddreg [dreg:$0x1a];
	[sflag:s1] =	ssyncadd.s32 $0xFFFFD800  }
0xce: {  	[spmem:s3] =	stream.indirect.scatter.add.f32 [tilespmem:s29], [sflag:$0x5], $0x80, s24, s17, $0xb8;
	[tilespmem:$0x1DC00] =	vst v63  }
0xcf: {  	_ =	swait.ge [sflag:s0], $0x2800  }
0xd0: {  	[sflag:s0] =	ssyncset.done $0x0  }
0xd1: {  	s25 =	rddreg [dreg:$0x1b];
	[sflag:s0] =	ssyncadd.s32 $0xFFFFD800  }
0xd2: {  	[tilespmem:s18], [sflag:$0x1] =	stream.indirect.gather [hbm4b:s2+s17], $0x80, s25, s17, $0xb8;
	[tilespmem:$0x1DC00] =	vst v63  }
0xd3: {  	_ =	swait.ge [sflag:s5], $0x2800  }
0xd4: {  	[sflag:s5] =	ssyncset.done $0x0  }
0xd5: {  	s23 =	rddreg [dreg:$0x1c];
	[sflag:s5] =	ssyncadd.s32 $0xFFFFD800  }
0xd6: {  	[spmem:s3] =	stream.indirect.scatter.add.f32 [tilespmem:s31], [sflag:$0x6], $0x80, s23, s17, $0xb8;
	[tilespmem:$0x1DC00] =	vst v63  }
0xd7: {  	_ =	swait.ge [sflag:s6], $0x2800  }
0xd8: {  	[sflag:s6] =	ssyncset.done $0x0  }
0xd9: {  	s24 =	rddreg [dreg:$0x1d];
	[sflag:s6] =	ssyncadd.s32 $0xFFFFD800  }
0xda: {  	[tilespmem:s29], [sflag:$0x2] =	stream.indirect.gather [hbm4b:s2+s17], $0x80, s24, s17, $0xb8;
	[tilespmem:$0x1DC00] =	vst v63  }
0xdb: {  	_ =	swait.ge [sflag:s30], $0x2800  }
0xdc: {  	[sflag:s30] =	ssyncset.done $0x0  }
0xdd: {  	s25 =	rddreg [dreg:$0x1e];
	[sflag:s30] =	ssyncadd.s32 $0xFFFFD800  }
0xde: {  	[spmem:s3] =	stream.indirect.scatter.add.f32 [tilespmem:s18], [sflag:$0x4], $0x80, s25, s17, $0xb8;
	[tilespmem:$0x1DC00] =	vst v63  }
0xdf: {  	_ =	swait.ge [sflag:s7], $0x2800  }
0xe0: {  	[sflag:s7] =	ssyncset.done $0x0  }
0xe1: {  	s23 =	rddreg [dreg:$0x1f];
	[sflag:s7] =	ssyncadd.s32 $0xFFFFD800  }
0xe2: {  	[tilespmem:s31], [sflag:$0x3] =	stream.indirect.gather [hbm4b:s2+s17], $0x80, s23, s17, $0xb8;
	[tilespmem:$0x1DC00] =	vst v63  }
0xe3: {  	_ =	swait.ge [sflag:s1], $0x2800  }
0xe4: {  	s24 =	sld [smem:$0x7F3]  }
0xe5: {  	[sflag:s1] =	ssyncset.done $0x0  }
0xe6: {  	[sflag:s1] =	ssyncadd.s32 $0xFFFFD800  }
0xe7: {  	[spmem:s3] =	stream.indirect.scatter.add.f32 [tilespmem:s29], [sflag:$0x5], $0x80, s24, s17, $0xb8;
	[tilespmem:$0x1DC00] =	vst v63  }
0xe8: {  	_ =	swait.ge [sflag:s0], $0x2800  }
0xe9: {  	s25 =	sld [smem:$0x7F4]  }
0xea: {  	[sflag:s0] =	ssyncset.done $0x0  }
0xeb: {  	[sflag:s0] =	ssyncadd.s32 $0xFFFFD800  }
0xec: {  	[tilespmem:s18], [sflag:$0x1] =	stream.indirect.gather [hbm4b:s2+s17], $0x80, s25, s17, $0xb8;
	[tilespmem:$0x1DC00] =	vst v63  }
0xed: {  	_ =	swait.ge [sflag:s5], $0x2800  }
0xee: {  	s23 =	sld [smem:$0x7F5]  }
0xef: {  	[sflag:s5] =	ssyncset.done $0x0  }
0xf0: {  	[sflag:s5] =	ssyncadd.s32 $0xFFFFD800  }
0xf1: {  	[spmem:s3] =	stream.indirect.scatter.add.f32 [tilespmem:s31], [sflag:$0x6], $0x80, s23, s17, $0xb8;
	[tilespmem:$0x1DC00] =	vst v63  }
0xf2: {  	_ =	swait.ge [sflag:s6], $0x2800  }
0xf3: {  	s24 =	sld [smem:$0x7F6]  }
0xf4: {  	[sflag:s6] =	ssyncset.done $0x0  }
0xf5: {  	[sflag:s6] =	ssyncadd.s32 $0xFFFFD800  }
0xf6: {  	[tilespmem:s29], [sflag:$0x2] =	stream.indirect.gather [hbm4b:s2+s17], $0x80, s24, s17, $0xb8;
	[tilespmem:$0x1DC00] =	vst v63  }
0xf7: {  	_ =	swait.ge [sflag:s30], $0x2800  }
0xf8: {  	s25 =	sld [smem:$0x7F7]  }
0xf9: {  	[sflag:s30] =	ssyncset.done $0x0  }
0xfa: {  	[sflag:s30] =	ssyncadd.s32 $0xFFFFD800  }
0xfb: {  	[spmem:s3] =	stream.indirect.scatter.add.f32 [tilespmem:s18], [sflag:$0x4], $0x80, s25, s17, $0xb8;
	[tilespmem:$0x1DC00] =	vst v63  }
0xfc: {  	_ =	swait.ge [sflag:s7], $0x2800  }
0xfd: {  	s23 =	sld [smem:$0x7F8]  }
0xfe: {  	[sflag:s7] =	ssyncset.done $0x0  }
0xff: {  	[sflag:s7] =	ssyncadd.s32 $0xFFFFD800  }
0x100: {  	[tilespmem:s31], [sflag:$0x3] =	stream.indirect.gather [hbm4b:s2+s17], $0x80, s23, s17, $0xb8;
	[tilespmem:$0x1DC00] =	vst v63  }
0x101: {  	_ =	swait.ge [sflag:s1], $0x2800  }
0x102: {  	s24 =	sld [smem:$0x7F9]  }
0x103: {  	[sflag:s1] =	ssyncset.done $0x0  }
0x104: {  	[sflag:s1] =	ssyncadd.s32 $0xFFFFD800  }
0x105: {  	[spmem:s3] =	stream.indirect.scatter.add.f32 [tilespmem:s29], [sflag:$0x5], $0x80, s24, s17, $0xb8;
	[tilespmem:$0x1DC00] =	vst v63  }
0x106: {  	_ =	swait.ge [sflag:s0], $0x2800  }
0x107: {  	s25 =	sld [smem:$0x7FA]  }
0x108: {  	[sflag:s0] =	ssyncset.done $0x0  }
0x109: {  	[sflag:s0] =	ssyncadd.s32 $0xFFFFD800  }
0x10a: {  	[tilespmem:s18], [sflag:$0x1] =	stream.indirect.gather [hbm4b:s2+s17], $0x80, s25, s17, $0xb8;
	[tilespmem:$0x1DC00] =	vst v63  }
0x10b: {  	_ =	swait.ge [sflag:s5], $0x2800  }
0x10c: {  	s23 =	sld [smem:$0x7FB]  }
0x10d: {  	[sflag:s5] =	ssyncset.done $0x0  }
0x10e: {  	[sflag:s5] =	ssyncadd.s32 $0xFFFFD800  }
0x10f: {  	[spmem:s3] =	stream.indirect.scatter.add.f32 [tilespmem:s31], [sflag:$0x6], $0x80, s23, s17, $0xb8;
	[tilespmem:$0x1DC00] =	vst v63  }
0x110: {  	_ =	swait.ge [sflag:s6], $0x2800  }
0x111: {  	s24 =	sld [smem:$0x7FC]  }
0x112: {  	[sflag:s6] =	ssyncset.done $0x0  }
0x113: {  	[sflag:s6] =	ssyncadd.s32 $0xFFFFD800  }
0x114: {  	[tilespmem:s29], [sflag:$0x2] =	stream.indirect.gather [hbm4b:s2+s17], $0x80, s24, s17, $0xb8;
	[tilespmem:$0x1DC00] =	vst v63  }
0x115: {  	_ =	swait.ge [sflag:s30], $0x2800  }
0x116: {  	s25 =	sld [smem:$0x7FD]  }
0x117: {  	[sflag:s30] =	ssyncset.done $0x0  }
0x118: {  	[sflag:s30] =	ssyncadd.s32 $0xFFFFD800  }
0x119: {  	[spmem:s3] =	stream.indirect.scatter.add.f32 [tilespmem:s18], [sflag:$0x4], $0x80, s25, s17, $0xb8;
	[tilespmem:$0x1DC00] =	vst v63  }
0x11a: {  	_ =	swait.ge [sflag:s7], $0x2800  }
0x11b: {  	[sflag:s7] =	ssyncset.done $0x0  }
0x11c: {  	[sflag:s7] =	ssyncadd.s32 $0xFFFFD800  }
0x11d: {  	[tilespmem:s31], [sflag:$0x3] =	stream.indirect.gather [hbm4b:s2+s17], $0x80, s8, s17, $0xb8;
	[tilespmem:$0x1DC00] =	vst v63  }
0x11e: {  	_ =	swait.ge [sflag:s1], $0x2800  }
0x11f: {  	[sflag:s1] =	ssyncset.done $0x0  }
0x120: {  	[sflag:s1] =	ssyncadd.s32 $0xFFFFD800  }
0x121: {  	[spmem:s3] =	stream.indirect.scatter.add.f32 [tilespmem:s29], [sflag:$0x5], $0x80, s9, s17, $0xb8;
	[tilespmem:$0x1DC00] =	vst v63  }
0x122: {  	_ =	swait.ge [sflag:s0], $0x2800  }
0x123: {  	[sflag:s0] =	ssyncset.done $0x0  }
0x124: {  	[sflag:s0] =	ssyncadd.s32 $0xFFFFD800  }
0x125: {  	[tilespmem:s18], [sflag:$0x1] =	stream.indirect.gather [hbm4b:s2+s17], $0x80, s10, s17, $0xb8;
	[tilespmem:$0x1DC00] =	vst v63  }
0x126: {  	_ =	swait.ge [sflag:s5], $0x2800  }
0x127: {  	[sflag:s5] =	ssyncset.done $0x0  }
0x128: {  	[sflag:s5] =	ssyncadd.s32 $0xFFFFD800  }
0x129: {  	[spmem:s3] =	stream.indirect.scatter.add.f32 [tilespmem:s31], [sflag:$0x6], $0x80, s11, s17, $0xb8;
	[tilespmem:$0x1DC00] =	vst v63  }
0x12a: {  	_ =	swait.ge [sflag:s6], $0x2800  }
0x12b: {  	[sflag:s6] =	ssyncset.done $0x0  }
0x12c: {  	[sflag:s6] =	ssyncadd.s32 $0xFFFFD800  }
0x12d: {  	[tilespmem:s29], [sflag:$0x2] =	stream.indirect.gather [hbm4b:s2+s17], $0x80, s12, s17, $0xb8;
	[tilespmem:$0x1DC00] =	vst v63  }
0x12e: {  	_ =	swait.ge [sflag:s30], $0x2800  }
0x12f: {  	[sflag:s30] =	ssyncset.done $0x0  }
0x130: {  	[sflag:s30] =	ssyncadd.s32 $0xFFFFD800  }
0x131: {  	[spmem:s3] =	stream.indirect.scatter.add.f32 [tilespmem:s18], [sflag:$0x4], $0x80, s19, s17, $0xb8;
	[tilespmem:$0x1DC00] =	vst v63  }
0x132: {  	_ =	swait.ge [sflag:s7], $0x2800  }
0x133: {  	[sflag:s7] =	ssyncset.done $0x0  }
0x134: {  	[sflag:s7] =	ssyncadd.s32 $0xFFFFD800  }
0x135: {  	[tilespmem:s31], [sflag:$0x3] =	stream.indirect.gather [hbm4b:s2+s17], $0x80, s13, s17, $0xb8;
	[tilespmem:$0x1DC00] =	vst v63  }
0x136: {  	_ =	swait.ge [sflag:s1], $0x2800  }
0x137: {  	[sflag:s1] =	ssyncset.done $0x0  }
0x138: {  	[sflag:s1] =	ssyncadd.s32 $0xFFFFD800  }
0x139: {  	[spmem:s3] =	stream.indirect.scatter.add.f32 [tilespmem:s29], [sflag:$0x5], $0x80, s20, s17, $0xb8;
	[tilespmem:$0x1DC00] =	vst v63  }
0x13a: {  	_ =	swait.ge [sflag:s0], $0x2800  }
0x13b: {  	[sflag:s0] =	ssyncset.done $0x0  }
0x13c: {  	[sflag:s0] =	ssyncadd.s32 $0xFFFFD800  }
0x13d: {  	[tilespmem:s18], [sflag:$0x1] =	stream.indirect.gather [hbm4b:s2+s17], $0x80, s14, s17, $0xb8;
	[tilespmem:$0x1DC00] =	vst v63  }
0x13e: {  	_ =	swait.ge [sflag:s5], $0x2800  }
0x13f: {  	[sflag:s5] =	ssyncset.done $0x0  }
0x140: {  	[sflag:s5] =	ssyncadd.s32 $0xFFFFD800  }
0x141: {  	[spmem:s3] =	stream.indirect.scatter.add.f32 [tilespmem:s31], [sflag:$0x6], $0x80, s21, s17, $0xb8;
	[tilespmem:$0x1DC00] =	vst v63  }
0x142: {  	_ =	swait.ge [sflag:s6], $0x2800  }
0x143: {  	[sflag:s6] =	ssyncset.done $0x0  }
0x144: {  	[sflag:s6] =	ssyncadd.s32 $0xFFFFD800  }
0x145: {  	_ =	swait.ge [sflag:s30], $0x2800  }
0x146: {  	[sflag:s30] =	ssyncset.done $0x0  }
0x147: {  	[sflag:s30] =	ssyncadd.s32 $0xFFFFD800  }
0x148: {  	[spmem:s3] =	stream.indirect.scatter.add.f32 [tilespmem:s18], [sflag:$0x4], $0x80, s22, s17, $0xb8;
	[tilespmem:$0x1DC00] =	vst v63  }
0x149: {  	_ =	swait.ge [sflag:s7], $0x2800  }
0x14a: {  	[sflag:s7] =	ssyncset.done $0x0  }
0x14b: {  	[sflag:s7] =	ssyncadd.s32 $0xFFFFD800  }
0x14c: {  	s24 =	simm.s32 $0x200;
	_ =	swait.ge [sflag:s0], $0x2800  }
0x14d: {  	s25 =	simm.s32 $0x400;
	s15 =	rddreg [dreg:$0x5];
	[sflag:s0] =	ssyncset.done $0x0  }
.LBB2_4:
0x14e: {  	[sflag:s0] =	ssyncadd.s32 $0xFFFFD800;
	s15 =	sadd.s32 s24, s15  }
0x14f: {  	[tilespmem:s26], [sflag:$0x7] =	stream.linear.gather [hbm4b:s15+s4], $0xC80, $0x38;
	[tilespmem:$0x1DC00] =	vst v63  }
0x150: {  	_ =	swait.ge [sflag:s16], $0xC80  }
0x151: {  	s15 =	rddreg [dreg:$0x4];
	[sflag:s16] =	ssyncset.done $0x0  }
0x152: {  	[sflag:s16] =	ssyncadd.s32 $0xFFFFF380;
	s15 =	sadd.s32 s24, s15  }
0x153: {  	[tilespmem:s28], [sflag:$0x7] =	stream.linear.gather [hbm4b:s15+s4], $0xC80, $0x38;
	[tilespmem:$0x1DC00] =	vst v63  }
0x154: {  	_ =	swait.ge [sflag:s16], $0xC80  }
0x155: {  	[sflag:s16] =	ssyncset.done $0x0  }
0x156: {  	s23 =	smov.u32 s25;
	[sflag:s16] =	ssyncadd.s32 $0xFFFFF380  }
0x157: {  	[tilespmem:s18], [sflag:$0x1] =	stream.indirect.gather [hbm4b:s2+s17], $0x80, s26, s17, $0xb8;
	[tilespmem:$0x1DC00] =	vst v63  }
0x158: {  	s24 =	smov.u32 s23;
	s23 =	rddreg [dreg:$0x6]  }
0x159: {  	[tilespmem:s29], [sflag:$0x2] =	stream.indirect.gather [hbm4b:s2+s17], $0x80, s23, s17, $0xb8;
	[tilespmem:$0x1DC00] =	vst v63  }
0x15a: {  	_ =	swait.ge [sflag:s30], $0x2800  }
0x15b: {  	[sflag:s30] =	ssyncset.done $0x0  }
0x15c: {  	[sflag:s30] =	ssyncadd.s32 $0xFFFFD800  }
0x15d: {  	[spmem:s3] =	stream.indirect.scatter.add.f32 [tilespmem:s18], [sflag:$0x4], $0x80, s28, s17, $0xb8;
	[tilespmem:$0x1DC00] =	vst v63  }
0x15e: {  	s23 =	rddreg [dreg:$0x7]  }
0x15f: {  	[tilespmem:s31], [sflag:$0x3] =	stream.indirect.gather [hbm4b:s2+s17], $0x80, s23, s17, $0xb8;
	[tilespmem:$0x1DC00] =	vst v63  }
0x160: {  	_ =	swait.ge [sflag:s1], $0x2800  }
0x161: {  	[sflag:s1] =	ssyncset.done $0x0  }
0x162: {  	s23 =	rddreg [dreg:$0x8];
	[sflag:s1] =	ssyncadd.s32 $0xFFFFD800  }
0x163: {  	[spmem:s3] =	stream.indirect.scatter.add.f32 [tilespmem:s29], [sflag:$0x5], $0x80, s23, s17, $0xb8;
	[tilespmem:$0x1DC00] =	vst v63  }
0x164: {  	_ =	swait.ge [sflag:s0], $0x2800  }
0x165: {  	[sflag:s0] =	ssyncset.done $0x0  }
0x166: {  	s23 =	rddreg [dreg:$0x9];
	[sflag:s0] =	ssyncadd.s32 $0xFFFFD800  }
0x167: {  	[tilespmem:s18], [sflag:$0x1] =	stream.indirect.gather [hbm4b:s2+s17], $0x80, s23, s17, $0xb8;
	[tilespmem:$0x1DC00] =	vst v63  }
0x168: {  	_ =	swait.ge [sflag:s5], $0x2800  }
0x169: {  	[sflag:s5] =	ssyncset.done $0x0  }
0x16a: {  	s23 =	rddreg [dreg:$0xa];
	[sflag:s5] =	ssyncadd.s32 $0xFFFFD800  }
0x16b: {  	[spmem:s3] =	stream.indirect.scatter.add.f32 [tilespmem:s31], [sflag:$0x6], $0x80, s23, s17, $0xb8;
	[tilespmem:$0x1DC00] =	vst v63  }
0x16c: {  	_ =	swait.ge [sflag:s6], $0x2800  }
0x16d: {  	[sflag:s6] =	ssyncset.done $0x0  }
0x16e: {  	s23 =	rddreg [dreg:$0xb];
	[sflag:s6] =	ssyncadd.s32 $0xFFFFD800  }
0x16f: {  	[tilespmem:s29], [sflag:$0x2] =	stream.indirect.gather [hbm4b:s2+s17], $0x80, s23, s17, $0xb8;
	[tilespmem:$0x1DC00] =	vst v63  }
0x170: {  	_ =	swait.ge [sflag:s30], $0x2800  }
0x171: {  	[sflag:s30] =	ssyncset.done $0x0  }
0x172: {  	s23 =	rddreg [dreg:$0xc];
	[sflag:s30] =	ssyncadd.s32 $0xFFFFD800  }
0x173: {  	[spmem:s3] =	stream.indirect.scatter.add.f32 [tilespmem:s18], [sflag:$0x4], $0x80, s23, s17, $0xb8;
	[tilespmem:$0x1DC00] =	vst v63  }
0x174: {  	_ =	swait.ge [sflag:s7], $0x2800  }
0x175: {  	[sflag:s7] =	ssyncset.done $0x0  }
0x176: {  	s23 =	rddreg [dreg:$0xd];
	[sflag:s7] =	ssyncadd.s32 $0xFFFFD800  }
0x177: {  	[tilespmem:s31], [sflag:$0x3] =	stream.indirect.gather [hbm4b:s2+s17], $0x80, s23, s17, $0xb8;
	[tilespmem:$0x1DC00] =	vst v63  }
0x178: {  	_ =	swait.ge [sflag:s1], $0x2800  }
0x179: {  	[sflag:s1] =	ssyncset.done $0x0  }
0x17a: {  	s23 =	rddreg [dreg:$0xe];
	[sflag:s1] =	ssyncadd.s32 $0xFFFFD800  }
0x17b: {  	[spmem:s3] =	stream.indirect.scatter.add.f32 [tilespmem:s29], [sflag:$0x5], $0x80, s23, s17, $0xb8;
	[tilespmem:$0x1DC00] =	vst v63  }
0x17c: {  	_ =	swait.ge [sflag:s0], $0x2800  }
0x17d: {  	[sflag:s0] =	ssyncset.done $0x0  }
0x17e: {  	s23 =	rddreg [dreg:$0xf];
	[sflag:s0] =	ssyncadd.s32 $0xFFFFD800  }
0x17f: {  	[tilespmem:s18], [sflag:$0x1] =	stream.indirect.gather [hbm4b:s2+s17], $0x80, s23, s17, $0xb8;
	[tilespmem:$0x1DC00] =	vst v63  }
0x180: {  	_ =	swait.ge [sflag:s5], $0x2800  }
0x181: {  	[sflag:s5] =	ssyncset.done $0x0  }
0x182: {  	s23 =	rddreg [dreg:$0x10];
	[sflag:s5] =	ssyncadd.s32 $0xFFFFD800  }
0x183: {  	[spmem:s3] =	stream.indirect.scatter.add.f32 [tilespmem:s31], [sflag:$0x6], $0x80, s23, s17, $0xb8;
	[tilespmem:$0x1DC00] =	vst v63  }
0x184: {  	_ =	swait.ge [sflag:s6], $0x2800  }
0x185: {  	[sflag:s6] =	ssyncset.done $0x0  }
0x186: {  	s23 =	rddreg [dreg:$0x11];
	[sflag:s6] =	ssyncadd.s32 $0xFFFFD800  }
0x187: {  	[tilespmem:s29], [sflag:$0x2] =	stream.indirect.gather [hbm4b:s2+s17], $0x80, s23, s17, $0xb8;
	[tilespmem:$0x1DC00] =	vst v63  }
0x188: {  	_ =	swait.ge [sflag:s30], $0x2800  }
0x189: {  	[sflag:s30] =	ssyncset.done $0x0  }
0x18a: {  	s23 =	rddreg [dreg:$0x12];
	[sflag:s30] =	ssyncadd.s32 $0xFFFFD800  }
0x18b: {  	[spmem:s3] =	stream.indirect.scatter.add.f32 [tilespmem:s18], [sflag:$0x4], $0x80, s23, s17, $0xb8;
	[tilespmem:$0x1DC00] =	vst v63  }
0x18c: {  	_ =	swait.ge [sflag:s7], $0x2800  }
0x18d: {  	[sflag:s7] =	ssyncset.done $0x0  }
0x18e: {  	s23 =	rddreg [dreg:$0x13];
	[sflag:s7] =	ssyncadd.s32 $0xFFFFD800  }
0x18f: {  	[tilespmem:s31], [sflag:$0x3] =	stream.indirect.gather [hbm4b:s2+s17], $0x80, s23, s17, $0xb8;
	[tilespmem:$0x1DC00] =	vst v63  }
0x190: {  	_ =	swait.ge [sflag:s1], $0x2800  }
0x191: {  	[sflag:s1] =	ssyncset.done $0x0  }
0x192: {  	s23 =	rddreg [dreg:$0x14];
	[sflag:s1] =	ssyncadd.s32 $0xFFFFD800  }
0x193: {  	[spmem:s3] =	stream.indirect.scatter.add.f32 [tilespmem:s29], [sflag:$0x5], $0x80, s23, s17, $0xb8;
	[tilespmem:$0x1DC00] =	vst v63  }
0x194: {  	_ =	swait.ge [sflag:s0], $0x2800  }
0x195: {  	[sflag:s0] =	ssyncset.done $0x0  }
0x196: {  	s23 =	rddreg [dreg:$0x15];
	[sflag:s0] =	ssyncadd.s32 $0xFFFFD800  }
0x197: {  	[tilespmem:s18], [sflag:$0x1] =	stream.indirect.gather [hbm4b:s2+s17], $0x80, s23, s17, $0xb8;
	[tilespmem:$0x1DC00] =	vst v63  }
0x198: {  	_ =	swait.ge [sflag:s5], $0x2800  }
0x199: {  	[sflag:s5] =	ssyncset.done $0x0  }
0x19a: {  	s23 =	rddreg [dreg:$0x16];
	[sflag:s5] =	ssyncadd.s32 $0xFFFFD800  }
0x19b: {  	[spmem:s3] =	stream.indirect.scatter.add.f32 [tilespmem:s31], [sflag:$0x6], $0x80, s23, s17, $0xb8;
	[tilespmem:$0x1DC00] =	vst v63  }
0x19c: {  	_ =	swait.ge [sflag:s6], $0x2800  }
0x19d: {  	[sflag:s6] =	ssyncset.done $0x0  }
0x19e: {  	s23 =	rddreg [dreg:$0x17];
	[sflag:s6] =	ssyncadd.s32 $0xFFFFD800  }
0x19f: {  	[tilespmem:s29], [sflag:$0x2] =	stream.indirect.gather [hbm4b:s2+s17], $0x80, s23, s17, $0xb8;
	[tilespmem:$0x1DC00] =	vst v63  }
0x1a0: {  	_ =	swait.ge [sflag:s30], $0x2800  }
0x1a1: {  	[sflag:s30] =	ssyncset.done $0x0  }
0x1a2: {  	s23 =	rddreg [dreg:$0x18];
	[sflag:s30] =	ssyncadd.s32 $0xFFFFD800  }
0x1a3: {  	[spmem:s3] =	stream.indirect.scatter.add.f32 [tilespmem:s18], [sflag:$0x4], $0x80, s23, s17, $0xb8;
	[tilespmem:$0x1DC00] =	vst v63  }
0x1a4: {  	_ =	swait.ge [sflag:s7], $0x2800  }
0x1a5: {  	[sflag:s7] =	ssyncset.done $0x0  }
0x1a6: {  	s23 =	rddreg [dreg:$0x19];
	[sflag:s7] =	ssyncadd.s32 $0xFFFFD800  }
0x1a7: {  	[tilespmem:s31], [sflag:$0x3] =	stream.indirect.gather [hbm4b:s2+s17], $0x80, s23, s17, $0xb8;
	[tilespmem:$0x1DC00] =	vst v63  }
0x1a8: {  	_ =	swait.ge [sflag:s1], $0x2800  }
0x1a9: {  	[sflag:s1] =	ssyncset.done $0x0  }
0x1aa: {  	s23 =	rddreg [dreg:$0x1a];
	[sflag:s1] =	ssyncadd.s32 $0xFFFFD800  }
0x1ab: {  	[spmem:s3] =	stream.indirect.scatter.add.f32 [tilespmem:s29], [sflag:$0x5], $0x80, s23, s17, $0xb8;
	[tilespmem:$0x1DC00] =	vst v63  }
0x1ac: {  	_ =	swait.ge [sflag:s0], $0x2800  }
0x1ad: {  	[sflag:s0] =	ssyncset.done $0x0  }
0x1ae: {  	s23 =	rddreg [dreg:$0x1b];
	[sflag:s0] =	ssyncadd.s32 $0xFFFFD800  }
0x1af: {  	[tilespmem:s18], [sflag:$0x1] =	stream.indirect.gather [hbm4b:s2+s17], $0x80, s23, s17, $0xb8;
	[tilespmem:$0x1DC00] =	vst v63  }
0x1b0: {  	_ =	swait.ge [sflag:s5], $0x2800  }
0x1b1: {  	[sflag:s5] =	ssyncset.done $0x0  }
0x1b2: {  	s23 =	rddreg [dreg:$0x1c];
	[sflag:s5] =	ssyncadd.s32 $0xFFFFD800  }
0x1b3: {  	[spmem:s3] =	stream.indirect.scatter.add.f32 [tilespmem:s31], [sflag:$0x6], $0x80, s23, s17, $0xb8;
	[tilespmem:$0x1DC00] =	vst v63  }
0x1b4: {  	_ =	swait.ge [sflag:s6], $0x2800  }
0x1b5: {  	[sflag:s6] =	ssyncset.done $0x0  }
0x1b6: {  	s23 =	rddreg [dreg:$0x1d];
	[sflag:s6] =	ssyncadd.s32 $0xFFFFD800  }
0x1b7: {  	[tilespmem:s29], [sflag:$0x2] =	stream.indirect.gather [hbm4b:s2+s17], $0x80, s23, s17, $0xb8;
	[tilespmem:$0x1DC00] =	vst v63  }
0x1b8: {  	_ =	swait.ge [sflag:s30], $0x2800  }
0x1b9: {  	[sflag:s30] =	ssyncset.done $0x0  }
0x1ba: {  	s23 =	rddreg [dreg:$0x1e];
	[sflag:s30] =	ssyncadd.s32 $0xFFFFD800  }
0x1bb: {  	[spmem:s3] =	stream.indirect.scatter.add.f32 [tilespmem:s18], [sflag:$0x4], $0x80, s23, s17, $0xb8;
	[tilespmem:$0x1DC00] =	vst v63  }
0x1bc: {  	_ =	swait.ge [sflag:s7], $0x2800  }
0x1bd: {  	[sflag:s7] =	ssyncset.done $0x0  }
0x1be: {  	s23 =	rddreg [dreg:$0x1f];
	[sflag:s7] =	ssyncadd.s32 $0xFFFFD800  }
0x1bf: {  	[tilespmem:s31], [sflag:$0x3] =	stream.indirect.gather [hbm4b:s2+s17], $0x80, s23, s17, $0xb8;
	[tilespmem:$0x1DC00] =	vst v63  }
0x1c0: {  	_ =	swait.ge [sflag:s1], $0x2800  }
0x1c1: {  	s23 =	sld [smem:$0x7F3]  }
0x1c2: {  	[sflag:s1] =	ssyncset.done $0x0  }
0x1c3: {  	[sflag:s1] =	ssyncadd.s32 $0xFFFFD800  }
0x1c4: {  	[spmem:s3] =	stream.indirect.scatter.add.f32 [tilespmem:s29], [sflag:$0x5], $0x80, s23, s17, $0xb8;
	[tilespmem:$0x1DC00] =	vst v63  }
0x1c5: {  	_ =	swait.ge [sflag:s0], $0x2800  }
0x1c6: {  	s23 =	sld [smem:$0x7F4]  }
0x1c7: {  	[sflag:s0] =	ssyncset.done $0x0  }
0x1c8: {  	[sflag:s0] =	ssyncadd.s32 $0xFFFFD800  }
0x1c9: {  	[tilespmem:s18], [sflag:$0x1] =	stream.indirect.gather [hbm4b:s2+s17], $0x80, s23, s17, $0xb8;
	[tilespmem:$0x1DC00] =	vst v63  }
0x1ca: {  	_ =	swait.ge [sflag:s5], $0x2800  }
0x1cb: {  	s23 =	sld [smem:$0x7F5]  }
0x1cc: {  	[sflag:s5] =	ssyncset.done $0x0  }
0x1cd: {  	[sflag:s5] =	ssyncadd.s32 $0xFFFFD800  }
0x1ce: {  	[spmem:s3] =	stream.indirect.scatter.add.f32 [tilespmem:s31], [sflag:$0x6], $0x80, s23, s17, $0xb8;
	[tilespmem:$0x1DC00] =	vst v63  }
0x1cf: {  	_ =	swait.ge [sflag:s6], $0x2800  }
0x1d0: {  	s23 =	sld [smem:$0x7F6]  }
0x1d1: {  	[sflag:s6] =	ssyncset.done $0x0  }
0x1d2: {  	[sflag:s6] =	ssyncadd.s32 $0xFFFFD800  }
0x1d3: {  	[tilespmem:s29], [sflag:$0x2] =	stream.indirect.gather [hbm4b:s2+s17], $0x80, s23, s17, $0xb8;
	[tilespmem:$0x1DC00] =	vst v63  }
0x1d4: {  	_ =	swait.ge [sflag:s30], $0x2800  }
0x1d5: {  	s23 =	sld [smem:$0x7F7]  }
0x1d6: {  	[sflag:s30] =	ssyncset.done $0x0  }
0x1d7: {  	[sflag:s30] =	ssyncadd.s32 $0xFFFFD800  }
0x1d8: {  	[spmem:s3] =	stream.indirect.scatter.add.f32 [tilespmem:s18], [sflag:$0x4], $0x80, s23, s17, $0xb8;
	[tilespmem:$0x1DC00] =	vst v63  }
0x1d9: {  	_ =	swait.ge [sflag:s7], $0x2800  }
0x1da: {  	s23 =	sld [smem:$0x7F8]  }
0x1db: {  	[sflag:s7] =	ssyncset.done $0x0  }
0x1dc: {  	[sflag:s7] =	ssyncadd.s32 $0xFFFFD800  }
0x1dd: {  	[tilespmem:s31], [sflag:$0x3] =	stream.indirect.gather [hbm4b:s2+s17], $0x80, s23, s17, $0xb8;
	[tilespmem:$0x1DC00] =	vst v63  }
0x1de: {  	_ =	swait.ge [sflag:s1], $0x2800  }
0x1df: {  	s23 =	sld [smem:$0x7F9]  }
0x1e0: {  	[sflag:s1] =	ssyncset.done $0x0  }
0x1e1: {  	[sflag:s1] =	ssyncadd.s32 $0xFFFFD800  }
0x1e2: {  	[spmem:s3] =	stream.indirect.scatter.add.f32 [tilespmem:s29], [sflag:$0x5], $0x80, s23, s17, $0xb8;
	[tilespmem:$0x1DC00] =	vst v63  }
0x1e3: {  	_ =	swait.ge [sflag:s0], $0x2800  }
0x1e4: {  	s23 =	sld [smem:$0x7FA]  }
0x1e5: {  	[sflag:s0] =	ssyncset.done $0x0  }
0x1e6: {  	[sflag:s0] =	ssyncadd.s32 $0xFFFFD800  }
0x1e7: {  	[tilespmem:s18], [sflag:$0x1] =	stream.indirect.gather [hbm4b:s2+s17], $0x80, s23, s17, $0xb8;
	[tilespmem:$0x1DC00] =	vst v63  }
0x1e8: {  	_ =	swait.ge [sflag:s5], $0x2800  }
0x1e9: {  	s23 =	sld [smem:$0x7FB]  }
0x1ea: {  	[sflag:s5] =	ssyncset.done $0x0  }
0x1eb: {  	[sflag:s5] =	ssyncadd.s32 $0xFFFFD800  }
0x1ec: {  	[spmem:s3] =	stream.indirect.scatter.add.f32 [tilespmem:s31], [sflag:$0x6], $0x80, s23, s17, $0xb8;
	[tilespmem:$0x1DC00] =	vst v63  }
0x1ed: {  	_ =	swait.ge [sflag:s6], $0x2800  }
0x1ee: {  	s23 =	sld [smem:$0x7FC]  }
0x1ef: {  	[sflag:s6] =	ssyncset.done $0x0  }
0x1f0: {  	[sflag:s6] =	ssyncadd.s32 $0xFFFFD800  }
0x1f1: {  	[tilespmem:s29], [sflag:$0x2] =	stream.indirect.gather [hbm4b:s2+s17], $0x80, s23, s17, $0xb8;
	[tilespmem:$0x1DC00] =	vst v63  }
0x1f2: {  	_ =	swait.ge [sflag:s30], $0x2800  }
0x1f3: {  	s23 =	sld [smem:$0x7FD]  }
0x1f4: {  	[sflag:s30] =	ssyncset.done $0x0  }
0x1f5: {  	[sflag:s30] =	ssyncadd.s32 $0xFFFFD800  }
0x1f6: {  	[spmem:s3] =	stream.indirect.scatter.add.f32 [tilespmem:s18], [sflag:$0x4], $0x80, s23, s17, $0xb8;
	[tilespmem:$0x1DC00] =	vst v63  }
0x1f7: {  	_ =	swait.ge [sflag:s7], $0x2800  }
0x1f8: {  	[sflag:s7] =	ssyncset.done $0x0  }
0x1f9: {  	[sflag:s7] =	ssyncadd.s32 $0xFFFFD800  }
0x1fa: {  	[tilespmem:s31], [sflag:$0x3] =	stream.indirect.gather [hbm4b:s2+s17], $0x80, s8, s17, $0xb8;
	[tilespmem:$0x1DC00] =	vst v63  }
0x1fb: {  	_ =	swait.ge [sflag:s1], $0x2800  }
0x1fc: {  	[sflag:s1] =	ssyncset.done $0x0  }
0x1fd: {  	[sflag:s1] =	ssyncadd.s32 $0xFFFFD800  }
0x1fe: {  	[spmem:s3] =	stream.indirect.scatter.add.f32 [tilespmem:s29], [sflag:$0x5], $0x80, s9, s17, $0xb8;
	[tilespmem:$0x1DC00] =	vst v63  }
0x1ff: {  	_ =	swait.ge [sflag:s0], $0x2800  }
0x200: {  	[sflag:s0] =	ssyncset.done $0x0  }
0x201: {  	[sflag:s0] =	ssyncadd.s32 $0xFFFFD800  }
0x202: {  	[tilespmem:s18], [sflag:$0x1] =	stream.indirect.gather [hbm4b:s2+s17], $0x80, s10, s17, $0xb8;
	[tilespmem:$0x1DC00] =	vst v63  }
0x203: {  	_ =	swait.ge [sflag:s5], $0x2800  }
0x204: {  	[sflag:s5] =	ssyncset.done $0x0  }
0x205: {  	[sflag:s5] =	ssyncadd.s32 $0xFFFFD800  }
0x206: {  	[spmem:s3] =	stream.indirect.scatter.add.f32 [tilespmem:s31], [sflag:$0x6], $0x80, s11, s17, $0xb8;
	[tilespmem:$0x1DC00] =	vst v63  }
0x207: {  	_ =	swait.ge [sflag:s6], $0x2800  }
0x208: {  	[sflag:s6] =	ssyncset.done $0x0  }
0x209: {  	[sflag:s6] =	ssyncadd.s32 $0xFFFFD800  }
0x20a: {  	[tilespmem:s29], [sflag:$0x2] =	stream.indirect.gather [hbm4b:s2+s17], $0x80, s12, s17, $0xb8;
	[tilespmem:$0x1DC00] =	vst v63  }
0x20b: {  	_ =	swait.ge [sflag:s30], $0x2800  }
0x20c: {  	[sflag:s30] =	ssyncset.done $0x0  }
0x20d: {  	[sflag:s30] =	ssyncadd.s32 $0xFFFFD800  }
0x20e: {  	[spmem:s3] =	stream.indirect.scatter.add.f32 [tilespmem:s18], [sflag:$0x4], $0x80, s19, s17, $0xb8;
	[tilespmem:$0x1DC00] =	vst v63  }
0x20f: {  	_ =	swait.ge [sflag:s7], $0x2800  }
0x210: {  	[sflag:s7] =	ssyncset.done $0x0  }
0x211: {  	[sflag:s7] =	ssyncadd.s32 $0xFFFFD800  }
0x212: {  	[tilespmem:s31], [sflag:$0x3] =	stream.indirect.gather [hbm4b:s2+s17], $0x80, s13, s17, $0xb8;
	[tilespmem:$0x1DC00] =	vst v63  }
0x213: {  	_ =	swait.ge [sflag:s1], $0x2800  }
0x214: {  	[sflag:s1] =	ssyncset.done $0x0  }
0x215: {  	[sflag:s1] =	ssyncadd.s32 $0xFFFFD800  }
0x216: {  	[spmem:s3] =	stream.indirect.scatter.add.f32 [tilespmem:s29], [sflag:$0x5], $0x80, s20, s17, $0xb8;
	[tilespmem:$0x1DC00] =	vst v63  }
0x217: {  	_ =	swait.ge [sflag:s0], $0x2800  }
0x218: {  	[sflag:s0] =	ssyncset.done $0x0  }
0x219: {  	[sflag:s0] =	ssyncadd.s32 $0xFFFFD800  }
0x21a: {  	[tilespmem:s18], [sflag:$0x1] =	stream.indirect.gather [hbm4b:s2+s17], $0x80, s14, s17, $0xb8;
	[tilespmem:$0x1DC00] =	vst v63  }
0x21b: {  	_ =	swait.ge [sflag:s5], $0x2800  }
0x21c: {  	[sflag:s5] =	ssyncset.done $0x0  }
0x21d: {  	[sflag:s5] =	ssyncadd.s32 $0xFFFFD800  }
0x21e: {  	[spmem:s3] =	stream.indirect.scatter.add.f32 [tilespmem:s31], [sflag:$0x6], $0x80, s21, s17, $0xb8;
	[tilespmem:$0x1DC00] =	vst v63  }
0x21f: {  	_ =	swait.ge [sflag:s6], $0x2800  }
0x220: {  	[sflag:s6] =	ssyncset.done $0x0  }
0x221: {  	[sflag:s6] =	ssyncadd.s32 $0xFFFFD800  }
0x222: {  	_ =	swait.ge [sflag:s30], $0x2800  }
0x223: {  	[sflag:s30] =	ssyncset.done $0x0  }
0x224: {  	p0 =	sne.s32 s25, $0x800;
	[sflag:s30] =	ssyncadd.s32 $0xFFFFD800  }
0x225: {  	[spmem:s3] =	stream.indirect.scatter.add.f32 [tilespmem:s18], [sflag:$0x4], $0x80, s22, s17, $0xb8;
	[tilespmem:$0x1DC00] =	vst v63  }
.Ltmp1:
0x226: {  	_ =	swait.ge [sflag:s7], $0x2800;
	(pc) =	sbr.rel @p0 .LBB2_4-.Ltmp1, $4  }
0x227: {  	[sflag:s7] =	ssyncset.done $0x0  }
0x228: {  	[sflag:s7] =	ssyncadd.s32 $0xFFFFD800  }
0x229: {  	_ =	swait.ge [sflag:s0], $0x2800  }
0x22a: {  	s25 =	sadd.s32 $0x200, s25;
	s15 =	rddreg [dreg:$0x5];
	[sflag:s0] =	ssyncset.done $0x0  }
0x22b: {  	[sflag:s0] =	ssyncadd.s32 $0xFFFFD800;
	s15 =	sadd.s32 s24, s15  }
0x22c: {  	[tilespmem:s26], [sflag:$0x7] =	stream.linear.gather [hbm4b:s15+s4], $0xC80, $0x38;
	[tilespmem:$0x1DC00] =	vst v63  }
0x22d: {  	_ =	swait.ge [sflag:s16], $0xC80  }
0x22e: {  	s23 =	rddreg [dreg:$0x4];
	[sflag:s16] =	ssyncset.done $0x0  }
0x22f: {  	s15 =	sadd.s32 s24, s23;
	[sflag:s16] =	ssyncadd.s32 $0xFFFFF380  }
0x230: {  	[tilespmem:s28], [sflag:$0x7] =	stream.linear.gather [hbm4b:s15+s4], $0xC80, $0x38;
	[tilespmem:$0x1DC00] =	vst v63  }
0x231: {  	_ =	swait.ge [sflag:s16], $0xC80  }
0x232: {  	[sflag:s16] =	ssyncset.done $0x0  }
0x233: {  	[sflag:s16] =	ssyncadd.s32 $0xFFFFF380  }
0x234: {  	[tilespmem:s18], [sflag:$0x1] =	stream.indirect.gather [hbm4b:s2+s17], $0x80, s26, s17, $0xb8;
	[tilespmem:$0x1DC00] =	vst v63  }
0x235: {  	s24 =	rddreg [dreg:$0x6]  }
0x236: {  	[tilespmem:s29], [sflag:$0x2] =	stream.indirect.gather [hbm4b:s2+s17], $0x80, s24, s17, $0xb8;
	[tilespmem:$0x1DC00] =	vst v63  }
0x237: {  	_ =	swait.ge [sflag:s30], $0x2800  }
0x238: {  	[sflag:s30] =	ssyncset.done $0x0  }
0x239: {  	[sflag:s30] =	ssyncadd.s32 $0xFFFFD800  }
0x23a: {  	[spmem:s3] =	stream.indirect.scatter.add.f32 [tilespmem:s18], [sflag:$0x4], $0x80, s28, s17, $0xb8;
	[tilespmem:$0x1DC00] =	vst v63  }
0x23b: {  	s25 =	rddreg [dreg:$0x7]  }
0x23c: {  	[tilespmem:s31], [sflag:$0x3] =	stream.indirect.gather [hbm4b:s2+s17], $0x80, s25, s17, $0xb8;
	[tilespmem:$0x1DC00] =	vst v63  }
0x23d: {  	_ =	swait.ge [sflag:s1], $0x2800  }
0x23e: {  	[sflag:s1] =	ssyncset.done $0x0  }
0x23f: {  	s23 =	rddreg [dreg:$0x8];
	[sflag:s1] =	ssyncadd.s32 $0xFFFFD800  }
0x240: {  	[spmem:s3] =	stream.indirect.scatter.add.f32 [tilespmem:s29], [sflag:$0x5], $0x80, s23, s17, $0xb8;
	[tilespmem:$0x1DC00] =	vst v63  }
0x241: {  	_ =	swait.ge [sflag:s0], $0x2800  }
0x242: {  	[sflag:s0] =	ssyncset.done $0x0  }
0x243: {  	s24 =	rddreg [dreg:$0x9];
	[sflag:s0] =	ssyncadd.s32 $0xFFFFD800  }
0x244: {  	[tilespmem:s18], [sflag:$0x1] =	stream.indirect.gather [hbm4b:s2+s17], $0x80, s24, s17, $0xb8;
	[tilespmem:$0x1DC00] =	vst v63  }
0x245: {  	_ =	swait.ge [sflag:s5], $0x2800  }
0x246: {  	[sflag:s5] =	ssyncset.done $0x0  }
0x247: {  	s25 =	rddreg [dreg:$0xa];
	[sflag:s5] =	ssyncadd.s32 $0xFFFFD800  }
0x248: {  	[spmem:s3] =	stream.indirect.scatter.add.f32 [tilespmem:s31], [sflag:$0x6], $0x80, s25, s17, $0xb8;
	[tilespmem:$0x1DC00] =	vst v63  }
0x249: {  	_ =	swait.ge [sflag:s6], $0x2800  }
0x24a: {  	[sflag:s6] =	ssyncset.done $0x0  }
0x24b: {  	s23 =	rddreg [dreg:$0xb];
	[sflag:s6] =	ssyncadd.s32 $0xFFFFD800  }
0x24c: {  	[tilespmem:s29], [sflag:$0x2] =	stream.indirect.gather [hbm4b:s2+s17], $0x80, s23, s17, $0xb8;
	[tilespmem:$0x1DC00] =	vst v63  }
0x24d: {  	_ =	swait.ge [sflag:s30], $0x2800  }
0x24e: {  	[sflag:s30] =	ssyncset.done $0x0  }
0x24f: {  	s24 =	rddreg [dreg:$0xc];
	[sflag:s30] =	ssyncadd.s32 $0xFFFFD800  }
0x250: {  	[spmem:s3] =	stream.indirect.scatter.add.f32 [tilespmem:s18], [sflag:$0x4], $0x80, s24, s17, $0xb8;
	[tilespmem:$0x1DC00] =	vst v63  }
0x251: {  	_ =	swait.ge [sflag:s7], $0x2800  }
0x252: {  	[sflag:s7] =	ssyncset.done $0x0  }
0x253: {  	s25 =	rddreg [dreg:$0xd];
	[sflag:s7] =	ssyncadd.s32 $0xFFFFD800  }
0x254: {  	[tilespmem:s31], [sflag:$0x3] =	stream.indirect.gather [hbm4b:s2+s17], $0x80, s25, s17, $0xb8;
	[tilespmem:$0x1DC00] =	vst v63  }
0x255: {  	_ =	swait.ge [sflag:s1], $0x2800  }
0x256: {  	[sflag:s1] =	ssyncset.done $0x0  }
0x257: {  	s23 =	rddreg [dreg:$0xe];
	[sflag:s1] =	ssyncadd.s32 $0xFFFFD800  }
0x258: {  	[spmem:s3] =	stream.indirect.scatter.add.f32 [tilespmem:s29], [sflag:$0x5], $0x80, s23, s17, $0xb8;
	[tilespmem:$0x1DC00] =	vst v63  }
0x259: {  	_ =	swait.ge [sflag:s0], $0x2800  }
0x25a: {  	[sflag:s0] =	ssyncset.done $0x0  }
0x25b: {  	s24 =	rddreg [dreg:$0xf];
	[sflag:s0] =	ssyncadd.s32 $0xFFFFD800  }
0x25c: {  	[tilespmem:s18], [sflag:$0x1] =	stream.indirect.gather [hbm4b:s2+s17], $0x80, s24, s17, $0xb8;
	[tilespmem:$0x1DC00] =	vst v63  }
0x25d: {  	_ =	swait.ge [sflag:s5], $0x2800  }
0x25e: {  	[sflag:s5] =	ssyncset.done $0x0  }
0x25f: {  	s25 =	rddreg [dreg:$0x10];
	[sflag:s5] =	ssyncadd.s32 $0xFFFFD800  }
0x260: {  	[spmem:s3] =	stream.indirect.scatter.add.f32 [tilespmem:s31], [sflag:$0x6], $0x80, s25, s17, $0xb8;
	[tilespmem:$0x1DC00] =	vst v63  }
0x261: {  	_ =	swait.ge [sflag:s6], $0x2800  }
0x262: {  	[sflag:s6] =	ssyncset.done $0x0  }
0x263: {  	s23 =	rddreg [dreg:$0x11];
	[sflag:s6] =	ssyncadd.s32 $0xFFFFD800  }
0x264: {  	[tilespmem:s29], [sflag:$0x2] =	stream.indirect.gather [hbm4b:s2+s17], $0x80, s23, s17, $0xb8;
	[tilespmem:$0x1DC00] =	vst v63  }
0x265: {  	_ =	swait.ge [sflag:s30], $0x2800  }
0x266: {  	[sflag:s30] =	ssyncset.done $0x0  }
0x267: {  	s24 =	rddreg [dreg:$0x12];
	[sflag:s30] =	ssyncadd.s32 $0xFFFFD800  }
0x268: {  	[spmem:s3] =	stream.indirect.scatter.add.f32 [tilespmem:s18], [sflag:$0x4], $0x80, s24, s17, $0xb8;
	[tilespmem:$0x1DC00] =	vst v63  }
0x269: {  	_ =	swait.ge [sflag:s7], $0x2800  }
0x26a: {  	[sflag:s7] =	ssyncset.done $0x0  }
0x26b: {  	s25 =	rddreg [dreg:$0x13];
	[sflag:s7] =	ssyncadd.s32 $0xFFFFD800  }
0x26c: {  	[tilespmem:s31], [sflag:$0x3] =	stream.indirect.gather [hbm4b:s2+s17], $0x80, s25, s17, $0xb8;
	[tilespmem:$0x1DC00] =	vst v63  }
0x26d: {  	_ =	swait.ge [sflag:s1], $0x2800  }
0x26e: {  	[sflag:s1] =	ssyncset.done $0x0  }
0x26f: {  	s23 =	rddreg [dreg:$0x14];
	[sflag:s1] =	ssyncadd.s32 $0xFFFFD800  }
0x270: {  	[spmem:s3] =	stream.indirect.scatter.add.f32 [tilespmem:s29], [sflag:$0x5], $0x80, s23, s17, $0xb8;
	[tilespmem:$0x1DC00] =	vst v63  }
0x271: {  	_ =	swait.ge [sflag:s0], $0x2800  }
0x272: {  	[sflag:s0] =	ssyncset.done $0x0  }
0x273: {  	s24 =	rddreg [dreg:$0x15];
	[sflag:s0] =	ssyncadd.s32 $0xFFFFD800  }
0x274: {  	[tilespmem:s18], [sflag:$0x1] =	stream.indirect.gather [hbm4b:s2+s17], $0x80, s24, s17, $0xb8;
	[tilespmem:$0x1DC00] =	vst v63  }
0x275: {  	_ =	swait.ge [sflag:s5], $0x2800  }
0x276: {  	[sflag:s5] =	ssyncset.done $0x0  }
0x277: {  	s25 =	rddreg [dreg:$0x16];
	[sflag:s5] =	ssyncadd.s32 $0xFFFFD800  }
0x278: {  	[spmem:s3] =	stream.indirect.scatter.add.f32 [tilespmem:s31], [sflag:$0x6], $0x80, s25, s17, $0xb8;
	[tilespmem:$0x1DC00] =	vst v63  }
0x279: {  	_ =	swait.ge [sflag:s6], $0x2800  }
0x27a: {  	[sflag:s6] =	ssyncset.done $0x0  }
0x27b: {  	s23 =	rddreg [dreg:$0x17];
	[sflag:s6] =	ssyncadd.s32 $0xFFFFD800  }
0x27c: {  	[tilespmem:s29], [sflag:$0x2] =	stream.indirect.gather [hbm4b:s2+s17], $0x80, s23, s17, $0xb8;
	[tilespmem:$0x1DC00] =	vst v63  }
0x27d: {  	_ =	swait.ge [sflag:s30], $0x2800  }
0x27e: {  	[sflag:s30] =	ssyncset.done $0x0  }
0x27f: {  	s24 =	rddreg [dreg:$0x18];
	[sflag:s30] =	ssyncadd.s32 $0xFFFFD800  }
0x280: {  	[spmem:s3] =	stream.indirect.scatter.add.f32 [tilespmem:s18], [sflag:$0x4], $0x80, s24, s17, $0xb8;
	[tilespmem:$0x1DC00] =	vst v63  }
0x281: {  	_ =	swait.ge [sflag:s7], $0x2800  }
0x282: {  	[sflag:s7] =	ssyncset.done $0x0  }
0x283: {  	s25 =	rddreg [dreg:$0x19];
	[sflag:s7] =	ssyncadd.s32 $0xFFFFD800  }
0x284: {  	[tilespmem:s31], [sflag:$0x3] =	stream.indirect.gather [hbm4b:s2+s17], $0x80, s25, s17, $0xb8;
	[tilespmem:$0x1DC00] =	vst v63  }
0x285: {  	_ =	swait.ge [sflag:s1], $0x2800  }
0x286: {  	[sflag:s1] =	ssyncset.done $0x0  }
0x287: {  	s23 =	rddreg [dreg:$0x1a];
	[sflag:s1] =	ssyncadd.s32 $0xFFFFD800  }
0x288: {  	[spmem:s3] =	stream.indirect.scatter.add.f32 [tilespmem:s29], [sflag:$0x5], $0x80, s23, s17, $0xb8;
	[tilespmem:$0x1DC00] =	vst v63  }
0x289: {  	_ =	swait.ge [sflag:s0], $0x2800  }
0x28a: {  	[sflag:s0] =	ssyncset.done $0x0  }
0x28b: {  	s24 =	rddreg [dreg:$0x1b];
	[sflag:s0] =	ssyncadd.s32 $0xFFFFD800  }
0x28c: {  	[tilespmem:s18], [sflag:$0x1] =	stream.indirect.gather [hbm4b:s2+s17], $0x80, s24, s17, $0xb8;
	[tilespmem:$0x1DC00] =	vst v63  }
0x28d: {  	_ =	swait.ge [sflag:s5], $0x2800  }
0x28e: {  	[sflag:s5] =	ssyncset.done $0x0  }
0x28f: {  	s25 =	rddreg [dreg:$0x1c];
	[sflag:s5] =	ssyncadd.s32 $0xFFFFD800  }
0x290: {  	[spmem:s3] =	stream.indirect.scatter.add.f32 [tilespmem:s31], [sflag:$0x6], $0x80, s25, s17, $0xb8;
	[tilespmem:$0x1DC00] =	vst v63  }
0x291: {  	_ =	swait.ge [sflag:s6], $0x2800  }
0x292: {  	[sflag:s6] =	ssyncset.done $0x0  }
0x293: {  	s23 =	rddreg [dreg:$0x1d];
	[sflag:s6] =	ssyncadd.s32 $0xFFFFD800  }
0x294: {  	[tilespmem:s29], [sflag:$0x2] =	stream.indirect.gather [hbm4b:s2+s17], $0x80, s23, s17, $0xb8;
	[tilespmem:$0x1DC00] =	vst v63  }
0x295: {  	_ =	swait.ge [sflag:s30], $0x2800  }
0x296: {  	[sflag:s30] =	ssyncset.done $0x0  }
0x297: {  	s24 =	rddreg [dreg:$0x1e];
	[sflag:s30] =	ssyncadd.s32 $0xFFFFD800  }
0x298: {  	[spmem:s3] =	stream.indirect.scatter.add.f32 [tilespmem:s18], [sflag:$0x4], $0x80, s24, s17, $0xb8;
	[tilespmem:$0x1DC00] =	vst v63  }
0x299: {  	_ =	swait.ge [sflag:s7], $0x2800  }
0x29a: {  	[sflag:s7] =	ssyncset.done $0x0  }
0x29b: {  	s25 =	rddreg [dreg:$0x1f];
	[sflag:s7] =	ssyncadd.s32 $0xFFFFD800  }
0x29c: {  	[tilespmem:s31], [sflag:$0x3] =	stream.indirect.gather [hbm4b:s2+s17], $0x80, s25, s17, $0xb8;
	[tilespmem:$0x1DC00] =	vst v63  }
0x29d: {  	_ =	swait.ge [sflag:s1], $0x2800  }
0x29e: {  	s23 =	sld [smem:$0x7F3]  }
0x29f: {  	[sflag:s1] =	ssyncset.done $0x0  }
0x2a0: {  	[sflag:s1] =	ssyncadd.s32 $0xFFFFD800  }
0x2a1: {  	[spmem:s3] =	stream.indirect.scatter.add.f32 [tilespmem:s29], [sflag:$0x5], $0x80, s23, s17, $0xb8;
	[tilespmem:$0x1DC00] =	vst v63  }
0x2a2: {  	_ =	swait.ge [sflag:s0], $0x2800  }
0x2a3: {  	s24 =	sld [smem:$0x7F4]  }
0x2a4: {  	[sflag:s0] =	ssyncset.done $0x0  }
0x2a5: {  	[sflag:s0] =	ssyncadd.s32 $0xFFFFD800  }
0x2a6: {  	[tilespmem:s18], [sflag:$0x1] =	stream.indirect.gather [hbm4b:s2+s17], $0x80, s24, s17, $0xb8;
	[tilespmem:$0x1DC00] =	vst v63  }
0x2a7: {  	_ =	swait.ge [sflag:s5], $0x2800  }
0x2a8: {  	s25 =	sld [smem:$0x7F5]  }
0x2a9: {  	[sflag:s5] =	ssyncset.done $0x0  }
0x2aa: {  	[sflag:s5] =	ssyncadd.s32 $0xFFFFD800  }
0x2ab: {  	[spmem:s3] =	stream.indirect.scatter.add.f32 [tilespmem:s31], [sflag:$0x6], $0x80, s25, s17, $0xb8;
	[tilespmem:$0x1DC00] =	vst v63  }
0x2ac: {  	_ =	swait.ge [sflag:s6], $0x2800  }
0x2ad: {  	s23 =	sld [smem:$0x7F6]  }
0x2ae: {  	[sflag:s6] =	ssyncset.done $0x0  }
0x2af: {  	[sflag:s6] =	ssyncadd.s32 $0xFFFFD800  }
0x2b0: {  	[tilespmem:s29], [sflag:$0x2] =	stream.indirect.gather [hbm4b:s2+s17], $0x80, s23, s17, $0xb8;
	[tilespmem:$0x1DC00] =	vst v63  }
0x2b1: {  	_ =	swait.ge [sflag:s30], $0x2800  }
0x2b2: {  	s24 =	sld [smem:$0x7F7]  }
0x2b3: {  	[sflag:s30] =	ssyncset.done $0x0  }
0x2b4: {  	[sflag:s30] =	ssyncadd.s32 $0xFFFFD800  }
0x2b5: {  	[spmem:s3] =	stream.indirect.scatter.add.f32 [tilespmem:s18], [sflag:$0x4], $0x80, s24, s17, $0xb8;
	[tilespmem:$0x1DC00] =	vst v63  }
0x2b6: {  	_ =	swait.ge [sflag:s7], $0x2800  }
0x2b7: {  	s25 =	sld [smem:$0x7F8]  }
0x2b8: {  	[sflag:s7] =	ssyncset.done $0x0  }
0x2b9: {  	[sflag:s7] =	ssyncadd.s32 $0xFFFFD800  }
0x2ba: {  	[tilespmem:s31], [sflag:$0x3] =	stream.indirect.gather [hbm4b:s2+s17], $0x80, s25, s17, $0xb8;
	[tilespmem:$0x1DC00] =	vst v63  }
0x2bb: {  	_ =	swait.ge [sflag:s1], $0x2800  }
0x2bc: {  	s23 =	sld [smem:$0x7F9]  }
0x2bd: {  	[sflag:s1] =	ssyncset.done $0x0  }
0x2be: {  	[sflag:s1] =	ssyncadd.s32 $0xFFFFD800  }
0x2bf: {  	[spmem:s3] =	stream.indirect.scatter.add.f32 [tilespmem:s29], [sflag:$0x5], $0x80, s23, s17, $0xb8;
	[tilespmem:$0x1DC00] =	vst v63  }
0x2c0: {  	_ =	swait.ge [sflag:s0], $0x2800  }
0x2c1: {  	s24 =	sld [smem:$0x7FA]  }
0x2c2: {  	[sflag:s0] =	ssyncset.done $0x0  }
0x2c3: {  	[sflag:s0] =	ssyncadd.s32 $0xFFFFD800  }
0x2c4: {  	[tilespmem:s18], [sflag:$0x1] =	stream.indirect.gather [hbm4b:s2+s17], $0x80, s24, s17, $0xb8;
	[tilespmem:$0x1DC00] =	vst v63  }
0x2c5: {  	_ =	swait.ge [sflag:s5], $0x2800  }
0x2c6: {  	s25 =	sld [smem:$0x7FB]  }
0x2c7: {  	[sflag:s5] =	ssyncset.done $0x0  }
0x2c8: {  	[sflag:s5] =	ssyncadd.s32 $0xFFFFD800  }
0x2c9: {  	[spmem:s3] =	stream.indirect.scatter.add.f32 [tilespmem:s31], [sflag:$0x6], $0x80, s25, s17, $0xb8;
	[tilespmem:$0x1DC00] =	vst v63  }
0x2ca: {  	_ =	swait.ge [sflag:s6], $0x2800  }
0x2cb: {  	s23 =	sld [smem:$0x7FC]  }
0x2cc: {  	[sflag:s6] =	ssyncset.done $0x0  }
0x2cd: {  	[sflag:s6] =	ssyncadd.s32 $0xFFFFD800  }
0x2ce: {  	[tilespmem:s29], [sflag:$0x2] =	stream.indirect.gather [hbm4b:s2+s17], $0x80, s23, s17, $0xb8;
	[tilespmem:$0x1DC00] =	vst v63  }
0x2cf: {  	_ =	swait.ge [sflag:s30], $0x2800  }
0x2d0: {  	s24 =	sld [smem:$0x7FD]  }
0x2d1: {  	[sflag:s30] =	ssyncset.done $0x0  }
0x2d2: {  	[sflag:s30] =	ssyncadd.s32 $0xFFFFD800  }
0x2d3: {  	[spmem:s3] =	stream.indirect.scatter.add.f32 [tilespmem:s18], [sflag:$0x4], $0x80, s24, s17, $0xb8;
	[tilespmem:$0x1DC00] =	vst v63  }
0x2d4: {  	_ =	swait.ge [sflag:s7], $0x2800  }
0x2d5: {  	[sflag:s7] =	ssyncset.done $0x0  }
0x2d6: {  	[sflag:s7] =	ssyncadd.s32 $0xFFFFD800  }
0x2d7: {  	[tilespmem:s31], [sflag:$0x3] =	stream.indirect.gather [hbm4b:s2+s17], $0x80, s8, s17, $0xb8;
	[tilespmem:$0x1DC00] =	vst v63  }
0x2d8: {  	_ =	swait.ge [sflag:s1], $0x2800  }
0x2d9: {  	[sflag:s1] =	ssyncset.done $0x0  }
0x2da: {  	[sflag:s1] =	ssyncadd.s32 $0xFFFFD800  }
0x2db: {  	[spmem:s3] =	stream.indirect.scatter.add.f32 [tilespmem:s29], [sflag:$0x5], $0x80, s9, s17, $0xb8;
	[tilespmem:$0x1DC00] =	vst v63  }
0x2dc: {  	_ =	swait.ge [sflag:s0], $0x2800  }
0x2dd: {  	[sflag:s0] =	ssyncset.done $0x0  }
0x2de: {  	[sflag:s0] =	ssyncadd.s32 $0xFFFFD800  }
0x2df: {  	[tilespmem:s18], [sflag:$0x1] =	stream.indirect.gather [hbm4b:s2+s17], $0x80, s10, s17, $0xb8;
	[tilespmem:$0x1DC00] =	vst v63  }
0x2e0: {  	_ =	swait.ge [sflag:s5], $0x2800  }
0x2e1: {  	[sflag:s5] =	ssyncset.done $0x0  }
0x2e2: {  	[sflag:s5] =	ssyncadd.s32 $0xFFFFD800  }
0x2e3: {  	[spmem:s3] =	stream.indirect.scatter.add.f32 [tilespmem:s31], [sflag:$0x6], $0x80, s11, s17, $0xb8;
	[tilespmem:$0x1DC00] =	vst v63  }
0x2e4: {  	_ =	swait.ge [sflag:s6], $0x2800  }
0x2e5: {  	[sflag:s6] =	ssyncset.done $0x0  }
0x2e6: {  	[sflag:s6] =	ssyncadd.s32 $0xFFFFD800  }
0x2e7: {  	[tilespmem:s29], [sflag:$0x2] =	stream.indirect.gather [hbm4b:s2+s17], $0x80, s12, s17, $0xb8;
	[tilespmem:$0x1DC00] =	vst v63  }
0x2e8: {  	_ =	swait.ge [sflag:s30], $0x2800  }
0x2e9: {  	[sflag:s30] =	ssyncset.done $0x0  }
0x2ea: {  	[sflag:s30] =	ssyncadd.s32 $0xFFFFD800  }
0x2eb: {  	[spmem:s3] =	stream.indirect.scatter.add.f32 [tilespmem:s18], [sflag:$0x4], $0x80, s19, s17, $0xb8;
	[tilespmem:$0x1DC00] =	vst v63  }
0x2ec: {  	_ =	swait.ge [sflag:s7], $0x2800  }
0x2ed: {  	[sflag:s7] =	ssyncset.done $0x0  }
0x2ee: {  	[sflag:s7] =	ssyncadd.s32 $0xFFFFD800  }
0x2ef: {  	[tilespmem:s31], [sflag:$0x3] =	stream.indirect.gather [hbm4b:s2+s17], $0x80, s13, s17, $0xb8;
	[tilespmem:$0x1DC00] =	vst v63  }
0x2f0: {  	_ =	swait.ge [sflag:s1], $0x2800  }
0x2f1: {  	[sflag:s1] =	ssyncset.done $0x0  }
0x2f2: {  	[sflag:s1] =	ssyncadd.s32 $0xFFFFD800  }
0x2f3: {  	[spmem:s3] =	stream.indirect.scatter.add.f32 [tilespmem:s29], [sflag:$0x5], $0x80, s20, s17, $0xb8;
	[tilespmem:$0x1DC00] =	vst v63  }
0x2f4: {  	_ =	swait.ge [sflag:s0], $0x2800  }
0x2f5: {  	[sflag:s0] =	ssyncset.done $0x0  }
0x2f6: {  	[sflag:s0] =	ssyncadd.s32 $0xFFFFD800  }
0x2f7: {  	[tilespmem:s18], [sflag:$0x1] =	stream.indirect.gather [hbm4b:s2+s17], $0x80, s14, s17, $0xb8;
	[tilespmem:$0x1DC00] =	vst v63  }
0x2f8: {  	_ =	swait.ge [sflag:s5], $0x2800  }
0x2f9: {  	[sflag:s5] =	ssyncset.done $0x0  }
0x2fa: {  	[sflag:s5] =	ssyncadd.s32 $0xFFFFD800  }
0x2fb: {  	[spmem:s3] =	stream.indirect.scatter.add.f32 [tilespmem:s31], [sflag:$0x6], $0x80, s21, s17, $0xb8;
	[tilespmem:$0x1DC00] =	vst v63  }
0x2fc: {  	_ =	swait.ge [sflag:s6], $0x2800  }
0x2fd: {  	[sflag:s6] =	ssyncset.done $0x0  }
0x2fe: {  	[sflag:s6] =	ssyncadd.s32 $0xFFFFD800  }
0x2ff: {  	_ =	swait.ge [sflag:s30], $0x2800  }
0x300: {  	[sflag:s30] =	ssyncset.done $0x0  }
0x301: {  	[sflag:s30] =	ssyncadd.s32 $0xFFFFD800  }
0x302: {  	[spmem:s3] =	stream.indirect.scatter.add.f32 [tilespmem:s18], [sflag:$0x4], $0x80, s22, s17, $0xb8;
	[tilespmem:$0x1DC00] =	vst v63  }
0x303: {  	_ =	swait.ge [sflag:s7], $0x2800  }
0x304: {  	[sflag:s7] =	ssyncset.done $0x0  }
0x305: {  	[sflag:s7] =	ssyncadd.s32 $0xFFFFD800  }
0x306: {  	_ =	swait.ge [sflag:s0], $0x2800  }
0x307: {  	[sflag:s0] =	ssyncset.done $0x0  }
0x308: {  	[sflag:s0] =	ssyncadd.s32 $0xFFFFD800  }
0x309: {  	s23 =	simm.s32 $0x14000;
	[bflag:$0x0] =	sbarrier.arrive $0xFFFF  }
0x30a: {  	[tilespmem:s18], [sflag:$0x7] =	stream.indirect.gather [spmem:s3], $0x80, s23, s17, $0xb8;
	[tilespmem:$0x1DC00] =	vst v63  }
0x30b: {  	_ =	swait.ge [sflag:s16], $0x2800  }
0x30c: {  	s25 =	sld [smem:$0x7EA]  }
0x30d: {  	[sflag:s16] =	ssyncset.done $0x0  }
0x30e: {  	[sflag:s16] =	ssyncadd.s32 $0xFFFFD800  }
0x30f: {  	[hbm4b:s25+s4] =	stream.linear.scatter [tilespmem:s18], [sflag:$0x7], $0x2800, $0x38;
	[tilespmem:$0x1DC00] =	vst v63  }
0x310: {  	_ =	swait.ge [sflag:s16], $0x2800  }
0x311: {  	[sflag:s16] =	ssyncset.done $0x0  }
0x312: {  	s24 =	simm.s32 $0x14080;
	[sflag:s16] =	ssyncadd.s32 $0xFFFFD800  }
0x313: {  	[tilespmem:s18], [sflag:$0x7] =	stream.indirect.gather [spmem:s3], $0x80, s24, s17, $0xb8;
	[tilespmem:$0x1DC00] =	vst v63  }
0x314: {  	_ =	swait.ge [sflag:s16], $0x2800  }
0x315: {  	s25 =	sld [smem:$0x7EB]  }
0x316: {  	[sflag:s16] =	ssyncset.done $0x0  }
0x317: {  	[sflag:s16] =	ssyncadd.s32 $0xFFFFD800  }
0x318: {  	[hbm4b:s25+s4] =	stream.linear.scatter [tilespmem:s18], [sflag:$0x7], $0x2800, $0x38;
	[tilespmem:$0x1DC00] =	vst v63  }
0x319: {  	_ =	swait.ge [sflag:s16], $0x2800  }
0x31a: {  	[sflag:s16] =	ssyncset.done $0x0  }
0x31b: {  	s24 =	simm.s32 $0x14100;
	[sflag:s16] =	ssyncadd.s32 $0xFFFFD800  }
0x31c: {  	[tilespmem:s18], [sflag:$0x7] =	stream.indirect.gather [spmem:s3], $0x80, s24, s17, $0xb8;
	[tilespmem:$0x1DC00] =	vst v63  }
0x31d: {  	_ =	swait.ge [sflag:s16], $0x2800  }
0x31e: {  	s25 =	sld [smem:$0x7EC]  }
0x31f: {  	[sflag:s16] =	ssyncset.done $0x0  }
0x320: {  	[sflag:s16] =	ssyncadd.s32 $0xFFFFD800  }
0x321: {  	[hbm4b:s25+s4] =	stream.linear.scatter [tilespmem:s18], [sflag:$0x7], $0x2800, $0x38;
	[tilespmem:$0x1DC00] =	vst v63  }
0x322: {  	_ =	swait.ge [sflag:s16], $0x2800  }
0x323: {  	[sflag:s16] =	ssyncset.done $0x0  }
0x324: {  	s24 =	simm.s32 $0x14180;
	[sflag:s16] =	ssyncadd.s32 $0xFFFFD800  }
0x325: {  	[tilespmem:s18], [sflag:$0x7] =	stream.indirect.gather [spmem:s3], $0x80, s24, s17, $0xb8;
	[tilespmem:$0x1DC00] =	vst v63  }
0x326: {  	_ =	swait.ge [sflag:s16], $0x2800  }
0x327: {  	s25 =	sld [smem:$0x7ED]  }
0x328: {  	[sflag:s16] =	ssyncset.done $0x0  }
0x329: {  	[sflag:s16] =	ssyncadd.s32 $0xFFFFD800  }
0x32a: {  	[hbm4b:s25+s4] =	stream.linear.scatter [tilespmem:s18], [sflag:$0x7], $0x2800, $0x38;
	[tilespmem:$0x1DC00] =	vst v63  }
0x32b: {  	_ =	swait.ge [sflag:s16], $0x2800  }
0x32c: {  	[sflag:s16] =	ssyncset.done $0x0  }
0x32d: {  	s24 =	simm.s32 $0x14200;
	[sflag:s16] =	ssyncadd.s32 $0xFFFFD800  }
0x32e: {  	[tilespmem:s18], [sflag:$0x7] =	stream.indirect.gather [spmem:s3], $0x80, s24, s17, $0xb8;
	[tilespmem:$0x1DC00] =	vst v63  }
0x32f: {  	_ =	swait.ge [sflag:s16], $0x2800  }
0x330: {  	s25 =	sld [smem:$0x7EE]  }
0x331: {  	[sflag:s16] =	ssyncset.done $0x0  }
0x332: {  	[sflag:s16] =	ssyncadd.s32 $0xFFFFD800  }
0x333: {  	[hbm4b:s25+s4] =	stream.linear.scatter [tilespmem:s18], [sflag:$0x7], $0x2800, $0x38;
	[tilespmem:$0x1DC00] =	vst v63  }
0x334: {  	_ =	swait.ge [sflag:s16], $0x2800  }
0x335: {  	[sflag:s16] =	ssyncset.done $0x0  }
0x336: {  	s24 =	simm.s32 $0x14280;
	[sflag:s16] =	ssyncadd.s32 $0xFFFFD800  }
0x337: {  	[tilespmem:s18], [sflag:$0x7] =	stream.indirect.gather [spmem:s3], $0x80, s24, s17, $0xb8;
	[tilespmem:$0x1DC00] =	vst v63  }
0x338: {  	_ =	swait.ge [sflag:s16], $0x2800  }
0x339: {  	s25 =	sld [smem:$0x7EF]  }
0x33a: {  	[sflag:s16] =	ssyncset.done $0x0  }
0x33b: {  	[sflag:s16] =	ssyncadd.s32 $0xFFFFD800  }
0x33c: {  	[hbm4b:s25+s4] =	stream.linear.scatter [tilespmem:s18], [sflag:$0x7], $0x2800, $0x38;
	[tilespmem:$0x1DC00] =	vst v63  }
0x33d: {  	_ =	swait.ge [sflag:s16], $0x2800  }
0x33e: {  	[sflag:s16] =	ssyncset.done $0x0  }
0x33f: {  	s24 =	simm.s32 $0x14300;
	[sflag:s16] =	ssyncadd.s32 $0xFFFFD800  }
0x340: {  	[tilespmem:s18], [sflag:$0x7] =	stream.indirect.gather [spmem:s3], $0x80, s24, s17, $0xb8;
	[tilespmem:$0x1DC00] =	vst v63  }
0x341: {  	_ =	swait.ge [sflag:s16], $0x2800  }
0x342: {  	s25 =	sld [smem:$0x7F0]  }
0x343: {  	[sflag:s16] =	ssyncset.done $0x0  }
0x344: {  	[sflag:s16] =	ssyncadd.s32 $0xFFFFD800  }
0x345: {  	[hbm4b:s25+s4] =	stream.linear.scatter [tilespmem:s18], [sflag:$0x7], $0x2800, $0x38;
	[tilespmem:$0x1DC00] =	vst v63  }
0x346: {  	_ =	swait.ge [sflag:s16], $0x2800  }
0x347: {  	[sflag:s16] =	ssyncset.done $0x0  }
0x348: {  	s24 =	simm.s32 $0x14380;
	[sflag:s16] =	ssyncadd.s32 $0xFFFFD800  }
0x349: {  	[tilespmem:s18], [sflag:$0x7] =	stream.indirect.gather [spmem:s3], $0x80, s24, s17, $0xb8;
	[tilespmem:$0x1DC00] =	vst v63  }
0x34a: {  	_ =	swait.ge [sflag:s16], $0x2800  }
0x34b: {  	s25 =	sld [smem:$0x7F1]  }
0x34c: {  	[sflag:s16] =	ssyncset.done $0x0  }
0x34d: {  	[sflag:s16] =	ssyncadd.s32 $0xFFFFD800  }
0x34e: {  	[hbm4b:s25+s4] =	stream.linear.scatter [tilespmem:s18], [sflag:$0x7], $0x2800, $0x38;
	[tilespmem:$0x1DC00] =	vst v63  }
0x34f: {  	_ =	swait.ge [sflag:s16], $0x2800  }
0x350: {  	s15 =	sld [smem:$0x7E8]  }
0x351: {  	s25 =	sld [smem:$0x7F2];
	_ =	sdelay $0x1  }
0x352: {  	s24 =	sadd.s32 $0x1, s15  }
0x353: {  	p0 =	sne.s32 s24, s25  }
.Ltmp2:
0x354: {  	_ = 	snop;
	(pc) =	sbr.rel @p0 .LBB2_1-.Ltmp2, $3  }
0x355: {  	_ =	sdelay $0x1  }
0x356: {  	[sflag:s16] =	ssyncset.done $0x0  }
0x357: {  	[sflag:s16] =	ssyncadd.s32 $0xFFFFD800  }
0x358: {  	_ =	sfence.sel $0x180000  }
0x359: {  	[bflag:$0x0] =	sbarrier.arrive $0xFFFF  }
0x35a: {  	_ =	strace $0x9000004A  }
0x35b: {  	s0 =	stileid.u32;
	[bflag:$0x2] =	sbarrier.arrive $0xFFFF  }
0x35c: {  	p0 =	sne.s32 s0, $0x0;
	s0 =	rddreg [dreg:$0x3]  }
0x35d: {  	s0 =	sadd.s32 @!p0 $0x100000, s0  }
0x35e: {  	[sflag:s0] =	ssyncadd.tile.s32 @!p0 $0x1;
	_ =	shalt  }
.Lfunc_end2:
_tile_overlayer_lowered:
.L_overlay_start_2:
0x35f: {  	(tag) =	ssettag $0x2  }
0x360: {  	s0 =	rddreg [dreg:$0x0];
	s2 =	stileid.u32  }
0x361: {  	s1 =	rddreg [dreg:$0x1];
	p0 =	sne.s32 s2, $0x0  }
0x362: {  	s3 =	rddreg [dreg:$0x2];
	[bflag:$0x3] =	sbarrier.arrive $0xFFFF;
	s2 =	simm.s32 @!p0 $0x1C07  }
0x363: {  	[timem:s3], [sflag:s2] =	dma.local @!p0 [hbm:s0], s1  }
0x364: {  	s0 =	simm.s32 @!p0 $0x7  }
0x365: {  	_ =	swait.ge @!p0 [sflag:s0], s1  }
0x366: {  	s1 =	ssub.s32 @!p0 $0x0, s1;
	[sflag:s0] =	ssyncset.done @!p0 $0x0  }
0x367: {  	[sflag:s0] =	ssyncadd.s32 @!p0 s1  }
0x368: {  	[bflag:$0x3] =	sbarrier.arrive $0xFFFF  }
0x369: {  	_ =	shalt  }

// kernel: kernel.7.cloned.1.call-start
scs
__scs_entry_jumppad:
0x0: {  	(pc) =	sbr.rel $0x88, $3  }
0x1: {  	(tag) =	ssettag $0x0;
	lr =	simm.s32 $0x1  }
0x2: {  	[smem:$0x3F95] =	sst lr;
	_ =	strace $0xD0000000  }
0x3: {  	_ = 	snop  }
0x4: {  	_ = 	snop  }
0x5: {  	_ = 	snop  }
0x6: {  	_ = 	snop  }
0x7: {  	_ = 	snop  }
__scs_overlays_trampoline_lowered:
0x8: {  	[smem:$0x3FA4] =	sst s0  }
0x9: {  	[smem:$0x3FA5] =	sst s1  }
0xa: {  	[smem:$0x3FA6] =	sst s2  }
0xb: {  	[smem:$0x3FA7] =	sst s3  }
0xc: {  	[smem:$0x3FA8] =	sst s4  }
0xd: {  	[smem:$0x3FA9] =	sst s5  }
0xe: {  	[smem:$0x3FAA] =	sst s6  }
0xf: {  	[smem:$0x3FAB] =	sst s7  }
0x10: {  	[smem:$0x3FAC] =	sst s8  }
0x11: {  	[smem:$0x3FAD] =	sst s9;
	s0 =	simm.s32 @!p0 $0x0  }
0x12: {  	s1 =	sld [smem:$0x3F93];
	s0 =	simm.s32 @p0 $0x1  }
0x13: {  	[smem:$0x3FAE] =	sst s0;
	s0 =	simm.s32 @!p1 $0x0  }
0x14: {  	s2 =	sld [smem:$0x3F92];
	s0 =	simm.s32 @p1 $0x1  }
0x15: {  	[smem:$0x3FAF] =	sst s0;
	s0 =	simm.s32 @!p2 $0x0  }
0x16: {  	s3 =	sld [smem:$0x3FDB];
	s0 =	simm.s32 @p2 $0x1  }
0x17: {  	s4 =	simm.s32 $0x1BF5;
	[smem:$0x3FB1] =	sst s0  }
0x18: {  	s0 =	sld [smem:$0x3F94];
	_ =	swait.ge [sflag:s4], $0x0  }
0x19: {  	s7 =	sld [smem:$0x3F95]  }
0x1a: {  	s8 =	sadd.s32 $0xFFFFE003, lr  }
0x1b: {  	s9 =	sadd.s32 $0xFFFFFEF7, lr;
	s5 =	simm.s32 $0xFFFFFFFF;
	p2 =	slt.u32 s8, $0xFFFFF086  }
0x1c: {  	p1 =	slt.u32 s9, $0xF7A;
	s5 =	simm.s32 @!p2 $0x0  }
0x1d: {  	s5 =	simm.s32 @p1 $0x1;
	p0 =	seq.s32 s7, s2  }
0x1e: {  	s7 =	smul.u32 @!p0 $0xF7A, s2;
	p2 =	seq.s32 @!p0 s5, $0x0  }
0x1f: {  	s9 =	smul.u32 $0xF7A, s1;
	s8 =	simm.s32 @!p0 $0x1BF5;
	p2 =	por !p2, p0  }
0x20: {  	[sflag:s8] =	ssyncset.s32 @!p0 $0xFFFFF086;
	s6 =	sadd.s32 @!p0 s3, s7;
	s7 =	simm.s32 @!p0 $0x108  }
0x21: {  	s3 =	sadd.s32 s3, s9;
	s6 =	sadd.s32 @!p0 $0x88, s6;
	s7 =	simm.s32 @p2 $0x1082  }
0x22: {  	[simem:s7], [sflag:s8] =	dma.local @!p0 [hbm:s6], $0xF7A  }
0x23: {  	s9 =	sor.u32 $0xD0000000, s2;
	s6 =	simm.s32 $0x108;
	_ =	swait.ge @!p0 [sflag:s8], $0x0  }
0x24: {  	s3 =	sadd.s32 $0x88, s3;
	s6 =	simm.s32 @!p1 $0x1082;
	[sflag:s4] =	ssyncset.s32 $0xFFFFF086  }
0x25: {  	[simem:s6], [sflag:s4] =	dma.local [hbm:s3], $0xF7A  }
0x26: {  	[smem:$0x3F95] =	sst s1;
	(tag) =	ssettag s2;
	_ =	strace s9  }
0x27: {  	s1 =	sld [smem:$0x3FA5]  }
0x28: {  	s2 =	sld [smem:$0x3FA6]  }
0x29: {  	s4 =	sld [smem:$0x3FA8]  }
0x2a: {  	p0 =	seq.s32 s5, $0x0;
	s5 =	sld [smem:$0x3FA9]  }
0x2b: {  	s6 =	sld [smem:$0x3FAA]  }
0x2c: {  	s7 =	sld [smem:$0x3FAB]  }
0x2d: {  	s3 =	simm.s32 $0x108;
	s8 =	sld [smem:$0x3FAC]  }
0x2e: {  	s3 =	simm.s32 @!p0 $0x1082;
	s9 =	sld [smem:$0x3FAD]  }
0x2f: {  	lr =	sadd.s32 s0, s3;
	s0 =	sld [smem:$0x3FA4]  }
0x30: {  	s3 =	sld [smem:$0x3FA7]  }
0x31: {  	[smem:$0x3FB0] =	sst s10  }
0x32: {  	s10 =	sld [smem:$0x3FAE];
	_ =	sdelay $0x3  }
0x33: {  	p0 =	seq.s32 s10, $0x1;
	s10 =	sld [smem:$0x3FB0];
	_ =	sdelay $0x3  }
0x34: {  	[smem:$0x3FB0] =	sst s10  }
0x35: {  	s10 =	sld [smem:$0x3FAF];
	_ =	sdelay $0x3  }
0x36: {  	p1 =	seq.s32 s10, $0x1;
	s10 =	sld [smem:$0x3FB0];
	_ =	sdelay $0x3  }
0x37: {  	[smem:$0x3FB0] =	sst s10  }
0x38: {  	s10 =	sld [smem:$0x3FB1]  }
0x39: {  	_ = 	snop;
	(pc) =	sbr.ind lr, $3  }
0x3a: {  	_ = 	snop  }
0x3b: {  	_ = 	snop  }
0x3c: {  	p2 =	seq.s32 s10, $0x1;
	s10 =	sld [smem:$0x3FB0]  }
0x3d: {  	_ =	shalt  }
0x3e: {  	_ =	shalt  }
0x3f: {  	_ =	shalt  }
0x40: {  	_ =	shalt  }
0x41: {  	_ =	shalt  }
0x42: {  	_ =	shalt  }
0x43: {  	_ =	shalt  }
0x44: {  	_ =	shalt  }
0x45: {  	_ =	shalt  }
0x46: {  	_ =	shalt  }
0x47: {  	_ =	shalt  }
0x48: {  	_ =	shalt  }
0x49: {  	_ =	shalt  }
0x4a: {  	_ =	shalt  }
0x4b: {  	_ =	shalt  }
0x4c: {  	_ =	shalt  }
0x4d: {  	_ =	shalt  }
0x4e: {  	_ =	shalt  }
0x4f: {  	_ =	shalt  }
0x50: {  	_ =	shalt  }
0x51: {  	_ =	shalt  }
0x52: {  	_ =	shalt  }
0x53: {  	_ =	shalt  }
0x54: {  	_ =	shalt  }
0x55: {  	_ =	shalt  }
0x56: {  	_ =	shalt  }
0x57: {  	_ =	shalt  }
0x58: {  	_ =	shalt  }
0x59: {  	_ =	shalt  }
0x5a: {  	_ =	shalt  }
0x5b: {  	_ =	shalt  }
0x5c: {  	_ =	shalt  }
0x5d: {  	_ =	shalt  }
0x5e: {  	_ =	shalt  }
0x5f: {  	_ =	shalt  }
0x60: {  	_ =	shalt  }
0x61: {  	_ =	shalt  }
0x62: {  	_ =	shalt  }
0x63: {  	_ =	shalt  }
0x64: {  	_ =	shalt  }
0x65: {  	_ =	shalt  }
0x66: {  	_ =	shalt  }
0x67: {  	_ =	shalt  }
0x68: {  	_ =	shalt  }
0x69: {  	_ =	shalt  }
0x6a: {  	_ =	shalt  }
0x6b: {  	_ =	shalt  }
0x6c: {  	_ =	shalt  }
0x6d: {  	_ =	shalt  }
0x6e: {  	_ =	shalt  }
0x6f: {  	_ =	shalt  }
0x70: {  	_ =	shalt  }
0x71: {  	_ =	shalt  }
0x72: {  	_ =	shalt  }
0x73: {  	_ =	shalt  }
0x74: {  	_ =	shalt  }
0x75: {  	_ =	shalt  }
0x76: {  	_ =	shalt  }
0x77: {  	_ =	shalt  }
0x78: {  	_ =	shalt  }
0x79: {  	_ =	shalt  }
0x7a: {  	_ =	shalt  }
0x7b: {  	_ =	shalt  }
0x7c: {  	_ =	shalt  }
0x7d: {  	_ =	shalt  }
0x7e: {  	_ =	shalt  }
0x7f: {  	_ =	shalt  }
0x80: {  	_ =	shalt  }
0x81: {  	_ =	shalt  }
0x82: {  	_ =	shalt  }
0x83: {  	_ =	shalt  }
0x84: {  	_ =	shalt  }
0x85: {  	_ =	shalt  }
0x86: {  	_ =	shalt  }
0x87: {  	_ =	shalt  }
.Lfunc_end0:
.L_simem_size_0:
called_computation_lowered:
.L_overlay_start_0:
0x88: {  	s2 =	sld [smem:$0x3FD9]  }
0x89: {  	s3 =	sld [smem:$0x3FFE];
	_ =	sdelay $0x1  }
0x8a: {  	s1 =	srdreg.scid  }
0x8b: {  	s0 =	sand.u32 $0x1, s1  }
0x8c: {  	s17 =	sshll.u32 s0, $0xA;
	s2 =	sadd.s32 s3, s2  }
0x8d: {  	s2 =	sadd.s32 s2, s17  }
0x8e: {  	[smem:$0x3FBC] =	sst s2  }
0x8f: {  	_ = 	snop  }
0x90: {  	s2 =	sld [smem:$0x3FC9]  }
0x91: {  	s18 =	sld [smem:$0x3FD0];
	(tm) =	ssettm $0x1  }
0x92: {  	s4 =	sld [smem:$0x3FFB];
	_ =	sdelay $0x3  }
0x93: {  	_ =	strace s4  }
0x94: {  	s4 =	sld [smem:$0x3FFC];
	_ =	sdelay $0x3  }
0x95: {  	_ =	strace s4  }
0x96: {  	s4 =	sld [smem:$0x3FFD];
	_ =	sdelay $0x3  }
0x97: {  	_ =	strace s4  }
0x98: {  	_ =	strace $0x8FFFFFFF  }
0x99: {  	s19 =	sld [smem:$0x3FDB];
	_ =	sdelay $0x1  }
0x9a: {  	s5 =	simm.s32 $_scs_section_size  }
0x9b: {  	s6 =	simm.s32 $_size__tile_overlayer_lowered;
	s7 =	simm.s32 $_tile_overlayer_lowered  }
0x9c: {  	s22 =	simm.s32 $0x1BFF;
	s21 =	sshll.u32 s7, $0x1;
	s4 =	sadd.s32 s5, s19  }
0x9d: {  	s8 =	simm.s32 $0x0;
	s20 =	sshll.u32 s6, $0x1;
	s6 =	sadd.s32 s21, s4  }
0x9e: {  	[timem:s8], [sflag:s22] =	dma.local [hbm:s6], s20  }
0x9f: {  	_ =	swait.ge [sflag:s22], s20  }
0xa0: {  	s5 =	ssub.s32 $0x0, s20;
	[sflag:s22] =	ssyncset.done $0x0  }
0xa1: {  	[sflag:s22] =	ssyncadd.s32 s5;
	_ =	sdelay $0x1  }
0xa2: {  	s23 =	simm.s32 $0x1B8B  }
0xa3: {  	_ =	swait.ge [sflag:s23], $0x1  }
0xa4: {  	[sflag:s23] =	ssyncset.done $0x0  }
0xa5: {  	s25 =	simm.s32 $0x1B8E;
	s24 =	sld [smem:$0x3FFE];
	[sflag:s23] =	ssyncadd.s32 $0xFFFFFFFF  }
0xa6: {  	s26 =	simm.s32 $execute0_lowered;
	[smem:$0x3FD2] =	sst s25  }
0xa7: {  	s6 =	sshll.u32 s26, $0x1;
	_ =	strace $0x80000046;
	[dreg:$0x1] =	wrdreg $0xFFFFFFFF  }
0xa8: {  	s28 =	simm.s32 $_size_execute0_lowered;
	s4 =	sadd.s32 s4, s6;
	[dreg:$0x0] =	wrdreg $0x0  }
0xa9: {  	s6 =	sshll.u32 s28, $0x1;
	[dreg:$0x2] =	wrdreg s4  }
0xaa: {  	[dreg:$0x3] =	wrdreg s6  }
0xab: {  	[dreg:$0x4] =	wrdreg $0xC0  }
0xac: {  	_ =	task [dreg:s8], $0x5FFFF  }
0xad: {  	[dreg:$0x1] =	wrdreg $0xFFFFFFFF  }
0xae: {  	[dreg:$0x0] =	wrdreg $0x60  }
0xaf: {  	[dreg:$0x2] =	wrdreg s2  }
0xb0: {  	[dreg:$0x3] =	wrdreg s24  }
0xb1: {  	[dreg:$0x4] =	wrdreg s18  }
0xb2: {  	[dreg:$0x5] =	wrdreg $0x0  }
0xb3: {  	[dreg:$0x6] =	wrdreg $0x1DC000  }
0xb4: {  	[dreg:$0x7] =	wrdreg $0x9  }
0xb5: {  	_ =	task.clear_ibuf [dreg:s8], $0x8FFFF;
	_ =	strace $0x90000046  }
0xb6: {  	s29 =	simm.s32 $0x9;
	_ =	strace $0x80000048  }
0xb7: {  	_ =	swait.ge [sflag:s29], $0x1  }
0xb8: {  	[sflag:s29] =	ssyncadd.s32 $0xFFFFFFFF  }
0xb9: {  	_ =	strace $0x90000048  }
0xba: {  	_ =	sfence  }
0xbb: {  	s30 =	sld [smem:$0x0];
	_ =	sdelay $0x2  }
0xbc: {  	s31 =	sshll.u32 s1, $0xD;
	s1 =	sshrl.u32 s1, $0x2  }
0xbd: {  	s3 =	sand.u32 $0x4000, s31;
	s1 =	sadd.s32 s1, s30  }
0xbe: {  	s0 =	sor.u32 s3, s0;
	s1 =	sshll.u32 s1, $0x11  }
0xbf: {  	s0 =	sor.u32 s1, s0  }
0xc0: {  	s0 =	sadd.s32 $0x8F2B, s0  }
0xc1: {  	[sflag:s0] =	ssyncadd.remote.s32 $0x1  }
0xc2: {  	_ =	sfence.sel $0xFFFF  }
0xc3: {  	[dreg:$0x0] =	wrdreg $0xFFFFFFFF;
	(pc) =	sbr.abs _section_cstart, $3  }
0xc4: {  	[dreg:$0x1] =	wrdreg $0xFFFFFFFF  }
0xc5: {  	_ =	task.clear_ibuf [dreg:s8], $0x2FFFF;
	_ =	strace $0x9FFFFFFF  }
0xc6: {  	(tm) =	ssettm $0x7FFFFFFF  }
0xc7: {  	_ =	shalt  }
tec
execute0_lowered:
.L_overlay_start_1:
0x0: {  	(tag) =	ssettag $0x1  }
0x1: {  	s0 =	rddreg [dreg:$0x0]  }
0x2: {  	s2 =	rddreg [dreg:$0x1]  }
0x3: {  	s1 =	rddreg [dreg:$0x2]  }
0x4: {  	s4 =	srdreg.scid;
	s3 =	rddreg [dreg:$0x3]  }
0x5: {  	s15 =	simm.s32 $0x0;
	s5 =	sand.u32 $0x1, s4;
	s4 =	rddreg [dreg:$0x4]  }
0x6: {  	s24 =	simm.s32 $0x14480;
	[smem:$0x7FF] =	sst s15  }
0x7: {  	s25 =	simm.s32 $0x14500;
	_ =	strace $0x80000047;
	[dreg:$0x8] =	wrdreg s24  }
0x8: {  	s11 =	stileid.u32;
	s26 =	simm.s32 $0x14580;
	[dreg:$0x9] =	wrdreg s25  }
0x9: {  	s13 =	simm.s32 $0x14680;
	s16 =	simm.s32 $0x14700;
	[dreg:$0xa] =	wrdreg s26  }
0xa: {  	s18 =	simm.s32 $0x14780;
	s7 =	smul.u32 $0x5000, s11;
	[dreg:$0xc] =	wrdreg s13  }
0xb: {  	s20 =	simm.s32 $0x14800;
	s9 =	smul.u32 $0x14000, s11;
	[dreg:$0xd] =	wrdreg s16  }
0xc: {  	s21 =	sshll.u32 s11, $0x7;
	s6 =	smul.u32 $0x50000, s5;
	[dreg:$0xe] =	wrdreg s18  }
0xd: {  	s8 =	smul.u32 $0x140000, s5;
	[dreg:$0xf] =	wrdreg s20;
	s24 =	simm.s32 $0x14900  }
0xe: {  	s22 =	ssub.s32 $0x2, s5;
	s25 =	simm.s32 $0x14980;
	[dreg:$0x11] =	wrdreg s24  }
0xf: {  	s5 =	smul.u32 $0x2800, s5;
	s10 =	sshrl.u32 s22, $0x1;
	[dreg:$0x12] =	wrdreg s25  }
0x10: {  	s24 =	simm.s32 $0x14F00;
	s25 =	simm.s32 $0x14F80;
	s6 =	sadd.s32 s7, s6  }
0x11: {  	s8 =	sadd.s32 s9, s8;
	s7 =	sadd.s32 s21, s2;
	[dreg:$0x1d] =	wrdreg s24  }
0x12: {  	s9 =	smul.u32 $0x280, s11;
	s11 =	simm.s32 $0x14600;
	[dreg:$0x1e] =	wrdreg s25  }
0x13: {  	s6 =	sshrl.u32 s6, $0x3;
	s8 =	sshrl.u32 s8, $0x3;
	s7 =	sadd.s32 $0x3400, s7  }
0x14: {  	[dreg:$0xb] =	wrdreg s11;
	s6 =	sadd.s32 s6, s2;
	s8 =	sadd.s32 s8, s2  }
0x15: {  	s2 =	ssub.s32 s22, s10;
	[smem:$0x7EC] =	sst s7;
	s22 =	simm.s32 $0x14880  }
0x16: {  	s7 =	simm.s32 $0x14A00;
	[dreg:$0x10] =	wrdreg s22  }
0x17: {  	s5 =	sadd.s32 s9, s5;
	s9 =	simm.s32 $0x14B00;
	[dreg:$0x13] =	wrdreg s7  }
0x18: {  	s23 =	sadd.s32 $0x3C00, s6;
	[dreg:$0x15] =	wrdreg s9  }
0x19: {  	s6 =	sadd.s32 $0x17C00, s6;
	[dreg:$0x6] =	wrdreg s23  }
0x1a: {  	s10 =	sadd.s32 $0x2BC00, s8;
	[dreg:$0x7] =	wrdreg s6  }
0x1b: {  	s12 =	sadd.s32 $0x2C100, s8;
	[smem:$0x7ED] =	sst s10  }
0x1c: {  	s14 =	sadd.s32 $0x2C600, s8;
	[smem:$0x7EE] =	sst s12  }
0x1d: {  	s17 =	sadd.s32 $0x2CB00, s8;
	[smem:$0x7EF] =	sst s14  }
0x1e: {  	s19 =	sadd.s32 $0x2D000, s8;
	[smem:$0x7F0] =	sst s17  }
0x1f: {  	s21 =	sadd.s32 $0x2D500, s8;
	[smem:$0x7F1] =	sst s19  }
0x20: {  	s26 =	sadd.s32 $0x2DF00, s8;
	[smem:$0x7F2] =	sst s21  }
0x21: {  	s2 =	smax.u32 s2, $0x1;
	[smem:$0x7F4] =	sst s26  }
0x22: {  	s23 =	sadd.s32 $0x2DA00, s8;
	[smem:$0x7FD] =	sst s2  }
0x23: {  	s8 =	simm.s32 $0x14A80;
	[smem:$0x7F3] =	sst s23  }
0x24: {  	s10 =	simm.s32 $0x14B80;
	[dreg:$0x14] =	wrdreg s8  }
0x25: {  	s12 =	simm.s32 $0x14C00;
	[dreg:$0x16] =	wrdreg s10  }
0x26: {  	s14 =	simm.s32 $0x14C80;
	[dreg:$0x17] =	wrdreg s12  }
0x27: {  	s28 =	simm.s32 $0x16400;
	s17 =	simm.s32 $0x14D00;
	[dreg:$0x18] =	wrdreg s14  }
0x28: {  	s29 =	simm.s32 $0x15680;
	s19 =	simm.s32 $0x14D80;
	[dreg:$0x19] =	wrdreg s17  }
0x29: {  	s5 =	sshrl.u32 s5, $0x3;
	s21 =	simm.s32 $0x14E00;
	[dreg:$0x1a] =	wrdreg s19  }
0x2a: {  	s30 =	simm.s32 $0x15700;
	s5 =	sadd.s32 s1, s5;
	[dreg:$0x1b] =	wrdreg s21  }
0x2b: {  	s31 =	simm.s32 $0x15780;
	s26 =	simm.s32 $0x15000;
	[smem:$0x7FB] =	sst s5  }
0x2c: {  	s25 =	simm.s32 $0x8;
	s11 =	sadd.s32 $0xA, s5;
	[dreg:$0x1f] =	wrdreg s26  }
0x2d: {  	s6 =	simm.s32 $0x14000;
	s13 =	sadd.s32 $0x14, s5;
	[smem:$0x7F5] =	sst s11  }
0x2e: {  	s1 =	simm.s32 $0x7;
	s16 =	sadd.s32 $0x1E, s5;
	[smem:$0x7F6] =	sst s13  }
0x2f: {  	s2 =	simm.s32 $0x0;
	s18 =	sadd.s32 $0x28, s5;
	[smem:$0x7F7] =	sst s16  }
0x30: {  	s20 =	sadd.s32 $0x32, s5;
	s22 =	sadd.s32 $0x3C, s5;
	[smem:$0x7F8] =	sst s18  }
0x31: {  	s23 =	simm.s32 $0x14E80;
	s5 =	sadd.s32 $0x46, s5;
	[smem:$0x7F9] =	sst s20  }
0x32: {  	s26 =	simm.s32 $0x50;
	s8 =	simm.s32 $0x1DE80;
	[smem:$0x7FA] =	sst s22  }
0x33: {  	s12 =	simm.s32 $0x1;
	s14 =	simm.s32 $0x2;
	[smem:$0x7FC] =	sst s5  }
0x34: {  	s17 =	simm.s32 $0x4;
	s21 =	simm.s32 $0x15500;
	[dreg:$0x1c] =	wrdreg s23  }
0x35: {  	s11 =	simm.s32 $0x18C00;
	s13 =	simm.s32 $0x1B400;
	s18 =	simm.s32 $0x3  }
0x36: {  	v0 =	vimm.f32 $0.0e+00;
	v1 =	vimm.f32 $1.000000000e+00;
	s20 =	simm.s32 $0x5;
	s22 =	simm.s32 $0x6;
	s23 =	simm.s32 $0x15580  }
.LBB2_1:
0x37: {  	s5 =	sld [smem:$0x7EC];
	_ =	sdelay $0x1  }
0x38: {  	[smem:$0x7EB] =	sst s2  }
0x39: {  	[tilespmem:s6], [sflag:$0x8] =	stream.linear.gather [hbm4b:s5+s15], $0x400, $0x38;
	[tilespmem:$0x1DF00] =	vst v63  }
0x3a: {  	_ =	swait.ge [sflag:s25], $0x400  }
0x3b: {  	[sflag:s25] =	ssyncset.done $0x0  }
0x3c: {  	s7 =	simm.s32 $0x200;
	s6 =	simm.s32 $0x0;
	[sflag:s25] =	ssyncadd.s32 $0xFFFFFC00  }
.LBB2_2:
0x3d: {  	p0 =	sne.s32 s7, $0x9E00;
	[tilespmem:s6+$0x16470] =	vst v0  }
0x3e: {  	[tilespmem:s6+$0x16400] =	vst v0  }
0x3f: {  	[tilespmem:s6+$0x16410] =	vst v0  }
.Ltmp0:
0x40: {  	[tilespmem:s6+$0x16420] =	vst v0;
	(pc) =	sbr.rel @p0 .LBB2_2-.Ltmp0, $4  }
0x41: {  	[tilespmem:s6+$0x16430] =	vst v0  }
0x42: {  	[tilespmem:s6+$0x16440] =	vst v0  }
0x43: {  	[tilespmem:s6+$0x16450] =	vst v0  }
0x44: {  	[tilespmem:s6+$0x16460] =	vst v0;
	s6 =	sshra.s32 s7, $0x2;
	s7 =	sadd.s32 $0x200, s7  }
0x45: {  	[tilespmem:s6+$0x16470] =	vst v0  }
0x46: {  	[tilespmem:s6+$0x16400] =	vst v0  }
0x47: {  	[tilespmem:s6+$0x16410] =	vst v0  }
0x48: {  	[tilespmem:s6+$0x16420] =	vst v0  }
0x49: {  	[tilespmem:s6+$0x16430] =	vst v0  }
0x4a: {  	[tilespmem:s6+$0x16440] =	vst v0  }
0x4b: {  	[tilespmem:s6+$0x16450] =	vst v0  }
0x4c: {  	[tilespmem:s6+$0x16460] =	vst v0;
	s5 =	simm.s32 $0x14000  }
0x4d: {  	[spmem:s3] =	stream.indirect.scatter [tilespmem:s28], [sflag:$0x8], $0x80, s5, s26, $0xb8;
	[tilespmem:$0x1DF00] =	vst v63  }
0x4e: {  	_ =	swait.ge [sflag:s25], $0x2800  }
0x4f: {  	[sflag:s25] =	ssyncset.done $0x0  }
0x50: {  	s19 =	simm.s32 $0x14080;
	[sflag:s25] =	ssyncadd.s32 $0xFFFFD800  }
0x51: {  	[spmem:s3] =	stream.indirect.scatter [tilespmem:s28], [sflag:$0x8], $0x80, s19, s26, $0xb8;
	[tilespmem:$0x1DF00] =	vst v63  }
0x52: {  	_ =	swait.ge [sflag:s25], $0x2800  }
0x53: {  	[sflag:s25] =	ssyncset.done $0x0  }
0x54: {  	s7 =	simm.s32 $0x14100;
	[sflag:s25] =	ssyncadd.s32 $0xFFFFD800  }
0x55: {  	[spmem:s3] =	stream.indirect.scatter [tilespmem:s28], [sflag:$0x8], $0x80, s7, s26, $0xb8;
	[tilespmem:$0x1DF00] =	vst v63  }
0x56: {  	_ =	swait.ge [sflag:s25], $0x2800  }
0x57: {  	[sflag:s25] =	ssyncset.done $0x0  }
0x58: {  	s9 =	simm.s32 $0x14180;
	[sflag:s25] =	ssyncadd.s32 $0xFFFFD800  }
0x59: {  	[spmem:s3] =	stream.indirect.scatter [tilespmem:s28], [sflag:$0x8], $0x80, s9, s26, $0xb8;
	[tilespmem:$0x1DF00] =	vst v63  }
0x5a: {  	_ =	swait.ge [sflag:s25], $0x2800  }
0x5b: {  	[sflag:s25] =	ssyncset.done $0x0  }
0x5c: {  	s24 =	simm.s32 $0x14200;
	[sflag:s25] =	ssyncadd.s32 $0xFFFFD800  }
0x5d: {  	[spmem:s3] =	stream.indirect.scatter [tilespmem:s28], [sflag:$0x8], $0x80, s24, s26, $0xb8;
	[tilespmem:$0x1DF00] =	vst v63  }
0x5e: {  	_ =	swait.ge [sflag:s25], $0x2800  }
0x5f: {  	[sflag:s25] =	ssyncset.done $0x0  }
0x60: {  	s2 =	simm.s32 $0x14280;
	[sflag:s25] =	ssyncadd.s32 $0xFFFFD800  }
0x61: {  	[spmem:s3] =	stream.indirect.scatter [tilespmem:s28], [sflag:$0x8], $0x80, s2, s26, $0xb8;
	[tilespmem:$0x1DF00] =	vst v63  }
0x62: {  	_ =	swait.ge [sflag:s25], $0x2800  }
0x63: {  	[sflag:s25] =	ssyncset.done $0x0  }
0x64: {  	s10 =	simm.s32 $0x14300;
	[sflag:s25] =	ssyncadd.s32 $0xFFFFD800  }
0x65: {  	[spmem:s3] =	stream.indirect.scatter [tilespmem:s28], [sflag:$0x8], $0x80, s10, s26, $0xb8;
	[tilespmem:$0x1DF00] =	vst v63  }
0x66: {  	_ =	swait.ge [sflag:s25], $0x2800  }
0x67: {  	[sflag:s25] =	ssyncset.done $0x0  }
0x68: {  	s16 =	simm.s32 $0x14380;
	[sflag:s25] =	ssyncadd.s32 $0xFFFFD800  }
0x69: {  	[spmem:s3] =	stream.indirect.scatter [tilespmem:s28], [sflag:$0x8], $0x80, s16, s26, $0xb8;
	[tilespmem:$0x1DF00] =	vst v63  }
0x6a: {  	_ =	swait.ge [sflag:s25], $0x2800  }
0x6b: {  	[sflag:s25] =	ssyncset.done $0x0  }
0x6c: {  	[sflag:s25] =	ssyncadd.s32 $0xFFFFD800  }
0x6d: {  	[tilespmem:$0x1DE80] =	vst v0  }
0x6e: {  	[tilespmem:$0x1DE90] =	vst v0  }
0x6f: {  	[tilespmem:$0x1DEA0] =	vst v0  }
0x70: {  	[tilespmem:$0x1DEB0] =	vst v0  }
0x71: {  	[tilespmem:$0x1DEC0] =	vst v0  }
0x72: {  	[spmem:s4] =	stream.indirect.scatter [tilespmem:s8], [sflag:$0x8], $0x1, s5, s26, $0xb8;
	[tilespmem:$0x1DF00] =	vst v63  }
0x73: {  	_ =	swait.ge [sflag:s25], $0x50  }
0x74: {  	[sflag:s25] =	ssyncset.done $0x0  }
0x75: {  	[sflag:s25] =	ssyncadd.s32 $0xFFFFFFB0  }
0x76: {  	[spmem:s4] =	stream.indirect.scatter [tilespmem:s8], [sflag:$0x8], $0x1, s19, s26, $0xb8;
	[tilespmem:$0x1DF00] =	vst v63  }
0x77: {  	_ =	swait.ge [sflag:s25], $0x50  }
0x78: {  	[sflag:s25] =	ssyncset.done $0x0  }
0x79: {  	[sflag:s25] =	ssyncadd.s32 $0xFFFFFFB0  }
0x7a: {  	[spmem:s4] =	stream.indirect.scatter [tilespmem:s8], [sflag:$0x8], $0x1, s7, s26, $0xb8;
	[tilespmem:$0x1DF00] =	vst v63  }
0x7b: {  	_ =	swait.ge [sflag:s25], $0x50  }
0x7c: {  	[sflag:s25] =	ssyncset.done $0x0  }
0x7d: {  	[sflag:s25] =	ssyncadd.s32 $0xFFFFFFB0  }
0x7e: {  	[spmem:s4] =	stream.indirect.scatter [tilespmem:s8], [sflag:$0x8], $0x1, s9, s26, $0xb8;
	[tilespmem:$0x1DF00] =	vst v63  }
0x7f: {  	_ =	swait.ge [sflag:s25], $0x50  }
0x80: {  	[sflag:s25] =	ssyncset.done $0x0  }
0x81: {  	[sflag:s25] =	ssyncadd.s32 $0xFFFFFFB0  }
0x82: {  	[spmem:s4] =	stream.indirect.scatter [tilespmem:s8], [sflag:$0x8], $0x1, s24, s26, $0xb8;
	[tilespmem:$0x1DF00] =	vst v63  }
0x83: {  	_ =	swait.ge [sflag:s25], $0x50  }
0x84: {  	[sflag:s25] =	ssyncset.done $0x0  }
0x85: {  	[sflag:s25] =	ssyncadd.s32 $0xFFFFFFB0  }
0x86: {  	[spmem:s4] =	stream.indirect.scatter [tilespmem:s8], [sflag:$0x8], $0x1, s2, s26, $0xb8;
	[tilespmem:$0x1DF00] =	vst v63  }
0x87: {  	_ =	swait.ge [sflag:s25], $0x50  }
0x88: {  	[sflag:s25] =	ssyncset.done $0x0  }
0x89: {  	[sflag:s25] =	ssyncadd.s32 $0xFFFFFFB0  }
0x8a: {  	[spmem:s4] =	stream.indirect.scatter [tilespmem:s8], [sflag:$0x8], $0x1, s10, s26, $0xb8;
	[tilespmem:$0x1DF00] =	vst v63  }
0x8b: {  	_ =	swait.ge [sflag:s25], $0x50  }
0x8c: {  	[sflag:s25] =	ssyncset.done $0x0  }
0x8d: {  	[sflag:s25] =	ssyncadd.s32 $0xFFFFFFB0  }
0x8e: {  	[spmem:s4] =	stream.indirect.scatter [tilespmem:s8], [sflag:$0x8], $0x1, s16, s26, $0xb8;
	[tilespmem:$0x1DF00] =	vst v63  }
0x8f: {  	_ =	swait.ge [sflag:s25], $0x50  }
0x90: {  	[sflag:s25] =	ssyncset.done $0x0  }
0x91: {  	[sflag:s25] =	ssyncadd.s32 $0xFFFFFFB0  }
0x92: {  	[tilespmem:$0x1DE80] =	vst v1  }
0x93: {  	[tilespmem:$0x1DE90] =	vst v1  }
0x94: {  	[tilespmem:$0x1DEA0] =	vst v1  }
0x95: {  	[tilespmem:$0x1DEB0] =	vst v1  }
0x96: {  	[tilespmem:$0x1DEC0] =	vst v1  }
0x97: {  	[bflag:$0x0] =	sbarrier.arrive $0xFFFF  }
0x98: {  	s2 =	rddreg [dreg:$0x7]  }
0x99: {  	s5 =	simm.s32 $0x14400;
	s6 =	sadd.s32 $0x0, s2  }
0x9a: {  	[tilespmem:s5], [sflag:$0x8] =	stream.linear.gather [hbm4b:s6+s15], $0xC80, $0x38;
	[tilespmem:$0x1DF00] =	vst v63  }
0x9b: {  	_ =	swait.ge [sflag:s25], $0xC80  }
0x9c: {  	s7 =	rddreg [dreg:$0x6];
	[sflag:s25] =	ssyncset.done $0x0  }
0x9d: {  	s16 =	simm.s32 $0x15400;
	[sflag:s25] =	ssyncadd.s32 $0xFFFFF380;
	s6 =	sadd.s32 $0x0, s7  }
0x9e: {  	[tilespmem:s16], [sflag:$0x8] =	stream.linear.gather [hbm4b:s6+s15], $0xC80, $0x38;
	[tilespmem:$0x1DF00] =	vst v63  }
0x9f: {  	_ =	swait.ge [sflag:s25], $0xC80  }
0xa0: {  	[sflag:s25] =	ssyncset.done $0x0  }
0xa1: {  	[sflag:s25] =	ssyncadd.s32 $0xFFFFF380  }
0xa2: {  	[tilespmem:s28], [sflag:$0x1] =	stream.indirect.gather [hbm4b:s0+s26], $0x80, s5, s26, $0xb8;
	[tilespmem:$0x1DF00] =	vst v63  }
0xa3: {  	s9 =	rddreg [dreg:$0x8]  }
0xa4: {  	[tilespmem:s11], [sflag:$0x2] =	stream.indirect.gather [hbm4b:s0+s26], $0x80, s9, s26, $0xb8;
	[tilespmem:$0x1DF00] =	vst v63  }
0xa5: {  	_ =	swait.ge [sflag:s12], $0x2800  }
0xa6: {  	[sflag:s12] =	ssyncset.done $0x0  }
0xa7: {  	[sflag:s12] =	ssyncadd.s32 $0xFFFFD800  }
0xa8: {  	[spmem:s3] =	stream.indirect.scatter.add.f32 [tilespmem:s28], [sflag:$0x4], $0x80, s16, s26, $0xb8;
	[tilespmem:$0x1DF00] =	vst v63  }
0xa9: {  	_ = 	snop  }
0xaa: {  	[spmem:s4] =	stream.indirect.scatter.add.f32 [tilespmem:s8], [sflag:$0x7], $0x1, s16, s26, $0xb8;
	[tilespmem:$0x1DF00] =	vst v63  }
0xab: {  	s10 =	rddreg [dreg:$0x9]  }
0xac: {  	[tilespmem:s13], [sflag:$0x3] =	stream.indirect.gather [hbm4b:s0+s26], $0x80, s10, s26, $0xb8;
	[tilespmem:$0x1DF00] =	vst v63  }
0xad: {  	_ =	swait.ge [sflag:s14], $0x2800  }
0xae: {  	[sflag:s14] =	ssyncset.done $0x0  }
0xaf: {  	s19 =	simm.s32 $0x15480;
	[sflag:s14] =	ssyncadd.s32 $0xFFFFD800  }
0xb0: {  	[spmem:s3] =	stream.indirect.scatter.add.f32 [tilespmem:s11], [sflag:$0x5], $0x80, s19, s26, $0xb8;
	[tilespmem:$0x1DF00] =	vst v63  }
0xb1: {  	_ = 	snop  }
0xb2: {  	[spmem:s4] =	stream.indirect.scatter.add.f32 [tilespmem:s8], [sflag:$0x7], $0x1, s19, s26, $0xb8;
	[tilespmem:$0x1DF00] =	vst v63  }
0xb3: {  	_ =	swait.ge [sflag:s17], $0x2800  }
0xb4: {  	[sflag:s17] =	ssyncset.done $0x0  }
0xb5: {  	s15 =	rddreg [dreg:$0xa];
	[sflag:s17] =	ssyncadd.s32 $0xFFFFD800  }
0xb6: {  	[tilespmem:s28], [sflag:$0x1] =	stream.indirect.gather [hbm4b:s0+s26], $0x80, s15, s26, $0xb8;
	[tilespmem:$0x1DF00] =	vst v63  }
0xb7: {  	_ =	swait.ge [sflag:s18], $0x2800  }
0xb8: {  	[sflag:s18] =	ssyncset.done $0x0  }
0xb9: {  	[sflag:s18] =	ssyncadd.s32 $0xFFFFD800  }
0xba: {  	[spmem:s3] =	stream.indirect.scatter.add.f32 [tilespmem:s13], [sflag:$0x6], $0x80, s21, s26, $0xb8;
	[tilespmem:$0x1DF00] =	vst v63  }
0xbb: {  	_ = 	snop  }
0xbc: {  	[spmem:s4] =	stream.indirect.scatter.add.f32 [tilespmem:s8], [sflag:$0x7], $0x1, s21, s26, $0xb8;
	[tilespmem:$0x1DF00] =	vst v63  }
0xbd: {  	_ =	swait.ge [sflag:s20], $0x2800  }
0xbe: {  	[sflag:s20] =	ssyncset.done $0x0  }
0xbf: {  	s24 =	rddreg [dreg:$0xb];
	[sflag:s20] =	ssyncadd.s32 $0xFFFFD800  }
0xc0: {  	[tilespmem:s11], [sflag:$0x2] =	stream.indirect.gather [hbm4b:s0+s26], $0x80, s24, s26, $0xb8;
	[tilespmem:$0x1DF00] =	vst v63  }
0xc1: {  	_ =	swait.ge [sflag:s12], $0x2800  }
0xc2: {  	[sflag:s12] =	ssyncset.done $0x0  }
0xc3: {  	[sflag:s12] =	ssyncadd.s32 $0xFFFFD800  }
0xc4: {  	[spmem:s3] =	stream.indirect.scatter.add.f32 [tilespmem:s28], [sflag:$0x4], $0x80, s23, s26, $0xb8;
	[tilespmem:$0x1DF00] =	vst v63  }
0xc5: {  	_ = 	snop  }
0xc6: {  	[spmem:s4] =	stream.indirect.scatter.add.f32 [tilespmem:s8], [sflag:$0x7], $0x1, s23, s26, $0xb8;
	[tilespmem:$0x1DF00] =	vst v63  }
0xc7: {  	_ =	swait.ge [sflag:s22], $0x2800  }
0xc8: {  	[sflag:s22] =	ssyncset.done $0x0  }
0xc9: {  	s2 =	rddreg [dreg:$0xc];
	[sflag:s22] =	ssyncadd.s32 $0xFFFFD800  }
0xca: {  	[tilespmem:s13], [sflag:$0x3] =	stream.indirect.gather [hbm4b:s0+s26], $0x80, s2, s26, $0xb8;
	[tilespmem:$0x1DF00] =	vst v63  }
0xcb: {  	_ =	swait.ge [sflag:s14], $0x2800  }
0xcc: {  	[sflag:s14] =	ssyncset.done $0x0  }
0xcd: {  	s15 =	simm.s32 $0x15600;
	[sflag:s14] =	ssyncadd.s32 $0xFFFFD800  }
0xce: {  	[spmem:s3] =	stream.indirect.scatter.add.f32 [tilespmem:s11], [sflag:$0x5], $0x80, s15, s26, $0xb8;
	[tilespmem:$0x1DF00] =	vst v63  }
0xcf: {  	_ = 	snop  }
0xd0: {  	[spmem:s4] =	stream.indirect.scatter.add.f32 [tilespmem:s8], [sflag:$0x7], $0x1, s15, s26, $0xb8;
	[tilespmem:$0x1DF00] =	vst v63  }
0xd1: {  	_ =	swait.ge [sflag:s17], $0x2800  }
0xd2: {  	[sflag:s17] =	ssyncset.done $0x0  }
0xd3: {  	s5 =	rddreg [dreg:$0xd];
	[sflag:s17] =	ssyncadd.s32 $0xFFFFD800  }
0xd4: {  	[tilespmem:s28], [sflag:$0x1] =	stream.indirect.gather [hbm4b:s0+s26], $0x80, s5, s26, $0xb8;
	[tilespmem:$0x1DF00] =	vst v63  }
0xd5: {  	_ =	swait.ge [sflag:s18], $0x2800  }
0xd6: {  	[sflag:s18] =	ssyncset.done $0x0  }
0xd7: {  	[sflag:s18] =	ssyncadd.s32 $0xFFFFD800  }
0xd8: {  	[spmem:s3] =	stream.indirect.scatter.add.f32 [tilespmem:s13], [sflag:$0x6], $0x80, s29, s26, $0xb8;
	[tilespmem:$0x1DF00] =	vst v63  }
0xd9: {  	_ = 	snop  }
0xda: {  	[spmem:s4] =	stream.indirect.scatter.add.f32 [tilespmem:s8], [sflag:$0x7], $0x1, s29, s26, $0xb8;
	[tilespmem:$0x1DF00] =	vst v63  }
0xdb: {  	_ =	swait.ge [sflag:s20], $0x2800  }
0xdc: {  	[sflag:s20] =	ssyncset.done $0x0  }
0xdd: {  	s7 =	rddreg [dreg:$0xe];
	[sflag:s20] =	ssyncadd.s32 $0xFFFFD800  }
0xde: {  	[tilespmem:s11], [sflag:$0x2] =	stream.indirect.gather [hbm4b:s0+s26], $0x80, s7, s26, $0xb8;
	[tilespmem:$0x1DF00] =	vst v63  }
0xdf: {  	_ =	swait.ge [sflag:s12], $0x2800  }
0xe0: {  	[sflag:s12] =	ssyncset.done $0x0  }
0xe1: {  	[sflag:s12] =	ssyncadd.s32 $0xFFFFD800  }
0xe2: {  	[spmem:s3] =	stream.indirect.scatter.add.f32 [tilespmem:s28], [sflag:$0x4], $0x80, s30, s26, $0xb8;
	[tilespmem:$0x1DF00] =	vst v63  }
0xe3: {  	_ = 	snop  }
0xe4: {  	[spmem:s4] =	stream.indirect.scatter.add.f32 [tilespmem:s8], [sflag:$0x7], $0x1, s30, s26, $0xb8;
	[tilespmem:$0x1DF00] =	vst v63  }
0xe5: {  	_ =	swait.ge [sflag:s22], $0x2800  }
0xe6: {  	[sflag:s22] =	ssyncset.done $0x0  }
0xe7: {  	s9 =	rddreg [dreg:$0xf];
	[sflag:s22] =	ssyncadd.s32 $0xFFFFD800  }
0xe8: {  	[tilespmem:s13], [sflag:$0x3] =	stream.indirect.gather [hbm4b:s0+s26], $0x80, s9, s26, $0xb8;
	[tilespmem:$0x1DF00] =	vst v63  }
0xe9: {  	_ =	swait.ge [sflag:s14], $0x2800  }
0xea: {  	[sflag:s14] =	ssyncset.done $0x0  }
0xeb: {  	[sflag:s14] =	ssyncadd.s32 $0xFFFFD800  }
0xec: {  	[spmem:s3] =	stream.indirect.scatter.add.f32 [tilespmem:s11], [sflag:$0x5], $0x80, s31, s26, $0xb8;
	[tilespmem:$0x1DF00] =	vst v63  }
0xed: {  	_ = 	snop  }
0xee: {  	[spmem:s4] =	stream.indirect.scatter.add.f32 [tilespmem:s8], [sflag:$0x7], $0x1, s31, s26, $0xb8;
	[tilespmem:$0x1DF00] =	vst v63  }
0xef: {  	_ =	swait.ge [sflag:s17], $0x2800  }
0xf0: {  	[sflag:s17] =	ssyncset.done $0x0  }
0xf1: {  	s10 =	rddreg [dreg:$0x10];
	[sflag:s17] =	ssyncadd.s32 $0xFFFFD800  }
0xf2: {  	[tilespmem:s28], [sflag:$0x1] =	stream.indirect.gather [hbm4b:s0+s26], $0x80, s10, s26, $0xb8;
	[tilespmem:$0x1DF00] =	vst v63  }
0xf3: {  	_ =	swait.ge [sflag:s18], $0x2800  }
0xf4: {  	[sflag:s18] =	ssyncset.done $0x0  }
0xf5: {  	s24 =	simm.s32 $0x15800;
	[sflag:s18] =	ssyncadd.s32 $0xFFFFD800  }
0xf6: {  	[spmem:s3] =	stream.indirect.scatter.add.f32 [tilespmem:s13], [sflag:$0x6], $0x80, s24, s26, $0xb8;
	[tilespmem:$0x1DF00] =	vst v63  }
0xf7: {  	_ = 	snop  }
0xf8: {  	[spmem:s4] =	stream.indirect.scatter.add.f32 [tilespmem:s8], [sflag:$0x7], $0x1, s24, s26, $0xb8;
	[tilespmem:$0x1DF00] =	vst v63  }
0xf9: {  	_ =	swait.ge [sflag:s20], $0x2800  }
0xfa: {  	[sflag:s20] =	ssyncset.done $0x0  }
0xfb: {  	s5 =	rddreg [dreg:$0x11];
	[sflag:s20] =	ssyncadd.s32 $0xFFFFD800  }
0xfc: {  	[tilespmem:s11], [sflag:$0x2] =	stream.indirect.gather [hbm4b:s0+s26], $0x80, s5, s26, $0xb8;
	[tilespmem:$0x1DF00] =	vst v63  }
0xfd: {  	_ =	swait.ge [sflag:s12], $0x2800  }
0xfe: {  	[sflag:s12] =	ssyncset.done $0x0  }
0xff: {  	s6 =	simm.s32 $0x15880;
	[sflag:s12] =	ssyncadd.s32 $0xFFFFD800  }
0x100: {  	[spmem:s3] =	stream.indirect.scatter.add.f32 [tilespmem:s28], [sflag:$0x4], $0x80, s6, s26, $0xb8;
	[tilespmem:$0x1DF00] =	vst v63  }
0x101: {  	_ = 	snop  }
0x102: {  	[spmem:s4] =	stream.indirect.scatter.add.f32 [tilespmem:s8], [sflag:$0x7], $0x1, s6, s26, $0xb8;
	[tilespmem:$0x1DF00] =	vst v63  }
0x103: {  	_ =	swait.ge [sflag:s22], $0x2800  }
0x104: {  	[sflag:s22] =	ssyncset.done $0x0  }
0x105: {  	s7 =	rddreg [dreg:$0x12];
	[sflag:s22] =	ssyncadd.s32 $0xFFFFD800  }
0x106: {  	[tilespmem:s13], [sflag:$0x3] =	stream.indirect.gather [hbm4b:s0+s26], $0x80, s7, s26, $0xb8;
	[tilespmem:$0x1DF00] =	vst v63  }
0x107: {  	_ =	swait.ge [sflag:s14], $0x2800  }
0x108: {  	[sflag:s14] =	ssyncset.done $0x0  }
0x109: {  	s10 =	simm.s32 $0x15900;
	[sflag:s14] =	ssyncadd.s32 $0xFFFFD800  }
0x10a: {  	[spmem:s3] =	stream.indirect.scatter.add.f32 [tilespmem:s11], [sflag:$0x5], $0x80, s10, s26, $0xb8;
	[tilespmem:$0x1DF00] =	vst v63  }
0x10b: {  	_ = 	snop  }
0x10c: {  	[spmem:s4] =	stream.indirect.scatter.add.f32 [tilespmem:s8], [sflag:$0x7], $0x1, s10, s26, $0xb8;
	[tilespmem:$0x1DF00] =	vst v63  }
0x10d: {  	_ =	swait.ge [sflag:s17], $0x2800  }
0x10e: {  	[sflag:s17] =	ssyncset.done $0x0  }
0x10f: {  	s9 =	rddreg [dreg:$0x13];
	[sflag:s17] =	ssyncadd.s32 $0xFFFFD800  }
0x110: {  	[tilespmem:s28], [sflag:$0x1] =	stream.indirect.gather [hbm4b:s0+s26], $0x80, s9, s26, $0xb8;
	[tilespmem:$0x1DF00] =	vst v63  }
0x111: {  	_ =	swait.ge [sflag:s18], $0x2800  }
0x112: {  	[sflag:s18] =	ssyncset.done $0x0  }
0x113: {  	s24 =	simm.s32 $0x15980;
	[sflag:s18] =	ssyncadd.s32 $0xFFFFD800  }
0x114: {  	[spmem:s3] =	stream.indirect.scatter.add.f32 [tilespmem:s13], [sflag:$0x6], $0x80, s24, s26, $0xb8;
	[tilespmem:$0x1DF00] =	vst v63  }
0x115: {  	_ = 	snop  }
0x116: {  	[spmem:s4] =	stream.indirect.scatter.add.f32 [tilespmem:s8], [sflag:$0x7], $0x1, s24, s26, $0xb8;
	[tilespmem:$0x1DF00] =	vst v63  }
0x117: {  	_ =	swait.ge [sflag:s20], $0x2800  }
0x118: {  	[sflag:s20] =	ssyncset.done $0x0  }
0x119: {  	s5 =	rddreg [dreg:$0x14];
	[sflag:s20] =	ssyncadd.s32 $0xFFFFD800  }
0x11a: {  	[tilespmem:s11], [sflag:$0x2] =	stream.indirect.gather [hbm4b:s0+s26], $0x80, s5, s26, $0xb8;
	[tilespmem:$0x1DF00] =	vst v63  }
0x11b: {  	_ =	swait.ge [sflag:s12], $0x2800  }
0x11c: {  	[sflag:s12] =	ssyncset.done $0x0  }
0x11d: {  	s7 =	simm.s32 $0x15A00;
	[sflag:s12] =	ssyncadd.s32 $0xFFFFD800  }
0x11e: {  	[spmem:s3] =	stream.indirect.scatter.add.f32 [tilespmem:s28], [sflag:$0x4], $0x80, s7, s26, $0xb8;
	[tilespmem:$0x1DF00] =	vst v63  }
0x11f: {  	_ = 	snop  }
0x120: {  	[spmem:s4] =	stream.indirect.scatter.add.f32 [tilespmem:s8], [sflag:$0x7], $0x1, s7, s26, $0xb8;
	[tilespmem:$0x1DF00] =	vst v63  }
0x121: {  	_ =	swait.ge [sflag:s22], $0x2800  }
0x122: {  	[sflag:s22] =	ssyncset.done $0x0  }
0x123: {  	s9 =	rddreg [dreg:$0x15];
	[sflag:s22] =	ssyncadd.s32 $0xFFFFD800  }
0x124: {  	[tilespmem:s13], [sflag:$0x3] =	stream.indirect.gather [hbm4b:s0+s26], $0x80, s9, s26, $0xb8;
	[tilespmem:$0x1DF00] =	vst v63  }
0x125: {  	_ =	swait.ge [sflag:s14], $0x2800  }
0x126: {  	[sflag:s14] =	ssyncset.done $0x0  }
0x127: {  	s24 =	simm.s32 $0x15A80;
	[sflag:s14] =	ssyncadd.s32 $0xFFFFD800  }
0x128: {  	[spmem:s3] =	stream.indirect.scatter.add.f32 [tilespmem:s11], [sflag:$0x5], $0x80, s24, s26, $0xb8;
	[tilespmem:$0x1DF00] =	vst v63  }
0x129: {  	_ = 	snop  }
0x12a: {  	[spmem:s4] =	stream.indirect.scatter.add.f32 [tilespmem:s8], [sflag:$0x7], $0x1, s24, s26, $0xb8;
	[tilespmem:$0x1DF00] =	vst v63  }
0x12b: {  	_ =	swait.ge [sflag:s17], $0x2800  }
0x12c: {  	[sflag:s17] =	ssyncset.done $0x0  }
0x12d: {  	s5 =	rddreg [dreg:$0x16];
	[sflag:s17] =	ssyncadd.s32 $0xFFFFD800  }
0x12e: {  	[tilespmem:s28], [sflag:$0x1] =	stream.indirect.gather [hbm4b:s0+s26], $0x80, s5, s26, $0xb8;
	[tilespmem:$0x1DF00] =	vst v63  }
0x12f: {  	_ =	swait.ge [sflag:s18], $0x2800  }
0x130: {  	[sflag:s18] =	ssyncset.done $0x0  }
0x131: {  	s7 =	simm.s32 $0x15B00;
	[sflag:s18] =	ssyncadd.s32 $0xFFFFD800  }
0x132: {  	[spmem:s3] =	stream.indirect.scatter.add.f32 [tilespmem:s13], [sflag:$0x6], $0x80, s7, s26, $0xb8;
	[tilespmem:$0x1DF00] =	vst v63  }
0x133: {  	_ = 	snop  }
0x134: {  	[spmem:s4] =	stream.indirect.scatter.add.f32 [tilespmem:s8], [sflag:$0x7], $0x1, s7, s26, $0xb8;
	[tilespmem:$0x1DF00] =	vst v63  }
0x135: {  	_ =	swait.ge [sflag:s20], $0x2800  }
0x136: {  	[sflag:s20] =	ssyncset.done $0x0  }
0x137: {  	s9 =	rddreg [dreg:$0x17];
	[sflag:s20] =	ssyncadd.s32 $0xFFFFD800  }
0x138: {  	[tilespmem:s11], [sflag:$0x2] =	stream.indirect.gather [hbm4b:s0+s26], $0x80, s9, s26, $0xb8;
	[tilespmem:$0x1DF00] =	vst v63  }
0x139: {  	_ =	swait.ge [sflag:s12], $0x2800  }
0x13a: {  	[sflag:s12] =	ssyncset.done $0x0  }
0x13b: {  	s24 =	simm.s32 $0x15B80;
	[sflag:s12] =	ssyncadd.s32 $0xFFFFD800  }
0x13c: {  	[spmem:s3] =	stream.indirect.scatter.add.f32 [tilespmem:s28], [sflag:$0x4], $0x80, s24, s26, $0xb8;
	[tilespmem:$0x1DF00] =	vst v63  }
0x13d: {  	_ = 	snop  }
0x13e: {  	[spmem:s4] =	stream.indirect.scatter.add.f32 [tilespmem:s8], [sflag:$0x7], $0x1, s24, s26, $0xb8;
	[tilespmem:$0x1DF00] =	vst v63  }
0x13f: {  	_ =	swait.ge [sflag:s22], $0x2800  }
0x140: {  	[sflag:s22] =	ssyncset.done $0x0  }
0x141: {  	s5 =	rddreg [dreg:$0x18];
	[sflag:s22] =	ssyncadd.s32 $0xFFFFD800  }
0x142: {  	[tilespmem:s13], [sflag:$0x3] =	stream.indirect.gather [hbm4b:s0+s26], $0x80, s5, s26, $0xb8;
	[tilespmem:$0x1DF00] =	vst v63  }
0x143: {  	_ =	swait.ge [sflag:s14], $0x2800  }
0x144: {  	[sflag:s14] =	ssyncset.done $0x0  }
0x145: {  	s7 =	simm.s32 $0x15C00;
	[sflag:s14] =	ssyncadd.s32 $0xFFFFD800  }
0x146: {  	[spmem:s3] =	stream.indirect.scatter.add.f32 [tilespmem:s11], [sflag:$0x5], $0x80, s7, s26, $0xb8;
	[tilespmem:$0x1DF00] =	vst v63  }
0x147: {  	_ = 	snop  }
0x148: {  	[spmem:s4] =	stream.indirect.scatter.add.f32 [tilespmem:s8], [sflag:$0x7], $0x1, s7, s26, $0xb8;
	[tilespmem:$0x1DF00] =	vst v63  }
0x149: {  	_ =	swait.ge [sflag:s17], $0x2800  }
0x14a: {  	[sflag:s17] =	ssyncset.done $0x0  }
0x14b: {  	s9 =	rddreg [dreg:$0x19];
	[sflag:s17] =	ssyncadd.s32 $0xFFFFD800  }
0x14c: {  	[tilespmem:s28], [sflag:$0x1] =	stream.indirect.gather [hbm4b:s0+s26], $0x80, s9, s26, $0xb8;
	[tilespmem:$0x1DF00] =	vst v63  }
0x14d: {  	_ =	swait.ge [sflag:s18], $0x2800  }
0x14e: {  	[sflag:s18] =	ssyncset.done $0x0  }
0x14f: {  	s24 =	simm.s32 $0x15C80;
	[sflag:s18] =	ssyncadd.s32 $0xFFFFD800  }
0x150: {  	[spmem:s3] =	stream.indirect.scatter.add.f32 [tilespmem:s13], [sflag:$0x6], $0x80, s24, s26, $0xb8;
	[tilespmem:$0x1DF00] =	vst v63  }
0x151: {  	_ = 	snop  }
0x152: {  	[spmem:s4] =	stream.indirect.scatter.add.f32 [tilespmem:s8], [sflag:$0x7], $0x1, s24, s26, $0xb8;
	[tilespmem:$0x1DF00] =	vst v63  }
0x153: {  	_ =	swait.ge [sflag:s20], $0x2800  }
0x154: {  	[sflag:s20] =	ssyncset.done $0x0  }
0x155: {  	s5 =	rddreg [dreg:$0x1a];
	[sflag:s20] =	ssyncadd.s32 $0xFFFFD800  }
0x156: {  	[tilespmem:s11], [sflag:$0x2] =	stream.indirect.gather [hbm4b:s0+s26], $0x80, s5, s26, $0xb8;
	[tilespmem:$0x1DF00] =	vst v63  }
0x157: {  	_ =	swait.ge [sflag:s12], $0x2800  }
0x158: {  	[sflag:s12] =	ssyncset.done $0x0  }
0x159: {  	s7 =	simm.s32 $0x15D00;
	[sflag:s12] =	ssyncadd.s32 $0xFFFFD800  }
0x15a: {  	[spmem:s3] =	stream.indirect.scatter.add.f32 [tilespmem:s28], [sflag:$0x4], $0x80, s7, s26, $0xb8;
	[tilespmem:$0x1DF00] =	vst v63  }
0x15b: {  	_ = 	snop  }
0x15c: {  	[spmem:s4] =	stream.indirect.scatter.add.f32 [tilespmem:s8], [sflag:$0x7], $0x1, s7, s26, $0xb8;
	[tilespmem:$0x1DF00] =	vst v63  }
0x15d: {  	_ =	swait.ge [sflag:s22], $0x2800  }
0x15e: {  	[sflag:s22] =	ssyncset.done $0x0  }
0x15f: {  	s9 =	rddreg [dreg:$0x1b];
	[sflag:s22] =	ssyncadd.s32 $0xFFFFD800  }
0x160: {  	[tilespmem:s13], [sflag:$0x3] =	stream.indirect.gather [hbm4b:s0+s26], $0x80, s9, s26, $0xb8;
	[tilespmem:$0x1DF00] =	vst v63  }
0x161: {  	_ =	swait.ge [sflag:s14], $0x2800  }
0x162: {  	[sflag:s14] =	ssyncset.done $0x0  }
0x163: {  	s24 =	simm.s32 $0x15D80;
	[sflag:s14] =	ssyncadd.s32 $0xFFFFD800  }
0x164: {  	[spmem:s3] =	stream.indirect.scatter.add.f32 [tilespmem:s11], [sflag:$0x5], $0x80, s24, s26, $0xb8;
	[tilespmem:$0x1DF00] =	vst v63  }
0x165: {  	_ = 	snop  }
0x166: {  	[spmem:s4] =	stream.indirect.scatter.add.f32 [tilespmem:s8], [sflag:$0x7], $0x1, s24, s26, $0xb8;
	[tilespmem:$0x1DF00] =	vst v63  }
0x167: {  	_ =	swait.ge [sflag:s17], $0x2800  }
0x168: {  	[sflag:s17] =	ssyncset.done $0x0  }
0x169: {  	s5 =	rddreg [dreg:$0x1c];
	[sflag:s17] =	ssyncadd.s32 $0xFFFFD800  }
0x16a: {  	[tilespmem:s28], [sflag:$0x1] =	stream.indirect.gather [hbm4b:s0+s26], $0x80, s5, s26, $0xb8;
	[tilespmem:$0x1DF00] =	vst v63  }
0x16b: {  	_ =	swait.ge [sflag:s18], $0x2800  }
0x16c: {  	[sflag:s18] =	ssyncset.done $0x0  }
0x16d: {  	s7 =	simm.s32 $0x15E00;
	[sflag:s18] =	ssyncadd.s32 $0xFFFFD800  }
0x16e: {  	[spmem:s3] =	stream.indirect.scatter.add.f32 [tilespmem:s13], [sflag:$0x6], $0x80, s7, s26, $0xb8;
	[tilespmem:$0x1DF00] =	vst v63  }
0x16f: {  	_ = 	snop  }
0x170: {  	[spmem:s4] =	stream.indirect.scatter.add.f32 [tilespmem:s8], [sflag:$0x7], $0x1, s7, s26, $0xb8;
	[tilespmem:$0x1DF00] =	vst v63  }
0x171: {  	_ =	swait.ge [sflag:s20], $0x2800  }
0x172: {  	[sflag:s20] =	ssyncset.done $0x0  }
0x173: {  	s9 =	rddreg [dreg:$0x1d];
	[sflag:s20] =	ssyncadd.s32 $0xFFFFD800  }
0x174: {  	[tilespmem:s11], [sflag:$0x2] =	stream.indirect.gather [hbm4b:s0+s26], $0x80, s9, s26, $0xb8;
	[tilespmem:$0x1DF00] =	vst v63  }
0x175: {  	_ =	swait.ge [sflag:s12], $0x2800  }
0x176: {  	[sflag:s12] =	ssyncset.done $0x0  }
0x177: {  	s24 =	simm.s32 $0x15E80;
	[sflag:s12] =	ssyncadd.s32 $0xFFFFD800  }
0x178: {  	[spmem:s3] =	stream.indirect.scatter.add.f32 [tilespmem:s28], [sflag:$0x4], $0x80, s24, s26, $0xb8;
	[tilespmem:$0x1DF00] =	vst v63  }
0x179: {  	_ = 	snop  }
0x17a: {  	[spmem:s4] =	stream.indirect.scatter.add.f32 [tilespmem:s8], [sflag:$0x7], $0x1, s24, s26, $0xb8;
	[tilespmem:$0x1DF00] =	vst v63  }
0x17b: {  	_ =	swait.ge [sflag:s22], $0x2800  }
0x17c: {  	[sflag:s22] =	ssyncset.done $0x0  }
0x17d: {  	s5 =	rddreg [dreg:$0x1e];
	[sflag:s22] =	ssyncadd.s32 $0xFFFFD800  }
0x17e: {  	[tilespmem:s13], [sflag:$0x3] =	stream.indirect.gather [hbm4b:s0+s26], $0x80, s5, s26, $0xb8;
	[tilespmem:$0x1DF00] =	vst v63  }
0x17f: {  	_ =	swait.ge [sflag:s14], $0x2800  }
0x180: {  	[sflag:s14] =	ssyncset.done $0x0  }
0x181: {  	s6 =	simm.s32 $0x15F00;
	[sflag:s14] =	ssyncadd.s32 $0xFFFFD800  }
0x182: {  	[spmem:s3] =	stream.indirect.scatter.add.f32 [tilespmem:s11], [sflag:$0x5], $0x80, s6, s26, $0xb8;
	[tilespmem:$0x1DF00] =	vst v63  }
0x183: {  	_ = 	snop  }
0x184: {  	[spmem:s4] =	stream.indirect.scatter.add.f32 [tilespmem:s8], [sflag:$0x7], $0x1, s6, s26, $0xb8;
	[tilespmem:$0x1DF00] =	vst v63  }
0x185: {  	_ =	swait.ge [sflag:s17], $0x2800  }
0x186: {  	[sflag:s17] =	ssyncset.done $0x0  }
0x187: {  	s7 =	rddreg [dreg:$0x1f];
	[sflag:s17] =	ssyncadd.s32 $0xFFFFD800  }
0x188: {  	[tilespmem:s28], [sflag:$0x1] =	stream.indirect.gather [hbm4b:s0+s26], $0x80, s7, s26, $0xb8;
	[tilespmem:$0x1DF00] =	vst v63  }
0x189: {  	_ =	swait.ge [sflag:s18], $0x2800  }
0x18a: {  	[sflag:s18] =	ssyncset.done $0x0  }
0x18b: {  	s9 =	simm.s32 $0x15F80;
	[sflag:s18] =	ssyncadd.s32 $0xFFFFD800  }
0x18c: {  	[spmem:s3] =	stream.indirect.scatter.add.f32 [tilespmem:s13], [sflag:$0x6], $0x80, s9, s26, $0xb8;
	[tilespmem:$0x1DF00] =	vst v63  }
0x18d: {  	_ = 	snop  }
0x18e: {  	[spmem:s4] =	stream.indirect.scatter.add.f32 [tilespmem:s8], [sflag:$0x7], $0x1, s9, s26, $0xb8;
	[tilespmem:$0x1DF00] =	vst v63  }
0x18f: {  	_ =	swait.ge [sflag:s20], $0x2800  }
0x190: {  	[sflag:s20] =	ssyncset.done $0x0  }
0x191: {  	[sflag:s20] =	ssyncadd.s32 $0xFFFFD800  }
0x192: {  	_ =	swait.ge [sflag:s12], $0x2800  }
0x193: {  	[sflag:s12] =	ssyncset.done $0x0  }
0x194: {  	s24 =	simm.s32 $0x16000;
	[sflag:s12] =	ssyncadd.s32 $0xFFFFD800  }
0x195: {  	[spmem:s3] =	stream.indirect.scatter.add.f32 [tilespmem:s28], [sflag:$0x4], $0x80, s24, s26, $0xb8;
	[tilespmem:$0x1DF00] =	vst v63  }
0x196: {  	_ = 	snop  }
0x197: {  	[spmem:s4] =	stream.indirect.scatter.add.f32 [tilespmem:s8], [sflag:$0x7], $0x1, s24, s26, $0xb8;
	[tilespmem:$0x1DF00] =	vst v63  }
0x198: {  	_ =	swait.ge [sflag:s22], $0x2800  }
0x199: {  	[sflag:s22] =	ssyncset.done $0x0  }
0x19a: {  	[sflag:s22] =	ssyncadd.s32 $0xFFFFD800  }
0x19b: {  	_ =	swait.ge [sflag:s17], $0x2800  }
0x19c: {  	[sflag:s17] =	ssyncset.done $0x0  }
0x19d: {  	[sflag:s17] =	ssyncadd.s32 $0xFFFFD800  }
0x19e: {  	_ =	swait.ge [sflag:s1], $0x50  }
0x19f: {  	[sflag:s1] =	ssyncset.done $0x0  }
0x1a0: {  	[sflag:s1] =	ssyncadd.s32 $0xFFFFFFB0  }
0x1a1: {  	_ =	swait.ge [sflag:s1], $0x50  }
0x1a2: {  	[sflag:s1] =	ssyncset.done $0x0  }
0x1a3: {  	[sflag:s1] =	ssyncadd.s32 $0xFFFFFFB0  }
0x1a4: {  	_ =	swait.ge [sflag:s1], $0x50  }
0x1a5: {  	[sflag:s1] =	ssyncset.done $0x0  }
0x1a6: {  	[sflag:s1] =	ssyncadd.s32 $0xFFFFFFB0  }
0x1a7: {  	_ =	swait.ge [sflag:s1], $0x50  }
0x1a8: {  	[sflag:s1] =	ssyncset.done $0x0  }
0x1a9: {  	[sflag:s1] =	ssyncadd.s32 $0xFFFFFFB0  }
0x1aa: {  	_ =	swait.ge [sflag:s1], $0x50  }
0x1ab: {  	[sflag:s1] =	ssyncset.done $0x0  }
0x1ac: {  	[sflag:s1] =	ssyncadd.s32 $0xFFFFFFB0  }
0x1ad: {  	_ =	swait.ge [sflag:s1], $0x50  }
0x1ae: {  	[sflag:s1] =	ssyncset.done $0x0  }
0x1af: {  	[sflag:s1] =	ssyncadd.s32 $0xFFFFFFB0  }
0x1b0: {  	_ =	swait.ge [sflag:s1], $0x50  }
0x1b1: {  	[sflag:s1] =	ssyncset.done $0x0  }
0x1b2: {  	[sflag:s1] =	ssyncadd.s32 $0xFFFFFFB0  }
0x1b3: {  	_ =	swait.ge [sflag:s1], $0x50  }
0x1b4: {  	[sflag:s1] =	ssyncset.done $0x0  }
0x1b5: {  	[sflag:s1] =	ssyncadd.s32 $0xFFFFFFB0  }
0x1b6: {  	_ =	swait.ge [sflag:s1], $0x50  }
0x1b7: {  	[sflag:s1] =	ssyncset.done $0x0  }
0x1b8: {  	[sflag:s1] =	ssyncadd.s32 $0xFFFFFFB0  }
0x1b9: {  	_ =	swait.ge [sflag:s1], $0x50  }
0x1ba: {  	[sflag:s1] =	ssyncset.done $0x0  }
0x1bb: {  	[sflag:s1] =	ssyncadd.s32 $0xFFFFFFB0  }
0x1bc: {  	_ =	swait.ge [sflag:s1], $0x50  }
0x1bd: {  	[sflag:s1] =	ssyncset.done $0x0  }
0x1be: {  	[sflag:s1] =	ssyncadd.s32 $0xFFFFFFB0  }
0x1bf: {  	_ =	swait.ge [sflag:s1], $0x50  }
0x1c0: {  	[sflag:s1] =	ssyncset.done $0x0  }
0x1c1: {  	[sflag:s1] =	ssyncadd.s32 $0xFFFFFFB0  }
0x1c2: {  	_ =	swait.ge [sflag:s1], $0x50  }
0x1c3: {  	[sflag:s1] =	ssyncset.done $0x0  }
0x1c4: {  	[sflag:s1] =	ssyncadd.s32 $0xFFFFFFB0  }
0x1c5: {  	_ =	swait.ge [sflag:s1], $0x50  }
0x1c6: {  	[sflag:s1] =	ssyncset.done $0x0  }
0x1c7: {  	[sflag:s1] =	ssyncadd.s32 $0xFFFFFFB0  }
0x1c8: {  	_ =	swait.ge [sflag:s1], $0x50  }
0x1c9: {  	[sflag:s1] =	ssyncset.done $0x0  }
0x1ca: {  	[sflag:s1] =	ssyncadd.s32 $0xFFFFFFB0  }
0x1cb: {  	_ =	swait.ge [sflag:s1], $0x50  }
0x1cc: {  	[sflag:s1] =	ssyncset.done $0x0  }
0x1cd: {  	[sflag:s1] =	ssyncadd.s32 $0xFFFFFFB0  }
0x1ce: {  	_ =	swait.ge [sflag:s1], $0x50  }
0x1cf: {  	[sflag:s1] =	ssyncset.done $0x0  }
0x1d0: {  	[sflag:s1] =	ssyncadd.s32 $0xFFFFFFB0  }
0x1d1: {  	_ =	swait.ge [sflag:s1], $0x50  }
0x1d2: {  	[sflag:s1] =	ssyncset.done $0x0  }
0x1d3: {  	[sflag:s1] =	ssyncadd.s32 $0xFFFFFFB0  }
0x1d4: {  	_ =	swait.ge [sflag:s1], $0x50  }
0x1d5: {  	[sflag:s1] =	ssyncset.done $0x0  }
0x1d6: {  	[sflag:s1] =	ssyncadd.s32 $0xFFFFFFB0  }
0x1d7: {  	_ =	swait.ge [sflag:s1], $0x50  }
0x1d8: {  	[sflag:s1] =	ssyncset.done $0x0  }
0x1d9: {  	[sflag:s1] =	ssyncadd.s32 $0xFFFFFFB0  }
0x1da: {  	_ =	swait.ge [sflag:s1], $0x50  }
0x1db: {  	[sflag:s1] =	ssyncset.done $0x0  }
0x1dc: {  	[sflag:s1] =	ssyncadd.s32 $0xFFFFFFB0  }
0x1dd: {  	_ =	swait.ge [sflag:s1], $0x50  }
0x1de: {  	[sflag:s1] =	ssyncset.done $0x0  }
0x1df: {  	[sflag:s1] =	ssyncadd.s32 $0xFFFFFFB0  }
0x1e0: {  	_ =	swait.ge [sflag:s1], $0x50  }
0x1e1: {  	[sflag:s1] =	ssyncset.done $0x0  }
0x1e2: {  	[sflag:s1] =	ssyncadd.s32 $0xFFFFFFB0  }
0x1e3: {  	_ =	swait.ge [sflag:s1], $0x50  }
0x1e4: {  	[sflag:s1] =	ssyncset.done $0x0  }
0x1e5: {  	[sflag:s1] =	ssyncadd.s32 $0xFFFFFFB0  }
0x1e6: {  	s6 =	simm.s32 $0x200;
	_ =	swait.ge [sflag:s1], $0x50  }
0x1e7: {  	s7 =	simm.s32 $0x400;
	s24 =	rddreg [dreg:$0x7];
	[sflag:s1] =	ssyncset.done $0x0  }
.LBB2_4:
0x1e8: {  	[sflag:s1] =	ssyncadd.s32 $0xFFFFFFB0  }
0x1e9: {  	s24 =	sadd.s32 s6, s24;
	s2 =	simm.s32 $0x0;
	s9 =	simm.s32 $0x14400  }
0x1ea: {  	[tilespmem:s9], [sflag:$0x8] =	stream.linear.gather [hbm4b:s24+s2], $0xC80, $0x38;
	[tilespmem:$0x1DF00] =	vst v63  }
0x1eb: {  	_ =	swait.ge [sflag:s25], $0xC80  }
0x1ec: {  	s24 =	rddreg [dreg:$0x6];
	[sflag:s25] =	ssyncset.done $0x0  }
0x1ed: {  	[sflag:s25] =	ssyncadd.s32 $0xFFFFF380;
	s24 =	sadd.s32 s6, s24  }
0x1ee: {  	[tilespmem:s16], [sflag:$0x8] =	stream.linear.gather [hbm4b:s24+s2], $0xC80, $0x38;
	[tilespmem:$0x1DF00] =	vst v63  }
0x1ef: {  	_ =	swait.ge [sflag:s25], $0xC80  }
0x1f0: {  	[sflag:s25] =	ssyncset.done $0x0  }
0x1f1: {  	[sflag:s25] =	ssyncadd.s32 $0xFFFFF380  }
0x1f2: {  	[tilespmem:s28], [sflag:$0x1] =	stream.indirect.gather [hbm4b:s0+s26], $0x80, s9, s26, $0xb8;
	[tilespmem:$0x1DF00] =	vst v63  }
0x1f3: {  	s24 =	rddreg [dreg:$0x8]  }
0x1f4: {  	[tilespmem:s11], [sflag:$0x2] =	stream.indirect.gather [hbm4b:s0+s26], $0x80, s24, s26, $0xb8;
	[tilespmem:$0x1DF00] =	vst v63  }
0x1f5: {  	_ =	swait.ge [sflag:s12], $0x2800  }
0x1f6: {  	[sflag:s12] =	ssyncset.done $0x0  }
0x1f7: {  	[sflag:s12] =	ssyncadd.s32 $0xFFFFD800  }
0x1f8: {  	[spmem:s3] =	stream.indirect.scatter.add.f32 [tilespmem:s28], [sflag:$0x4], $0x80, s16, s26, $0xb8;
	[tilespmem:$0x1DF00] =	vst v63  }
0x1f9: {  	_ = 	snop  }
0x1fa: {  	[spmem:s4] =	stream.indirect.scatter.add.f32 [tilespmem:s8], [sflag:$0x7], $0x1, s16, s26, $0xb8;
	[tilespmem:$0x1DF00] =	vst v63  }
0x1fb: {  	s2 =	rddreg [dreg:$0x9]  }
0x1fc: {  	[tilespmem:s13], [sflag:$0x3] =	stream.indirect.gather [hbm4b:s0+s26], $0x80, s2, s26, $0xb8;
	[tilespmem:$0x1DF00] =	vst v63  }
0x1fd: {  	_ =	swait.ge [sflag:s14], $0x2800  }
0x1fe: {  	[sflag:s14] =	ssyncset.done $0x0  }
0x1ff: {  	[sflag:s14] =	ssyncadd.s32 $0xFFFFD800  }
0x200: {  	[spmem:s3] =	stream.indirect.scatter.add.f32 [tilespmem:s11], [sflag:$0x5], $0x80, s19, s26, $0xb8;
	[tilespmem:$0x1DF00] =	vst v63  }
0x201: {  	_ = 	snop  }
0x202: {  	[spmem:s4] =	stream.indirect.scatter.add.f32 [tilespmem:s8], [sflag:$0x7], $0x1, s19, s26, $0xb8;
	[tilespmem:$0x1DF00] =	vst v63  }
0x203: {  	_ =	swait.ge [sflag:s17], $0x2800  }
0x204: {  	[sflag:s17] =	ssyncset.done $0x0  }
0x205: {  	s9 =	rddreg [dreg:$0xa];
	[sflag:s17] =	ssyncadd.s32 $0xFFFFD800  }
0x206: {  	[tilespmem:s28], [sflag:$0x1] =	stream.indirect.gather [hbm4b:s0+s26], $0x80, s9, s26, $0xb8;
	[tilespmem:$0x1DF00] =	vst v63  }
0x207: {  	_ =	swait.ge [sflag:s18], $0x2800  }
0x208: {  	[sflag:s18] =	ssyncset.done $0x0  }
0x209: {  	[sflag:s18] =	ssyncadd.s32 $0xFFFFD800  }
0x20a: {  	[spmem:s3] =	stream.indirect.scatter.add.f32 [tilespmem:s13], [sflag:$0x6], $0x80, s21, s26, $0xb8;
	[tilespmem:$0x1DF00] =	vst v63  }
0x20b: {  	_ = 	snop  }
0x20c: {  	[spmem:s4] =	stream.indirect.scatter.add.f32 [tilespmem:s8], [sflag:$0x7], $0x1, s21, s26, $0xb8;
	[tilespmem:$0x1DF00] =	vst v63  }
0x20d: {  	_ =	swait.ge [sflag:s20], $0x2800  }
0x20e: {  	[sflag:s20] =	ssyncset.done $0x0  }
0x20f: {  	s24 =	rddreg [dreg:$0xb];
	[sflag:s20] =	ssyncadd.s32 $0xFFFFD800  }
0x210: {  	[tilespmem:s11], [sflag:$0x2] =	stream.indirect.gather [hbm4b:s0+s26], $0x80, s24, s26, $0xb8;
	[tilespmem:$0x1DF00] =	vst v63  }
0x211: {  	_ =	swait.ge [sflag:s12], $0x2800  }
0x212: {  	[sflag:s12] =	ssyncset.done $0x0  }
0x213: {  	[sflag:s12] =	ssyncadd.s32 $0xFFFFD800  }
0x214: {  	[spmem:s3] =	stream.indirect.scatter.add.f32 [tilespmem:s28], [sflag:$0x4], $0x80, s23, s26, $0xb8;
	[tilespmem:$0x1DF00] =	vst v63  }
0x215: {  	_ = 	snop  }
0x216: {  	[spmem:s4] =	stream.indirect.scatter.add.f32 [tilespmem:s8], [sflag:$0x7], $0x1, s23, s26, $0xb8;
	[tilespmem:$0x1DF00] =	vst v63  }
0x217: {  	_ =	swait.ge [sflag:s22], $0x2800  }
0x218: {  	[sflag:s22] =	ssyncset.done $0x0  }
0x219: {  	s2 =	rddreg [dreg:$0xc];
	[sflag:s22] =	ssyncadd.s32 $0xFFFFD800  }
0x21a: {  	[tilespmem:s13], [sflag:$0x3] =	stream.indirect.gather [hbm4b:s0+s26], $0x80, s2, s26, $0xb8;
	[tilespmem:$0x1DF00] =	vst v63  }
0x21b: {  	_ =	swait.ge [sflag:s14], $0x2800  }
0x21c: {  	[sflag:s14] =	ssyncset.done $0x0  }
0x21d: {  	[sflag:s14] =	ssyncadd.s32 $0xFFFFD800  }
0x21e: {  	[spmem:s3] =	stream.indirect.scatter.add.f32 [tilespmem:s11], [sflag:$0x5], $0x80, s15, s26, $0xb8;
	[tilespmem:$0x1DF00] =	vst v63  }
0x21f: {  	_ = 	snop  }
0x220: {  	[spmem:s4] =	stream.indirect.scatter.add.f32 [tilespmem:s8], [sflag:$0x7], $0x1, s15, s26, $0xb8;
	[tilespmem:$0x1DF00] =	vst v63  }
0x221: {  	_ =	swait.ge [sflag:s17], $0x2800  }
0x222: {  	[sflag:s17] =	ssyncset.done $0x0  }
0x223: {  	s9 =	rddreg [dreg:$0xd];
	[sflag:s17] =	ssyncadd.s32 $0xFFFFD800  }
0x224: {  	[tilespmem:s28], [sflag:$0x1] =	stream.indirect.gather [hbm4b:s0+s26], $0x80, s9, s26, $0xb8;
	[tilespmem:$0x1DF00] =	vst v63  }
0x225: {  	_ =	swait.ge [sflag:s18], $0x2800  }
0x226: {  	[sflag:s18] =	ssyncset.done $0x0  }
0x227: {  	[sflag:s18] =	ssyncadd.s32 $0xFFFFD800  }
0x228: {  	[spmem:s3] =	stream.indirect.scatter.add.f32 [tilespmem:s13], [sflag:$0x6], $0x80, s29, s26, $0xb8;
	[tilespmem:$0x1DF00] =	vst v63  }
0x229: {  	_ = 	snop  }
0x22a: {  	[spmem:s4] =	stream.indirect.scatter.add.f32 [tilespmem:s8], [sflag:$0x7], $0x1, s29, s26, $0xb8;
	[tilespmem:$0x1DF00] =	vst v63  }
0x22b: {  	_ =	swait.ge [sflag:s20], $0x2800  }
0x22c: {  	[sflag:s20] =	ssyncset.done $0x0  }
0x22d: {  	s24 =	rddreg [dreg:$0xe];
	[sflag:s20] =	ssyncadd.s32 $0xFFFFD800  }
0x22e: {  	[tilespmem:s11], [sflag:$0x2] =	stream.indirect.gather [hbm4b:s0+s26], $0x80, s24, s26, $0xb8;
	[tilespmem:$0x1DF00] =	vst v63  }
0x22f: {  	_ =	swait.ge [sflag:s12], $0x2800  }
0x230: {  	[sflag:s12] =	ssyncset.done $0x0  }
0x231: {  	[sflag:s12] =	ssyncadd.s32 $0xFFFFD800  }
0x232: {  	[spmem:s3] =	stream.indirect.scatter.add.f32 [tilespmem:s28], [sflag:$0x4], $0x80, s30, s26, $0xb8;
	[tilespmem:$0x1DF00] =	vst v63  }
0x233: {  	_ = 	snop  }
0x234: {  	[spmem:s4] =	stream.indirect.scatter.add.f32 [tilespmem:s8], [sflag:$0x7], $0x1, s30, s26, $0xb8;
	[tilespmem:$0x1DF00] =	vst v63  }
0x235: {  	_ =	swait.ge [sflag:s22], $0x2800  }
0x236: {  	[sflag:s22] =	ssyncset.done $0x0  }
0x237: {  	s2 =	rddreg [dreg:$0xf];
	[sflag:s22] =	ssyncadd.s32 $0xFFFFD800  }
0x238: {  	[tilespmem:s13], [sflag:$0x3] =	stream.indirect.gather [hbm4b:s0+s26], $0x80, s2, s26, $0xb8;
	[tilespmem:$0x1DF00] =	vst v63  }
0x239: {  	_ =	swait.ge [sflag:s14], $0x2800  }
0x23a: {  	[sflag:s14] =	ssyncset.done $0x0  }
0x23b: {  	[sflag:s14] =	ssyncadd.s32 $0xFFFFD800  }
0x23c: {  	[spmem:s3] =	stream.indirect.scatter.add.f32 [tilespmem:s11], [sflag:$0x5], $0x80, s31, s26, $0xb8;
	[tilespmem:$0x1DF00] =	vst v63  }
0x23d: {  	_ = 	snop  }
0x23e: {  	[spmem:s4] =	stream.indirect.scatter.add.f32 [tilespmem:s8], [sflag:$0x7], $0x1, s31, s26, $0xb8;
	[tilespmem:$0x1DF00] =	vst v63  }
0x23f: {  	_ =	swait.ge [sflag:s17], $0x2800  }
0x240: {  	[sflag:s17] =	ssyncset.done $0x0  }
0x241: {  	s9 =	rddreg [dreg:$0x10];
	[sflag:s17] =	ssyncadd.s32 $0xFFFFD800  }
0x242: {  	[tilespmem:s28], [sflag:$0x1] =	stream.indirect.gather [hbm4b:s0+s26], $0x80, s9, s26, $0xb8;
	[tilespmem:$0x1DF00] =	vst v63  }
0x243: {  	_ =	swait.ge [sflag:s18], $0x2800  }
0x244: {  	[sflag:s18] =	ssyncset.done $0x0  }
0x245: {  	s24 =	simm.s32 $0x15800;
	[sflag:s18] =	ssyncadd.s32 $0xFFFFD800  }
0x246: {  	[spmem:s3] =	stream.indirect.scatter.add.f32 [tilespmem:s13], [sflag:$0x6], $0x80, s24, s26, $0xb8;
	[tilespmem:$0x1DF00] =	vst v63  }
0x247: {  	_ = 	snop  }
0x248: {  	[spmem:s4] =	stream.indirect.scatter.add.f32 [tilespmem:s8], [sflag:$0x7], $0x1, s24, s26, $0xb8;
	[tilespmem:$0x1DF00] =	vst v63  }
0x249: {  	_ =	swait.ge [sflag:s20], $0x2800  }
0x24a: {  	[sflag:s20] =	ssyncset.done $0x0  }
0x24b: {  	s2 =	rddreg [dreg:$0x11];
	[sflag:s20] =	ssyncadd.s32 $0xFFFFD800  }
0x24c: {  	[tilespmem:s11], [sflag:$0x2] =	stream.indirect.gather [hbm4b:s0+s26], $0x80, s2, s26, $0xb8;
	[tilespmem:$0x1DF00] =	vst v63  }
0x24d: {  	_ =	swait.ge [sflag:s12], $0x2800  }
0x24e: {  	[sflag:s12] =	ssyncset.done $0x0  }
0x24f: {  	s9 =	simm.s32 $0x15880;
	[sflag:s12] =	ssyncadd.s32 $0xFFFFD800  }
0x250: {  	[spmem:s3] =	stream.indirect.scatter.add.f32 [tilespmem:s28], [sflag:$0x4], $0x80, s9, s26, $0xb8;
	[tilespmem:$0x1DF00] =	vst v63  }
0x251: {  	_ = 	snop  }
0x252: {  	[spmem:s4] =	stream.indirect.scatter.add.f32 [tilespmem:s8], [sflag:$0x7], $0x1, s9, s26, $0xb8;
	[tilespmem:$0x1DF00] =	vst v63  }
0x253: {  	_ =	swait.ge [sflag:s22], $0x2800  }
0x254: {  	[sflag:s22] =	ssyncset.done $0x0  }
0x255: {  	s24 =	rddreg [dreg:$0x12];
	[sflag:s22] =	ssyncadd.s32 $0xFFFFD800  }
0x256: {  	[tilespmem:s13], [sflag:$0x3] =	stream.indirect.gather [hbm4b:s0+s26], $0x80, s24, s26, $0xb8;
	[tilespmem:$0x1DF00] =	vst v63  }
0x257: {  	_ =	swait.ge [sflag:s14], $0x2800  }
0x258: {  	[sflag:s14] =	ssyncset.done $0x0  }
0x259: {  	[sflag:s14] =	ssyncadd.s32 $0xFFFFD800  }
0x25a: {  	[spmem:s3] =	stream.indirect.scatter.add.f32 [tilespmem:s11], [sflag:$0x5], $0x80, s10, s26, $0xb8;
	[tilespmem:$0x1DF00] =	vst v63  }
0x25b: {  	_ = 	snop  }
0x25c: {  	[spmem:s4] =	stream.indirect.scatter.add.f32 [tilespmem:s8], [sflag:$0x7], $0x1, s10, s26, $0xb8;
	[tilespmem:$0x1DF00] =	vst v63  }
0x25d: {  	_ =	swait.ge [sflag:s17], $0x2800  }
0x25e: {  	[sflag:s17] =	ssyncset.done $0x0  }
0x25f: {  	s2 =	rddreg [dreg:$0x13];
	[sflag:s17] =	ssyncadd.s32 $0xFFFFD800  }
0x260: {  	[tilespmem:s28], [sflag:$0x1] =	stream.indirect.gather [hbm4b:s0+s26], $0x80, s2, s26, $0xb8;
	[tilespmem:$0x1DF00] =	vst v63  }
0x261: {  	_ =	swait.ge [sflag:s18], $0x2800  }
0x262: {  	s5 =	smov.u32 s7;
	[sflag:s18] =	ssyncset.done $0x0  }
0x263: {  	s6 =	smov.u32 s5;
	s5 =	simm.s32 $0x15980;
	[sflag:s18] =	ssyncadd.s32 $0xFFFFD800  }
0x264: {  	[spmem:s3] =	stream.indirect.scatter.add.f32 [tilespmem:s13], [sflag:$0x6], $0x80, s5, s26, $0xb8;
	[tilespmem:$0x1DF00] =	vst v63  }
0x265: {  	_ = 	snop  }
0x266: {  	[spmem:s4] =	stream.indirect.scatter.add.f32 [tilespmem:s8], [sflag:$0x7], $0x1, s5, s26, $0xb8;
	[tilespmem:$0x1DF00] =	vst v63  }
0x267: {  	_ =	swait.ge [sflag:s20], $0x2800  }
0x268: {  	[sflag:s20] =	ssyncset.done $0x0  }
0x269: {  	s9 =	rddreg [dreg:$0x14];
	[sflag:s20] =	ssyncadd.s32 $0xFFFFD800  }
0x26a: {  	[tilespmem:s11], [sflag:$0x2] =	stream.indirect.gather [hbm4b:s0+s26], $0x80, s9, s26, $0xb8;
	[tilespmem:$0x1DF00] =	vst v63  }
0x26b: {  	_ =	swait.ge [sflag:s12], $0x2800  }
0x26c: {  	[sflag:s12] =	ssyncset.done $0x0  }
0x26d: {  	s24 =	simm.s32 $0x15A00;
	[sflag:s12] =	ssyncadd.s32 $0xFFFFD800  }
0x26e: {  	[spmem:s3] =	stream.indirect.scatter.add.f32 [tilespmem:s28], [sflag:$0x4], $0x80, s24, s26, $0xb8;
	[tilespmem:$0x1DF00] =	vst v63  }
0x26f: {  	_ = 	snop  }
0x270: {  	[spmem:s4] =	stream.indirect.scatter.add.f32 [tilespmem:s8], [sflag:$0x7], $0x1, s24, s26, $0xb8;
	[tilespmem:$0x1DF00] =	vst v63  }
0x271: {  	_ =	swait.ge [sflag:s22], $0x2800  }
0x272: {  	[sflag:s22] =	ssyncset.done $0x0  }
0x273: {  	s2 =	rddreg [dreg:$0x15];
	[sflag:s22] =	ssyncadd.s32 $0xFFFFD800  }
0x274: {  	[tilespmem:s13], [sflag:$0x3] =	stream.indirect.gather [hbm4b:s0+s26], $0x80, s2, s26, $0xb8;
	[tilespmem:$0x1DF00] =	vst v63  }
0x275: {  	_ =	swait.ge [sflag:s14], $0x2800  }
0x276: {  	[sflag:s14] =	ssyncset.done $0x0  }
0x277: {  	s5 =	simm.s32 $0x15A80;
	[sflag:s14] =	ssyncadd.s32 $0xFFFFD800  }
0x278: {  	[spmem:s3] =	stream.indirect.scatter.add.f32 [tilespmem:s11], [sflag:$0x5], $0x80, s5, s26, $0xb8;
	[tilespmem:$0x1DF00] =	vst v63  }
0x279: {  	_ = 	snop  }
0x27a: {  	[spmem:s4] =	stream.indirect.scatter.add.f32 [tilespmem:s8], [sflag:$0x7], $0x1, s5, s26, $0xb8;
	[tilespmem:$0x1DF00] =	vst v63  }
0x27b: {  	_ =	swait.ge [sflag:s17], $0x2800  }
0x27c: {  	[sflag:s17] =	ssyncset.done $0x0  }
0x27d: {  	s9 =	rddreg [dreg:$0x16];
	[sflag:s17] =	ssyncadd.s32 $0xFFFFD800  }
0x27e: {  	[tilespmem:s28], [sflag:$0x1] =	stream.indirect.gather [hbm4b:s0+s26], $0x80, s9, s26, $0xb8;
	[tilespmem:$0x1DF00] =	vst v63  }
0x27f: {  	_ =	swait.ge [sflag:s18], $0x2800  }
0x280: {  	[sflag:s18] =	ssyncset.done $0x0  }
0x281: {  	s24 =	simm.s32 $0x15B00;
	[sflag:s18] =	ssyncadd.s32 $0xFFFFD800  }
0x282: {  	[spmem:s3] =	stream.indirect.scatter.add.f32 [tilespmem:s13], [sflag:$0x6], $0x80, s24, s26, $0xb8;
	[tilespmem:$0x1DF00] =	vst v63  }
0x283: {  	_ = 	snop  }
0x284: {  	[spmem:s4] =	stream.indirect.scatter.add.f32 [tilespmem:s8], [sflag:$0x7], $0x1, s24, s26, $0xb8;
	[tilespmem:$0x1DF00] =	vst v63  }
0x285: {  	_ =	swait.ge [sflag:s20], $0x2800  }
0x286: {  	[sflag:s20] =	ssyncset.done $0x0  }
0x287: {  	s2 =	rddreg [dreg:$0x17];
	[sflag:s20] =	ssyncadd.s32 $0xFFFFD800  }
0x288: {  	[tilespmem:s11], [sflag:$0x2] =	stream.indirect.gather [hbm4b:s0+s26], $0x80, s2, s26, $0xb8;
	[tilespmem:$0x1DF00] =	vst v63  }
0x289: {  	_ =	swait.ge [sflag:s12], $0x2800  }
0x28a: {  	[sflag:s12] =	ssyncset.done $0x0  }
0x28b: {  	s5 =	simm.s32 $0x15B80;
	[sflag:s12] =	ssyncadd.s32 $0xFFFFD800  }
0x28c: {  	[spmem:s3] =	stream.indirect.scatter.add.f32 [tilespmem:s28], [sflag:$0x4], $0x80, s5, s26, $0xb8;
	[tilespmem:$0x1DF00] =	vst v63  }
0x28d: {  	_ = 	snop  }
0x28e: {  	[spmem:s4] =	stream.indirect.scatter.add.f32 [tilespmem:s8], [sflag:$0x7], $0x1, s5, s26, $0xb8;
	[tilespmem:$0x1DF00] =	vst v63  }
0x28f: {  	_ =	swait.ge [sflag:s22], $0x2800  }
0x290: {  	[sflag:s22] =	ssyncset.done $0x0  }
0x291: {  	s9 =	rddreg [dreg:$0x18];
	[sflag:s22] =	ssyncadd.s32 $0xFFFFD800  }
0x292: {  	[tilespmem:s13], [sflag:$0x3] =	stream.indirect.gather [hbm4b:s0+s26], $0x80, s9, s26, $0xb8;
	[tilespmem:$0x1DF00] =	vst v63  }
0x293: {  	_ =	swait.ge [sflag:s14], $0x2800  }
0x294: {  	[sflag:s14] =	ssyncset.done $0x0  }
0x295: {  	s24 =	simm.s32 $0x15C00;
	[sflag:s14] =	ssyncadd.s32 $0xFFFFD800  }
0x296: {  	[spmem:s3] =	stream.indirect.scatter.add.f32 [tilespmem:s11], [sflag:$0x5], $0x80, s24, s26, $0xb8;
	[tilespmem:$0x1DF00] =	vst v63  }
0x297: {  	_ = 	snop  }
0x298: {  	[spmem:s4] =	stream.indirect.scatter.add.f32 [tilespmem:s8], [sflag:$0x7], $0x1, s24, s26, $0xb8;
	[tilespmem:$0x1DF00] =	vst v63  }
0x299: {  	_ =	swait.ge [sflag:s17], $0x2800  }
0x29a: {  	[sflag:s17] =	ssyncset.done $0x0  }
0x29b: {  	s2 =	rddreg [dreg:$0x19];
	[sflag:s17] =	ssyncadd.s32 $0xFFFFD800  }
0x29c: {  	[tilespmem:s28], [sflag:$0x1] =	stream.indirect.gather [hbm4b:s0+s26], $0x80, s2, s26, $0xb8;
	[tilespmem:$0x1DF00] =	vst v63  }
0x29d: {  	_ =	swait.ge [sflag:s18], $0x2800  }
0x29e: {  	[sflag:s18] =	ssyncset.done $0x0  }
0x29f: {  	s5 =	simm.s32 $0x15C80;
	[sflag:s18] =	ssyncadd.s32 $0xFFFFD800  }
0x2a0: {  	[spmem:s3] =	stream.indirect.scatter.add.f32 [tilespmem:s13], [sflag:$0x6], $0x80, s5, s26, $0xb8;
	[tilespmem:$0x1DF00] =	vst v63  }
0x2a1: {  	_ = 	snop  }
0x2a2: {  	[spmem:s4] =	stream.indirect.scatter.add.f32 [tilespmem:s8], [sflag:$0x7], $0x1, s5, s26, $0xb8;
	[tilespmem:$0x1DF00] =	vst v63  }
0x2a3: {  	_ =	swait.ge [sflag:s20], $0x2800  }
0x2a4: {  	[sflag:s20] =	ssyncset.done $0x0  }
0x2a5: {  	s9 =	rddreg [dreg:$0x1a];
	[sflag:s20] =	ssyncadd.s32 $0xFFFFD800  }
0x2a6: {  	[tilespmem:s11], [sflag:$0x2] =	stream.indirect.gather [hbm4b:s0+s26], $0x80, s9, s26, $0xb8;
	[tilespmem:$0x1DF00] =	vst v63  }
0x2a7: {  	_ =	swait.ge [sflag:s12], $0x2800  }
0x2a8: {  	[sflag:s12] =	ssyncset.done $0x0  }
0x2a9: {  	s24 =	simm.s32 $0x15D00;
	[sflag:s12] =	ssyncadd.s32 $0xFFFFD800  }
0x2aa: {  	[spmem:s3] =	stream.indirect.scatter.add.f32 [tilespmem:s28], [sflag:$0x4], $0x80, s24, s26, $0xb8;
	[tilespmem:$0x1DF00] =	vst v63  }
0x2ab: {  	_ = 	snop  }
0x2ac: {  	[spmem:s4] =	stream.indirect.scatter.add.f32 [tilespmem:s8], [sflag:$0x7], $0x1, s24, s26, $0xb8;
	[tilespmem:$0x1DF00] =	vst v63  }
0x2ad: {  	_ =	swait.ge [sflag:s22], $0x2800  }
0x2ae: {  	[sflag:s22] =	ssyncset.done $0x0  }
0x2af: {  	s2 =	rddreg [dreg:$0x1b];
	[sflag:s22] =	ssyncadd.s32 $0xFFFFD800  }
0x2b0: {  	[tilespmem:s13], [sflag:$0x3] =	stream.indirect.gather [hbm4b:s0+s26], $0x80, s2, s26, $0xb8;
	[tilespmem:$0x1DF00] =	vst v63  }
0x2b1: {  	_ =	swait.ge [sflag:s14], $0x2800  }
0x2b2: {  	[sflag:s14] =	ssyncset.done $0x0  }
0x2b3: {  	s5 =	simm.s32 $0x15D80;
	[sflag:s14] =	ssyncadd.s32 $0xFFFFD800  }
0x2b4: {  	[spmem:s3] =	stream.indirect.scatter.add.f32 [tilespmem:s11], [sflag:$0x5], $0x80, s5, s26, $0xb8;
	[tilespmem:$0x1DF00] =	vst v63  }
0x2b5: {  	_ = 	snop  }
0x2b6: {  	[spmem:s4] =	stream.indirect.scatter.add.f32 [tilespmem:s8], [sflag:$0x7], $0x1, s5, s26, $0xb8;
	[tilespmem:$0x1DF00] =	vst v63  }
0x2b7: {  	_ =	swait.ge [sflag:s17], $0x2800  }
0x2b8: {  	[sflag:s17] =	ssyncset.done $0x0  }
0x2b9: {  	s9 =	rddreg [dreg:$0x1c];
	[sflag:s17] =	ssyncadd.s32 $0xFFFFD800  }
0x2ba: {  	[tilespmem:s28], [sflag:$0x1] =	stream.indirect.gather [hbm4b:s0+s26], $0x80, s9, s26, $0xb8;
	[tilespmem:$0x1DF00] =	vst v63  }
0x2bb: {  	_ =	swait.ge [sflag:s18], $0x2800  }
0x2bc: {  	[sflag:s18] =	ssyncset.done $0x0  }
0x2bd: {  	s24 =	simm.s32 $0x15E00;
	[sflag:s18] =	ssyncadd.s32 $0xFFFFD800  }
0x2be: {  	[spmem:s3] =	stream.indirect.scatter.add.f32 [tilespmem:s13], [sflag:$0x6], $0x80, s24, s26, $0xb8;
	[tilespmem:$0x1DF00] =	vst v63  }
0x2bf: {  	_ = 	snop  }
0x2c0: {  	[spmem:s4] =	stream.indirect.scatter.add.f32 [tilespmem:s8], [sflag:$0x7], $0x1, s24, s26, $0xb8;
	[tilespmem:$0x1DF00] =	vst v63  }
0x2c1: {  	_ =	swait.ge [sflag:s20], $0x2800  }
0x2c2: {  	[sflag:s20] =	ssyncset.done $0x0  }
0x2c3: {  	s2 =	rddreg [dreg:$0x1d];
	[sflag:s20] =	ssyncadd.s32 $0xFFFFD800  }
0x2c4: {  	[tilespmem:s11], [sflag:$0x2] =	stream.indirect.gather [hbm4b:s0+s26], $0x80, s2, s26, $0xb8;
	[tilespmem:$0x1DF00] =	vst v63  }
0x2c5: {  	_ =	swait.ge [sflag:s12], $0x2800  }
0x2c6: {  	[sflag:s12] =	ssyncset.done $0x0  }
0x2c7: {  	s5 =	simm.s32 $0x15E80;
	[sflag:s12] =	ssyncadd.s32 $0xFFFFD800  }
0x2c8: {  	[spmem:s3] =	stream.indirect.scatter.add.f32 [tilespmem:s28], [sflag:$0x4], $0x80, s5, s26, $0xb8;
	[tilespmem:$0x1DF00] =	vst v63  }
0x2c9: {  	_ = 	snop  }
0x2ca: {  	[spmem:s4] =	stream.indirect.scatter.add.f32 [tilespmem:s8], [sflag:$0x7], $0x1, s5, s26, $0xb8;
	[tilespmem:$0x1DF00] =	vst v63  }
0x2cb: {  	_ =	swait.ge [sflag:s22], $0x2800  }
0x2cc: {  	[sflag:s22] =	ssyncset.done $0x0  }
0x2cd: {  	s9 =	rddreg [dreg:$0x1e];
	[sflag:s22] =	ssyncadd.s32 $0xFFFFD800  }
0x2ce: {  	[tilespmem:s13], [sflag:$0x3] =	stream.indirect.gather [hbm4b:s0+s26], $0x80, s9, s26, $0xb8;
	[tilespmem:$0x1DF00] =	vst v63  }
0x2cf: {  	_ =	swait.ge [sflag:s14], $0x2800  }
0x2d0: {  	[sflag:s14] =	ssyncset.done $0x0  }
0x2d1: {  	s24 =	simm.s32 $0x15F00;
	[sflag:s14] =	ssyncadd.s32 $0xFFFFD800  }
0x2d2: {  	[spmem:s3] =	stream.indirect.scatter.add.f32 [tilespmem:s11], [sflag:$0x5], $0x80, s24, s26, $0xb8;
	[tilespmem:$0x1DF00] =	vst v63  }
0x2d3: {  	_ = 	snop  }
0x2d4: {  	[spmem:s4] =	stream.indirect.scatter.add.f32 [tilespmem:s8], [sflag:$0x7], $0x1, s24, s26, $0xb8;
	[tilespmem:$0x1DF00] =	vst v63  }
0x2d5: {  	_ =	swait.ge [sflag:s17], $0x2800  }
0x2d6: {  	[sflag:s17] =	ssyncset.done $0x0  }
0x2d7: {  	s2 =	rddreg [dreg:$0x1f];
	[sflag:s17] =	ssyncadd.s32 $0xFFFFD800  }
0x2d8: {  	[tilespmem:s28], [sflag:$0x1] =	stream.indirect.gather [hbm4b:s0+s26], $0x80, s2, s26, $0xb8;
	[tilespmem:$0x1DF00] =	vst v63  }
0x2d9: {  	_ =	swait.ge [sflag:s18], $0x2800  }
0x2da: {  	[sflag:s18] =	ssyncset.done $0x0  }
0x2db: {  	s9 =	simm.s32 $0x15F80;
	[sflag:s18] =	ssyncadd.s32 $0xFFFFD800  }
0x2dc: {  	[spmem:s3] =	stream.indirect.scatter.add.f32 [tilespmem:s13], [sflag:$0x6], $0x80, s9, s26, $0xb8;
	[tilespmem:$0x1DF00] =	vst v63  }
0x2dd: {  	_ = 	snop  }
0x2de: {  	[spmem:s4] =	stream.indirect.scatter.add.f32 [tilespmem:s8], [sflag:$0x7], $0x1, s9, s26, $0xb8;
	[tilespmem:$0x1DF00] =	vst v63  }
0x2df: {  	_ =	swait.ge [sflag:s20], $0x2800  }
0x2e0: {  	[sflag:s20] =	ssyncset.done $0x0  }
0x2e1: {  	[sflag:s20] =	ssyncadd.s32 $0xFFFFD800  }
0x2e2: {  	_ =	swait.ge [sflag:s12], $0x2800  }
0x2e3: {  	[sflag:s12] =	ssyncset.done $0x0  }
0x2e4: {  	s24 =	simm.s32 $0x16000;
	[sflag:s12] =	ssyncadd.s32 $0xFFFFD800  }
0x2e5: {  	[spmem:s3] =	stream.indirect.scatter.add.f32 [tilespmem:s28], [sflag:$0x4], $0x80, s24, s26, $0xb8;
	[tilespmem:$0x1DF00] =	vst v63  }
0x2e6: {  	_ = 	snop  }
0x2e7: {  	[spmem:s4] =	stream.indirect.scatter.add.f32 [tilespmem:s8], [sflag:$0x7], $0x1, s24, s26, $0xb8;
	[tilespmem:$0x1DF00] =	vst v63  }
0x2e8: {  	_ =	swait.ge [sflag:s22], $0x2800  }
0x2e9: {  	[sflag:s22] =	ssyncset.done $0x0  }
0x2ea: {  	[sflag:s22] =	ssyncadd.s32 $0xFFFFD800  }
0x2eb: {  	_ =	swait.ge [sflag:s17], $0x2800  }
0x2ec: {  	[sflag:s17] =	ssyncset.done $0x0  }
0x2ed: {  	[sflag:s17] =	ssyncadd.s32 $0xFFFFD800  }
0x2ee: {  	_ =	swait.ge [sflag:s1], $0x50  }
0x2ef: {  	[sflag:s1] =	ssyncset.done $0x0  }
0x2f0: {  	[sflag:s1] =	ssyncadd.s32 $0xFFFFFFB0  }
0x2f1: {  	_ =	swait.ge [sflag:s1], $0x50  }
0x2f2: {  	[sflag:s1] =	ssyncset.done $0x0  }
0x2f3: {  	[sflag:s1] =	ssyncadd.s32 $0xFFFFFFB0  }
0x2f4: {  	_ =	swait.ge [sflag:s1], $0x50  }
0x2f5: {  	[sflag:s1] =	ssyncset.done $0x0  }
0x2f6: {  	[sflag:s1] =	ssyncadd.s32 $0xFFFFFFB0  }
0x2f7: {  	_ =	swait.ge [sflag:s1], $0x50  }
0x2f8: {  	[sflag:s1] =	ssyncset.done $0x0  }
0x2f9: {  	[sflag:s1] =	ssyncadd.s32 $0xFFFFFFB0  }
0x2fa: {  	_ =	swait.ge [sflag:s1], $0x50  }
0x2fb: {  	[sflag:s1] =	ssyncset.done $0x0  }
0x2fc: {  	[sflag:s1] =	ssyncadd.s32 $0xFFFFFFB0  }
0x2fd: {  	_ =	swait.ge [sflag:s1], $0x50  }
0x2fe: {  	[sflag:s1] =	ssyncset.done $0x0  }
0x2ff: {  	[sflag:s1] =	ssyncadd.s32 $0xFFFFFFB0  }
0x300: {  	_ =	swait.ge [sflag:s1], $0x50  }
0x301: {  	[sflag:s1] =	ssyncset.done $0x0  }
0x302: {  	[sflag:s1] =	ssyncadd.s32 $0xFFFFFFB0  }
0x303: {  	_ =	swait.ge [sflag:s1], $0x50  }
0x304: {  	[sflag:s1] =	ssyncset.done $0x0  }
0x305: {  	[sflag:s1] =	ssyncadd.s32 $0xFFFFFFB0  }
0x306: {  	_ =	swait.ge [sflag:s1], $0x50  }
0x307: {  	[sflag:s1] =	ssyncset.done $0x0  }
0x308: {  	[sflag:s1] =	ssyncadd.s32 $0xFFFFFFB0  }
0x309: {  	_ =	swait.ge [sflag:s1], $0x50  }
0x30a: {  	[sflag:s1] =	ssyncset.done $0x0  }
0x30b: {  	[sflag:s1] =	ssyncadd.s32 $0xFFFFFFB0  }
0x30c: {  	_ =	swait.ge [sflag:s1], $0x50  }
0x30d: {  	[sflag:s1] =	ssyncset.done $0x0  }
0x30e: {  	[sflag:s1] =	ssyncadd.s32 $0xFFFFFFB0  }
0x30f: {  	_ =	swait.ge [sflag:s1], $0x50  }
0x310: {  	[sflag:s1] =	ssyncset.done $0x0  }
0x311: {  	[sflag:s1] =	ssyncadd.s32 $0xFFFFFFB0  }
0x312: {  	_ =	swait.ge [sflag:s1], $0x50  }
0x313: {  	[sflag:s1] =	ssyncset.done $0x0  }
0x314: {  	[sflag:s1] =	ssyncadd.s32 $0xFFFFFFB0  }
0x315: {  	_ =	swait.ge [sflag:s1], $0x50  }
0x316: {  	[sflag:s1] =	ssyncset.done $0x0  }
0x317: {  	[sflag:s1] =	ssyncadd.s32 $0xFFFFFFB0  }
0x318: {  	_ =	swait.ge [sflag:s1], $0x50  }
0x319: {  	[sflag:s1] =	ssyncset.done $0x0  }
0x31a: {  	[sflag:s1] =	ssyncadd.s32 $0xFFFFFFB0  }
0x31b: {  	_ =	swait.ge [sflag:s1], $0x50  }
0x31c: {  	[sflag:s1] =	ssyncset.done $0x0  }
0x31d: {  	[sflag:s1] =	ssyncadd.s32 $0xFFFFFFB0  }
0x31e: {  	_ =	swait.ge [sflag:s1], $0x50  }
0x31f: {  	[sflag:s1] =	ssyncset.done $0x0  }
0x320: {  	[sflag:s1] =	ssyncadd.s32 $0xFFFFFFB0  }
0x321: {  	_ =	swait.ge [sflag:s1], $0x50  }
0x322: {  	[sflag:s1] =	ssyncset.done $0x0  }
0x323: {  	[sflag:s1] =	ssyncadd.s32 $0xFFFFFFB0  }
0x324: {  	_ =	swait.ge [sflag:s1], $0x50  }
0x325: {  	[sflag:s1] =	ssyncset.done $0x0  }
0x326: {  	[sflag:s1] =	ssyncadd.s32 $0xFFFFFFB0  }
0x327: {  	_ =	swait.ge [sflag:s1], $0x50  }
0x328: {  	[sflag:s1] =	ssyncset.done $0x0  }
0x329: {  	[sflag:s1] =	ssyncadd.s32 $0xFFFFFFB0  }
0x32a: {  	_ =	swait.ge [sflag:s1], $0x50  }
0x32b: {  	[sflag:s1] =	ssyncset.done $0x0  }
0x32c: {  	[sflag:s1] =	ssyncadd.s32 $0xFFFFFFB0  }
0x32d: {  	_ =	swait.ge [sflag:s1], $0x50  }
0x32e: {  	[sflag:s1] =	ssyncset.done $0x0  }
0x32f: {  	[sflag:s1] =	ssyncadd.s32 $0xFFFFFFB0  }
0x330: {  	_ =	swait.ge [sflag:s1], $0x50  }
0x331: {  	[sflag:s1] =	ssyncset.done $0x0  }
0x332: {  	p0 =	sne.s32 s7, $0x800;
	[sflag:s1] =	ssyncadd.s32 $0xFFFFFFB0  }
.Ltmp1:
0x333: {  	_ =	swait.ge [sflag:s1], $0x50;
	(pc) =	sbr.rel @p0 .LBB2_4-.Ltmp1, $4  }
0x334: {  	[sflag:s1] =	ssyncset.done $0x0  }
0x335: {  	[sflag:s1] =	ssyncadd.s32 $0xFFFFFFB0  }
0x336: {  	_ =	swait.ge [sflag:s1], $0x50  }
0x337: {  	s7 =	sadd.s32 $0x200, s7;
	s24 =	rddreg [dreg:$0x7];
	[sflag:s1] =	ssyncset.done $0x0  }
0x338: {  	[sflag:s1] =	ssyncadd.s32 $0xFFFFFFB0  }
0x339: {  	s5 =	sadd.s32 s6, s24;
	s7 =	simm.s32 $0x0;
	s2 =	simm.s32 $0x14400  }
0x33a: {  	[tilespmem:s2], [sflag:$0x8] =	stream.linear.gather [hbm4b:s5+s7], $0xC80, $0x38;
	[tilespmem:$0x1DF00] =	vst v63  }
0x33b: {  	_ =	swait.ge [sflag:s25], $0xC80  }
0x33c: {  	s24 =	rddreg [dreg:$0x6];
	[sflag:s25] =	ssyncset.done $0x0  }
0x33d: {  	s5 =	sadd.s32 s6, s24;
	[sflag:s25] =	ssyncadd.s32 $0xFFFFF380  }
0x33e: {  	[tilespmem:s16], [sflag:$0x8] =	stream.linear.gather [hbm4b:s5+s7], $0xC80, $0x38;
	[tilespmem:$0x1DF00] =	vst v63  }
0x33f: {  	_ =	swait.ge [sflag:s25], $0xC80  }
0x340: {  	[sflag:s25] =	ssyncset.done $0x0  }
0x341: {  	[sflag:s25] =	ssyncadd.s32 $0xFFFFF380  }
0x342: {  	[tilespmem:s28], [sflag:$0x1] =	stream.indirect.gather [hbm4b:s0+s26], $0x80, s2, s26, $0xb8;
	[tilespmem:$0x1DF00] =	vst v63  }
0x343: {  	s6 =	rddreg [dreg:$0x8]  }
0x344: {  	[tilespmem:s11], [sflag:$0x2] =	stream.indirect.gather [hbm4b:s0+s26], $0x80, s6, s26, $0xb8;
	[tilespmem:$0x1DF00] =	vst v63  }
0x345: {  	_ =	swait.ge [sflag:s12], $0x2800  }
0x346: {  	[sflag:s12] =	ssyncset.done $0x0  }
0x347: {  	[sflag:s12] =	ssyncadd.s32 $0xFFFFD800  }
0x348: {  	[spmem:s3] =	stream.indirect.scatter.add.f32 [tilespmem:s28], [sflag:$0x4], $0x80, s16, s26, $0xb8;
	[tilespmem:$0x1DF00] =	vst v63  }
0x349: {  	_ = 	snop  }
0x34a: {  	[spmem:s4] =	stream.indirect.scatter.add.f32 [tilespmem:s8], [sflag:$0x7], $0x1, s16, s26, $0xb8;
	[tilespmem:$0x1DF00] =	vst v63  }
0x34b: {  	s9 =	rddreg [dreg:$0x9]  }
0x34c: {  	[tilespmem:s13], [sflag:$0x3] =	stream.indirect.gather [hbm4b:s0+s26], $0x80, s9, s26, $0xb8;
	[tilespmem:$0x1DF00] =	vst v63  }
0x34d: {  	_ =	swait.ge [sflag:s14], $0x2800  }
0x34e: {  	[sflag:s14] =	ssyncset.done $0x0  }
0x34f: {  	[sflag:s14] =	ssyncadd.s32 $0xFFFFD800  }
0x350: {  	[spmem:s3] =	stream.indirect.scatter.add.f32 [tilespmem:s11], [sflag:$0x5], $0x80, s19, s26, $0xb8;
	[tilespmem:$0x1DF00] =	vst v63  }
0x351: {  	_ = 	snop  }
0x352: {  	[spmem:s4] =	stream.indirect.scatter.add.f32 [tilespmem:s8], [sflag:$0x7], $0x1, s19, s26, $0xb8;
	[tilespmem:$0x1DF00] =	vst v63  }
0x353: {  	_ =	swait.ge [sflag:s17], $0x2800  }
0x354: {  	[sflag:s17] =	ssyncset.done $0x0  }
0x355: {  	s24 =	rddreg [dreg:$0xa];
	[sflag:s17] =	ssyncadd.s32 $0xFFFFD800  }
0x356: {  	[tilespmem:s28], [sflag:$0x1] =	stream.indirect.gather [hbm4b:s0+s26], $0x80, s24, s26, $0xb8;
	[tilespmem:$0x1DF00] =	vst v63  }
0x357: {  	_ =	swait.ge [sflag:s18], $0x2800  }
0x358: {  	[sflag:s18] =	ssyncset.done $0x0  }
0x359: {  	[sflag:s18] =	ssyncadd.s32 $0xFFFFD800  }
0x35a: {  	[spmem:s3] =	stream.indirect.scatter.add.f32 [tilespmem:s13], [sflag:$0x6], $0x80, s21, s26, $0xb8;
	[tilespmem:$0x1DF00] =	vst v63  }
0x35b: {  	_ = 	snop  }
0x35c: {  	[spmem:s4] =	stream.indirect.scatter.add.f32 [tilespmem:s8], [sflag:$0x7], $0x1, s21, s26, $0xb8;
	[tilespmem:$0x1DF00] =	vst v63  }
0x35d: {  	_ =	swait.ge [sflag:s20], $0x2800  }
0x35e: {  	[sflag:s20] =	ssyncset.done $0x0  }
0x35f: {  	s2 =	rddreg [dreg:$0xb];
	[sflag:s20] =	ssyncadd.s32 $0xFFFFD800  }
0x360: {  	[tilespmem:s11], [sflag:$0x2] =	stream.indirect.gather [hbm4b:s0+s26], $0x80, s2, s26, $0xb8;
	[tilespmem:$0x1DF00] =	vst v63  }
0x361: {  	_ =	swait.ge [sflag:s12], $0x2800  }
0x362: {  	[sflag:s12] =	ssyncset.done $0x0  }
0x363: {  	[sflag:s12] =	ssyncadd.s32 $0xFFFFD800  }
0x364: {  	[spmem:s3] =	stream.indirect.scatter.add.f32 [tilespmem:s28], [sflag:$0x4], $0x80, s23, s26, $0xb8;
	[tilespmem:$0x1DF00] =	vst v63  }
0x365: {  	_ = 	snop  }
0x366: {  	[spmem:s4] =	stream.indirect.scatter.add.f32 [tilespmem:s8], [sflag:$0x7], $0x1, s23, s26, $0xb8;
	[tilespmem:$0x1DF00] =	vst v63  }
0x367: {  	_ =	swait.ge [sflag:s22], $0x2800  }
0x368: {  	[sflag:s22] =	ssyncset.done $0x0  }
0x369: {  	s6 =	rddreg [dreg:$0xc];
	[sflag:s22] =	ssyncadd.s32 $0xFFFFD800  }
0x36a: {  	[tilespmem:s13], [sflag:$0x3] =	stream.indirect.gather [hbm4b:s0+s26], $0x80, s6, s26, $0xb8;
	[tilespmem:$0x1DF00] =	vst v63  }
0x36b: {  	_ =	swait.ge [sflag:s14], $0x2800  }
0x36c: {  	[sflag:s14] =	ssyncset.done $0x0  }
0x36d: {  	[sflag:s14] =	ssyncadd.s32 $0xFFFFD800  }
0x36e: {  	[spmem:s3] =	stream.indirect.scatter.add.f32 [tilespmem:s11], [sflag:$0x5], $0x80, s15, s26, $0xb8;
	[tilespmem:$0x1DF00] =	vst v63  }
0x36f: {  	_ = 	snop  }
0x370: {  	[spmem:s4] =	stream.indirect.scatter.add.f32 [tilespmem:s8], [sflag:$0x7], $0x1, s15, s26, $0xb8;
	[tilespmem:$0x1DF00] =	vst v63  }
0x371: {  	_ =	swait.ge [sflag:s17], $0x2800  }
0x372: {  	[sflag:s17] =	ssyncset.done $0x0  }
0x373: {  	s9 =	rddreg [dreg:$0xd];
	[sflag:s17] =	ssyncadd.s32 $0xFFFFD800  }
0x374: {  	[tilespmem:s28], [sflag:$0x1] =	stream.indirect.gather [hbm4b:s0+s26], $0x80, s9, s26, $0xb8;
	[tilespmem:$0x1DF00] =	vst v63  }
0x375: {  	_ =	swait.ge [sflag:s18], $0x2800  }
0x376: {  	[sflag:s18] =	ssyncset.done $0x0  }
0x377: {  	[sflag:s18] =	ssyncadd.s32 $0xFFFFD800  }
0x378: {  	[spmem:s3] =	stream.indirect.scatter.add.f32 [tilespmem:s13], [sflag:$0x6], $0x80, s29, s26, $0xb8;
	[tilespmem:$0x1DF00] =	vst v63  }
0x379: {  	_ = 	snop  }
0x37a: {  	[spmem:s4] =	stream.indirect.scatter.add.f32 [tilespmem:s8], [sflag:$0x7], $0x1, s29, s26, $0xb8;
	[tilespmem:$0x1DF00] =	vst v63  }
0x37b: {  	_ =	swait.ge [sflag:s20], $0x2800  }
0x37c: {  	[sflag:s20] =	ssyncset.done $0x0  }
0x37d: {  	s15 =	rddreg [dreg:$0xe];
	[sflag:s20] =	ssyncadd.s32 $0xFFFFD800  }
0x37e: {  	[tilespmem:s11], [sflag:$0x2] =	stream.indirect.gather [hbm4b:s0+s26], $0x80, s15, s26, $0xb8;
	[tilespmem:$0x1DF00] =	vst v63  }
0x37f: {  	_ =	swait.ge [sflag:s12], $0x2800  }
0x380: {  	[sflag:s12] =	ssyncset.done $0x0  }
0x381: {  	[sflag:s12] =	ssyncadd.s32 $0xFFFFD800  }
0x382: {  	[spmem:s3] =	stream.indirect.scatter.add.f32 [tilespmem:s28], [sflag:$0x4], $0x80, s30, s26, $0xb8;
	[tilespmem:$0x1DF00] =	vst v63  }
0x383: {  	_ = 	snop  }
0x384: {  	[spmem:s4] =	stream.indirect.scatter.add.f32 [tilespmem:s8], [sflag:$0x7], $0x1, s30, s26, $0xb8;
	[tilespmem:$0x1DF00] =	vst v63  }
0x385: {  	_ =	swait.ge [sflag:s22], $0x2800  }
0x386: {  	[sflag:s22] =	ssyncset.done $0x0  }
0x387: {  	s16 =	rddreg [dreg:$0xf];
	[sflag:s22] =	ssyncadd.s32 $0xFFFFD800  }
0x388: {  	[tilespmem:s13], [sflag:$0x3] =	stream.indirect.gather [hbm4b:s0+s26], $0x80, s16, s26, $0xb8;
	[tilespmem:$0x1DF00] =	vst v63  }
0x389: {  	_ =	swait.ge [sflag:s14], $0x2800  }
0x38a: {  	[sflag:s14] =	ssyncset.done $0x0  }
0x38b: {  	[sflag:s14] =	ssyncadd.s32 $0xFFFFD800  }
0x38c: {  	[spmem:s3] =	stream.indirect.scatter.add.f32 [tilespmem:s11], [sflag:$0x5], $0x80, s31, s26, $0xb8;
	[tilespmem:$0x1DF00] =	vst v63  }
0x38d: {  	_ = 	snop  }
0x38e: {  	[spmem:s4] =	stream.indirect.scatter.add.f32 [tilespmem:s8], [sflag:$0x7], $0x1, s31, s26, $0xb8;
	[tilespmem:$0x1DF00] =	vst v63  }
0x38f: {  	_ =	swait.ge [sflag:s17], $0x2800  }
0x390: {  	[sflag:s17] =	ssyncset.done $0x0  }
0x391: {  	s19 =	rddreg [dreg:$0x10];
	[sflag:s17] =	ssyncadd.s32 $0xFFFFD800  }
0x392: {  	[tilespmem:s28], [sflag:$0x1] =	stream.indirect.gather [hbm4b:s0+s26], $0x80, s19, s26, $0xb8;
	[tilespmem:$0x1DF00] =	vst v63  }
0x393: {  	_ =	swait.ge [sflag:s18], $0x2800  }
0x394: {  	[sflag:s18] =	ssyncset.done $0x0  }
0x395: {  	s24 =	simm.s32 $0x15800;
	[sflag:s18] =	ssyncadd.s32 $0xFFFFD800  }
0x396: {  	[spmem:s3] =	stream.indirect.scatter.add.f32 [tilespmem:s13], [sflag:$0x6], $0x80, s24, s26, $0xb8;
	[tilespmem:$0x1DF00] =	vst v63  }
0x397: {  	_ = 	snop  }
0x398: {  	[spmem:s4] =	stream.indirect.scatter.add.f32 [tilespmem:s8], [sflag:$0x7], $0x1, s24, s26, $0xb8;
	[tilespmem:$0x1DF00] =	vst v63  }
0x399: {  	_ =	swait.ge [sflag:s20], $0x2800  }
0x39a: {  	[sflag:s20] =	ssyncset.done $0x0  }
0x39b: {  	s2 =	rddreg [dreg:$0x11];
	[sflag:s20] =	ssyncadd.s32 $0xFFFFD800  }
0x39c: {  	[tilespmem:s11], [sflag:$0x2] =	stream.indirect.gather [hbm4b:s0+s26], $0x80, s2, s26, $0xb8;
	[tilespmem:$0x1DF00] =	vst v63  }
0x39d: {  	_ =	swait.ge [sflag:s12], $0x2800  }
0x39e: {  	[sflag:s12] =	ssyncset.done $0x0  }
0x39f: {  	s6 =	simm.s32 $0x15880;
	[sflag:s12] =	ssyncadd.s32 $0xFFFFD800  }
0x3a0: {  	[spmem:s3] =	stream.indirect.scatter.add.f32 [tilespmem:s28], [sflag:$0x4], $0x80, s6, s26, $0xb8;
	[tilespmem:$0x1DF00] =	vst v63  }
0x3a1: {  	_ = 	snop  }
0x3a2: {  	[spmem:s4] =	stream.indirect.scatter.add.f32 [tilespmem:s8], [sflag:$0x7], $0x1, s6, s26, $0xb8;
	[tilespmem:$0x1DF00] =	vst v63  }
0x3a3: {  	_ =	swait.ge [sflag:s22], $0x2800  }
0x3a4: {  	[sflag:s22] =	ssyncset.done $0x0  }
0x3a5: {  	s9 =	rddreg [dreg:$0x12];
	[sflag:s22] =	ssyncadd.s32 $0xFFFFD800  }
0x3a6: {  	[tilespmem:s13], [sflag:$0x3] =	stream.indirect.gather [hbm4b:s0+s26], $0x80, s9, s26, $0xb8;
	[tilespmem:$0x1DF00] =	vst v63  }
0x3a7: {  	_ =	swait.ge [sflag:s14], $0x2800  }
0x3a8: {  	[sflag:s14] =	ssyncset.done $0x0  }
0x3a9: {  	[sflag:s14] =	ssyncadd.s32 $0xFFFFD800  }
0x3aa: {  	[spmem:s3] =	stream.indirect.scatter.add.f32 [tilespmem:s11], [sflag:$0x5], $0x80, s10, s26, $0xb8;
	[tilespmem:$0x1DF00] =	vst v63  }
0x3ab: {  	_ = 	snop  }
0x3ac: {  	[spmem:s4] =	stream.indirect.scatter.add.f32 [tilespmem:s8], [sflag:$0x7], $0x1, s10, s26, $0xb8;
	[tilespmem:$0x1DF00] =	vst v63  }
0x3ad: {  	_ =	swait.ge [sflag:s17], $0x2800  }
0x3ae: {  	[sflag:s17] =	ssyncset.done $0x0  }
0x3af: {  	s15 =	rddreg [dreg:$0x13];
	[sflag:s17] =	ssyncadd.s32 $0xFFFFD800  }
0x3b0: {  	[tilespmem:s28], [sflag:$0x1] =	stream.indirect.gather [hbm4b:s0+s26], $0x80, s15, s26, $0xb8;
	[tilespmem:$0x1DF00] =	vst v63  }
0x3b1: {  	_ =	swait.ge [sflag:s18], $0x2800  }
0x3b2: {  	[sflag:s18] =	ssyncset.done $0x0  }
0x3b3: {  	s16 =	simm.s32 $0x15980;
	[sflag:s18] =	ssyncadd.s32 $0xFFFFD800  }
0x3b4: {  	[spmem:s3] =	stream.indirect.scatter.add.f32 [tilespmem:s13], [sflag:$0x6], $0x80, s16, s26, $0xb8;
	[tilespmem:$0x1DF00] =	vst v63  }
0x3b5: {  	_ = 	snop  }
0x3b6: {  	[spmem:s4] =	stream.indirect.scatter.add.f32 [tilespmem:s8], [sflag:$0x7], $0x1, s16, s26, $0xb8;
	[tilespmem:$0x1DF00] =	vst v63  }
0x3b7: {  	_ =	swait.ge [sflag:s20], $0x2800  }
0x3b8: {  	[sflag:s20] =	ssyncset.done $0x0  }
0x3b9: {  	s19 =	rddreg [dreg:$0x14];
	[sflag:s20] =	ssyncadd.s32 $0xFFFFD800  }
0x3ba: {  	[tilespmem:s11], [sflag:$0x2] =	stream.indirect.gather [hbm4b:s0+s26], $0x80, s19, s26, $0xb8;
	[tilespmem:$0x1DF00] =	vst v63  }
0x3bb: {  	_ =	swait.ge [sflag:s12], $0x2800  }
0x3bc: {  	[sflag:s12] =	ssyncset.done $0x0  }
0x3bd: {  	s24 =	simm.s32 $0x15A00;
	[sflag:s12] =	ssyncadd.s32 $0xFFFFD800  }
0x3be: {  	[spmem:s3] =	stream.indirect.scatter.add.f32 [tilespmem:s28], [sflag:$0x4], $0x80, s24, s26, $0xb8;
	[tilespmem:$0x1DF00] =	vst v63  }
0x3bf: {  	_ = 	snop  }
0x3c0: {  	[spmem:s4] =	stream.indirect.scatter.add.f32 [tilespmem:s8], [sflag:$0x7], $0x1, s24, s26, $0xb8;
	[tilespmem:$0x1DF00] =	vst v63  }
0x3c1: {  	_ =	swait.ge [sflag:s22], $0x2800  }
0x3c2: {  	[sflag:s22] =	ssyncset.done $0x0  }
0x3c3: {  	s2 =	rddreg [dreg:$0x15];
	[sflag:s22] =	ssyncadd.s32 $0xFFFFD800  }
0x3c4: {  	[tilespmem:s13], [sflag:$0x3] =	stream.indirect.gather [hbm4b:s0+s26], $0x80, s2, s26, $0xb8;
	[tilespmem:$0x1DF00] =	vst v63  }
0x3c5: {  	_ =	swait.ge [sflag:s14], $0x2800  }
0x3c6: {  	[sflag:s14] =	ssyncset.done $0x0  }
0x3c7: {  	s6 =	simm.s32 $0x15A80;
	[sflag:s14] =	ssyncadd.s32 $0xFFFFD800  }
0x3c8: {  	[spmem:s3] =	stream.indirect.scatter.add.f32 [tilespmem:s11], [sflag:$0x5], $0x80, s6, s26, $0xb8;
	[tilespmem:$0x1DF00] =	vst v63  }
0x3c9: {  	_ = 	snop  }
0x3ca: {  	[spmem:s4] =	stream.indirect.scatter.add.f32 [tilespmem:s8], [sflag:$0x7], $0x1, s6, s26, $0xb8;
	[tilespmem:$0x1DF00] =	vst v63  }
0x3cb: {  	_ =	swait.ge [sflag:s17], $0x2800  }
0x3cc: {  	[sflag:s17] =	ssyncset.done $0x0  }
0x3cd: {  	s9 =	rddreg [dreg:$0x16];
	[sflag:s17] =	ssyncadd.s32 $0xFFFFD800  }
0x3ce: {  	[tilespmem:s28], [sflag:$0x1] =	stream.indirect.gather [hbm4b:s0+s26], $0x80, s9, s26, $0xb8;
	[tilespmem:$0x1DF00] =	vst v63  }
0x3cf: {  	_ =	swait.ge [sflag:s18], $0x2800  }
0x3d0: {  	[sflag:s18] =	ssyncset.done $0x0  }
0x3d1: {  	s10 =	simm.s32 $0x15B00;
	[sflag:s18] =	ssyncadd.s32 $0xFFFFD800  }
0x3d2: {  	[spmem:s3] =	stream.indirect.scatter.add.f32 [tilespmem:s13], [sflag:$0x6], $0x80, s10, s26, $0xb8;
	[tilespmem:$0x1DF00] =	vst v63  }
0x3d3: {  	_ = 	snop  }
0x3d4: {  	[spmem:s4] =	stream.indirect.scatter.add.f32 [tilespmem:s8], [sflag:$0x7], $0x1, s10, s26, $0xb8;
	[tilespmem:$0x1DF00] =	vst v63  }
0x3d5: {  	_ =	swait.ge [sflag:s20], $0x2800  }
0x3d6: {  	[sflag:s20] =	ssyncset.done $0x0  }
0x3d7: {  	s15 =	rddreg [dreg:$0x17];
	[sflag:s20] =	ssyncadd.s32 $0xFFFFD800  }
0x3d8: {  	[tilespmem:s11], [sflag:$0x2] =	stream.indirect.gather [hbm4b:s0+s26], $0x80, s15, s26, $0xb8;
	[tilespmem:$0x1DF00] =	vst v63  }
0x3d9: {  	_ =	swait.ge [sflag:s12], $0x2800  }
0x3da: {  	[sflag:s12] =	ssyncset.done $0x0  }
0x3db: {  	s16 =	simm.s32 $0x15B80;
	[sflag:s12] =	ssyncadd.s32 $0xFFFFD800  }
0x3dc: {  	[spmem:s3] =	stream.indirect.scatter.add.f32 [tilespmem:s28], [sflag:$0x4], $0x80, s16, s26, $0xb8;
	[tilespmem:$0x1DF00] =	vst v63  }
0x3dd: {  	_ = 	snop  }
0x3de: {  	[spmem:s4] =	stream.indirect.scatter.add.f32 [tilespmem:s8], [sflag:$0x7], $0x1, s16, s26, $0xb8;
	[tilespmem:$0x1DF00] =	vst v63  }
0x3df: {  	_ =	swait.ge [sflag:s22], $0x2800  }
0x3e0: {  	[sflag:s22] =	ssyncset.done $0x0  }
0x3e1: {  	s19 =	rddreg [dreg:$0x18];
	[sflag:s22] =	ssyncadd.s32 $0xFFFFD800  }
0x3e2: {  	[tilespmem:s13], [sflag:$0x3] =	stream.indirect.gather [hbm4b:s0+s26], $0x80, s19, s26, $0xb8;
	[tilespmem:$0x1DF00] =	vst v63  }
0x3e3: {  	_ =	swait.ge [sflag:s14], $0x2800  }
0x3e4: {  	[sflag:s14] =	ssyncset.done $0x0  }
0x3e5: {  	s24 =	simm.s32 $0x15C00;
	[sflag:s14] =	ssyncadd.s32 $0xFFFFD800  }
0x3e6: {  	[spmem:s3] =	stream.indirect.scatter.add.f32 [tilespmem:s11], [sflag:$0x5], $0x80, s24, s26, $0xb8;
	[tilespmem:$0x1DF00] =	vst v63  }
0x3e7: {  	_ = 	snop  }
0x3e8: {  	[spmem:s4] =	stream.indirect.scatter.add.f32 [tilespmem:s8], [sflag:$0x7], $0x1, s24, s26, $0xb8;
	[tilespmem:$0x1DF00] =	vst v63  }
0x3e9: {  	_ =	swait.ge [sflag:s17], $0x2800  }
0x3ea: {  	[sflag:s17] =	ssyncset.done $0x0  }
0x3eb: {  	s2 =	rddreg [dreg:$0x19];
	[sflag:s17] =	ssyncadd.s32 $0xFFFFD800  }
0x3ec: {  	[tilespmem:s28], [sflag:$0x1] =	stream.indirect.gather [hbm4b:s0+s26], $0x80, s2, s26, $0xb8;
	[tilespmem:$0x1DF00] =	vst v63  }
0x3ed: {  	_ =	swait.ge [sflag:s18], $0x2800  }
0x3ee: {  	[sflag:s18] =	ssyncset.done $0x0  }
0x3ef: {  	s6 =	simm.s32 $0x15C80;
	[sflag:s18] =	ssyncadd.s32 $0xFFFFD800  }
0x3f0: {  	[spmem:s3] =	stream.indirect.scatter.add.f32 [tilespmem:s13], [sflag:$0x6], $0x80, s6, s26, $0xb8;
	[tilespmem:$0x1DF00] =	vst v63  }
0x3f1: {  	_ = 	snop  }
0x3f2: {  	[spmem:s4] =	stream.indirect.scatter.add.f32 [tilespmem:s8], [sflag:$0x7], $0x1, s6, s26, $0xb8;
	[tilespmem:$0x1DF00] =	vst v63  }
0x3f3: {  	_ =	swait.ge [sflag:s20], $0x2800  }
0x3f4: {  	[sflag:s20] =	ssyncset.done $0x0  }
0x3f5: {  	s9 =	rddreg [dreg:$0x1a];
	[sflag:s20] =	ssyncadd.s32 $0xFFFFD800  }
0x3f6: {  	[tilespmem:s11], [sflag:$0x2] =	stream.indirect.gather [hbm4b:s0+s26], $0x80, s9, s26, $0xb8;
	[tilespmem:$0x1DF00] =	vst v63  }
0x3f7: {  	_ =	swait.ge [sflag:s12], $0x2800  }
0x3f8: {  	[sflag:s12] =	ssyncset.done $0x0  }
0x3f9: {  	s10 =	simm.s32 $0x15D00;
	[sflag:s12] =	ssyncadd.s32 $0xFFFFD800  }
0x3fa: {  	[spmem:s3] =	stream.indirect.scatter.add.f32 [tilespmem:s28], [sflag:$0x4], $0x80, s10, s26, $0xb8;
	[tilespmem:$0x1DF00] =	vst v63  }
0x3fb: {  	_ = 	snop  }
0x3fc: {  	[spmem:s4] =	stream.indirect.scatter.add.f32 [tilespmem:s8], [sflag:$0x7], $0x1, s10, s26, $0xb8;
	[tilespmem:$0x1DF00] =	vst v63  }
0x3fd: {  	_ =	swait.ge [sflag:s22], $0x2800  }
0x3fe: {  	[sflag:s22] =	ssyncset.done $0x0  }
0x3ff: {  	s15 =	rddreg [dreg:$0x1b];
	[sflag:s22] =	ssyncadd.s32 $0xFFFFD800  }
0x400: {  	[tilespmem:s13], [sflag:$0x3] =	stream.indirect.gather [hbm4b:s0+s26], $0x80, s15, s26, $0xb8;
	[tilespmem:$0x1DF00] =	vst v63  }
0x401: {  	_ =	swait.ge [sflag:s14], $0x2800  }
0x402: {  	[sflag:s14] =	ssyncset.done $0x0  }
0x403: {  	s16 =	simm.s32 $0x15D80;
	[sflag:s14] =	ssyncadd.s32 $0xFFFFD800  }
0x404: {  	[spmem:s3] =	stream.indirect.scatter.add.f32 [tilespmem:s11], [sflag:$0x5], $0x80, s16, s26, $0xb8;
	[tilespmem:$0x1DF00] =	vst v63  }
0x405: {  	_ = 	snop  }
0x406: {  	[spmem:s4] =	stream.indirect.scatter.add.f32 [tilespmem:s8], [sflag:$0x7], $0x1, s16, s26, $0xb8;
	[tilespmem:$0x1DF00] =	vst v63  }
0x407: {  	_ =	swait.ge [sflag:s17], $0x2800  }
0x408: {  	[sflag:s17] =	ssyncset.done $0x0  }
0x409: {  	s19 =	rddreg [dreg:$0x1c];
	[sflag:s17] =	ssyncadd.s32 $0xFFFFD800  }
0x40a: {  	[tilespmem:s28], [sflag:$0x1] =	stream.indirect.gather [hbm4b:s0+s26], $0x80, s19, s26, $0xb8;
	[tilespmem:$0x1DF00] =	vst v63  }
0x40b: {  	_ =	swait.ge [sflag:s18], $0x2800  }
0x40c: {  	[sflag:s18] =	ssyncset.done $0x0  }
0x40d: {  	s24 =	simm.s32 $0x15E00;
	[sflag:s18] =	ssyncadd.s32 $0xFFFFD800  }
0x40e: {  	[spmem:s3] =	stream.indirect.scatter.add.f32 [tilespmem:s13], [sflag:$0x6], $0x80, s24, s26, $0xb8;
	[tilespmem:$0x1DF00] =	vst v63  }
0x40f: {  	_ = 	snop  }
0x410: {  	[spmem:s4] =	stream.indirect.scatter.add.f32 [tilespmem:s8], [sflag:$0x7], $0x1, s24, s26, $0xb8;
	[tilespmem:$0x1DF00] =	vst v63  }
0x411: {  	_ =	swait.ge [sflag:s20], $0x2800  }
0x412: {  	[sflag:s20] =	ssyncset.done $0x0  }
0x413: {  	s2 =	rddreg [dreg:$0x1d];
	[sflag:s20] =	ssyncadd.s32 $0xFFFFD800  }
0x414: {  	[tilespmem:s11], [sflag:$0x2] =	stream.indirect.gather [hbm4b:s0+s26], $0x80, s2, s26, $0xb8;
	[tilespmem:$0x1DF00] =	vst v63  }
0x415: {  	_ =	swait.ge [sflag:s12], $0x2800  }
0x416: {  	[sflag:s12] =	ssyncset.done $0x0  }
0x417: {  	s5 =	simm.s32 $0x15E80;
	[sflag:s12] =	ssyncadd.s32 $0xFFFFD800  }
0x418: {  	[spmem:s3] =	stream.indirect.scatter.add.f32 [tilespmem:s28], [sflag:$0x4], $0x80, s5, s26, $0xb8;
	[tilespmem:$0x1DF00] =	vst v63  }
0x419: {  	_ = 	snop  }
0x41a: {  	[spmem:s4] =	stream.indirect.scatter.add.f32 [tilespmem:s8], [sflag:$0x7], $0x1, s5, s26, $0xb8;
	[tilespmem:$0x1DF00] =	vst v63  }
0x41b: {  	_ =	swait.ge [sflag:s22], $0x2800  }
0x41c: {  	[sflag:s22] =	ssyncset.done $0x0  }
0x41d: {  	s6 =	rddreg [dreg:$0x1e];
	[sflag:s22] =	ssyncadd.s32 $0xFFFFD800  }
0x41e: {  	[tilespmem:s13], [sflag:$0x3] =	stream.indirect.gather [hbm4b:s0+s26], $0x80, s6, s26, $0xb8;
	[tilespmem:$0x1DF00] =	vst v63  }
0x41f: {  	_ =	swait.ge [sflag:s14], $0x2800  }
0x420: {  	[sflag:s14] =	ssyncset.done $0x0  }
0x421: {  	s9 =	simm.s32 $0x15F00;
	[sflag:s14] =	ssyncadd.s32 $0xFFFFD800  }
0x422: {  	[spmem:s3] =	stream.indirect.scatter.add.f32 [tilespmem:s11], [sflag:$0x5], $0x80, s9, s26, $0xb8;
	[tilespmem:$0x1DF00] =	vst v63  }
0x423: {  	_ = 	snop  }
0x424: {  	[spmem:s4] =	stream.indirect.scatter.add.f32 [tilespmem:s8], [sflag:$0x7], $0x1, s9, s26, $0xb8;
	[tilespmem:$0x1DF00] =	vst v63  }
0x425: {  	_ =	swait.ge [sflag:s17], $0x2800  }
0x426: {  	[sflag:s17] =	ssyncset.done $0x0  }
0x427: {  	s10 =	rddreg [dreg:$0x1f];
	[sflag:s17] =	ssyncadd.s32 $0xFFFFD800  }
0x428: {  	[tilespmem:s28], [sflag:$0x1] =	stream.indirect.gather [hbm4b:s0+s26], $0x80, s10, s26, $0xb8;
	[tilespmem:$0x1DF00] =	vst v63  }
0x429: {  	_ =	swait.ge [sflag:s18], $0x2800  }
0x42a: {  	[sflag:s18] =	ssyncset.done $0x0  }
0x42b: {  	s15 =	simm.s32 $0x15F80;
	[sflag:s18] =	ssyncadd.s32 $0xFFFFD800  }
0x42c: {  	[spmem:s3] =	stream.indirect.scatter.add.f32 [tilespmem:s13], [sflag:$0x6], $0x80, s15, s26, $0xb8;
	[tilespmem:$0x1DF00] =	vst v63  }
0x42d: {  	_ = 	snop  }
0x42e: {  	[spmem:s4] =	stream.indirect.scatter.add.f32 [tilespmem:s8], [sflag:$0x7], $0x1, s15, s26, $0xb8;
	[tilespmem:$0x1DF00] =	vst v63  }
0x42f: {  	_ =	swait.ge [sflag:s20], $0x2800  }
0x430: {  	[sflag:s20] =	ssyncset.done $0x0  }
0x431: {  	[sflag:s20] =	ssyncadd.s32 $0xFFFFD800  }
0x432: {  	_ =	swait.ge [sflag:s12], $0x2800  }
0x433: {  	[sflag:s12] =	ssyncset.done $0x0  }
0x434: {  	s16 =	simm.s32 $0x16000;
	[sflag:s12] =	ssyncadd.s32 $0xFFFFD800  }
0x435: {  	[spmem:s3] =	stream.indirect.scatter.add.f32 [tilespmem:s28], [sflag:$0x4], $0x80, s16, s26, $0xb8;
	[tilespmem:$0x1DF00] =	vst v63  }
0x436: {  	_ = 	snop  }
0x437: {  	[spmem:s4] =	stream.indirect.scatter.add.f32 [tilespmem:s8], [sflag:$0x7], $0x1, s16, s26, $0xb8;
	[tilespmem:$0x1DF00] =	vst v63  }
0x438: {  	_ =	swait.ge [sflag:s22], $0x2800  }
0x439: {  	[sflag:s22] =	ssyncset.done $0x0  }
0x43a: {  	[sflag:s22] =	ssyncadd.s32 $0xFFFFD800  }
0x43b: {  	_ =	swait.ge [sflag:s17], $0x2800  }
0x43c: {  	[sflag:s17] =	ssyncset.done $0x0  }
0x43d: {  	[sflag:s17] =	ssyncadd.s32 $0xFFFFD800  }
0x43e: {  	_ =	swait.ge [sflag:s1], $0x50  }
0x43f: {  	[sflag:s1] =	ssyncset.done $0x0  }
0x440: {  	[sflag:s1] =	ssyncadd.s32 $0xFFFFFFB0  }
0x441: {  	_ =	swait.ge [sflag:s1], $0x50  }
0x442: {  	[sflag:s1] =	ssyncset.done $0x0  }
0x443: {  	[sflag:s1] =	ssyncadd.s32 $0xFFFFFFB0  }
0x444: {  	_ =	swait.ge [sflag:s1], $0x50  }
0x445: {  	[sflag:s1] =	ssyncset.done $0x0  }
0x446: {  	[sflag:s1] =	ssyncadd.s32 $0xFFFFFFB0  }
0x447: {  	_ =	swait.ge [sflag:s1], $0x50  }
0x448: {  	[sflag:s1] =	ssyncset.done $0x0  }
0x449: {  	[sflag:s1] =	ssyncadd.s32 $0xFFFFFFB0  }
0x44a: {  	_ =	swait.ge [sflag:s1], $0x50  }
0x44b: {  	[sflag:s1] =	ssyncset.done $0x0  }
0x44c: {  	[sflag:s1] =	ssyncadd.s32 $0xFFFFFFB0  }
0x44d: {  	_ =	swait.ge [sflag:s1], $0x50  }
0x44e: {  	[sflag:s1] =	ssyncset.done $0x0  }
0x44f: {  	[sflag:s1] =	ssyncadd.s32 $0xFFFFFFB0  }
0x450: {  	_ =	swait.ge [sflag:s1], $0x50  }
0x451: {  	[sflag:s1] =	ssyncset.done $0x0  }
0x452: {  	[sflag:s1] =	ssyncadd.s32 $0xFFFFFFB0  }
0x453: {  	_ =	swait.ge [sflag:s1], $0x50  }
0x454: {  	[sflag:s1] =	ssyncset.done $0x0  }
0x455: {  	[sflag:s1] =	ssyncadd.s32 $0xFFFFFFB0  }
0x456: {  	_ =	swait.ge [sflag:s1], $0x50  }
0x457: {  	[sflag:s1] =	ssyncset.done $0x0  }
0x458: {  	[sflag:s1] =	ssyncadd.s32 $0xFFFFFFB0  }
0x459: {  	_ =	swait.ge [sflag:s1], $0x50  }
0x45a: {  	[sflag:s1] =	ssyncset.done $0x0  }
0x45b: {  	[sflag:s1] =	ssyncadd.s32 $0xFFFFFFB0  }
0x45c: {  	_ =	swait.ge [sflag:s1], $0x50  }
0x45d: {  	[sflag:s1] =	ssyncset.done $0x0  }
0x45e: {  	[sflag:s1] =	ssyncadd.s32 $0xFFFFFFB0  }
0x45f: {  	_ =	swait.ge [sflag:s1], $0x50  }
0x460: {  	[sflag:s1] =	ssyncset.done $0x0  }
0x461: {  	[sflag:s1] =	ssyncadd.s32 $0xFFFFFFB0  }
0x462: {  	_ =	swait.ge [sflag:s1], $0x50  }
0x463: {  	[sflag:s1] =	ssyncset.done $0x0  }
0x464: {  	[sflag:s1] =	ssyncadd.s32 $0xFFFFFFB0  }
0x465: {  	_ =	swait.ge [sflag:s1], $0x50  }
0x466: {  	[sflag:s1] =	ssyncset.done $0x0  }
0x467: {  	[sflag:s1] =	ssyncadd.s32 $0xFFFFFFB0  }
0x468: {  	_ =	swait.ge [sflag:s1], $0x50  }
0x469: {  	[sflag:s1] =	ssyncset.done $0x0  }
0x46a: {  	[sflag:s1] =	ssyncadd.s32 $0xFFFFFFB0  }
0x46b: {  	_ =	swait.ge [sflag:s1], $0x50  }
0x46c: {  	[sflag:s1] =	ssyncset.done $0x0  }
0x46d: {  	[sflag:s1] =	ssyncadd.s32 $0xFFFFFFB0  }
0x46e: {  	_ =	swait.ge [sflag:s1], $0x50  }
0x46f: {  	[sflag:s1] =	ssyncset.done $0x0  }
0x470: {  	[sflag:s1] =	ssyncadd.s32 $0xFFFFFFB0  }
0x471: {  	_ =	swait.ge [sflag:s1], $0x50  }
0x472: {  	[sflag:s1] =	ssyncset.done $0x0  }
0x473: {  	[sflag:s1] =	ssyncadd.s32 $0xFFFFFFB0  }
0x474: {  	_ =	swait.ge [sflag:s1], $0x50  }
0x475: {  	[sflag:s1] =	ssyncset.done $0x0  }
0x476: {  	[sflag:s1] =	ssyncadd.s32 $0xFFFFFFB0  }
0x477: {  	_ =	swait.ge [sflag:s1], $0x50  }
0x478: {  	[sflag:s1] =	ssyncset.done $0x0  }
0x479: {  	[sflag:s1] =	ssyncadd.s32 $0xFFFFFFB0  }
0x47a: {  	_ =	swait.ge [sflag:s1], $0x50  }
0x47b: {  	[sflag:s1] =	ssyncset.done $0x0  }
0x47c: {  	[sflag:s1] =	ssyncadd.s32 $0xFFFFFFB0  }
0x47d: {  	_ =	swait.ge [sflag:s1], $0x50  }
0x47e: {  	[sflag:s1] =	ssyncset.done $0x0  }
0x47f: {  	[sflag:s1] =	ssyncadd.s32 $0xFFFFFFB0  }
0x480: {  	_ =	swait.ge [sflag:s1], $0x50  }
0x481: {  	[sflag:s1] =	ssyncset.done $0x0  }
0x482: {  	[sflag:s1] =	ssyncadd.s32 $0xFFFFFFB0  }
0x483: {  	_ =	swait.ge [sflag:s1], $0x50  }
0x484: {  	[sflag:s1] =	ssyncset.done $0x0  }
0x485: {  	[sflag:s1] =	ssyncadd.s32 $0xFFFFFFB0  }
0x486: {  	_ =	swait.ge [sflag:s1], $0x50  }
0x487: {  	[sflag:s1] =	ssyncset.done $0x0  }
0x488: {  	[sflag:s1] =	ssyncadd.s32 $0xFFFFFFB0  }
0x489: {  	s6 =	simm.s32 $0x14000;
	[bflag:$0x0] =	sbarrier.arrive $0xFFFF  }
0x48a: {  	[tilespmem:s28], [sflag:$0x8] =	stream.indirect.gather [spmem:s3], $0x80, s6, s26, $0xb8;
	[tilespmem:$0x1DF00] =	vst v63  }
0x48b: {  	_ =	swait.ge [sflag:s25], $0x2800  }
0x48c: {  	s19 =	sld [smem:$0x7ED]  }
0x48d: {  	[sflag:s25] =	ssyncset.done $0x0  }
0x48e: {  	[sflag:s25] =	ssyncadd.s32 $0xFFFFD800  }
0x48f: {  	[hbm4b:s19+s7] =	stream.linear.scatter [tilespmem:s28], [sflag:$0x8], $0x2800, $0x38;
	[tilespmem:$0x1DF00] =	vst v63  }
0x490: {  	_ =	swait.ge [sflag:s25], $0x2800  }
0x491: {  	[sflag:s25] =	ssyncset.done $0x0  }
0x492: {  	s2 =	simm.s32 $0x14080;
	[sflag:s25] =	ssyncadd.s32 $0xFFFFD800  }
0x493: {  	[tilespmem:s28], [sflag:$0x8] =	stream.indirect.gather [spmem:s3], $0x80, s2, s26, $0xb8;
	[tilespmem:$0x1DF00] =	vst v63  }
0x494: {  	_ =	swait.ge [sflag:s25], $0x2800  }
0x495: {  	s24 =	sld [smem:$0x7EE]  }
0x496: {  	[sflag:s25] =	ssyncset.done $0x0  }
0x497: {  	[sflag:s25] =	ssyncadd.s32 $0xFFFFD800  }
0x498: {  	[hbm4b:s24+s7] =	stream.linear.scatter [tilespmem:s28], [sflag:$0x8], $0x2800, $0x38;
	[tilespmem:$0x1DF00] =	vst v63  }
0x499: {  	_ =	swait.ge [sflag:s25], $0x2800  }
0x49a: {  	[sflag:s25] =	ssyncset.done $0x0  }
0x49b: {  	s24 =	simm.s32 $0x14100;
	[sflag:s25] =	ssyncadd.s32 $0xFFFFD800  }
0x49c: {  	[tilespmem:s28], [sflag:$0x8] =	stream.indirect.gather [spmem:s3], $0x80, s24, s26, $0xb8;
	[tilespmem:$0x1DF00] =	vst v63  }
0x49d: {  	_ =	swait.ge [sflag:s25], $0x2800  }
0x49e: {  	s9 =	sld [smem:$0x7EF]  }
0x49f: {  	[sflag:s25] =	ssyncset.done $0x0  }
0x4a0: {  	[sflag:s25] =	ssyncadd.s32 $0xFFFFD800  }
0x4a1: {  	[hbm4b:s9+s7] =	stream.linear.scatter [tilespmem:s28], [sflag:$0x8], $0x2800, $0x38;
	[tilespmem:$0x1DF00] =	vst v63  }
0x4a2: {  	_ =	swait.ge [sflag:s25], $0x2800  }
0x4a3: {  	[sflag:s25] =	ssyncset.done $0x0  }
0x4a4: {  	s9 =	simm.s32 $0x14180;
	[sflag:s25] =	ssyncadd.s32 $0xFFFFD800  }
0x4a5: {  	[tilespmem:s28], [sflag:$0x8] =	stream.indirect.gather [spmem:s3], $0x80, s9, s26, $0xb8;
	[tilespmem:$0x1DF00] =	vst v63  }
0x4a6: {  	_ =	swait.ge [sflag:s25], $0x2800  }
0x4a7: {  	s10 =	sld [smem:$0x7F0]  }
0x4a8: {  	[sflag:s25] =	ssyncset.done $0x0  }
0x4a9: {  	[sflag:s25] =	ssyncadd.s32 $0xFFFFD800  }
0x4aa: {  	[hbm4b:s10+s7] =	stream.linear.scatter [tilespmem:s28], [sflag:$0x8], $0x2800, $0x38;
	[tilespmem:$0x1DF00] =	vst v63  }
0x4ab: {  	_ =	swait.ge [sflag:s25], $0x2800  }
0x4ac: {  	[sflag:s25] =	ssyncset.done $0x0  }
0x4ad: {  	s10 =	simm.s32 $0x14200;
	[sflag:s25] =	ssyncadd.s32 $0xFFFFD800  }
0x4ae: {  	[tilespmem:s28], [sflag:$0x8] =	stream.indirect.gather [spmem:s3], $0x80, s10, s26, $0xb8;
	[tilespmem:$0x1DF00] =	vst v63  }
0x4af: {  	_ =	swait.ge [sflag:s25], $0x2800  }
0x4b0: {  	s15 =	sld [smem:$0x7F1]  }
0x4b1: {  	[sflag:s25] =	ssyncset.done $0x0  }
0x4b2: {  	[sflag:s25] =	ssyncadd.s32 $0xFFFFD800  }
0x4b3: {  	[hbm4b:s15+s7] =	stream.linear.scatter [tilespmem:s28], [sflag:$0x8], $0x2800, $0x38;
	[tilespmem:$0x1DF00] =	vst v63  }
0x4b4: {  	_ =	swait.ge [sflag:s25], $0x2800  }
0x4b5: {  	[sflag:s25] =	ssyncset.done $0x0  }
0x4b6: {  	s15 =	simm.s32 $0x14280;
	[sflag:s25] =	ssyncadd.s32 $0xFFFFD800  }
0x4b7: {  	[tilespmem:s28], [sflag:$0x8] =	stream.indirect.gather [spmem:s3], $0x80, s15, s26, $0xb8;
	[tilespmem:$0x1DF00] =	vst v63  }
0x4b8: {  	_ =	swait.ge [sflag:s25], $0x2800  }
0x4b9: {  	s16 =	sld [smem:$0x7F2]  }
0x4ba: {  	[sflag:s25] =	ssyncset.done $0x0  }
0x4bb: {  	[sflag:s25] =	ssyncadd.s32 $0xFFFFD800  }
0x4bc: {  	[hbm4b:s16+s7] =	stream.linear.scatter [tilespmem:s28], [sflag:$0x8], $0x2800, $0x38;
	[tilespmem:$0x1DF00] =	vst v63  }
0x4bd: {  	_ =	swait.ge [sflag:s25], $0x2800  }
0x4be: {  	[sflag:s25] =	ssyncset.done $0x0  }
0x4bf: {  	s16 =	simm.s32 $0x14300;
	[sflag:s25] =	ssyncadd.s32 $0xFFFFD800  }
0x4c0: {  	[tilespmem:s28], [sflag:$0x8] =	stream.indirect.gather [spmem:s3], $0x80, s16, s26, $0xb8;
	[tilespmem:$0x1DF00] =	vst v63  }
0x4c1: {  	_ =	swait.ge [sflag:s25], $0x2800  }
0x4c2: {  	s19 =	sld [smem:$0x7F3]  }
0x4c3: {  	[sflag:s25] =	ssyncset.done $0x0  }
0x4c4: {  	[sflag:s25] =	ssyncadd.s32 $0xFFFFD800  }
0x4c5: {  	[hbm4b:s19+s7] =	stream.linear.scatter [tilespmem:s28], [sflag:$0x8], $0x2800, $0x38;
	[tilespmem:$0x1DF00] =	vst v63  }
0x4c6: {  	_ =	swait.ge [sflag:s25], $0x2800  }
0x4c7: {  	[sflag:s25] =	ssyncset.done $0x0  }
0x4c8: {  	s19 =	simm.s32 $0x14380;
	[sflag:s25] =	ssyncadd.s32 $0xFFFFD800  }
0x4c9: {  	[tilespmem:s28], [sflag:$0x8] =	stream.indirect.gather [spmem:s3], $0x80, s19, s26, $0xb8;
	[tilespmem:$0x1DF00] =	vst v63  }
0x4ca: {  	_ =	swait.ge [sflag:s25], $0x2800  }
0x4cb: {  	s5 =	sld [smem:$0x7F4]  }
0x4cc: {  	[sflag:s25] =	ssyncset.done $0x0  }
0x4cd: {  	[sflag:s25] =	ssyncadd.s32 $0xFFFFD800  }
0x4ce: {  	[hbm4b:s5+s7] =	stream.linear.scatter [tilespmem:s28], [sflag:$0x8], $0x2800, $0x38;
	[tilespmem:$0x1DF00] =	vst v63  }
0x4cf: {  	_ =	swait.ge [sflag:s25], $0x2800  }
0x4d0: {  	[sflag:s25] =	ssyncset.done $0x0  }
0x4d1: {  	[sflag:s25] =	ssyncadd.s32 $0xFFFFD800  }
0x4d2: {  	[tilespmem:s8], [sflag:$0x8] =	stream.indirect.gather [spmem:s4], $0x1, s6, s26, $0xb8;
	[tilespmem:$0x1DF00] =	vst v63  }
0x4d3: {  	_ =	swait.ge [sflag:s25], $0x50  }
0x4d4: {  	s5 =	sld [smem:$0x7FB]  }
0x4d5: {  	[sflag:s25] =	ssyncset.done $0x0  }
0x4d6: {  	[sflag:s25] =	ssyncadd.s32 $0xFFFFFFB0  }
0x4d7: {  	[hbm4b:s5+s7] =	stream.linear.scatter [tilespmem:s8], [sflag:$0x8], $0x50, $0x38;
	[tilespmem:$0x1DF00] =	vst v63  }
0x4d8: {  	_ =	swait.ge [sflag:s25], $0x50  }
0x4d9: {  	[sflag:s25] =	ssyncset.done $0x0  }
0x4da: {  	[sflag:s25] =	ssyncadd.s32 $0xFFFFFFB0  }
0x4db: {  	[tilespmem:s8], [sflag:$0x8] =	stream.indirect.gather [spmem:s4], $0x1, s2, s26, $0xb8;
	[tilespmem:$0x1DF00] =	vst v63  }
0x4dc: {  	_ =	swait.ge [sflag:s25], $0x50  }
0x4dd: {  	s2 =	sld [smem:$0x7F5]  }
0x4de: {  	[sflag:s25] =	ssyncset.done $0x0  }
0x4df: {  	[sflag:s25] =	ssyncadd.s32 $0xFFFFFFB0  }
0x4e0: {  	[hbm4b:s2+s7] =	stream.linear.scatter [tilespmem:s8], [sflag:$0x8], $0x50, $0x38;
	[tilespmem:$0x1DF00] =	vst v63  }
0x4e1: {  	_ =	swait.ge [sflag:s25], $0x50  }
0x4e2: {  	[sflag:s25] =	ssyncset.done $0x0  }
0x4e3: {  	[sflag:s25] =	ssyncadd.s32 $0xFFFFFFB0  }
0x4e4: {  	[tilespmem:s8], [sflag:$0x8] =	stream.indirect.gather [spmem:s4], $0x1, s24, s26, $0xb8;
	[tilespmem:$0x1DF00] =	vst v63  }
0x4e5: {  	_ =	swait.ge [sflag:s25], $0x50  }
0x4e6: {  	s24 =	sld [smem:$0x7F6]  }
0x4e7: {  	[sflag:s25] =	ssyncset.done $0x0  }
0x4e8: {  	[sflag:s25] =	ssyncadd.s32 $0xFFFFFFB0  }
0x4e9: {  	[hbm4b:s24+s7] =	stream.linear.scatter [tilespmem:s8], [sflag:$0x8], $0x50, $0x38;
	[tilespmem:$0x1DF00] =	vst v63  }
0x4ea: {  	_ =	swait.ge [sflag:s25], $0x50  }
0x4eb: {  	[sflag:s25] =	ssyncset.done $0x0  }
0x4ec: {  	[sflag:s25] =	ssyncadd.s32 $0xFFFFFFB0  }
0x4ed: {  	[tilespmem:s8], [sflag:$0x8] =	stream.indirect.gather [spmem:s4], $0x1, s9, s26, $0xb8;
	[tilespmem:$0x1DF00] =	vst v63  }
0x4ee: {  	_ =	swait.ge [sflag:s25], $0x50  }
0x4ef: {  	s2 =	sld [smem:$0x7F7]  }
0x4f0: {  	[sflag:s25] =	ssyncset.done $0x0  }
0x4f1: {  	[sflag:s25] =	ssyncadd.s32 $0xFFFFFFB0  }
0x4f2: {  	[hbm4b:s2+s7] =	stream.linear.scatter [tilespmem:s8], [sflag:$0x8], $0x50, $0x38;
	[tilespmem:$0x1DF00] =	vst v63  }
0x4f3: {  	_ =	swait.ge [sflag:s25], $0x50  }
0x4f4: {  	[sflag:s25] =	ssyncset.done $0x0  }
0x4f5: {  	[sflag:s25] =	ssyncadd.s32 $0xFFFFFFB0  }
0x4f6: {  	[tilespmem:s8], [sflag:$0x8] =	stream.indirect.gather [spmem:s4], $0x1, s10, s26, $0xb8;
	[tilespmem:$0x1DF00] =	vst v63  }
0x4f7: {  	_ =	swait.ge [sflag:s25], $0x50  }
0x4f8: {  	s9 =	sld [smem:$0x7F8]  }
0x4f9: {  	[sflag:s25] =	ssyncset.done $0x0  }
0x4fa: {  	[sflag:s25] =	ssyncadd.s32 $0xFFFFFFB0  }
0x4fb: {  	[hbm4b:s9+s7] =	stream.linear.scatter [tilespmem:s8], [sflag:$0x8], $0x50, $0x38;
	[tilespmem:$0x1DF00] =	vst v63  }
0x4fc: {  	_ =	swait.ge [sflag:s25], $0x50  }
0x4fd: {  	[sflag:s25] =	ssyncset.done $0x0  }
0x4fe: {  	[sflag:s25] =	ssyncadd.s32 $0xFFFFFFB0  }
0x4ff: {  	[tilespmem:s8], [sflag:$0x8] =	stream.indirect.gather [spmem:s4], $0x1, s15, s26, $0xb8;
	[tilespmem:$0x1DF00] =	vst v63  }
0x500: {  	_ =	swait.ge [sflag:s25], $0x50  }
0x501: {  	s10 =	sld [smem:$0x7F9]  }
0x502: {  	[sflag:s25] =	ssyncset.done $0x0  }
0x503: {  	[sflag:s25] =	ssyncadd.s32 $0xFFFFFFB0  }
0x504: {  	[hbm4b:s10+s7] =	stream.linear.scatter [tilespmem:s8], [sflag:$0x8], $0x50, $0x38;
	[tilespmem:$0x1DF00] =	vst v63  }
0x505: {  	_ =	swait.ge [sflag:s25], $0x50  }
0x506: {  	[sflag:s25] =	ssyncset.done $0x0  }
0x507: {  	[sflag:s25] =	ssyncadd.s32 $0xFFFFFFB0  }
0x508: {  	[tilespmem:s8], [sflag:$0x8] =	stream.indirect.gather [spmem:s4], $0x1, s16, s26, $0xb8;
	[tilespmem:$0x1DF00] =	vst v63  }
0x509: {  	_ =	swait.ge [sflag:s25], $0x50  }
0x50a: {  	s15 =	sld [smem:$0x7FA]  }
0x50b: {  	[sflag:s25] =	ssyncset.done $0x0  }
0x50c: {  	[sflag:s25] =	ssyncadd.s32 $0xFFFFFFB0  }
0x50d: {  	[hbm4b:s15+s7] =	stream.linear.scatter [tilespmem:s8], [sflag:$0x8], $0x50, $0x38;
	[tilespmem:$0x1DF00] =	vst v63  }
0x50e: {  	_ =	swait.ge [sflag:s25], $0x50  }
0x50f: {  	[sflag:s25] =	ssyncset.done $0x0  }
0x510: {  	[sflag:s25] =	ssyncadd.s32 $0xFFFFFFB0  }
0x511: {  	[tilespmem:s8], [sflag:$0x8] =	stream.indirect.gather [spmem:s4], $0x1, s19, s26, $0xb8;
	[tilespmem:$0x1DF00] =	vst v63  }
0x512: {  	_ =	swait.ge [sflag:s25], $0x50  }
0x513: {  	s16 =	sld [smem:$0x7FC]  }
0x514: {  	[sflag:s25] =	ssyncset.done $0x0  }
0x515: {  	[sflag:s25] =	ssyncadd.s32 $0xFFFFFFB0  }
0x516: {  	[hbm4b:s16+s7] =	stream.linear.scatter [tilespmem:s8], [sflag:$0x8], $0x50, $0x38;
	[tilespmem:$0x1DF00] =	vst v63  }
0x517: {  	_ =	swait.ge [sflag:s25], $0x50  }
0x518: {  	s19 =	sld [smem:$0x7EB]  }
0x519: {  	s24 =	sld [smem:$0x7FD];
	_ =	sdelay $0x1  }
0x51a: {  	s2 =	sadd.s32 $0x1, s19  }
0x51b: {  	p0 =	sne.s32 s2, s24  }
.Ltmp2:
0x51c: {  	_ = 	snop;
	(pc) =	sbr.rel @p0 .LBB2_1-.Ltmp2, $3  }
0x51d: {  	_ =	sdelay $0x1  }
0x51e: {  	[sflag:s25] =	ssyncset.done $0x0  }
0x51f: {  	s15 =	simm.s32 $0x0;
	[sflag:s25] =	ssyncadd.s32 $0xFFFFFFB0  }
0x520: {  	_ =	sfence.sel $0x180000  }
0x521: {  	[bflag:$0x0] =	sbarrier.arrive $0xFFFF  }
0x522: {  	_ =	strace $0x90000047  }
0x523: {  	s0 =	stileid.u32;
	[bflag:$0x2] =	sbarrier.arrive $0xFFFF  }
0x524: {  	p0 =	sne.s32 s0, $0x0;
	s0 =	rddreg [dreg:$0x5]  }
0x525: {  	s0 =	sadd.s32 @!p0 $0x100000, s0  }
0x526: {  	[sflag:s0] =	ssyncadd.tile.s32 @!p0 $0x1;
	_ =	shalt  }
.Lfunc_end2:
_tile_overlayer_lowered:
.L_overlay_start_2:
0x527: {  	(tag) =	ssettag $0x2  }
0x528: {  	s0 =	rddreg [dreg:$0x0];
	s2 =	stileid.u32  }
0x529: {  	s1 =	rddreg [dreg:$0x1];
	p0 =	sne.s32 s2, $0x0  }
0x52a: {  	s3 =	rddreg [dreg:$0x2];
	[bflag:$0x3] =	sbarrier.arrive $0xFFFF;
	s2 =	simm.s32 @!p0 $0x1C08  }
0x52b: {  	[timem:s3], [sflag:s2] =	dma.local @!p0 [hbm:s0], s1  }
0x52c: {  	s0 =	simm.s32 @!p0 $0x8  }
0x52d: {  	_ =	swait.ge @!p0 [sflag:s0], s1  }
0x52e: {  	s1 =	ssub.s32 @!p0 $0x0, s1;
	[sflag:s0] =	ssyncset.done @!p0 $0x0  }
0x52f: {  	[sflag:s0] =	ssyncadd.s32 @!p0 s1  }
0x530: {  	[bflag:$0x3] =	sbarrier.arrive $0xFFFF  }
0x531: {  	_ =	shalt  }

</sc_bundles>
